<compile_context>
chip_gen: v7x
topology: tpu7x:2x2x1
jax: 0.10.2.dev20260603
libtpu: 0.0.44.dev20260713+nightly
codegen_flags: <defaults>
</compile_context>

<pallas_src>
import jax
import jax.numpy as jnp
from jax import lax
from jax.experimental import pallas as pl
from jax.experimental.pallas import tpu as pltpu
from jax.experimental.pallas import tpu_sc as plsc

VOCAB = 1_000_000
DIM = 32
BATCH = 4096
HIST = 200

NUM_CORES = 2
NUM_SUBCORES = 16
NW = NUM_CORES * NUM_SUBCORES
BLK = BATCH // NW
HCHUNK = 4
CHUNK = BLK * HCHUNK
NCHUNK = HIST // HCHUNK
NBUF = 2
L = 16
D_HI = DIM // 8


def _emb_body(table_hbm, idx_hbm, out_hbm, idx_all, idx_t, rows_v, tbuf,
              isem, gsem0, gsem1, osem0, osem1):
    gsems = (gsem0, gsem1)
    osems = (osem0, osem1)

    wid = lax.axis_index("s") * NUM_CORES + lax.axis_index("c")
    row0 = wid * BLK
    lanes = lax.iota(jnp.int32, L)

    def idx_tr(b, g):
        @plsc.parallel_loop(0, HCHUNK * (BLK // L), unroll=4)
        def _(j):
            hh = j >> 3
            bl = ((j & 7) << 4) + lanes
            h = jnp.full((L,), 0, jnp.int32) + g * HCHUNK + hh
            v = plsc.load_gather(idx_all, [bl, h])
            idx_t[b, pl.ds(j * L, L)] = v

    def gather(b):
        return pltpu.make_async_copy(
            table_hbm.at[idx_t.at[b]], rows_v.at[b], gsems[b])

    def row_tr(b):
        @plsc.parallel_loop(0, HCHUNK * (DIM // L) * (BLK // L), unroll=2)
        def _(j):
            hh = j >> 4
            dg = (j >> 3) & 1
            blg = j & 7
            n_vec = (hh << 7) + (blg << 4) + lanes
            col_vec = (blg << 4) + lanes
            for r in range(L):
                diag = (lanes + r) & (L - 1)
                d_vec = (dg << 4) + diag
                v = plsc.load_gather(rows_v.at[b], [n_vec, d_vec])
                row_vec = (hh << 5) + d_vec
                plsc.store_scatter(tbuf.at[b], [row_vec, col_vec], v)

    def out_dmas(b, g):
        return [
            pltpu.make_async_copy(
                tbuf.at[b, pl.ds((hh * D_HI + dh) * 8, 8), :],
                out_hbm.at[g * HCHUNK + hh, dh, wid], osems[b])
            for hh in range(HCHUNK)
            for dh in range(D_HI)
        ]

    pltpu.make_async_copy(
        idx_hbm.at[pl.ds(row0, BLK), :], idx_all, isem).start()
    pltpu.make_async_copy(
        idx_hbm.at[pl.ds(row0, BLK), :], idx_all, isem).wait()
    idx_tr(0, 0)
    gather(0).start()

    def step(g, b):
        bo = 1 - b

        @pl.when(g + 1 < NCHUNK)
        def _():
            idx_tr(bo, g + 1)

        gather(b).wait()

        @pl.when(g + 1 < NCHUNK)
        def _():
            gather(bo).start()

        @pl.when(g >= 2)
        def _():
            for c in out_dmas(b, g - 2):
                c.wait()

        row_tr(b)
        for c in out_dmas(b, g):
            c.start()

    def outer(i, carry):
        step(2 * i, 0)
        step(2 * i + 1, 1)
        return carry

    lax.fori_loop(0, NCHUNK // 2, outer, 0, unroll=False)

    for c in out_dmas((NCHUNK - 2) % 2, NCHUNK - 2):
        c.wait()
    for c in out_dmas((NCHUNK - 1) % 2, NCHUNK - 1):
        c.wait()


_emb = pl.kernel(
    _emb_body,
    out_type=jax.ShapeDtypeStruct((HIST, D_HI, NW, 8, BLK), jnp.float32),
    mesh=plsc.VectorSubcoreMesh(core_axis_name="c", subcore_axis_name="s"),
    scratch_types=[
        pltpu.VMEM((BLK, HIST), jnp.int32),
        pltpu.VMEM((NBUF, CHUNK), jnp.int32),
        pltpu.VMEM((NBUF, CHUNK, DIM), jnp.float32),
        pltpu.VMEM((NBUF, HCHUNK * DIM, BLK), jnp.float32),
        pltpu.SemaphoreType.DMA,
        pltpu.SemaphoreType.DMA,
        pltpu.SemaphoreType.DMA,
        pltpu.SemaphoreType.DMA,
        pltpu.SemaphoreType.DMA,
    ],
    compiler_params=pltpu.CompilerParams(
        use_tc_tiling_on_sc=False, needs_layout_passes=False),
)


def kernel(inputs, embedding_table):
    out5 = _emb(embedding_table, inputs.astype(jnp.int32))
    return out5.transpose(2, 4, 0, 1, 3).reshape(BATCH, HIST, DIM)

# --- scband reference (transcript-rebuilt; emitter-appended) ---
"""Pipeline reference for scband-kannada-embedding-layer-54992761258894 (READ-ONLY COPY).

The authoritative reference and input builder live on the scoring server;
editing this copy changes nothing except your own understanding.
"""

import jax, jax.numpy as jnp
import numpy as np

VOCAB_SIZE = 1000000
EMBEDDING_DIM = 32
BATCH = 4096
HIST_LEN = 200

def setup_inputs(seed: int = 0) -> dict:
    key = jax.random.key(seed)
    k_idx, k_tab = jax.random.split(key)
    inputs = jax.random.randint(k_idx, (BATCH, HIST_LEN), 0, VOCAB_SIZE, dtype=jnp.int64 if jax.config.jax_enable_x64 else jnp.int32)
    # Embedding table parameter (keras Embedding default: uniform init)
    embedding_table = jax.random.uniform(k_tab, (VOCAB_SIZE, EMBEDDING_DIM), dtype=jnp.float32, minval=-0.05, maxval=0.05)
    return {"inputs": inputs, "embedding_table": embedding_table}

def reference(inputs, embedding_table):
    # Faithful translation of KannadaEmbeddingLayer.call:
    # Embedding lookup: table[idx]
    return jnp.take(embedding_table, inputs, axis=0)

if __name__ == "__main__":
    import jax
    _d = setup_inputs()
    print(jax.jit(kernel)(*tuple(_d.values())))

</pallas_src>

<mosaic_0001>
#map = affine_map<(d0, d1) -> (0, 0)>
#map1 = affine_map<(d0, d1) -> (0, 0, 0, 0, 0)>
module attributes {stable_mosaic.version = 14 : i64} {
  func.func @_emb_body(%arg0: i32, %arg1: i32, %arg2: memref<1000000x32xf32, #tpu.memory_space<hbm>>, %arg3: memref<4096x200xi32, #tpu.memory_space<hbm>>, %arg4: memref<200x4x32x8x128xf32, #tpu.memory_space<hbm>>, %arg5: memref<128x200xi32, #tpu.memory_space<vmem>>, %arg6: memref<2x512xi32, #tpu.memory_space<vmem>>, %arg7: memref<2x512x32xf32, #tpu.memory_space<vmem>>, %arg8: memref<2x128x128xf32, #tpu.memory_space<vmem>>, %arg9: memref<!tpu.dma_semaphore, #tpu.memory_space<semaphore_mem>>, %arg10: memref<!tpu.dma_semaphore, #tpu.memory_space<semaphore_mem>>, %arg11: memref<!tpu.dma_semaphore, #tpu.memory_space<semaphore_mem>>, %arg12: memref<!tpu.dma_semaphore, #tpu.memory_space<semaphore_mem>>, %arg13: memref<!tpu.dma_semaphore, #tpu.memory_space<semaphore_mem>>) attributes {dimension_semantics = [#tpu.dimension_semantics<core_parallel>, #tpu.dimension_semantics<subcore_parallel>], iteration_bounds = array<i64: 2, 16>, scalar_prefetch = 0 : i64, scratch_operands = 9 : i64, tpu.core_type = #tpu.core_type<sc_vector_subcore>, window_params = [{transform_indices = #map}, {transform_indices = #map}, {transform_indices = #map1}]} {
    %mul3A = arith.constant 2 : i32
    %mul3A_0 = arith.muli %arg1, %mul3A : i32
    %add3A = arith.addi %mul3A_0, %arg0 : i32
    %mul3A_1 = arith.constant 128 : i32
    %mul3A_2 = arith.muli %add3A, %mul3A_1 : i32
    %iota3A = tpu.iota {dimensions = array<i32: 0>} : vector<16xi32>
    %dma_start3A = arith.constant 0 : i32
    %dma_start3A_3 = tpu.memref_slice %arg3[%mul3A_2, %dma_start3A] : memref<4096x200xi32, #tpu.memory_space<hbm>> -> memref<128x200xi32, #tpu.memory_space<hbm>>
    %dma_start3A_4 = arith.constant 0 : i32
    %dma_start3A_5 = tpu.memref_slice %arg3[%mul3A_2, %dma_start3A_4] : memref<4096x200xi32, #tpu.memory_space<hbm>> -> memref<128x200xi32, #tpu.memory_space<hbm>>
    tpu.enqueue_dma source(%dma_start3A_5 : memref<128x200xi32, #tpu.memory_space<hbm>>) target(%arg5 : memref<128x200xi32, #tpu.memory_space<vmem>>) target_semaphore(%arg9 : memref<!tpu.dma_semaphore, #tpu.memory_space<semaphore_mem>>)
    %dma_wait3A = arith.constant 0 : i32
    %dma_wait3A_6 = tpu.memref_slice %arg3[%mul3A_2, %dma_wait3A] : memref<4096x200xi32, #tpu.memory_space<hbm>> -> memref<128x200xi32, #tpu.memory_space<hbm>>
    %dma_wait3A_7 = arith.constant 0 : i32
    %dma_wait3A_8 = tpu.memref_slice %arg3[%mul3A_2, %dma_wait3A_7] : memref<4096x200xi32, #tpu.memory_space<hbm>> -> memref<128x200xi32, #tpu.memory_space<hbm>>
    tpu.wait_dma2 semaphore(%arg9 : memref<!tpu.dma_semaphore, #tpu.memory_space<semaphore_mem>>) src(%dma_wait3A_8 : memref<128x200xi32, #tpu.memory_space<hbm>>) dst(%arg5 : memref<128x200xi32, #tpu.memory_space<vmem>>)
    %parallel_loop3A = arith.constant 0 : i32
    %parallel_loop3A_9 = arith.constant 32 : i32
    %parallel_loop3A_10 = arith.constant 1 : i32
    scf.for %parallel_loop3A_636 = %parallel_loop3A to %parallel_loop3A_9 step %parallel_loop3A_10  : i32 {
      %parallel_loop3A_637 = arith.constant 3 : i32
      %parallel_loop3A_638 = arith.shrsi %parallel_loop3A_636, %parallel_loop3A_637 : i32
      %parallel_loop3A_639 = arith.constant 7 : i32
      %parallel_loop3A_640 = arith.andi %parallel_loop3A_636, %parallel_loop3A_639 : i32
      %parallel_loop3A_641 = arith.constant 4 : i32
      %parallel_loop3A_642 = arith.shli %parallel_loop3A_640, %parallel_loop3A_641 : i32
      %parallel_loop3A_643 = vector.broadcast %parallel_loop3A_642 : i32 to vector<16xi32>
      %parallel_loop3A_644 = arith.addi %parallel_loop3A_643, %iota3A : vector<16xi32>
      %parallel_loop3A_645 = arith.constant 0 : i32
      %parallel_loop3A_646 = vector.broadcast %parallel_loop3A_645 : i32 to vector<16xi32>
      %parallel_loop3A_647 = arith.constant 0 : i32
      %parallel_loop3A_648 = vector.broadcast %parallel_loop3A_647 : i32 to vector<16xi32>
      %parallel_loop3A_649 = arith.addi %parallel_loop3A_646, %parallel_loop3A_648 : vector<16xi32>
      %parallel_loop3A_650 = vector.broadcast %parallel_loop3A_638 : i32 to vector<16xi32>
      %parallel_loop3A_651 = arith.addi %parallel_loop3A_649, %parallel_loop3A_650 : vector<16xi32>
      %parallel_loop3A_652 = tpu.vector_load_idx %arg5[%parallel_loop3A_644, %parallel_loop3A_651] : memref<128x200xi32, #tpu.memory_space<vmem>>[vector<16xi32>, vector<16xi32>], vector<16xi32>,
      %parallel_loop3A_653 = arith.constant 16 : i32
      %parallel_loop3A_654 = arith.muli %parallel_loop3A_636, %parallel_loop3A_653 : i32
      %parallel_loop3A_655 = arith.constant 0 : i32
      %parallel_loop3A_656 = arith.index_cast %parallel_loop3A_655 : i32 to index
      %parallel_loop3A_657 = arith.index_cast %parallel_loop3A_654 : i32 to index
      %parallel_loop3A_658 = tpu.vector_load %arg6[%parallel_loop3A_656, %parallel_loop3A_657] {strides = array<i32>} : memref<2x512xi32, #tpu.memory_space<vmem>>, vector<16xi32>,
      tpu.vector_store %arg6[%parallel_loop3A_656, %parallel_loop3A_657], %parallel_loop3A_652 {strides = array<i32>} : memref<2x512xi32, #tpu.memory_space<vmem>>, vector<16xi32>,
    } {sc.loop_unroll_factor = 4 : i64, sc.parallel_access}
    %dma_start3A_11 = arith.constant 0 : i32
    %dma_start3A_12 = arith.constant 0 : i32
    %dma_start3A_13 = arith.constant 0 : i32
    %dma_start3A_14 = arith.constant 0 : i32
    %dma_start3A_15 = tpu.memref_slice %arg7[%dma_start3A_12, %dma_start3A_13, %dma_start3A_14] : memref<2x512x32xf32, #tpu.memory_space<vmem>> -> memref<1x512x32xf32, #tpu.memory_space<vmem>>
    %dma_start3A_16 = tpu.memref_squeeze %dma_start3A_15 : memref<1x512x32xf32, #tpu.memory_space<vmem>> -> memref<512x32xf32, #tpu.memory_space<vmem>>
    %dma_start3A_17 = arith.constant 0 : i32
    %dma_start3A_18 = tpu.memref_slice %arg6[%dma_start3A_11, %dma_start3A_17] : memref<2x512xi32, #tpu.memory_space<vmem>> -> memref<1x512xi32, #tpu.memory_space<vmem>>
    %dma_start3A_19 = tpu.memref_squeeze %dma_start3A_18 : memref<1x512xi32, #tpu.memory_space<vmem>> -> memref<512xi32, #tpu.memory_space<vmem>>
    %dma_start3A_20 = arith.constant 0 : i32
    %dma_start3A_21 = arith.constant 0 : i32
    %dma_start3A_22 = tpu.memref_slice %arg2[%dma_start3A_20, %dma_start3A_21] : memref<1000000x32xf32, #tpu.memory_space<hbm>> -> memref<1000000x32xf32, #tpu.memory_space<hbm>>
    tpu.enqueue_indirect_dma source(%dma_start3A_22 : memref<1000000x32xf32, #tpu.memory_space<hbm>>) target(%dma_start3A_16 : memref<512x32xf32, #tpu.memory_space<vmem>>) offsets(%dma_start3A_19 : memref<512xi32, #tpu.memory_space<vmem>>) semaphore(%arg10 : memref<!tpu.dma_semaphore, #tpu.memory_space<semaphore_mem>>)
    %scan3A = arith.constant 0 : i32
    %scan3A_23 = arith.constant 0 : i32
    %scan3A_24 = arith.constant 25 : i32
    %scan3A_25 = arith.addi %scan3A_23, %scan3A_24 : i32
    %scan3A_26 = arith.constant 1 : i32
    scf.for %scan3A_636 = %scan3A_23 to %scan3A_25 step %scan3A_26  : i32 {
      %mul3A_637 = arith.constant 2 : i32
      %mul3A_638 = arith.muli %mul3A_637, %scan3A_636 : i32
      %add3A_639 = arith.constant 1 : i32
      %add3A_640 = arith.addi %mul3A_638, %add3A_639 : i32
      %lt3A = arith.constant 50 : i32
      %lt3A_641 = arith.cmpi slt, %add3A_640, %lt3A : i32
      %convert_element_type3A = arith.extui %lt3A_641 : i1 to i32
      %cond3A = arith.constant 0 : i32
      %cond3A_642 = arith.cmpi ne, %convert_element_type3A, %cond3A : i32
      scf.if %cond3A_642 {
        %add3A_1411 = arith.constant 1 : i32
        %add3A_1412 = arith.addi %mul3A_638, %add3A_1411 : i32
        %parallel_loop3A_1413 = arith.constant 0 : i32
        %parallel_loop3A_1414 = arith.constant 32 : i32
        %parallel_loop3A_1415 = arith.constant 1 : i32
        scf.for %parallel_loop3A_1416 = %parallel_loop3A_1413 to %parallel_loop3A_1414 step %parallel_loop3A_1415  : i32 {
          %parallel_loop3A_1417 = arith.constant 3 : i32
          %parallel_loop3A_1418 = arith.shrsi %parallel_loop3A_1416, %parallel_loop3A_1417 : i32
          %parallel_loop3A_1419 = arith.constant 7 : i32
          %parallel_loop3A_1420 = arith.andi %parallel_loop3A_1416, %parallel_loop3A_1419 : i32
          %parallel_loop3A_1421 = arith.constant 4 : i32
          %parallel_loop3A_1422 = arith.shli %parallel_loop3A_1420, %parallel_loop3A_1421 : i32
          %parallel_loop3A_1423 = vector.broadcast %parallel_loop3A_1422 : i32 to vector<16xi32>
          %parallel_loop3A_1424 = arith.addi %parallel_loop3A_1423, %iota3A : vector<16xi32>
          %parallel_loop3A_1425 = arith.constant 0 : i32
          %parallel_loop3A_1426 = vector.broadcast %parallel_loop3A_1425 : i32 to vector<16xi32>
          %parallel_loop3A_1427 = arith.constant 4 : i32
          %parallel_loop3A_1428 = arith.muli %add3A_1412, %parallel_loop3A_1427 : i32
          %parallel_loop3A_1429 = vector.broadcast %parallel_loop3A_1428 : i32 to vector<16xi32>
          %parallel_loop3A_1430 = arith.addi %parallel_loop3A_1426, %parallel_loop3A_1429 : vector<16xi32>
          %parallel_loop3A_1431 = vector.broadcast %parallel_loop3A_1418 : i32 to vector<16xi32>
          %parallel_loop3A_1432 = arith.addi %parallel_loop3A_1430, %parallel_loop3A_1431 : vector<16xi32>
          %parallel_loop3A_1433 = tpu.vector_load_idx %arg5[%parallel_loop3A_1424, %parallel_loop3A_1432] : memref<128x200xi32, #tpu.memory_space<vmem>>[vector<16xi32>, vector<16xi32>], vector<16xi32>,
          %parallel_loop3A_1434 = arith.constant 16 : i32
          %parallel_loop3A_1435 = arith.muli %parallel_loop3A_1416, %parallel_loop3A_1434 : i32
          %parallel_loop3A_1436 = arith.constant 1 : i32
          %parallel_loop3A_1437 = arith.index_cast %parallel_loop3A_1436 : i32 to index
          %parallel_loop3A_1438 = arith.index_cast %parallel_loop3A_1435 : i32 to index
          %parallel_loop3A_1439 = tpu.vector_load %arg6[%parallel_loop3A_1437, %parallel_loop3A_1438] {strides = array<i32>} : memref<2x512xi32, #tpu.memory_space<vmem>>, vector<16xi32>,
          tpu.vector_store %arg6[%parallel_loop3A_1437, %parallel_loop3A_1438], %parallel_loop3A_1433 {strides = array<i32>} : memref<2x512xi32, #tpu.memory_space<vmem>>, vector<16xi32>,
        } {sc.loop_unroll_factor = 4 : i64, sc.parallel_access}
      } else {
      }
      %dma_wait3A_643 = arith.constant 0 : i32
      %dma_wait3A_644 = arith.constant 0 : i32
      %dma_wait3A_645 = arith.constant 0 : i32
      %dma_wait3A_646 = arith.constant 0 : i32
      %dma_wait3A_647 = tpu.memref_slice %arg7[%dma_wait3A_644, %dma_wait3A_645, %dma_wait3A_646] : memref<2x512x32xf32, #tpu.memory_space<vmem>> -> memref<1x512x32xf32, #tpu.memory_space<vmem>>
      %dma_wait3A_648 = tpu.memref_squeeze %dma_wait3A_647 : memref<1x512x32xf32, #tpu.memory_space<vmem>> -> memref<512x32xf32, #tpu.memory_space<vmem>>
      %dma_wait3A_649 = arith.constant 0 : i32
      %dma_wait3A_650 = tpu.memref_slice %arg6[%dma_wait3A_643, %dma_wait3A_649] : memref<2x512xi32, #tpu.memory_space<vmem>> -> memref<1x512xi32, #tpu.memory_space<vmem>>
      %dma_wait3A_651 = tpu.memref_squeeze %dma_wait3A_650 : memref<1x512xi32, #tpu.memory_space<vmem>> -> memref<512xi32, #tpu.memory_space<vmem>>
      %dma_wait3A_652 = arith.constant 0 : i32
      %dma_wait3A_653 = arith.constant 0 : i32
      %dma_wait3A_654 = tpu.memref_slice %arg2[%dma_wait3A_652, %dma_wait3A_653] : memref<1000000x32xf32, #tpu.memory_space<hbm>> -> memref<1000000x32xf32, #tpu.memory_space<hbm>>
      tpu.wait_indirect_dma semaphore(%arg10 : memref<!tpu.dma_semaphore, #tpu.memory_space<semaphore_mem>>) src(%dma_wait3A_654 : memref<1000000x32xf32, #tpu.memory_space<hbm>>) dst(%dma_wait3A_648 : memref<512x32xf32, #tpu.memory_space<vmem>>)
      %add3A_655 = arith.constant 1 : i32
      %add3A_656 = arith.addi %mul3A_638, %add3A_655 : i32
      %lt3A_657 = arith.constant 50 : i32
      %lt3A_658 = arith.cmpi slt, %add3A_656, %lt3A_657 : i32
      %convert_element_type3A_659 = arith.extui %lt3A_658 : i1 to i32
      %cond3A_660 = arith.constant 0 : i32
      %cond3A_661 = arith.cmpi ne, %convert_element_type3A_659, %cond3A_660 : i32
      scf.if %cond3A_661 {
        %dma_start3A_1411 = arith.constant 1 : i32
        %dma_start3A_1412 = arith.constant 1 : i32
        %dma_start3A_1413 = arith.constant 0 : i32
        %dma_start3A_1414 = arith.constant 0 : i32
        %dma_start3A_1415 = tpu.memref_slice %arg7[%dma_start3A_1412, %dma_start3A_1413, %dma_start3A_1414] : memref<2x512x32xf32, #tpu.memory_space<vmem>> -> memref<1x512x32xf32, #tpu.memory_space<vmem>>
        %dma_start3A_1416 = tpu.memref_squeeze %dma_start3A_1415 : memref<1x512x32xf32, #tpu.memory_space<vmem>> -> memref<512x32xf32, #tpu.memory_space<vmem>>
        %dma_start3A_1417 = arith.constant 0 : i32
        %dma_start3A_1418 = tpu.memref_slice %arg6[%dma_start3A_1411, %dma_start3A_1417] : memref<2x512xi32, #tpu.memory_space<vmem>> -> memref<1x512xi32, #tpu.memory_space<vmem>>
        %dma_start3A_1419 = tpu.memref_squeeze %dma_start3A_1418 : memref<1x512xi32, #tpu.memory_space<vmem>> -> memref<512xi32, #tpu.memory_space<vmem>>
        %dma_start3A_1420 = arith.constant 0 : i32
        %dma_start3A_1421 = arith.constant 0 : i32
        %dma_start3A_1422 = tpu.memref_slice %arg2[%dma_start3A_1420, %dma_start3A_1421] : memref<1000000x32xf32, #tpu.memory_space<hbm>> -> memref<1000000x32xf32, #tpu.memory_space<hbm>>
        tpu.enqueue_indirect_dma source(%dma_start3A_1422 : memref<1000000x32xf32, #tpu.memory_space<hbm>>) target(%dma_start3A_1416 : memref<512x32xf32, #tpu.memory_space<vmem>>) offsets(%dma_start3A_1419 : memref<512xi32, #tpu.memory_space<vmem>>) semaphore(%arg11 : memref<!tpu.dma_semaphore, #tpu.memory_space<semaphore_mem>>)
      } else {
      }
      %ge3A = arith.constant 2 : i32
      %ge3A_662 = arith.cmpi sge, %mul3A_638, %ge3A : i32
      %convert_element_type3A_663 = arith.extui %ge3A_662 : i1 to i32
      %cond3A_664 = arith.constant 0 : i32
      %cond3A_665 = arith.cmpi ne, %convert_element_type3A_663, %cond3A_664 : i32
      scf.if %cond3A_665 {
        %sub3A = arith.constant 2 : i32
        %sub3A_1411 = arith.subi %mul3A_638, %sub3A : i32
        %mul3A_1412 = arith.constant 4 : i32
        %mul3A_1413 = arith.muli %sub3A_1411, %mul3A_1412 : i32
        %add3A_1414 = arith.constant 0 : i32
        %add3A_1415 = arith.addi %mul3A_1413, %add3A_1414 : i32
        %mul3A_1416 = arith.constant 4 : i32
        %mul3A_1417 = arith.muli %sub3A_1411, %mul3A_1416 : i32
        %add3A_1418 = arith.constant 0 : i32
        %add3A_1419 = arith.addi %mul3A_1417, %add3A_1418 : i32
        %mul3A_1420 = arith.constant 4 : i32
        %mul3A_1421 = arith.muli %sub3A_1411, %mul3A_1420 : i32
        %add3A_1422 = arith.constant 0 : i32
        %add3A_1423 = arith.addi %mul3A_1421, %add3A_1422 : i32
        %mul3A_1424 = arith.constant 4 : i32
        %mul3A_1425 = arith.muli %sub3A_1411, %mul3A_1424 : i32
        %add3A_1426 = arith.constant 0 : i32
        %add3A_1427 = arith.addi %mul3A_1425, %add3A_1426 : i32
        %mul3A_1428 = arith.constant 4 : i32
        %mul3A_1429 = arith.muli %sub3A_1411, %mul3A_1428 : i32
        %add3A_1430 = arith.constant 1 : i32
        %add3A_1431 = arith.addi %mul3A_1429, %add3A_1430 : i32
        %mul3A_1432 = arith.constant 4 : i32
        %mul3A_1433 = arith.muli %sub3A_1411, %mul3A_1432 : i32
        %add3A_1434 = arith.constant 1 : i32
        %add3A_1435 = arith.addi %mul3A_1433, %add3A_1434 : i32
        %mul3A_1436 = arith.constant 4 : i32
        %mul3A_1437 = arith.muli %sub3A_1411, %mul3A_1436 : i32
        %add3A_1438 = arith.constant 1 : i32
        %add3A_1439 = arith.addi %mul3A_1437, %add3A_1438 : i32
        %mul3A_1440 = arith.constant 4 : i32
        %mul3A_1441 = arith.muli %sub3A_1411, %mul3A_1440 : i32
        %add3A_1442 = arith.constant 1 : i32
        %add3A_1443 = arith.addi %mul3A_1441, %add3A_1442 : i32
        %mul3A_1444 = arith.constant 4 : i32
        %mul3A_1445 = arith.muli %sub3A_1411, %mul3A_1444 : i32
        %add3A_1446 = arith.constant 2 : i32
        %add3A_1447 = arith.addi %mul3A_1445, %add3A_1446 : i32
        %mul3A_1448 = arith.constant 4 : i32
        %mul3A_1449 = arith.muli %sub3A_1411, %mul3A_1448 : i32
        %add3A_1450 = arith.constant 2 : i32
        %add3A_1451 = arith.addi %mul3A_1449, %add3A_1450 : i32
        %mul3A_1452 = arith.constant 4 : i32
        %mul3A_1453 = arith.muli %sub3A_1411, %mul3A_1452 : i32
        %add3A_1454 = arith.constant 2 : i32
        %add3A_1455 = arith.addi %mul3A_1453, %add3A_1454 : i32
        %mul3A_1456 = arith.constant 4 : i32
        %mul3A_1457 = arith.muli %sub3A_1411, %mul3A_1456 : i32
        %add3A_1458 = arith.constant 2 : i32
        %add3A_1459 = arith.addi %mul3A_1457, %add3A_1458 : i32
        %mul3A_1460 = arith.constant 4 : i32
        %mul3A_1461 = arith.muli %sub3A_1411, %mul3A_1460 : i32
        %add3A_1462 = arith.constant 3 : i32
        %add3A_1463 = arith.addi %mul3A_1461, %add3A_1462 : i32
        %mul3A_1464 = arith.constant 4 : i32
        %mul3A_1465 = arith.muli %sub3A_1411, %mul3A_1464 : i32
        %add3A_1466 = arith.constant 3 : i32
        %add3A_1467 = arith.addi %mul3A_1465, %add3A_1466 : i32
        %mul3A_1468 = arith.constant 4 : i32
        %mul3A_1469 = arith.muli %sub3A_1411, %mul3A_1468 : i32
        %add3A_1470 = arith.constant 3 : i32
        %add3A_1471 = arith.addi %mul3A_1469, %add3A_1470 : i32
        %mul3A_1472 = arith.constant 4 : i32
        %mul3A_1473 = arith.muli %sub3A_1411, %mul3A_1472 : i32
        %add3A_1474 = arith.constant 3 : i32
        %add3A_1475 = arith.addi %mul3A_1473, %add3A_1474 : i32
        %dma_wait3A_1476 = arith.constant 0 : i32
        %dma_wait3A_1477 = arith.constant 0 : i32
        %dma_wait3A_1478 = arith.constant 0 : i32
        %dma_wait3A_1479 = arith.constant 0 : i32
        %dma_wait3A_1480 = tpu.memref_slice %arg8[%dma_wait3A_1476, %dma_wait3A_1478, %dma_wait3A_1479] : memref<2x128x128xf32, #tpu.memory_space<vmem>> -> memref<1x8x128xf32, #tpu.memory_space<vmem>>
        %dma_wait3A_1481 = tpu.memref_squeeze %dma_wait3A_1480 : memref<1x8x128xf32, #tpu.memory_space<vmem>> -> memref<8x128xf32, #tpu.memory_space<vmem>>
        %dma_wait3A_1482 = arith.constant 0 : i32
        %dma_wait3A_1483 = arith.constant 0 : i32
        %dma_wait3A_1484 = tpu.memref_slice %arg4[%add3A_1415, %dma_wait3A_1477, %add3A, %dma_wait3A_1482, %dma_wait3A_1483] : memref<200x4x32x8x128xf32, #tpu.memory_space<hbm>> -> memref<1x1x1x8x128xf32, #tpu.memory_space<hbm>>
        %dma_wait3A_1485 = tpu.memref_squeeze %dma_wait3A_1484 : memref<1x1x1x8x128xf32, #tpu.memory_space<hbm>> -> memref<8x128xf32, #tpu.memory_space<hbm>>
        %dma_wait3A_1486 = arith.constant 0 : i32
        %dma_wait3A_1487 = arith.constant 0 : i32
        %dma_wait3A_1488 = tpu.memref_slice %arg4[%add3A_1415, %dma_wait3A_1477, %add3A, %dma_wait3A_1486, %dma_wait3A_1487] : memref<200x4x32x8x128xf32, #tpu.memory_space<hbm>> -> memref<1x1x1x8x128xf32, #tpu.memory_space<hbm>>
        %dma_wait3A_1489 = tpu.memref_squeeze %dma_wait3A_1488 : memref<1x1x1x8x128xf32, #tpu.memory_space<hbm>> -> memref<8x128xf32, #tpu.memory_space<hbm>>
        %dma_wait3A_1490 = arith.constant 0 : i32
        %dma_wait3A_1491 = arith.constant 0 : i32
        %dma_wait3A_1492 = tpu.memref_slice %arg8[%dma_wait3A_1476, %dma_wait3A_1490, %dma_wait3A_1491] : memref<2x128x128xf32, #tpu.memory_space<vmem>> -> memref<1x8x128xf32, #tpu.memory_space<vmem>>
        %dma_wait3A_1493 = tpu.memref_squeeze %dma_wait3A_1492 : memref<1x8x128xf32, #tpu.memory_space<vmem>> -> memref<8x128xf32, #tpu.memory_space<vmem>>
        tpu.wait_dma2 semaphore(%arg12 : memref<!tpu.dma_semaphore, #tpu.memory_space<semaphore_mem>>) src(%dma_wait3A_1493 : memref<8x128xf32, #tpu.memory_space<vmem>>) dst(%dma_wait3A_1489 : memref<8x128xf32, #tpu.memory_space<hbm>>)
        %dma_wait3A_1494 = arith.constant 0 : i32
        %dma_wait3A_1495 = arith.constant 1 : i32
        %dma_wait3A_1496 = arith.constant 8 : i32
        %dma_wait3A_1497 = arith.constant 0 : i32
        %dma_wait3A_1498 = tpu.memref_slice %arg8[%dma_wait3A_1494, %dma_wait3A_1496, %dma_wait3A_1497] : memref<2x128x128xf32, #tpu.memory_space<vmem>> -> memref<1x8x128xf32, #tpu.memory_space<vmem>>
        %dma_wait3A_1499 = tpu.memref_squeeze %dma_wait3A_1498 : memref<1x8x128xf32, #tpu.memory_space<vmem>> -> memref<8x128xf32, #tpu.memory_space<vmem>>
        %dma_wait3A_1500 = arith.constant 0 : i32
        %dma_wait3A_1501 = arith.constant 0 : i32
        %dma_wait3A_1502 = tpu.memref_slice %arg4[%add3A_1419, %dma_wait3A_1495, %add3A, %dma_wait3A_1500, %dma_wait3A_1501] : memref<200x4x32x8x128xf32, #tpu.memory_space<hbm>> -> memref<1x1x1x8x128xf32, #tpu.memory_space<hbm>>
        %dma_wait3A_1503 = tpu.memref_squeeze %dma_wait3A_1502 : memref<1x1x1x8x128xf32, #tpu.memory_space<hbm>> -> memref<8x128xf32, #tpu.memory_space<hbm>>
        %dma_wait3A_1504 = arith.constant 0 : i32
        %dma_wait3A_1505 = arith.constant 0 : i32
        %dma_wait3A_1506 = tpu.memref_slice %arg4[%add3A_1419, %dma_wait3A_1495, %add3A, %dma_wait3A_1504, %dma_wait3A_1505] : memref<200x4x32x8x128xf32, #tpu.memory_space<hbm>> -> memref<1x1x1x8x128xf32, #tpu.memory_space<hbm>>
        %dma_wait3A_1507 = tpu.memref_squeeze %dma_wait3A_1506 : memref<1x1x1x8x128xf32, #tpu.memory_space<hbm>> -> memref<8x128xf32, #tpu.memory_space<hbm>>
        %dma_wait3A_1508 = arith.constant 8 : i32
        %dma_wait3A_1509 = arith.constant 0 : i32
        %dma_wait3A_1510 = tpu.memref_slice %arg8[%dma_wait3A_1494, %dma_wait3A_1508, %dma_wait3A_1509] : memref<2x128x128xf32, #tpu.memory_space<vmem>> -> memref<1x8x128xf32, #tpu.memory_space<vmem>>
        %dma_wait3A_1511 = tpu.memref_squeeze %dma_wait3A_1510 : memref<1x8x128xf32, #tpu.memory_space<vmem>> -> memref<8x128xf32, #tpu.memory_space<vmem>>
        tpu.wait_dma2 semaphore(%arg12 : memref<!tpu.dma_semaphore, #tpu.memory_space<semaphore_mem>>) src(%dma_wait3A_1511 : memref<8x128xf32, #tpu.memory_space<vmem>>) dst(%dma_wait3A_1507 : memref<8x128xf32, #tpu.memory_space<hbm>>)
        %dma_wait3A_1512 = arith.constant 0 : i32
        %dma_wait3A_1513 = arith.constant 2 : i32
        %dma_wait3A_1514 = arith.constant 16 : i32
        %dma_wait3A_1515 = arith.constant 0 : i32
        %dma_wait3A_1516 = tpu.memref_slice %arg8[%dma_wait3A_1512, %dma_wait3A_1514, %dma_wait3A_1515] : memref<2x128x128xf32, #tpu.memory_space<vmem>> -> memref<1x8x128xf32, #tpu.memory_space<vmem>>
        %dma_wait3A_1517 = tpu.memref_squeeze %dma_wait3A_1516 : memref<1x8x128xf32, #tpu.memory_space<vmem>> -> memref<8x128xf32, #tpu.memory_space<vmem>>
        %dma_wait3A_1518 = arith.constant 0 : i32
        %dma_wait3A_1519 = arith.constant 0 : i32
        %dma_wait3A_1520 = tpu.memref_slice %arg4[%add3A_1423, %dma_wait3A_1513, %add3A, %dma_wait3A_1518, %dma_wait3A_1519] : memref<200x4x32x8x128xf32, #tpu.memory_space<hbm>> -> memref<1x1x1x8x128xf32, #tpu.memory_space<hbm>>
        %dma_wait3A_1521 = tpu.memref_squeeze %dma_wait3A_1520 : memref<1x1x1x8x128xf32, #tpu.memory_space<hbm>> -> memref<8x128xf32, #tpu.memory_space<hbm>>
        %dma_wait3A_1522 = arith.constant 0 : i32
        %dma_wait3A_1523 = arith.constant 0 : i32
        %dma_wait3A_1524 = tpu.memref_slice %arg4[%add3A_1423, %dma_wait3A_1513, %add3A, %dma_wait3A_1522, %dma_wait3A_1523] : memref<200x4x32x8x128xf32, #tpu.memory_space<hbm>> -> memref<1x1x1x8x128xf32, #tpu.memory_space<hbm>>
        %dma_wait3A_1525 = tpu.memref_squeeze %dma_wait3A_1524 : memref<1x1x1x8x128xf32, #tpu.memory_space<hbm>> -> memref<8x128xf32, #tpu.memory_space<hbm>>
        %dma_wait3A_1526 = arith.constant 16 : i32
        %dma_wait3A_1527 = arith.constant 0 : i32
        %dma_wait3A_1528 = tpu.memref_slice %arg8[%dma_wait3A_1512, %dma_wait3A_1526, %dma_wait3A_1527] : memref<2x128x128xf32, #tpu.memory_space<vmem>> -> memref<1x8x128xf32, #tpu.memory_space<vmem>>
        %dma_wait3A_1529 = tpu.memref_squeeze %dma_wait3A_1528 : memref<1x8x128xf32, #tpu.memory_space<vmem>> -> memref<8x128xf32, #tpu.memory_space<vmem>>
        tpu.wait_dma2 semaphore(%arg12 : memref<!tpu.dma_semaphore, #tpu.memory_space<semaphore_mem>>) src(%dma_wait3A_1529 : memref<8x128xf32, #tpu.memory_space<vmem>>) dst(%dma_wait3A_1525 : memref<8x128xf32, #tpu.memory_space<hbm>>)
        %dma_wait3A_1530 = arith.constant 0 : i32
        %dma_wait3A_1531 = arith.constant 3 : i32
        %dma_wait3A_1532 = arith.constant 24 : i32
        %dma_wait3A_1533 = arith.constant 0 : i32
        %dma_wait3A_1534 = tpu.memref_slice %arg8[%dma_wait3A_1530, %dma_wait3A_1532, %dma_wait3A_1533] : memref<2x128x128xf32, #tpu.memory_space<vmem>> -> memref<1x8x128xf32, #tpu.memory_space<vmem>>
        %dma_wait3A_1535 = tpu.memref_squeeze %dma_wait3A_1534 : memref<1x8x128xf32, #tpu.memory_space<vmem>> -> memref<8x128xf32, #tpu.memory_space<vmem>>
        %dma_wait3A_1536 = arith.constant 0 : i32
        %dma_wait3A_1537 = arith.constant 0 : i32
        %dma_wait3A_1538 = tpu.memref_slice %arg4[%add3A_1427, %dma_wait3A_1531, %add3A, %dma_wait3A_1536, %dma_wait3A_1537] : memref<200x4x32x8x128xf32, #tpu.memory_space<hbm>> -> memref<1x1x1x8x128xf32, #tpu.memory_space<hbm>>
        %dma_wait3A_1539 = tpu.memref_squeeze %dma_wait3A_1538 : memref<1x1x1x8x128xf32, #tpu.memory_space<hbm>> -> memref<8x128xf32, #tpu.memory_space<hbm>>
        %dma_wait3A_1540 = arith.constant 0 : i32
        %dma_wait3A_1541 = arith.constant 0 : i32
        %dma_wait3A_1542 = tpu.memref_slice %arg4[%add3A_1427, %dma_wait3A_1531, %add3A, %dma_wait3A_1540, %dma_wait3A_1541] : memref<200x4x32x8x128xf32, #tpu.memory_space<hbm>> -> memref<1x1x1x8x128xf32, #tpu.memory_space<hbm>>
        %dma_wait3A_1543 = tpu.memref_squeeze %dma_wait3A_1542 : memref<1x1x1x8x128xf32, #tpu.memory_space<hbm>> -> memref<8x128xf32, #tpu.memory_space<hbm>>
        %dma_wait3A_1544 = arith.constant 24 : i32
        %dma_wait3A_1545 = arith.constant 0 : i32
        %dma_wait3A_1546 = tpu.memref_slice %arg8[%dma_wait3A_1530, %dma_wait3A_1544, %dma_wait3A_1545] : memref<2x128x128xf32, #tpu.memory_space<vmem>> -> memref<1x8x128xf32, #tpu.memory_space<vmem>>
        %dma_wait3A_1547 = tpu.memref_squeeze %dma_wait3A_1546 : memref<1x8x128xf32, #tpu.memory_space<vmem>> -> memref<8x128xf32, #tpu.memory_space<vmem>>
        tpu.wait_dma2 semaphore(%arg12 : memref<!tpu.dma_semaphore, #tpu.memory_space<semaphore_mem>>) src(%dma_wait3A_1547 : memref<8x128xf32, #tpu.memory_space<vmem>>) dst(%dma_wait3A_1543 : memref<8x128xf32, #tpu.memory_space<hbm>>)
        %dma_wait3A_1548 = arith.constant 0 : i32
        %dma_wait3A_1549 = arith.constant 0 : i32
        %dma_wait3A_1550 = arith.constant 32 : i32
        %dma_wait3A_1551 = arith.constant 0 : i32
        %dma_wait3A_1552 = tpu.memref_slice %arg8[%dma_wait3A_1548, %dma_wait3A_1550, %dma_wait3A_1551] : memref<2x128x128xf32, #tpu.memory_space<vmem>> -> memref<1x8x128xf32, #tpu.memory_space<vmem>>
        %dma_wait3A_1553 = tpu.memref_squeeze %dma_wait3A_1552 : memref<1x8x128xf32, #tpu.memory_space<vmem>> -> memref<8x128xf32, #tpu.memory_space<vmem>>
        %dma_wait3A_1554 = arith.constant 0 : i32
        %dma_wait3A_1555 = arith.constant 0 : i32
        %dma_wait3A_1556 = tpu.memref_slice %arg4[%add3A_1431, %dma_wait3A_1549, %add3A, %dma_wait3A_1554, %dma_wait3A_1555] : memref<200x4x32x8x128xf32, #tpu.memory_space<hbm>> -> memref<1x1x1x8x128xf32, #tpu.memory_space<hbm>>
        %dma_wait3A_1557 = tpu.memref_squeeze %dma_wait3A_1556 : memref<1x1x1x8x128xf32, #tpu.memory_space<hbm>> -> memref<8x128xf32, #tpu.memory_space<hbm>>
        %dma_wait3A_1558 = arith.constant 0 : i32
        %dma_wait3A_1559 = arith.constant 0 : i32
        %dma_wait3A_1560 = tpu.memref_slice %arg4[%add3A_1431, %dma_wait3A_1549, %add3A, %dma_wait3A_1558, %dma_wait3A_1559] : memref<200x4x32x8x128xf32, #tpu.memory_space<hbm>> -> memref<1x1x1x8x128xf32, #tpu.memory_space<hbm>>
        %dma_wait3A_1561 = tpu.memref_squeeze %dma_wait3A_1560 : memref<1x1x1x8x128xf32, #tpu.memory_space<hbm>> -> memref<8x128xf32, #tpu.memory_space<hbm>>
        %dma_wait3A_1562 = arith.constant 32 : i32
        %dma_wait3A_1563 = arith.constant 0 : i32
        %dma_wait3A_1564 = tpu.memref_slice %arg8[%dma_wait3A_1548, %dma_wait3A_1562, %dma_wait3A_1563] : memref<2x128x128xf32, #tpu.memory_space<vmem>> -> memref<1x8x128xf32, #tpu.memory_space<vmem>>
        %dma_wait3A_1565 = tpu.memref_squeeze %dma_wait3A_1564 : memref<1x8x128xf32, #tpu.memory_space<vmem>> -> memref<8x128xf32, #tpu.memory_space<vmem>>
        tpu.wait_dma2 semaphore(%arg12 : memref<!tpu.dma_semaphore, #tpu.memory_space<semaphore_mem>>) src(%dma_wait3A_1565 : memref<8x128xf32, #tpu.memory_space<vmem>>) dst(%dma_wait3A_1561 : memref<8x128xf32, #tpu.memory_space<hbm>>)
        %dma_wait3A_1566 = arith.constant 0 : i32
        %dma_wait3A_1567 = arith.constant 1 : i32
        %dma_wait3A_1568 = arith.constant 40 : i32
        %dma_wait3A_1569 = arith.constant 0 : i32
        %dma_wait3A_1570 = tpu.memref_slice %arg8[%dma_wait3A_1566, %dma_wait3A_1568, %dma_wait3A_1569] : memref<2x128x128xf32, #tpu.memory_space<vmem>> -> memref<1x8x128xf32, #tpu.memory_space<vmem>>
        %dma_wait3A_1571 = tpu.memref_squeeze %dma_wait3A_1570 : memref<1x8x128xf32, #tpu.memory_space<vmem>> -> memref<8x128xf32, #tpu.memory_space<vmem>>
        %dma_wait3A_1572 = arith.constant 0 : i32
        %dma_wait3A_1573 = arith.constant 0 : i32
        %dma_wait3A_1574 = tpu.memref_slice %arg4[%add3A_1435, %dma_wait3A_1567, %add3A, %dma_wait3A_1572, %dma_wait3A_1573] : memref<200x4x32x8x128xf32, #tpu.memory_space<hbm>> -> memref<1x1x1x8x128xf32, #tpu.memory_space<hbm>>
        %dma_wait3A_1575 = tpu.memref_squeeze %dma_wait3A_1574 : memref<1x1x1x8x128xf32, #tpu.memory_space<hbm>> -> memref<8x128xf32, #tpu.memory_space<hbm>>
        %dma_wait3A_1576 = arith.constant 0 : i32
        %dma_wait3A_1577 = arith.constant 0 : i32
        %dma_wait3A_1578 = tpu.memref_slice %arg4[%add3A_1435, %dma_wait3A_1567, %add3A, %dma_wait3A_1576, %dma_wait3A_1577] : memref<200x4x32x8x128xf32, #tpu.memory_space<hbm>> -> memref<1x1x1x8x128xf32, #tpu.memory_space<hbm>>
        %dma_wait3A_1579 = tpu.memref_squeeze %dma_wait3A_1578 : memref<1x1x1x8x128xf32, #tpu.memory_space<hbm>> -> memref<8x128xf32, #tpu.memory_space<hbm>>
        %dma_wait3A_1580 = arith.constant 40 : i32
        %dma_wait3A_1581 = arith.constant 0 : i32
        %dma_wait3A_1582 = tpu.memref_slice %arg8[%dma_wait3A_1566, %dma_wait3A_1580, %dma_wait3A_1581] : memref<2x128x128xf32, #tpu.memory_space<vmem>> -> memref<1x8x128xf32, #tpu.memory_space<vmem>>
        %dma_wait3A_1583 = tpu.memref_squeeze %dma_wait3A_1582 : memref<1x8x128xf32, #tpu.memory_space<vmem>> -> memref<8x128xf32, #tpu.memory_space<vmem>>
        tpu.wait_dma2 semaphore(%arg12 : memref<!tpu.dma_semaphore, #tpu.memory_space<semaphore_mem>>) src(%dma_wait3A_1583 : memref<8x128xf32, #tpu.memory_space<vmem>>) dst(%dma_wait3A_1579 : memref<8x128xf32, #tpu.memory_space<hbm>>)
        %dma_wait3A_1584 = arith.constant 0 : i32
        %dma_wait3A_1585 = arith.constant 2 : i32
        %dma_wait3A_1586 = arith.constant 48 : i32
        %dma_wait3A_1587 = arith.constant 0 : i32
        %dma_wait3A_1588 = tpu.memref_slice %arg8[%dma_wait3A_1584, %dma_wait3A_1586, %dma_wait3A_1587] : memref<2x128x128xf32, #tpu.memory_space<vmem>> -> memref<1x8x128xf32, #tpu.memory_space<vmem>>
        %dma_wait3A_1589 = tpu.memref_squeeze %dma_wait3A_1588 : memref<1x8x128xf32, #tpu.memory_space<vmem>> -> memref<8x128xf32, #tpu.memory_space<vmem>>
        %dma_wait3A_1590 = arith.constant 0 : i32
        %dma_wait3A_1591 = arith.constant 0 : i32
        %dma_wait3A_1592 = tpu.memref_slice %arg4[%add3A_1439, %dma_wait3A_1585, %add3A, %dma_wait3A_1590, %dma_wait3A_1591] : memref<200x4x32x8x128xf32, #tpu.memory_space<hbm>> -> memref<1x1x1x8x128xf32, #tpu.memory_space<hbm>>
        %dma_wait3A_1593 = tpu.memref_squeeze %dma_wait3A_1592 : memref<1x1x1x8x128xf32, #tpu.memory_space<hbm>> -> memref<8x128xf32, #tpu.memory_space<hbm>>
        %dma_wait3A_1594 = arith.constant 0 : i32
        %dma_wait3A_1595 = arith.constant 0 : i32
        %dma_wait3A_1596 = tpu.memref_slice %arg4[%add3A_1439, %dma_wait3A_1585, %add3A, %dma_wait3A_1594, %dma_wait3A_1595] : memref<200x4x32x8x128xf32, #tpu.memory_space<hbm>> -> memref<1x1x1x8x128xf32, #tpu.memory_space<hbm>>
        %dma_wait3A_1597 = tpu.memref_squeeze %dma_wait3A_1596 : memref<1x1x1x8x128xf32, #tpu.memory_space<hbm>> -> memref<8x128xf32, #tpu.memory_space<hbm>>
        %dma_wait3A_1598 = arith.constant 48 : i32
        %dma_wait3A_1599 = arith.constant 0 : i32
        %dma_wait3A_1600 = tpu.memref_slice %arg8[%dma_wait3A_1584, %dma_wait3A_1598, %dma_wait3A_1599] : memref<2x128x128xf32, #tpu.memory_space<vmem>> -> memref<1x8x128xf32, #tpu.memory_space<vmem>>
        %dma_wait3A_1601 = tpu.memref_squeeze %dma_wait3A_1600 : memref<1x8x128xf32, #tpu.memory_space<vmem>> -> memref<8x128xf32, #tpu.memory_space<vmem>>
        tpu.wait_dma2 semaphore(%arg12 : memref<!tpu.dma_semaphore, #tpu.memory_space<semaphore_mem>>) src(%dma_wait3A_1601 : memref<8x128xf32, #tpu.memory_space<vmem>>) dst(%dma_wait3A_1597 : memref<8x128xf32, #tpu.memory_space<hbm>>)
        %dma_wait3A_1602 = arith.constant 0 : i32
        %dma_wait3A_1603 = arith.constant 3 : i32
        %dma_wait3A_1604 = arith.constant 56 : i32
        %dma_wait3A_1605 = arith.constant 0 : i32
        %dma_wait3A_1606 = tpu.memref_slice %arg8[%dma_wait3A_1602, %dma_wait3A_1604, %dma_wait3A_1605] : memref<2x128x128xf32, #tpu.memory_space<vmem>> -> memref<1x8x128xf32, #tpu.memory_space<vmem>>
        %dma_wait3A_1607 = tpu.memref_squeeze %dma_wait3A_1606 : memref<1x8x128xf32, #tpu.memory_space<vmem>> -> memref<8x128xf32, #tpu.memory_space<vmem>>
        %dma_wait3A_1608 = arith.constant 0 : i32
        %dma_wait3A_1609 = arith.constant 0 : i32
        %dma_wait3A_1610 = tpu.memref_slice %arg4[%add3A_1443, %dma_wait3A_1603, %add3A, %dma_wait3A_1608, %dma_wait3A_1609] : memref<200x4x32x8x128xf32, #tpu.memory_space<hbm>> -> memref<1x1x1x8x128xf32, #tpu.memory_space<hbm>>
        %dma_wait3A_1611 = tpu.memref_squeeze %dma_wait3A_1610 : memref<1x1x1x8x128xf32, #tpu.memory_space<hbm>> -> memref<8x128xf32, #tpu.memory_space<hbm>>
        %dma_wait3A_1612 = arith.constant 0 : i32
        %dma_wait3A_1613 = arith.constant 0 : i32
        %dma_wait3A_1614 = tpu.memref_slice %arg4[%add3A_1443, %dma_wait3A_1603, %add3A, %dma_wait3A_1612, %dma_wait3A_1613] : memref<200x4x32x8x128xf32, #tpu.memory_space<hbm>> -> memref<1x1x1x8x128xf32, #tpu.memory_space<hbm>>
        %dma_wait3A_1615 = tpu.memref_squeeze %dma_wait3A_1614 : memref<1x1x1x8x128xf32, #tpu.memory_space<hbm>> -> memref<8x128xf32, #tpu.memory_space<hbm>>
        %dma_wait3A_1616 = arith.constant 56 : i32
        %dma_wait3A_1617 = arith.constant 0 : i32
        %dma_wait3A_1618 = tpu.memref_slice %arg8[%dma_wait3A_1602, %dma_wait3A_1616, %dma_wait3A_1617] : memref<2x128x128xf32, #tpu.memory_space<vmem>> -> memref<1x8x128xf32, #tpu.memory_space<vmem>>
        %dma_wait3A_1619 = tpu.memref_squeeze %dma_wait3A_1618 : memref<1x8x128xf32, #tpu.memory_space<vmem>> -> memref<8x128xf32, #tpu.memory_space<vmem>>
        tpu.wait_dma2 semaphore(%arg12 : memref<!tpu.dma_semaphore, #tpu.memory_space<semaphore_mem>>) src(%dma_wait3A_1619 : memref<8x128xf32, #tpu.memory_space<vmem>>) dst(%dma_wait3A_1615 : memref<8x128xf32, #tpu.memory_space<hbm>>)
        %dma_wait3A_1620 = arith.constant 0 : i32
        %dma_wait3A_1621 = arith.constant 0 : i32
        %dma_wait3A_1622 = arith.constant 64 : i32
        %dma_wait3A_1623 = arith.constant 0 : i32
        %dma_wait3A_1624 = tpu.memref_slice %arg8[%dma_wait3A_1620, %dma_wait3A_1622, %dma_wait3A_1623] : memref<2x128x128xf32, #tpu.memory_space<vmem>> -> memref<1x8x128xf32, #tpu.memory_space<vmem>>
        %dma_wait3A_1625 = tpu.memref_squeeze %dma_wait3A_1624 : memref<1x8x128xf32, #tpu.memory_space<vmem>> -> memref<8x128xf32, #tpu.memory_space<vmem>>
        %dma_wait3A_1626 = arith.constant 0 : i32
        %dma_wait3A_1627 = arith.constant 0 : i32
        %dma_wait3A_1628 = tpu.memref_slice %arg4[%add3A_1447, %dma_wait3A_1621, %add3A, %dma_wait3A_1626, %dma_wait3A_1627] : memref<200x4x32x8x128xf32, #tpu.memory_space<hbm>> -> memref<1x1x1x8x128xf32, #tpu.memory_space<hbm>>
        %dma_wait3A_1629 = tpu.memref_squeeze %dma_wait3A_1628 : memref<1x1x1x8x128xf32, #tpu.memory_space<hbm>> -> memref<8x128xf32, #tpu.memory_space<hbm>>
        %dma_wait3A_1630 = arith.constant 0 : i32
        %dma_wait3A_1631 = arith.constant 0 : i32
        %dma_wait3A_1632 = tpu.memref_slice %arg4[%add3A_1447, %dma_wait3A_1621, %add3A, %dma_wait3A_1630, %dma_wait3A_1631] : memref<200x4x32x8x128xf32, #tpu.memory_space<hbm>> -> memref<1x1x1x8x128xf32, #tpu.memory_space<hbm>>
        %dma_wait3A_1633 = tpu.memref_squeeze %dma_wait3A_1632 : memref<1x1x1x8x128xf32, #tpu.memory_space<hbm>> -> memref<8x128xf32, #tpu.memory_space<hbm>>
        %dma_wait3A_1634 = arith.constant 64 : i32
        %dma_wait3A_1635 = arith.constant 0 : i32
        %dma_wait3A_1636 = tpu.memref_slice %arg8[%dma_wait3A_1620, %dma_wait3A_1634, %dma_wait3A_1635] : memref<2x128x128xf32, #tpu.memory_space<vmem>> -> memref<1x8x128xf32, #tpu.memory_space<vmem>>
        %dma_wait3A_1637 = tpu.memref_squeeze %dma_wait3A_1636 : memref<1x8x128xf32, #tpu.memory_space<vmem>> -> memref<8x128xf32, #tpu.memory_space<vmem>>
        tpu.wait_dma2 semaphore(%arg12 : memref<!tpu.dma_semaphore, #tpu.memory_space<semaphore_mem>>) src(%dma_wait3A_1637 : memref<8x128xf32, #tpu.memory_space<vmem>>) dst(%dma_wait3A_1633 : memref<8x128xf32, #tpu.memory_space<hbm>>)
        %dma_wait3A_1638 = arith.constant 0 : i32
        %dma_wait3A_1639 = arith.constant 1 : i32
        %dma_wait3A_1640 = arith.constant 72 : i32
        %dma_wait3A_1641 = arith.constant 0 : i32
        %dma_wait3A_1642 = tpu.memref_slice %arg8[%dma_wait3A_1638, %dma_wait3A_1640, %dma_wait3A_1641] : memref<2x128x128xf32, #tpu.memory_space<vmem>> -> memref<1x8x128xf32, #tpu.memory_space<vmem>>
        %dma_wait3A_1643 = tpu.memref_squeeze %dma_wait3A_1642 : memref<1x8x128xf32, #tpu.memory_space<vmem>> -> memref<8x128xf32, #tpu.memory_space<vmem>>
        %dma_wait3A_1644 = arith.constant 0 : i32
        %dma_wait3A_1645 = arith.constant 0 : i32
        %dma_wait3A_1646 = tpu.memref_slice %arg4[%add3A_1451, %dma_wait3A_1639, %add3A, %dma_wait3A_1644, %dma_wait3A_1645] : memref<200x4x32x8x128xf32, #tpu.memory_space<hbm>> -> memref<1x1x1x8x128xf32, #tpu.memory_space<hbm>>
        %dma_wait3A_1647 = tpu.memref_squeeze %dma_wait3A_1646 : memref<1x1x1x8x128xf32, #tpu.memory_space<hbm>> -> memref<8x128xf32, #tpu.memory_space<hbm>>
        %dma_wait3A_1648 = arith.constant 0 : i32
        %dma_wait3A_1649 = arith.constant 0 : i32
        %dma_wait3A_1650 = tpu.memref_slice %arg4[%add3A_1451, %dma_wait3A_1639, %add3A, %dma_wait3A_1648, %dma_wait3A_1649] : memref<200x4x32x8x128xf32, #tpu.memory_space<hbm>> -> memref<1x1x1x8x128xf32, #tpu.memory_space<hbm>>
        %dma_wait3A_1651 = tpu.memref_squeeze %dma_wait3A_1650 : memref<1x1x1x8x128xf32, #tpu.memory_space<hbm>> -> memref<8x128xf32, #tpu.memory_space<hbm>>
        %dma_wait3A_1652 = arith.constant 72 : i32
        %dma_wait3A_1653 = arith.constant 0 : i32
        %dma_wait3A_1654 = tpu.memref_slice %arg8[%dma_wait3A_1638, %dma_wait3A_1652, %dma_wait3A_1653] : memref<2x128x128xf32, #tpu.memory_space<vmem>> -> memref<1x8x128xf32, #tpu.memory_space<vmem>>
        %dma_wait3A_1655 = tpu.memref_squeeze %dma_wait3A_1654 : memref<1x8x128xf32, #tpu.memory_space<vmem>> -> memref<8x128xf32, #tpu.memory_space<vmem>>
        tpu.wait_dma2 semaphore(%arg12 : memref<!tpu.dma_semaphore, #tpu.memory_space<semaphore_mem>>) src(%dma_wait3A_1655 : memref<8x128xf32, #tpu.memory_space<vmem>>) dst(%dma_wait3A_1651 : memref<8x128xf32, #tpu.memory_space<hbm>>)
        %dma_wait3A_1656 = arith.constant 0 : i32
        %dma_wait3A_1657 = arith.constant 2 : i32
        %dma_wait3A_1658 = arith.constant 80 : i32
        %dma_wait3A_1659 = arith.constant 0 : i32
        %dma_wait3A_1660 = tpu.memref_slice %arg8[%dma_wait3A_1656, %dma_wait3A_1658, %dma_wait3A_1659] : memref<2x128x128xf32, #tpu.memory_space<vmem>> -> memref<1x8x128xf32, #tpu.memory_space<vmem>>
        %dma_wait3A_1661 = tpu.memref_squeeze %dma_wait3A_1660 : memref<1x8x128xf32, #tpu.memory_space<vmem>> -> memref<8x128xf32, #tpu.memory_space<vmem>>
        %dma_wait3A_1662 = arith.constant 0 : i32
        %dma_wait3A_1663 = arith.constant 0 : i32
        %dma_wait3A_1664 = tpu.memref_slice %arg4[%add3A_1455, %dma_wait3A_1657, %add3A, %dma_wait3A_1662, %dma_wait3A_1663] : memref<200x4x32x8x128xf32, #tpu.memory_space<hbm>> -> memref<1x1x1x8x128xf32, #tpu.memory_space<hbm>>
        %dma_wait3A_1665 = tpu.memref_squeeze %dma_wait3A_1664 : memref<1x1x1x8x128xf32, #tpu.memory_space<hbm>> -> memref<8x128xf32, #tpu.memory_space<hbm>>
        %dma_wait3A_1666 = arith.constant 0 : i32
        %dma_wait3A_1667 = arith.constant 0 : i32
        %dma_wait3A_1668 = tpu.memref_slice %arg4[%add3A_1455, %dma_wait3A_1657, %add3A, %dma_wait3A_1666, %dma_wait3A_1667] : memref<200x4x32x8x128xf32, #tpu.memory_space<hbm>> -> memref<1x1x1x8x128xf32, #tpu.memory_space<hbm>>
        %dma_wait3A_1669 = tpu.memref_squeeze %dma_wait3A_1668 : memref<1x1x1x8x128xf32, #tpu.memory_space<hbm>> -> memref<8x128xf32, #tpu.memory_space<hbm>>
        %dma_wait3A_1670 = arith.constant 80 : i32
        %dma_wait3A_1671 = arith.constant 0 : i32
        %dma_wait3A_1672 = tpu.memref_slice %arg8[%dma_wait3A_1656, %dma_wait3A_1670, %dma_wait3A_1671] : memref<2x128x128xf32, #tpu.memory_space<vmem>> -> memref<1x8x128xf32, #tpu.memory_space<vmem>>
        %dma_wait3A_1673 = tpu.memref_squeeze %dma_wait3A_1672 : memref<1x8x128xf32, #tpu.memory_space<vmem>> -> memref<8x128xf32, #tpu.memory_space<vmem>>
        tpu.wait_dma2 semaphore(%arg12 : memref<!tpu.dma_semaphore, #tpu.memory_space<semaphore_mem>>) src(%dma_wait3A_1673 : memref<8x128xf32, #tpu.memory_space<vmem>>) dst(%dma_wait3A_1669 : memref<8x128xf32, #tpu.memory_space<hbm>>)
        %dma_wait3A_1674 = arith.constant 0 : i32
        %dma_wait3A_1675 = arith.constant 3 : i32
        %dma_wait3A_1676 = arith.constant 88 : i32
        %dma_wait3A_1677 = arith.constant 0 : i32
        %dma_wait3A_1678 = tpu.memref_slice %arg8[%dma_wait3A_1674, %dma_wait3A_1676, %dma_wait3A_1677] : memref<2x128x128xf32, #tpu.memory_space<vmem>> -> memref<1x8x128xf32, #tpu.memory_space<vmem>>
        %dma_wait3A_1679 = tpu.memref_squeeze %dma_wait3A_1678 : memref<1x8x128xf32, #tpu.memory_space<vmem>> -> memref<8x128xf32, #tpu.memory_space<vmem>>
        %dma_wait3A_1680 = arith.constant 0 : i32
        %dma_wait3A_1681 = arith.constant 0 : i32
        %dma_wait3A_1682 = tpu.memref_slice %arg4[%add3A_1459, %dma_wait3A_1675, %add3A, %dma_wait3A_1680, %dma_wait3A_1681] : memref<200x4x32x8x128xf32, #tpu.memory_space<hbm>> -> memref<1x1x1x8x128xf32, #tpu.memory_space<hbm>>
        %dma_wait3A_1683 = tpu.memref_squeeze %dma_wait3A_1682 : memref<1x1x1x8x128xf32, #tpu.memory_space<hbm>> -> memref<8x128xf32, #tpu.memory_space<hbm>>
        %dma_wait3A_1684 = arith.constant 0 : i32
        %dma_wait3A_1685 = arith.constant 0 : i32
        %dma_wait3A_1686 = tpu.memref_slice %arg4[%add3A_1459, %dma_wait3A_1675, %add3A, %dma_wait3A_1684, %dma_wait3A_1685] : memref<200x4x32x8x128xf32, #tpu.memory_space<hbm>> -> memref<1x1x1x8x128xf32, #tpu.memory_space<hbm>>
        %dma_wait3A_1687 = tpu.memref_squeeze %dma_wait3A_1686 : memref<1x1x1x8x128xf32, #tpu.memory_space<hbm>> -> memref<8x128xf32, #tpu.memory_space<hbm>>
        %dma_wait3A_1688 = arith.constant 88 : i32
        %dma_wait3A_1689 = arith.constant 0 : i32
        %dma_wait3A_1690 = tpu.memref_slice %arg8[%dma_wait3A_1674, %dma_wait3A_1688, %dma_wait3A_1689] : memref<2x128x128xf32, #tpu.memory_space<vmem>> -> memref<1x8x128xf32, #tpu.memory_space<vmem>>
        %dma_wait3A_1691 = tpu.memref_squeeze %dma_wait3A_1690 : memref<1x8x128xf32, #tpu.memory_space<vmem>> -> memref<8x128xf32, #tpu.memory_space<vmem>>
        tpu.wait_dma2 semaphore(%arg12 : memref<!tpu.dma_semaphore, #tpu.memory_space<semaphore_mem>>) src(%dma_wait3A_1691 : memref<8x128xf32, #tpu.memory_space<vmem>>) dst(%dma_wait3A_1687 : memref<8x128xf32, #tpu.memory_space<hbm>>)
        %dma_wait3A_1692 = arith.constant 0 : i32
        %dma_wait3A_1693 = arith.constant 0 : i32
        %dma_wait3A_1694 = arith.constant 96 : i32
        %dma_wait3A_1695 = arith.constant 0 : i32
        %dma_wait3A_1696 = tpu.memref_slice %arg8[%dma_wait3A_1692, %dma_wait3A_1694, %dma_wait3A_1695] : memref<2x128x128xf32, #tpu.memory_space<vmem>> -> memref<1x8x128xf32, #tpu.memory_space<vmem>>
        %dma_wait3A_1697 = tpu.memref_squeeze %dma_wait3A_1696 : memref<1x8x128xf32, #tpu.memory_space<vmem>> -> memref<8x128xf32, #tpu.memory_space<vmem>>
        %dma_wait3A_1698 = arith.constant 0 : i32
        %dma_wait3A_1699 = arith.constant 0 : i32
        %dma_wait3A_1700 = tpu.memref_slice %arg4[%add3A_1463, %dma_wait3A_1693, %add3A, %dma_wait3A_1698, %dma_wait3A_1699] : memref<200x4x32x8x128xf32, #tpu.memory_space<hbm>> -> memref<1x1x1x8x128xf32, #tpu.memory_space<hbm>>
        %dma_wait3A_1701 = tpu.memref_squeeze %dma_wait3A_1700 : memref<1x1x1x8x128xf32, #tpu.memory_space<hbm>> -> memref<8x128xf32, #tpu.memory_space<hbm>>
        %dma_wait3A_1702 = arith.constant 0 : i32
        %dma_wait3A_1703 = arith.constant 0 : i32
        %dma_wait3A_1704 = tpu.memref_slice %arg4[%add3A_1463, %dma_wait3A_1693, %add3A, %dma_wait3A_1702, %dma_wait3A_1703] : memref<200x4x32x8x128xf32, #tpu.memory_space<hbm>> -> memref<1x1x1x8x128xf32, #tpu.memory_space<hbm>>
        %dma_wait3A_1705 = tpu.memref_squeeze %dma_wait3A_1704 : memref<1x1x1x8x128xf32, #tpu.memory_space<hbm>> -> memref<8x128xf32, #tpu.memory_space<hbm>>
        %dma_wait3A_1706 = arith.constant 96 : i32
        %dma_wait3A_1707 = arith.constant 0 : i32
        %dma_wait3A_1708 = tpu.memref_slice %arg8[%dma_wait3A_1692, %dma_wait3A_1706, %dma_wait3A_1707] : memref<2x128x128xf32, #tpu.memory_space<vmem>> -> memref<1x8x128xf32, #tpu.memory_space<vmem>>
        %dma_wait3A_1709 = tpu.memref_squeeze %dma_wait3A_1708 : memref<1x8x128xf32, #tpu.memory_space<vmem>> -> memref<8x128xf32, #tpu.memory_space<vmem>>
        tpu.wait_dma2 semaphore(%arg12 : memref<!tpu.dma_semaphore, #tpu.memory_space<semaphore_mem>>) src(%dma_wait3A_1709 : memref<8x128xf32, #tpu.memory_space<vmem>>) dst(%dma_wait3A_1705 : memref<8x128xf32, #tpu.memory_space<hbm>>)
        %dma_wait3A_1710 = arith.constant 0 : i32
        %dma_wait3A_1711 = arith.constant 1 : i32
        %dma_wait3A_1712 = arith.constant 104 : i32
        %dma_wait3A_1713 = arith.constant 0 : i32
        %dma_wait3A_1714 = tpu.memref_slice %arg8[%dma_wait3A_1710, %dma_wait3A_1712, %dma_wait3A_1713] : memref<2x128x128xf32, #tpu.memory_space<vmem>> -> memref<1x8x128xf32, #tpu.memory_space<vmem>>
        %dma_wait3A_1715 = tpu.memref_squeeze %dma_wait3A_1714 : memref<1x8x128xf32, #tpu.memory_space<vmem>> -> memref<8x128xf32, #tpu.memory_space<vmem>>
        %dma_wait3A_1716 = arith.constant 0 : i32
        %dma_wait3A_1717 = arith.constant 0 : i32
        %dma_wait3A_1718 = tpu.memref_slice %arg4[%add3A_1467, %dma_wait3A_1711, %add3A, %dma_wait3A_1716, %dma_wait3A_1717] : memref<200x4x32x8x128xf32, #tpu.memory_space<hbm>> -> memref<1x1x1x8x128xf32, #tpu.memory_space<hbm>>
        %dma_wait3A_1719 = tpu.memref_squeeze %dma_wait3A_1718 : memref<1x1x1x8x128xf32, #tpu.memory_space<hbm>> -> memref<8x128xf32, #tpu.memory_space<hbm>>
        %dma_wait3A_1720 = arith.constant 0 : i32
        %dma_wait3A_1721 = arith.constant 0 : i32
        %dma_wait3A_1722 = tpu.memref_slice %arg4[%add3A_1467, %dma_wait3A_1711, %add3A, %dma_wait3A_1720, %dma_wait3A_1721] : memref<200x4x32x8x128xf32, #tpu.memory_space<hbm>> -> memref<1x1x1x8x128xf32, #tpu.memory_space<hbm>>
        %dma_wait3A_1723 = tpu.memref_squeeze %dma_wait3A_1722 : memref<1x1x1x8x128xf32, #tpu.memory_space<hbm>> -> memref<8x128xf32, #tpu.memory_space<hbm>>
        %dma_wait3A_1724 = arith.constant 104 : i32
        %dma_wait3A_1725 = arith.constant 0 : i32
        %dma_wait3A_1726 = tpu.memref_slice %arg8[%dma_wait3A_1710, %dma_wait3A_1724, %dma_wait3A_1725] : memref<2x128x128xf32, #tpu.memory_space<vmem>> -> memref<1x8x128xf32, #tpu.memory_space<vmem>>
        %dma_wait3A_1727 = tpu.memref_squeeze %dma_wait3A_1726 : memref<1x8x128xf32, #tpu.memory_space<vmem>> -> memref<8x128xf32, #tpu.memory_space<vmem>>
        tpu.wait_dma2 semaphore(%arg12 : memref<!tpu.dma_semaphore, #tpu.memory_space<semaphore_mem>>) src(%dma_wait3A_1727 : memref<8x128xf32, #tpu.memory_space<vmem>>) dst(%dma_wait3A_1723 : memref<8x128xf32, #tpu.memory_space<hbm>>)
        %dma_wait3A_1728 = arith.constant 0 : i32
        %dma_wait3A_1729 = arith.constant 2 : i32
        %dma_wait3A_1730 = arith.constant 112 : i32
        %dma_wait3A_1731 = arith.constant 0 : i32
        %dma_wait3A_1732 = tpu.memref_slice %arg8[%dma_wait3A_1728, %dma_wait3A_1730, %dma_wait3A_1731] : memref<2x128x128xf32, #tpu.memory_space<vmem>> -> memref<1x8x128xf32, #tpu.memory_space<vmem>>
        %dma_wait3A_1733 = tpu.memref_squeeze %dma_wait3A_1732 : memref<1x8x128xf32, #tpu.memory_space<vmem>> -> memref<8x128xf32, #tpu.memory_space<vmem>>
        %dma_wait3A_1734 = arith.constant 0 : i32
        %dma_wait3A_1735 = arith.constant 0 : i32
        %dma_wait3A_1736 = tpu.memref_slice %arg4[%add3A_1471, %dma_wait3A_1729, %add3A, %dma_wait3A_1734, %dma_wait3A_1735] : memref<200x4x32x8x128xf32, #tpu.memory_space<hbm>> -> memref<1x1x1x8x128xf32, #tpu.memory_space<hbm>>
        %dma_wait3A_1737 = tpu.memref_squeeze %dma_wait3A_1736 : memref<1x1x1x8x128xf32, #tpu.memory_space<hbm>> -> memref<8x128xf32, #tpu.memory_space<hbm>>
        %dma_wait3A_1738 = arith.constant 0 : i32
        %dma_wait3A_1739 = arith.constant 0 : i32
        %dma_wait3A_1740 = tpu.memref_slice %arg4[%add3A_1471, %dma_wait3A_1729, %add3A, %dma_wait3A_1738, %dma_wait3A_1739] : memref<200x4x32x8x128xf32, #tpu.memory_space<hbm>> -> memref<1x1x1x8x128xf32, #tpu.memory_space<hbm>>
        %dma_wait3A_1741 = tpu.memref_squeeze %dma_wait3A_1740 : memref<1x1x1x8x128xf32, #tpu.memory_space<hbm>> -> memref<8x128xf32, #tpu.memory_space<hbm>>
        %dma_wait3A_1742 = arith.constant 112 : i32
        %dma_wait3A_1743 = arith.constant 0 : i32
        %dma_wait3A_1744 = tpu.memref_slice %arg8[%dma_wait3A_1728, %dma_wait3A_1742, %dma_wait3A_1743] : memref<2x128x128xf32, #tpu.memory_space<vmem>> -> memref<1x8x128xf32, #tpu.memory_space<vmem>>
        %dma_wait3A_1745 = tpu.memref_squeeze %dma_wait3A_1744 : memref<1x8x128xf32, #tpu.memory_space<vmem>> -> memref<8x128xf32, #tpu.memory_space<vmem>>
        tpu.wait_dma2 semaphore(%arg12 : memref<!tpu.dma_semaphore, #tpu.memory_space<semaphore_mem>>) src(%dma_wait3A_1745 : memref<8x128xf32, #tpu.memory_space<vmem>>) dst(%dma_wait3A_1741 : memref<8x128xf32, #tpu.memory_space<hbm>>)
        %dma_wait3A_1746 = arith.constant 0 : i32
        %dma_wait3A_1747 = arith.constant 3 : i32
        %dma_wait3A_1748 = arith.constant 120 : i32
        %dma_wait3A_1749 = arith.constant 0 : i32
        %dma_wait3A_1750 = tpu.memref_slice %arg8[%dma_wait3A_1746, %dma_wait3A_1748, %dma_wait3A_1749] : memref<2x128x128xf32, #tpu.memory_space<vmem>> -> memref<1x8x128xf32, #tpu.memory_space<vmem>>
        %dma_wait3A_1751 = tpu.memref_squeeze %dma_wait3A_1750 : memref<1x8x128xf32, #tpu.memory_space<vmem>> -> memref<8x128xf32, #tpu.memory_space<vmem>>
        %dma_wait3A_1752 = arith.constant 0 : i32
        %dma_wait3A_1753 = arith.constant 0 : i32
        %dma_wait3A_1754 = tpu.memref_slice %arg4[%add3A_1475, %dma_wait3A_1747, %add3A, %dma_wait3A_1752, %dma_wait3A_1753] : memref<200x4x32x8x128xf32, #tpu.memory_space<hbm>> -> memref<1x1x1x8x128xf32, #tpu.memory_space<hbm>>
        %dma_wait3A_1755 = tpu.memref_squeeze %dma_wait3A_1754 : memref<1x1x1x8x128xf32, #tpu.memory_space<hbm>> -> memref<8x128xf32, #tpu.memory_space<hbm>>
        %dma_wait3A_1756 = arith.constant 0 : i32
        %dma_wait3A_1757 = arith.constant 0 : i32
        %dma_wait3A_1758 = tpu.memref_slice %arg4[%add3A_1475, %dma_wait3A_1747, %add3A, %dma_wait3A_1756, %dma_wait3A_1757] : memref<200x4x32x8x128xf32, #tpu.memory_space<hbm>> -> memref<1x1x1x8x128xf32, #tpu.memory_space<hbm>>
        %dma_wait3A_1759 = tpu.memref_squeeze %dma_wait3A_1758 : memref<1x1x1x8x128xf32, #tpu.memory_space<hbm>> -> memref<8x128xf32, #tpu.memory_space<hbm>>
        %dma_wait3A_1760 = arith.constant 120 : i32
        %dma_wait3A_1761 = arith.constant 0 : i32
        %dma_wait3A_1762 = tpu.memref_slice %arg8[%dma_wait3A_1746, %dma_wait3A_1760, %dma_wait3A_1761] : memref<2x128x128xf32, #tpu.memory_space<vmem>> -> memref<1x8x128xf32, #tpu.memory_space<vmem>>
        %dma_wait3A_1763 = tpu.memref_squeeze %dma_wait3A_1762 : memref<1x8x128xf32, #tpu.memory_space<vmem>> -> memref<8x128xf32, #tpu.memory_space<vmem>>
        tpu.wait_dma2 semaphore(%arg12 : memref<!tpu.dma_semaphore, #tpu.memory_space<semaphore_mem>>) src(%dma_wait3A_1763 : memref<8x128xf32, #tpu.memory_space<vmem>>) dst(%dma_wait3A_1759 : memref<8x128xf32, #tpu.memory_space<hbm>>)
      } else {
      }
      %parallel_loop3A_666 = arith.constant 0 : i32
      %parallel_loop3A_667 = arith.constant 64 : i32
      %parallel_loop3A_668 = arith.constant 1 : i32
      scf.for %parallel_loop3A_1411 = %parallel_loop3A_666 to %parallel_loop3A_667 step %parallel_loop3A_668  : i32 {
        %parallel_loop3A_1412 = arith.constant 4 : i32
        %parallel_loop3A_1413 = arith.shrsi %parallel_loop3A_1411, %parallel_loop3A_1412 : i32
        %parallel_loop3A_1414 = arith.constant 3 : i32
        %parallel_loop3A_1415 = arith.shrsi %parallel_loop3A_1411, %parallel_loop3A_1414 : i32
        %parallel_loop3A_1416 = arith.constant 1 : i32
        %parallel_loop3A_1417 = arith.andi %parallel_loop3A_1415, %parallel_loop3A_1416 : i32
        %parallel_loop3A_1418 = arith.constant 7 : i32
        %parallel_loop3A_1419 = arith.andi %parallel_loop3A_1411, %parallel_loop3A_1418 : i32
        %parallel_loop3A_1420 = arith.constant 7 : i32
        %parallel_loop3A_1421 = arith.shli %parallel_loop3A_1413, %parallel_loop3A_1420 : i32
        %parallel_loop3A_1422 = arith.constant 4 : i32
        %parallel_loop3A_1423 = arith.shli %parallel_loop3A_1419, %parallel_loop3A_1422 : i32
        %parallel_loop3A_1424 = arith.addi %parallel_loop3A_1421, %parallel_loop3A_1423 : i32
        %parallel_loop3A_1425 = vector.broadcast %parallel_loop3A_1424 : i32 to vector<16xi32>
        %parallel_loop3A_1426 = arith.addi %parallel_loop3A_1425, %iota3A : vector<16xi32>
        %parallel_loop3A_1427 = arith.constant 4 : i32
        %parallel_loop3A_1428 = arith.shli %parallel_loop3A_1419, %parallel_loop3A_1427 : i32
        %parallel_loop3A_1429 = vector.broadcast %parallel_loop3A_1428 : i32 to vector<16xi32>
        %parallel_loop3A_1430 = arith.addi %parallel_loop3A_1429, %iota3A : vector<16xi32>
        %parallel_loop3A_1431 = arith.constant 0 : i32
        %parallel_loop3A_1432 = vector.broadcast %parallel_loop3A_1431 : i32 to vector<16xi32>
        %parallel_loop3A_1433 = arith.addi %iota3A, %parallel_loop3A_1432 : vector<16xi32>
        %parallel_loop3A_1434 = arith.constant 15 : i32
        %parallel_loop3A_1435 = vector.broadcast %parallel_loop3A_1434 : i32 to vector<16xi32>
        %parallel_loop3A_1436 = arith.andi %parallel_loop3A_1433, %parallel_loop3A_1435 : vector<16xi32>
        %parallel_loop3A_1437 = arith.constant 4 : i32
        %parallel_loop3A_1438 = arith.shli %parallel_loop3A_1417, %parallel_loop3A_1437 : i32
        %parallel_loop3A_1439 = vector.broadcast %parallel_loop3A_1438 : i32 to vector<16xi32>
        %parallel_loop3A_1440 = arith.addi %parallel_loop3A_1439, %parallel_loop3A_1436 : vector<16xi32>
        %parallel_loop3A_1441 = arith.constant 0 : i32
        %parallel_loop3A_1442 = arith.constant 0 : i32
        %parallel_loop3A_1443 = arith.constant 0 : i32
        %parallel_loop3A_1444 = tpu.memref_slice %arg7[%parallel_loop3A_1441, %parallel_loop3A_1442, %parallel_loop3A_1443] : memref<2x512x32xf32, #tpu.memory_space<vmem>> -> memref<1x512x32xf32, #tpu.memory_space<vmem>>
        %parallel_loop3A_1445 = tpu.memref_squeeze %parallel_loop3A_1444 : memref<1x512x32xf32, #tpu.memory_space<vmem>> -> memref<512x32xf32, #tpu.memory_space<vmem>>
        %parallel_loop3A_1446 = tpu.vector_load_idx %parallel_loop3A_1445[%parallel_loop3A_1426, %parallel_loop3A_1440] : memref<512x32xf32, #tpu.memory_space<vmem>>[vector<16xi32>, vector<16xi32>], vector<16xf32>,
        %parallel_loop3A_1447 = arith.constant 5 : i32
        %parallel_loop3A_1448 = arith.shli %parallel_loop3A_1413, %parallel_loop3A_1447 : i32
        %parallel_loop3A_1449 = vector.broadcast %parallel_loop3A_1448 : i32 to vector<16xi32>
        %parallel_loop3A_1450 = arith.addi %parallel_loop3A_1449, %parallel_loop3A_1440 : vector<16xi32>
        %parallel_loop3A_1451 = arith.constant 0 : i32
        %parallel_loop3A_1452 = arith.constant 0 : i32
        %parallel_loop3A_1453 = arith.constant 0 : i32
        %parallel_loop3A_1454 = tpu.memref_slice %arg8[%parallel_loop3A_1451, %parallel_loop3A_1452, %parallel_loop3A_1453] : memref<2x128x128xf32, #tpu.memory_space<vmem>> -> memref<1x128x128xf32, #tpu.memory_space<vmem>>
        %parallel_loop3A_1455 = tpu.memref_squeeze %parallel_loop3A_1454 : memref<1x128x128xf32, #tpu.memory_space<vmem>> -> memref<128x128xf32, #tpu.memory_space<vmem>>
        tpu.vector_store_idx %parallel_loop3A_1455[%parallel_loop3A_1450, %parallel_loop3A_1430], %parallel_loop3A_1446 : memref<128x128xf32, #tpu.memory_space<vmem>>[vector<16xi32>, vector<16xi32>], vector<16xf32>,
        %parallel_loop3A_1456 = arith.constant 1 : i32
        %parallel_loop3A_1457 = vector.broadcast %parallel_loop3A_1456 : i32 to vector<16xi32>
        %parallel_loop3A_1458 = arith.addi %iota3A, %parallel_loop3A_1457 : vector<16xi32>
        %parallel_loop3A_1459 = arith.constant 15 : i32
        %parallel_loop3A_1460 = vector.broadcast %parallel_loop3A_1459 : i32 to vector<16xi32>
        %parallel_loop3A_1461 = arith.andi %parallel_loop3A_1458, %parallel_loop3A_1460 : vector<16xi32>
        %parallel_loop3A_1462 = arith.constant 4 : i32
        %parallel_loop3A_1463 = arith.shli %parallel_loop3A_1417, %parallel_loop3A_1462 : i32
        %parallel_loop3A_1464 = vector.broadcast %parallel_loop3A_1463 : i32 to vector<16xi32>
        %parallel_loop3A_1465 = arith.addi %parallel_loop3A_1464, %parallel_loop3A_1461 : vector<16xi32>
        %parallel_loop3A_1466 = arith.constant 0 : i32
        %parallel_loop3A_1467 = arith.constant 0 : i32
        %parallel_loop3A_1468 = arith.constant 0 : i32
        %parallel_loop3A_1469 = tpu.memref_slice %arg7[%parallel_loop3A_1466, %parallel_loop3A_1467, %parallel_loop3A_1468] : memref<2x512x32xf32, #tpu.memory_space<vmem>> -> memref<1x512x32xf32, #tpu.memory_space<vmem>>
        %parallel_loop3A_1470 = tpu.memref_squeeze %parallel_loop3A_1469 : memref<1x512x32xf32, #tpu.memory_space<vmem>> -> memref<512x32xf32, #tpu.memory_space<vmem>>
        %parallel_loop3A_1471 = tpu.vector_load_idx %parallel_loop3A_1470[%parallel_loop3A_1426, %parallel_loop3A_1465] : memref<512x32xf32, #tpu.memory_space<vmem>>[vector<16xi32>, vector<16xi32>], vector<16xf32>,
        %parallel_loop3A_1472 = arith.constant 5 : i32
        %parallel_loop3A_1473 = arith.shli %parallel_loop3A_1413, %parallel_loop3A_1472 : i32
        %parallel_loop3A_1474 = vector.broadcast %parallel_loop3A_1473 : i32 to vector<16xi32>
        %parallel_loop3A_1475 = arith.addi %parallel_loop3A_1474, %parallel_loop3A_1465 : vector<16xi32>
        %parallel_loop3A_1476 = arith.constant 0 : i32
        %parallel_loop3A_1477 = arith.constant 0 : i32
        %parallel_loop3A_1478 = arith.constant 0 : i32
        %parallel_loop3A_1479 = tpu.memref_slice %arg8[%parallel_loop3A_1476, %parallel_loop3A_1477, %parallel_loop3A_1478] : memref<2x128x128xf32, #tpu.memory_space<vmem>> -> memref<1x128x128xf32, #tpu.memory_space<vmem>>
        %parallel_loop3A_1480 = tpu.memref_squeeze %parallel_loop3A_1479 : memref<1x128x128xf32, #tpu.memory_space<vmem>> -> memref<128x128xf32, #tpu.memory_space<vmem>>
        tpu.vector_store_idx %parallel_loop3A_1480[%parallel_loop3A_1475, %parallel_loop3A_1430], %parallel_loop3A_1471 : memref<128x128xf32, #tpu.memory_space<vmem>>[vector<16xi32>, vector<16xi32>], vector<16xf32>,
        %parallel_loop3A_1481 = arith.constant 2 : i32
        %parallel_loop3A_1482 = vector.broadcast %parallel_loop3A_1481 : i32 to vector<16xi32>
        %parallel_loop3A_1483 = arith.addi %iota3A, %parallel_loop3A_1482 : vector<16xi32>
        %parallel_loop3A_1484 = arith.constant 15 : i32
        %parallel_loop3A_1485 = vector.broadcast %parallel_loop3A_1484 : i32 to vector<16xi32>
        %parallel_loop3A_1486 = arith.andi %parallel_loop3A_1483, %parallel_loop3A_1485 : vector<16xi32>
        %parallel_loop3A_1487 = arith.constant 4 : i32
        %parallel_loop3A_1488 = arith.shli %parallel_loop3A_1417, %parallel_loop3A_1487 : i32
        %parallel_loop3A_1489 = vector.broadcast %parallel_loop3A_1488 : i32 to vector<16xi32>
        %parallel_loop3A_1490 = arith.addi %parallel_loop3A_1489, %parallel_loop3A_1486 : vector<16xi32>
        %parallel_loop3A_1491 = arith.constant 0 : i32
        %parallel_loop3A_1492 = arith.constant 0 : i32
        %parallel_loop3A_1493 = arith.constant 0 : i32
        %parallel_loop3A_1494 = tpu.memref_slice %arg7[%parallel_loop3A_1491, %parallel_loop3A_1492, %parallel_loop3A_1493] : memref<2x512x32xf32, #tpu.memory_space<vmem>> -> memref<1x512x32xf32, #tpu.memory_space<vmem>>
        %parallel_loop3A_1495 = tpu.memref_squeeze %parallel_loop3A_1494 : memref<1x512x32xf32, #tpu.memory_space<vmem>> -> memref<512x32xf32, #tpu.memory_space<vmem>>
        %parallel_loop3A_1496 = tpu.vector_load_idx %parallel_loop3A_1495[%parallel_loop3A_1426, %parallel_loop3A_1490] : memref<512x32xf32, #tpu.memory_space<vmem>>[vector<16xi32>, vector<16xi32>], vector<16xf32>,
        %parallel_loop3A_1497 = arith.constant 5 : i32
        %parallel_loop3A_1498 = arith.shli %parallel_loop3A_1413, %parallel_loop3A_1497 : i32
        %parallel_loop3A_1499 = vector.broadcast %parallel_loop3A_1498 : i32 to vector<16xi32>
        %parallel_loop3A_1500 = arith.addi %parallel_loop3A_1499, %parallel_loop3A_1490 : vector<16xi32>
        %parallel_loop3A_1501 = arith.constant 0 : i32
        %parallel_loop3A_1502 = arith.constant 0 : i32
        %parallel_loop3A_1503 = arith.constant 0 : i32
        %parallel_loop3A_1504 = tpu.memref_slice %arg8[%parallel_loop3A_1501, %parallel_loop3A_1502, %parallel_loop3A_1503] : memref<2x128x128xf32, #tpu.memory_space<vmem>> -> memref<1x128x128xf32, #tpu.memory_space<vmem>>
        %parallel_loop3A_1505 = tpu.memref_squeeze %parallel_loop3A_1504 : memref<1x128x128xf32, #tpu.memory_space<vmem>> -> memref<128x128xf32, #tpu.memory_space<vmem>>
        tpu.vector_store_idx %parallel_loop3A_1505[%parallel_loop3A_1500, %parallel_loop3A_1430], %parallel_loop3A_1496 : memref<128x128xf32, #tpu.memory_space<vmem>>[vector<16xi32>, vector<16xi32>], vector<16xf32>,
        %parallel_loop3A_1506 = arith.constant 3 : i32
        %parallel_loop3A_1507 = vector.broadcast %parallel_loop3A_1506 : i32 to vector<16xi32>
        %parallel_loop3A_1508 = arith.addi %iota3A, %parallel_loop3A_1507 : vector<16xi32>
        %parallel_loop3A_1509 = arith.constant 15 : i32
        %parallel_loop3A_1510 = vector.broadcast %parallel_loop3A_1509 : i32 to vector<16xi32>
        %parallel_loop3A_1511 = arith.andi %parallel_loop3A_1508, %parallel_loop3A_1510 : vector<16xi32>
        %parallel_loop3A_1512 = arith.constant 4 : i32
        %parallel_loop3A_1513 = arith.shli %parallel_loop3A_1417, %parallel_loop3A_1512 : i32
        %parallel_loop3A_1514 = vector.broadcast %parallel_loop3A_1513 : i32 to vector<16xi32>
        %parallel_loop3A_1515 = arith.addi %parallel_loop3A_1514, %parallel_loop3A_1511 : vector<16xi32>
        %parallel_loop3A_1516 = arith.constant 0 : i32
        %parallel_loop3A_1517 = arith.constant 0 : i32
        %parallel_loop3A_1518 = arith.constant 0 : i32
        %parallel_loop3A_1519 = tpu.memref_slice %arg7[%parallel_loop3A_1516, %parallel_loop3A_1517, %parallel_loop3A_1518] : memref<2x512x32xf32, #tpu.memory_space<vmem>> -> memref<1x512x32xf32, #tpu.memory_space<vmem>>
        %parallel_loop3A_1520 = tpu.memref_squeeze %parallel_loop3A_1519 : memref<1x512x32xf32, #tpu.memory_space<vmem>> -> memref<512x32xf32, #tpu.memory_space<vmem>>
        %parallel_loop3A_1521 = tpu.vector_load_idx %parallel_loop3A_1520[%parallel_loop3A_1426, %parallel_loop3A_1515] : memref<512x32xf32, #tpu.memory_space<vmem>>[vector<16xi32>, vector<16xi32>], vector<16xf32>,
        %parallel_loop3A_1522 = arith.constant 5 : i32
        %parallel_loop3A_1523 = arith.shli %parallel_loop3A_1413, %parallel_loop3A_1522 : i32
        %parallel_loop3A_1524 = vector.broadcast %parallel_loop3A_1523 : i32 to vector<16xi32>
        %parallel_loop3A_1525 = arith.addi %parallel_loop3A_1524, %parallel_loop3A_1515 : vector<16xi32>
        %parallel_loop3A_1526 = arith.constant 0 : i32
        %parallel_loop3A_1527 = arith.constant 0 : i32
        %parallel_loop3A_1528 = arith.constant 0 : i32
        %parallel_loop3A_1529 = tpu.memref_slice %arg8[%parallel_loop3A_1526, %parallel_loop3A_1527, %parallel_loop3A_1528] : memref<2x128x128xf32, #tpu.memory_space<vmem>> -> memref<1x128x128xf32, #tpu.memory_space<vmem>>
        %parallel_loop3A_1530 = tpu.memref_squeeze %parallel_loop3A_1529 : memref<1x128x128xf32, #tpu.memory_space<vmem>> -> memref<128x128xf32, #tpu.memory_space<vmem>>
        tpu.vector_store_idx %parallel_loop3A_1530[%parallel_loop3A_1525, %parallel_loop3A_1430], %parallel_loop3A_1521 : memref<128x128xf32, #tpu.memory_space<vmem>>[vector<16xi32>, vector<16xi32>], vector<16xf32>,
        %parallel_loop3A_1531 = arith.constant 4 : i32
        %parallel_loop3A_1532 = vector.broadcast %parallel_loop3A_1531 : i32 to vector<16xi32>
        %parallel_loop3A_1533 = arith.addi %iota3A, %parallel_loop3A_1532 : vector<16xi32>
        %parallel_loop3A_1534 = arith.constant 15 : i32
        %parallel_loop3A_1535 = vector.broadcast %parallel_loop3A_1534 : i32 to vector<16xi32>
        %parallel_loop3A_1536 = arith.andi %parallel_loop3A_1533, %parallel_loop3A_1535 : vector<16xi32>
        %parallel_loop3A_1537 = arith.constant 4 : i32
        %parallel_loop3A_1538 = arith.shli %parallel_loop3A_1417, %parallel_loop3A_1537 : i32
        %parallel_loop3A_1539 = vector.broadcast %parallel_loop3A_1538 : i32 to vector<16xi32>
        %parallel_loop3A_1540 = arith.addi %parallel_loop3A_1539, %parallel_loop3A_1536 : vector<16xi32>
        %parallel_loop3A_1541 = arith.constant 0 : i32
        %parallel_loop3A_1542 = arith.constant 0 : i32
        %parallel_loop3A_1543 = arith.constant 0 : i32
        %parallel_loop3A_1544 = tpu.memref_slice %arg7[%parallel_loop3A_1541, %parallel_loop3A_1542, %parallel_loop3A_1543] : memref<2x512x32xf32, #tpu.memory_space<vmem>> -> memref<1x512x32xf32, #tpu.memory_space<vmem>>
        %parallel_loop3A_1545 = tpu.memref_squeeze %parallel_loop3A_1544 : memref<1x512x32xf32, #tpu.memory_space<vmem>> -> memref<512x32xf32, #tpu.memory_space<vmem>>
        %parallel_loop3A_1546 = tpu.vector_load_idx %parallel_loop3A_1545[%parallel_loop3A_1426, %parallel_loop3A_1540] : memref<512x32xf32, #tpu.memory_space<vmem>>[vector<16xi32>, vector<16xi32>], vector<16xf32>,
        %parallel_loop3A_1547 = arith.constant 5 : i32
        %parallel_loop3A_1548 = arith.shli %parallel_loop3A_1413, %parallel_loop3A_1547 : i32
        %parallel_loop3A_1549 = vector.broadcast %parallel_loop3A_1548 : i32 to vector<16xi32>
        %parallel_loop3A_1550 = arith.addi %parallel_loop3A_1549, %parallel_loop3A_1540 : vector<16xi32>
        %parallel_loop3A_1551 = arith.constant 0 : i32
        %parallel_loop3A_1552 = arith.constant 0 : i32
        %parallel_loop3A_1553 = arith.constant 0 : i32
        %parallel_loop3A_1554 = tpu.memref_slice %arg8[%parallel_loop3A_1551, %parallel_loop3A_1552, %parallel_loop3A_1553] : memref<2x128x128xf32, #tpu.memory_space<vmem>> -> memref<1x128x128xf32, #tpu.memory_space<vmem>>
        %parallel_loop3A_1555 = tpu.memref_squeeze %parallel_loop3A_1554 : memref<1x128x128xf32, #tpu.memory_space<vmem>> -> memref<128x128xf32, #tpu.memory_space<vmem>>
        tpu.vector_store_idx %parallel_loop3A_1555[%parallel_loop3A_1550, %parallel_loop3A_1430], %parallel_loop3A_1546 : memref<128x128xf32, #tpu.memory_space<vmem>>[vector<16xi32>, vector<16xi32>], vector<16xf32>,
        %parallel_loop3A_1556 = arith.constant 5 : i32
        %parallel_loop3A_1557 = vector.broadcast %parallel_loop3A_1556 : i32 to vector<16xi32>
        %parallel_loop3A_1558 = arith.addi %iota3A, %parallel_loop3A_1557 : vector<16xi32>
        %parallel_loop3A_1559 = arith.constant 15 : i32
        %parallel_loop3A_1560 = vector.broadcast %parallel_loop3A_1559 : i32 to vector<16xi32>
        %parallel_loop3A_1561 = arith.andi %parallel_loop3A_1558, %parallel_loop3A_1560 : vector<16xi32>
        %parallel_loop3A_1562 = arith.constant 4 : i32
        %parallel_loop3A_1563 = arith.shli %parallel_loop3A_1417, %parallel_loop3A_1562 : i32
        %parallel_loop3A_1564 = vector.broadcast %parallel_loop3A_1563 : i32 to vector<16xi32>
        %parallel_loop3A_1565 = arith.addi %parallel_loop3A_1564, %parallel_loop3A_1561 : vector<16xi32>
        %parallel_loop3A_1566 = arith.constant 0 : i32
        %parallel_loop3A_1567 = arith.constant 0 : i32
        %parallel_loop3A_1568 = arith.constant 0 : i32
        %parallel_loop3A_1569 = tpu.memref_slice %arg7[%parallel_loop3A_1566, %parallel_loop3A_1567, %parallel_loop3A_1568] : memref<2x512x32xf32, #tpu.memory_space<vmem>> -> memref<1x512x32xf32, #tpu.memory_space<vmem>>
        %parallel_loop3A_1570 = tpu.memref_squeeze %parallel_loop3A_1569 : memref<1x512x32xf32, #tpu.memory_space<vmem>> -> memref<512x32xf32, #tpu.memory_space<vmem>>
        %parallel_loop3A_1571 = tpu.vector_load_idx %parallel_loop3A_1570[%parallel_loop3A_1426, %parallel_loop3A_1565] : memref<512x32xf32, #tpu.memory_space<vmem>>[vector<16xi32>, vector<16xi32>], vector<16xf32>,
        %parallel_loop3A_1572 = arith.constant 5 : i32
        %parallel_loop3A_1573 = arith.shli %parallel_loop3A_1413, %parallel_loop3A_1572 : i32
        %parallel_loop3A_1574 = vector.broadcast %parallel_loop3A_1573 : i32 to vector<16xi32>
        %parallel_loop3A_1575 = arith.addi %parallel_loop3A_1574, %parallel_loop3A_1565 : vector<16xi32>
        %parallel_loop3A_1576 = arith.constant 0 : i32
        %parallel_loop3A_1577 = arith.constant 0 : i32
        %parallel_loop3A_1578 = arith.constant 0 : i32
        %parallel_loop3A_1579 = tpu.memref_slice %arg8[%parallel_loop3A_1576, %parallel_loop3A_1577, %parallel_loop3A_1578] : memref<2x128x128xf32, #tpu.memory_space<vmem>> -> memref<1x128x128xf32, #tpu.memory_space<vmem>>
        %parallel_loop3A_1580 = tpu.memref_squeeze %parallel_loop3A_1579 : memref<1x128x128xf32, #tpu.memory_space<vmem>> -> memref<128x128xf32, #tpu.memory_space<vmem>>
        tpu.vector_store_idx %parallel_loop3A_1580[%parallel_loop3A_1575, %parallel_loop3A_1430], %parallel_loop3A_1571 : memref<128x128xf32, #tpu.memory_space<vmem>>[vector<16xi32>, vector<16xi32>], vector<16xf32>,
        %parallel_loop3A_1581 = arith.constant 6 : i32
        %parallel_loop3A_1582 = vector.broadcast %parallel_loop3A_1581 : i32 to vector<16xi32>
        %parallel_loop3A_1583 = arith.addi %iota3A, %parallel_loop3A_1582 : vector<16xi32>
        %parallel_loop3A_1584 = arith.constant 15 : i32
        %parallel_loop3A_1585 = vector.broadcast %parallel_loop3A_1584 : i32 to vector<16xi32>
        %parallel_loop3A_1586 = arith.andi %parallel_loop3A_1583, %parallel_loop3A_1585 : vector<16xi32>
        %parallel_loop3A_1587 = arith.constant 4 : i32
        %parallel_loop3A_1588 = arith.shli %parallel_loop3A_1417, %parallel_loop3A_1587 : i32
        %parallel_loop3A_1589 = vector.broadcast %parallel_loop3A_1588 : i32 to vector<16xi32>
        %parallel_loop3A_1590 = arith.addi %parallel_loop3A_1589, %parallel_loop3A_1586 : vector<16xi32>
        %parallel_loop3A_1591 = arith.constant 0 : i32
        %parallel_loop3A_1592 = arith.constant 0 : i32
        %parallel_loop3A_1593 = arith.constant 0 : i32
        %parallel_loop3A_1594 = tpu.memref_slice %arg7[%parallel_loop3A_1591, %parallel_loop3A_1592, %parallel_loop3A_1593] : memref<2x512x32xf32, #tpu.memory_space<vmem>> -> memref<1x512x32xf32, #tpu.memory_space<vmem>>
        %parallel_loop3A_1595 = tpu.memref_squeeze %parallel_loop3A_1594 : memref<1x512x32xf32, #tpu.memory_space<vmem>> -> memref<512x32xf32, #tpu.memory_space<vmem>>
        %parallel_loop3A_1596 = tpu.vector_load_idx %parallel_loop3A_1595[%parallel_loop3A_1426, %parallel_loop3A_1590] : memref<512x32xf32, #tpu.memory_space<vmem>>[vector<16xi32>, vector<16xi32>], vector<16xf32>,
        %parallel_loop3A_1597 = arith.constant 5 : i32
        %parallel_loop3A_1598 = arith.shli %parallel_loop3A_1413, %parallel_loop3A_1597 : i32
        %parallel_loop3A_1599 = vector.broadcast %parallel_loop3A_1598 : i32 to vector<16xi32>
        %parallel_loop3A_1600 = arith.addi %parallel_loop3A_1599, %parallel_loop3A_1590 : vector<16xi32>
        %parallel_loop3A_1601 = arith.constant 0 : i32
        %parallel_loop3A_1602 = arith.constant 0 : i32
        %parallel_loop3A_1603 = arith.constant 0 : i32
        %parallel_loop3A_1604 = tpu.memref_slice %arg8[%parallel_loop3A_1601, %parallel_loop3A_1602, %parallel_loop3A_1603] : memref<2x128x128xf32, #tpu.memory_space<vmem>> -> memref<1x128x128xf32, #tpu.memory_space<vmem>>
        %parallel_loop3A_1605 = tpu.memref_squeeze %parallel_loop3A_1604 : memref<1x128x128xf32, #tpu.memory_space<vmem>> -> memref<128x128xf32, #tpu.memory_space<vmem>>
        tpu.vector_store_idx %parallel_loop3A_1605[%parallel_loop3A_1600, %parallel_loop3A_1430], %parallel_loop3A_1596 : memref<128x128xf32, #tpu.memory_space<vmem>>[vector<16xi32>, vector<16xi32>], vector<16xf32>,
        %parallel_loop3A_1606 = arith.constant 7 : i32
        %parallel_loop3A_1607 = vector.broadcast %parallel_loop3A_1606 : i32 to vector<16xi32>
        %parallel_loop3A_1608 = arith.addi %iota3A, %parallel_loop3A_1607 : vector<16xi32>
        %parallel_loop3A_1609 = arith.constant 15 : i32
        %parallel_loop3A_1610 = vector.broadcast %parallel_loop3A_1609 : i32 to vector<16xi32>
        %parallel_loop3A_1611 = arith.andi %parallel_loop3A_1608, %parallel_loop3A_1610 : vector<16xi32>
        %parallel_loop3A_1612 = arith.constant 4 : i32
        %parallel_loop3A_1613 = arith.shli %parallel_loop3A_1417, %parallel_loop3A_1612 : i32
        %parallel_loop3A_1614 = vector.broadcast %parallel_loop3A_1613 : i32 to vector<16xi32>
        %parallel_loop3A_1615 = arith.addi %parallel_loop3A_1614, %parallel_loop3A_1611 : vector<16xi32>
        %parallel_loop3A_1616 = arith.constant 0 : i32
        %parallel_loop3A_1617 = arith.constant 0 : i32
        %parallel_loop3A_1618 = arith.constant 0 : i32
        %parallel_loop3A_1619 = tpu.memref_slice %arg7[%parallel_loop3A_1616, %parallel_loop3A_1617, %parallel_loop3A_1618] : memref<2x512x32xf32, #tpu.memory_space<vmem>> -> memref<1x512x32xf32, #tpu.memory_space<vmem>>
        %parallel_loop3A_1620 = tpu.memref_squeeze %parallel_loop3A_1619 : memref<1x512x32xf32, #tpu.memory_space<vmem>> -> memref<512x32xf32, #tpu.memory_space<vmem>>
        %parallel_loop3A_1621 = tpu.vector_load_idx %parallel_loop3A_1620[%parallel_loop3A_1426, %parallel_loop3A_1615] : memref<512x32xf32, #tpu.memory_space<vmem>>[vector<16xi32>, vector<16xi32>], vector<16xf32>,
        %parallel_loop3A_1622 = arith.constant 5 : i32
        %parallel_loop3A_1623 = arith.shli %parallel_loop3A_1413, %parallel_loop3A_1622 : i32
        %parallel_loop3A_1624 = vector.broadcast %parallel_loop3A_1623 : i32 to vector<16xi32>
        %parallel_loop3A_1625 = arith.addi %parallel_loop3A_1624, %parallel_loop3A_1615 : vector<16xi32>
        %parallel_loop3A_1626 = arith.constant 0 : i32
        %parallel_loop3A_1627 = arith.constant 0 : i32
        %parallel_loop3A_1628 = arith.constant 0 : i32
        %parallel_loop3A_1629 = tpu.memref_slice %arg8[%parallel_loop3A_1626, %parallel_loop3A_1627, %parallel_loop3A_1628] : memref<2x128x128xf32, #tpu.memory_space<vmem>> -> memref<1x128x128xf32, #tpu.memory_space<vmem>>
        %parallel_loop3A_1630 = tpu.memref_squeeze %parallel_loop3A_1629 : memref<1x128x128xf32, #tpu.memory_space<vmem>> -> memref<128x128xf32, #tpu.memory_space<vmem>>
        tpu.vector_store_idx %parallel_loop3A_1630[%parallel_loop3A_1625, %parallel_loop3A_1430], %parallel_loop3A_1621 : memref<128x128xf32, #tpu.memory_space<vmem>>[vector<16xi32>, vector<16xi32>], vector<16xf32>,
        %parallel_loop3A_1631 = arith.constant 8 : i32
        %parallel_loop3A_1632 = vector.broadcast %parallel_loop3A_1631 : i32 to vector<16xi32>
        %parallel_loop3A_1633 = arith.addi %iota3A, %parallel_loop3A_1632 : vector<16xi32>
        %parallel_loop3A_1634 = arith.constant 15 : i32
        %parallel_loop3A_1635 = vector.broadcast %parallel_loop3A_1634 : i32 to vector<16xi32>
        %parallel_loop3A_1636 = arith.andi %parallel_loop3A_1633, %parallel_loop3A_1635 : vector<16xi32>
        %parallel_loop3A_1637 = arith.constant 4 : i32
        %parallel_loop3A_1638 = arith.shli %parallel_loop3A_1417, %parallel_loop3A_1637 : i32
        %parallel_loop3A_1639 = vector.broadcast %parallel_loop3A_1638 : i32 to vector<16xi32>
        %parallel_loop3A_1640 = arith.addi %parallel_loop3A_1639, %parallel_loop3A_1636 : vector<16xi32>
        %parallel_loop3A_1641 = arith.constant 0 : i32
        %parallel_loop3A_1642 = arith.constant 0 : i32
        %parallel_loop3A_1643 = arith.constant 0 : i32
        %parallel_loop3A_1644 = tpu.memref_slice %arg7[%parallel_loop3A_1641, %parallel_loop3A_1642, %parallel_loop3A_1643] : memref<2x512x32xf32, #tpu.memory_space<vmem>> -> memref<1x512x32xf32, #tpu.memory_space<vmem>>
        %parallel_loop3A_1645 = tpu.memref_squeeze %parallel_loop3A_1644 : memref<1x512x32xf32, #tpu.memory_space<vmem>> -> memref<512x32xf32, #tpu.memory_space<vmem>>
        %parallel_loop3A_1646 = tpu.vector_load_idx %parallel_loop3A_1645[%parallel_loop3A_1426, %parallel_loop3A_1640] : memref<512x32xf32, #tpu.memory_space<vmem>>[vector<16xi32>, vector<16xi32>], vector<16xf32>,
        %parallel_loop3A_1647 = arith.constant 5 : i32
        %parallel_loop3A_1648 = arith.shli %parallel_loop3A_1413, %parallel_loop3A_1647 : i32
        %parallel_loop3A_1649 = vector.broadcast %parallel_loop3A_1648 : i32 to vector<16xi32>
        %parallel_loop3A_1650 = arith.addi %parallel_loop3A_1649, %parallel_loop3A_1640 : vector<16xi32>
        %parallel_loop3A_1651 = arith.constant 0 : i32
        %parallel_loop3A_1652 = arith.constant 0 : i32
        %parallel_loop3A_1653 = arith.constant 0 : i32
        %parallel_loop3A_1654 = tpu.memref_slice %arg8[%parallel_loop3A_1651, %parallel_loop3A_1652, %parallel_loop3A_1653] : memref<2x128x128xf32, #tpu.memory_space<vmem>> -> memref<1x128x128xf32, #tpu.memory_space<vmem>>
        %parallel_loop3A_1655 = tpu.memref_squeeze %parallel_loop3A_1654 : memref<1x128x128xf32, #tpu.memory_space<vmem>> -> memref<128x128xf32, #tpu.memory_space<vmem>>
        tpu.vector_store_idx %parallel_loop3A_1655[%parallel_loop3A_1650, %parallel_loop3A_1430], %parallel_loop3A_1646 : memref<128x128xf32, #tpu.memory_space<vmem>>[vector<16xi32>, vector<16xi32>], vector<16xf32>,
        %parallel_loop3A_1656 = arith.constant 9 : i32
        %parallel_loop3A_1657 = vector.broadcast %parallel_loop3A_1656 : i32 to vector<16xi32>
        %parallel_loop3A_1658 = arith.addi %iota3A, %parallel_loop3A_1657 : vector<16xi32>
        %parallel_loop3A_1659 = arith.constant 15 : i32
        %parallel_loop3A_1660 = vector.broadcast %parallel_loop3A_1659 : i32 to vector<16xi32>
        %parallel_loop3A_1661 = arith.andi %parallel_loop3A_1658, %parallel_loop3A_1660 : vector<16xi32>
        %parallel_loop3A_1662 = arith.constant 4 : i32
        %parallel_loop3A_1663 = arith.shli %parallel_loop3A_1417, %parallel_loop3A_1662 : i32
        %parallel_loop3A_1664 = vector.broadcast %parallel_loop3A_1663 : i32 to vector<16xi32>
        %parallel_loop3A_1665 = arith.addi %parallel_loop3A_1664, %parallel_loop3A_1661 : vector<16xi32>
        %parallel_loop3A_1666 = arith.constant 0 : i32
        %parallel_loop3A_1667 = arith.constant 0 : i32
        %parallel_loop3A_1668 = arith.constant 0 : i32
        %parallel_loop3A_1669 = tpu.memref_slice %arg7[%parallel_loop3A_1666, %parallel_loop3A_1667, %parallel_loop3A_1668] : memref<2x512x32xf32, #tpu.memory_space<vmem>> -> memref<1x512x32xf32, #tpu.memory_space<vmem>>
        %parallel_loop3A_1670 = tpu.memref_squeeze %parallel_loop3A_1669 : memref<1x512x32xf32, #tpu.memory_space<vmem>> -> memref<512x32xf32, #tpu.memory_space<vmem>>
        %parallel_loop3A_1671 = tpu.vector_load_idx %parallel_loop3A_1670[%parallel_loop3A_1426, %parallel_loop3A_1665] : memref<512x32xf32, #tpu.memory_space<vmem>>[vector<16xi32>, vector<16xi32>], vector<16xf32>,
        %parallel_loop3A_1672 = arith.constant 5 : i32
        %parallel_loop3A_1673 = arith.shli %parallel_loop3A_1413, %parallel_loop3A_1672 : i32
        %parallel_loop3A_1674 = vector.broadcast %parallel_loop3A_1673 : i32 to vector<16xi32>
        %parallel_loop3A_1675 = arith.addi %parallel_loop3A_1674, %parallel_loop3A_1665 : vector<16xi32>
        %parallel_loop3A_1676 = arith.constant 0 : i32
        %parallel_loop3A_1677 = arith.constant 0 : i32
        %parallel_loop3A_1678 = arith.constant 0 : i32
        %parallel_loop3A_1679 = tpu.memref_slice %arg8[%parallel_loop3A_1676, %parallel_loop3A_1677, %parallel_loop3A_1678] : memref<2x128x128xf32, #tpu.memory_space<vmem>> -> memref<1x128x128xf32, #tpu.memory_space<vmem>>
        %parallel_loop3A_1680 = tpu.memref_squeeze %parallel_loop3A_1679 : memref<1x128x128xf32, #tpu.memory_space<vmem>> -> memref<128x128xf32, #tpu.memory_space<vmem>>
        tpu.vector_store_idx %parallel_loop3A_1680[%parallel_loop3A_1675, %parallel_loop3A_1430], %parallel_loop3A_1671 : memref<128x128xf32, #tpu.memory_space<vmem>>[vector<16xi32>, vector<16xi32>], vector<16xf32>,
        %parallel_loop3A_1681 = arith.constant 10 : i32
        %parallel_loop3A_1682 = vector.broadcast %parallel_loop3A_1681 : i32 to vector<16xi32>
        %parallel_loop3A_1683 = arith.addi %iota3A, %parallel_loop3A_1682 : vector<16xi32>
        %parallel_loop3A_1684 = arith.constant 15 : i32
        %parallel_loop3A_1685 = vector.broadcast %parallel_loop3A_1684 : i32 to vector<16xi32>
        %parallel_loop3A_1686 = arith.andi %parallel_loop3A_1683, %parallel_loop3A_1685 : vector<16xi32>
        %parallel_loop3A_1687 = arith.constant 4 : i32
        %parallel_loop3A_1688 = arith.shli %parallel_loop3A_1417, %parallel_loop3A_1687 : i32
        %parallel_loop3A_1689 = vector.broadcast %parallel_loop3A_1688 : i32 to vector<16xi32>
        %parallel_loop3A_1690 = arith.addi %parallel_loop3A_1689, %parallel_loop3A_1686 : vector<16xi32>
        %parallel_loop3A_1691 = arith.constant 0 : i32
        %parallel_loop3A_1692 = arith.constant 0 : i32
        %parallel_loop3A_1693 = arith.constant 0 : i32
        %parallel_loop3A_1694 = tpu.memref_slice %arg7[%parallel_loop3A_1691, %parallel_loop3A_1692, %parallel_loop3A_1693] : memref<2x512x32xf32, #tpu.memory_space<vmem>> -> memref<1x512x32xf32, #tpu.memory_space<vmem>>
        %parallel_loop3A_1695 = tpu.memref_squeeze %parallel_loop3A_1694 : memref<1x512x32xf32, #tpu.memory_space<vmem>> -> memref<512x32xf32, #tpu.memory_space<vmem>>
        %parallel_loop3A_1696 = tpu.vector_load_idx %parallel_loop3A_1695[%parallel_loop3A_1426, %parallel_loop3A_1690] : memref<512x32xf32, #tpu.memory_space<vmem>>[vector<16xi32>, vector<16xi32>], vector<16xf32>,
        %parallel_loop3A_1697 = arith.constant 5 : i32
        %parallel_loop3A_1698 = arith.shli %parallel_loop3A_1413, %parallel_loop3A_1697 : i32
        %parallel_loop3A_1699 = vector.broadcast %parallel_loop3A_1698 : i32 to vector<16xi32>
        %parallel_loop3A_1700 = arith.addi %parallel_loop3A_1699, %parallel_loop3A_1690 : vector<16xi32>
        %parallel_loop3A_1701 = arith.constant 0 : i32
        %parallel_loop3A_1702 = arith.constant 0 : i32
        %parallel_loop3A_1703 = arith.constant 0 : i32
        %parallel_loop3A_1704 = tpu.memref_slice %arg8[%parallel_loop3A_1701, %parallel_loop3A_1702, %parallel_loop3A_1703] : memref<2x128x128xf32, #tpu.memory_space<vmem>> -> memref<1x128x128xf32, #tpu.memory_space<vmem>>
        %parallel_loop3A_1705 = tpu.memref_squeeze %parallel_loop3A_1704 : memref<1x128x128xf32, #tpu.memory_space<vmem>> -> memref<128x128xf32, #tpu.memory_space<vmem>>
        tpu.vector_store_idx %parallel_loop3A_1705[%parallel_loop3A_1700, %parallel_loop3A_1430], %parallel_loop3A_1696 : memref<128x128xf32, #tpu.memory_space<vmem>>[vector<16xi32>, vector<16xi32>], vector<16xf32>,
        %parallel_loop3A_1706 = arith.constant 11 : i32
        %parallel_loop3A_1707 = vector.broadcast %parallel_loop3A_1706 : i32 to vector<16xi32>
        %parallel_loop3A_1708 = arith.addi %iota3A, %parallel_loop3A_1707 : vector<16xi32>
        %parallel_loop3A_1709 = arith.constant 15 : i32
        %parallel_loop3A_1710 = vector.broadcast %parallel_loop3A_1709 : i32 to vector<16xi32>
        %parallel_loop3A_1711 = arith.andi %parallel_loop3A_1708, %parallel_loop3A_1710 : vector<16xi32>
        %parallel_loop3A_1712 = arith.constant 4 : i32
        %parallel_loop3A_1713 = arith.shli %parallel_loop3A_1417, %parallel_loop3A_1712 : i32
        %parallel_loop3A_1714 = vector.broadcast %parallel_loop3A_1713 : i32 to vector<16xi32>
        %parallel_loop3A_1715 = arith.addi %parallel_loop3A_1714, %parallel_loop3A_1711 : vector<16xi32>
        %parallel_loop3A_1716 = arith.constant 0 : i32
        %parallel_loop3A_1717 = arith.constant 0 : i32
        %parallel_loop3A_1718 = arith.constant 0 : i32
        %parallel_loop3A_1719 = tpu.memref_slice %arg7[%parallel_loop3A_1716, %parallel_loop3A_1717, %parallel_loop3A_1718] : memref<2x512x32xf32, #tpu.memory_space<vmem>> -> memref<1x512x32xf32, #tpu.memory_space<vmem>>
        %parallel_loop3A_1720 = tpu.memref_squeeze %parallel_loop3A_1719 : memref<1x512x32xf32, #tpu.memory_space<vmem>> -> memref<512x32xf32, #tpu.memory_space<vmem>>
        %parallel_loop3A_1721 = tpu.vector_load_idx %parallel_loop3A_1720[%parallel_loop3A_1426, %parallel_loop3A_1715] : memref<512x32xf32, #tpu.memory_space<vmem>>[vector<16xi32>, vector<16xi32>], vector<16xf32>,
        %parallel_loop3A_1722 = arith.constant 5 : i32
        %parallel_loop3A_1723 = arith.shli %parallel_loop3A_1413, %parallel_loop3A_1722 : i32
        %parallel_loop3A_1724 = vector.broadcast %parallel_loop3A_1723 : i32 to vector<16xi32>
        %parallel_loop3A_1725 = arith.addi %parallel_loop3A_1724, %parallel_loop3A_1715 : vector<16xi32>
        %parallel_loop3A_1726 = arith.constant 0 : i32
        %parallel_loop3A_1727 = arith.constant 0 : i32
        %parallel_loop3A_1728 = arith.constant 0 : i32
        %parallel_loop3A_1729 = tpu.memref_slice %arg8[%parallel_loop3A_1726, %parallel_loop3A_1727, %parallel_loop3A_1728] : memref<2x128x128xf32, #tpu.memory_space<vmem>> -> memref<1x128x128xf32, #tpu.memory_space<vmem>>
        %parallel_loop3A_1730 = tpu.memref_squeeze %parallel_loop3A_1729 : memref<1x128x128xf32, #tpu.memory_space<vmem>> -> memref<128x128xf32, #tpu.memory_space<vmem>>
        tpu.vector_store_idx %parallel_loop3A_1730[%parallel_loop3A_1725, %parallel_loop3A_1430], %parallel_loop3A_1721 : memref<128x128xf32, #tpu.memory_space<vmem>>[vector<16xi32>, vector<16xi32>], vector<16xf32>,
        %parallel_loop3A_1731 = arith.constant 12 : i32
        %parallel_loop3A_1732 = vector.broadcast %parallel_loop3A_1731 : i32 to vector<16xi32>
        %parallel_loop3A_1733 = arith.addi %iota3A, %parallel_loop3A_1732 : vector<16xi32>
        %parallel_loop3A_1734 = arith.constant 15 : i32
        %parallel_loop3A_1735 = vector.broadcast %parallel_loop3A_1734 : i32 to vector<16xi32>
        %parallel_loop3A_1736 = arith.andi %parallel_loop3A_1733, %parallel_loop3A_1735 : vector<16xi32>
        %parallel_loop3A_1737 = arith.constant 4 : i32
        %parallel_loop3A_1738 = arith.shli %parallel_loop3A_1417, %parallel_loop3A_1737 : i32
        %parallel_loop3A_1739 = vector.broadcast %parallel_loop3A_1738 : i32 to vector<16xi32>
        %parallel_loop3A_1740 = arith.addi %parallel_loop3A_1739, %parallel_loop3A_1736 : vector<16xi32>
        %parallel_loop3A_1741 = arith.constant 0 : i32
        %parallel_loop3A_1742 = arith.constant 0 : i32
        %parallel_loop3A_1743 = arith.constant 0 : i32
        %parallel_loop3A_1744 = tpu.memref_slice %arg7[%parallel_loop3A_1741, %parallel_loop3A_1742, %parallel_loop3A_1743] : memref<2x512x32xf32, #tpu.memory_space<vmem>> -> memref<1x512x32xf32, #tpu.memory_space<vmem>>
        %parallel_loop3A_1745 = tpu.memref_squeeze %parallel_loop3A_1744 : memref<1x512x32xf32, #tpu.memory_space<vmem>> -> memref<512x32xf32, #tpu.memory_space<vmem>>
        %parallel_loop3A_1746 = tpu.vector_load_idx %parallel_loop3A_1745[%parallel_loop3A_1426, %parallel_loop3A_1740] : memref<512x32xf32, #tpu.memory_space<vmem>>[vector<16xi32>, vector<16xi32>], vector<16xf32>,
        %parallel_loop3A_1747 = arith.constant 5 : i32
        %parallel_loop3A_1748 = arith.shli %parallel_loop3A_1413, %parallel_loop3A_1747 : i32
        %parallel_loop3A_1749 = vector.broadcast %parallel_loop3A_1748 : i32 to vector<16xi32>
        %parallel_loop3A_1750 = arith.addi %parallel_loop3A_1749, %parallel_loop3A_1740 : vector<16xi32>
        %parallel_loop3A_1751 = arith.constant 0 : i32
        %parallel_loop3A_1752 = arith.constant 0 : i32
        %parallel_loop3A_1753 = arith.constant 0 : i32
        %parallel_loop3A_1754 = tpu.memref_slice %arg8[%parallel_loop3A_1751, %parallel_loop3A_1752, %parallel_loop3A_1753] : memref<2x128x128xf32, #tpu.memory_space<vmem>> -> memref<1x128x128xf32, #tpu.memory_space<vmem>>
        %parallel_loop3A_1755 = tpu.memref_squeeze %parallel_loop3A_1754 : memref<1x128x128xf32, #tpu.memory_space<vmem>> -> memref<128x128xf32, #tpu.memory_space<vmem>>
        tpu.vector_store_idx %parallel_loop3A_1755[%parallel_loop3A_1750, %parallel_loop3A_1430], %parallel_loop3A_1746 : memref<128x128xf32, #tpu.memory_space<vmem>>[vector<16xi32>, vector<16xi32>], vector<16xf32>,
        %parallel_loop3A_1756 = arith.constant 13 : i32
        %parallel_loop3A_1757 = vector.broadcast %parallel_loop3A_1756 : i32 to vector<16xi32>
        %parallel_loop3A_1758 = arith.addi %iota3A, %parallel_loop3A_1757 : vector<16xi32>
        %parallel_loop3A_1759 = arith.constant 15 : i32
        %parallel_loop3A_1760 = vector.broadcast %parallel_loop3A_1759 : i32 to vector<16xi32>
        %parallel_loop3A_1761 = arith.andi %parallel_loop3A_1758, %parallel_loop3A_1760 : vector<16xi32>
        %parallel_loop3A_1762 = arith.constant 4 : i32
        %parallel_loop3A_1763 = arith.shli %parallel_loop3A_1417, %parallel_loop3A_1762 : i32
        %parallel_loop3A_1764 = vector.broadcast %parallel_loop3A_1763 : i32 to vector<16xi32>
        %parallel_loop3A_1765 = arith.addi %parallel_loop3A_1764, %parallel_loop3A_1761 : vector<16xi32>
        %parallel_loop3A_1766 = arith.constant 0 : i32
        %parallel_loop3A_1767 = arith.constant 0 : i32
        %parallel_loop3A_1768 = arith.constant 0 : i32
        %parallel_loop3A_1769 = tpu.memref_slice %arg7[%parallel_loop3A_1766, %parallel_loop3A_1767, %parallel_loop3A_1768] : memref<2x512x32xf32, #tpu.memory_space<vmem>> -> memref<1x512x32xf32, #tpu.memory_space<vmem>>
        %parallel_loop3A_1770 = tpu.memref_squeeze %parallel_loop3A_1769 : memref<1x512x32xf32, #tpu.memory_space<vmem>> -> memref<512x32xf32, #tpu.memory_space<vmem>>
        %parallel_loop3A_1771 = tpu.vector_load_idx %parallel_loop3A_1770[%parallel_loop3A_1426, %parallel_loop3A_1765] : memref<512x32xf32, #tpu.memory_space<vmem>>[vector<16xi32>, vector<16xi32>], vector<16xf32>,
        %parallel_loop3A_1772 = arith.constant 5 : i32
        %parallel_loop3A_1773 = arith.shli %parallel_loop3A_1413, %parallel_loop3A_1772 : i32
        %parallel_loop3A_1774 = vector.broadcast %parallel_loop3A_1773 : i32 to vector<16xi32>
        %parallel_loop3A_1775 = arith.addi %parallel_loop3A_1774, %parallel_loop3A_1765 : vector<16xi32>
        %parallel_loop3A_1776 = arith.constant 0 : i32
        %parallel_loop3A_1777 = arith.constant 0 : i32
        %parallel_loop3A_1778 = arith.constant 0 : i32
        %parallel_loop3A_1779 = tpu.memref_slice %arg8[%parallel_loop3A_1776, %parallel_loop3A_1777, %parallel_loop3A_1778] : memref<2x128x128xf32, #tpu.memory_space<vmem>> -> memref<1x128x128xf32, #tpu.memory_space<vmem>>
        %parallel_loop3A_1780 = tpu.memref_squeeze %parallel_loop3A_1779 : memref<1x128x128xf32, #tpu.memory_space<vmem>> -> memref<128x128xf32, #tpu.memory_space<vmem>>
        tpu.vector_store_idx %parallel_loop3A_1780[%parallel_loop3A_1775, %parallel_loop3A_1430], %parallel_loop3A_1771 : memref<128x128xf32, #tpu.memory_space<vmem>>[vector<16xi32>, vector<16xi32>], vector<16xf32>,
        %parallel_loop3A_1781 = arith.constant 14 : i32
        %parallel_loop3A_1782 = vector.broadcast %parallel_loop3A_1781 : i32 to vector<16xi32>
        %parallel_loop3A_1783 = arith.addi %iota3A, %parallel_loop3A_1782 : vector<16xi32>
        %parallel_loop3A_1784 = arith.constant 15 : i32
        %parallel_loop3A_1785 = vector.broadcast %parallel_loop3A_1784 : i32 to vector<16xi32>
        %parallel_loop3A_1786 = arith.andi %parallel_loop3A_1783, %parallel_loop3A_1785 : vector<16xi32>
        %parallel_loop3A_1787 = arith.constant 4 : i32
        %parallel_loop3A_1788 = arith.shli %parallel_loop3A_1417, %parallel_loop3A_1787 : i32
        %parallel_loop3A_1789 = vector.broadcast %parallel_loop3A_1788 : i32 to vector<16xi32>
        %parallel_loop3A_1790 = arith.addi %parallel_loop3A_1789, %parallel_loop3A_1786 : vector<16xi32>
        %parallel_loop3A_1791 = arith.constant 0 : i32
        %parallel_loop3A_1792 = arith.constant 0 : i32
        %parallel_loop3A_1793 = arith.constant 0 : i32
        %parallel_loop3A_1794 = tpu.memref_slice %arg7[%parallel_loop3A_1791, %parallel_loop3A_1792, %parallel_loop3A_1793] : memref<2x512x32xf32, #tpu.memory_space<vmem>> -> memref<1x512x32xf32, #tpu.memory_space<vmem>>
        %parallel_loop3A_1795 = tpu.memref_squeeze %parallel_loop3A_1794 : memref<1x512x32xf32, #tpu.memory_space<vmem>> -> memref<512x32xf32, #tpu.memory_space<vmem>>
        %parallel_loop3A_1796 = tpu.vector_load_idx %parallel_loop3A_1795[%parallel_loop3A_1426, %parallel_loop3A_1790] : memref<512x32xf32, #tpu.memory_space<vmem>>[vector<16xi32>, vector<16xi32>], vector<16xf32>,
        %parallel_loop3A_1797 = arith.constant 5 : i32
        %parallel_loop3A_1798 = arith.shli %parallel_loop3A_1413, %parallel_loop3A_1797 : i32
        %parallel_loop3A_1799 = vector.broadcast %parallel_loop3A_1798 : i32 to vector<16xi32>
        %parallel_loop3A_1800 = arith.addi %parallel_loop3A_1799, %parallel_loop3A_1790 : vector<16xi32>
        %parallel_loop3A_1801 = arith.constant 0 : i32
        %parallel_loop3A_1802 = arith.constant 0 : i32
        %parallel_loop3A_1803 = arith.constant 0 : i32
        %parallel_loop3A_1804 = tpu.memref_slice %arg8[%parallel_loop3A_1801, %parallel_loop3A_1802, %parallel_loop3A_1803] : memref<2x128x128xf32, #tpu.memory_space<vmem>> -> memref<1x128x128xf32, #tpu.memory_space<vmem>>
        %parallel_loop3A_1805 = tpu.memref_squeeze %parallel_loop3A_1804 : memref<1x128x128xf32, #tpu.memory_space<vmem>> -> memref<128x128xf32, #tpu.memory_space<vmem>>
        tpu.vector_store_idx %parallel_loop3A_1805[%parallel_loop3A_1800, %parallel_loop3A_1430], %parallel_loop3A_1796 : memref<128x128xf32, #tpu.memory_space<vmem>>[vector<16xi32>, vector<16xi32>], vector<16xf32>,
        %parallel_loop3A_1806 = arith.constant 15 : i32
        %parallel_loop3A_1807 = vector.broadcast %parallel_loop3A_1806 : i32 to vector<16xi32>
        %parallel_loop3A_1808 = arith.addi %iota3A, %parallel_loop3A_1807 : vector<16xi32>
        %parallel_loop3A_1809 = arith.constant 15 : i32
        %parallel_loop3A_1810 = vector.broadcast %parallel_loop3A_1809 : i32 to vector<16xi32>
        %parallel_loop3A_1811 = arith.andi %parallel_loop3A_1808, %parallel_loop3A_1810 : vector<16xi32>
        %parallel_loop3A_1812 = arith.constant 4 : i32
        %parallel_loop3A_1813 = arith.shli %parallel_loop3A_1417, %parallel_loop3A_1812 : i32
        %parallel_loop3A_1814 = vector.broadcast %parallel_loop3A_1813 : i32 to vector<16xi32>
        %parallel_loop3A_1815 = arith.addi %parallel_loop3A_1814, %parallel_loop3A_1811 : vector<16xi32>
        %parallel_loop3A_1816 = arith.constant 0 : i32
        %parallel_loop3A_1817 = arith.constant 0 : i32
        %parallel_loop3A_1818 = arith.constant 0 : i32
        %parallel_loop3A_1819 = tpu.memref_slice %arg7[%parallel_loop3A_1816, %parallel_loop3A_1817, %parallel_loop3A_1818] : memref<2x512x32xf32, #tpu.memory_space<vmem>> -> memref<1x512x32xf32, #tpu.memory_space<vmem>>
        %parallel_loop3A_1820 = tpu.memref_squeeze %parallel_loop3A_1819 : memref<1x512x32xf32, #tpu.memory_space<vmem>> -> memref<512x32xf32, #tpu.memory_space<vmem>>
        %parallel_loop3A_1821 = tpu.vector_load_idx %parallel_loop3A_1820[%parallel_loop3A_1426, %parallel_loop3A_1815] : memref<512x32xf32, #tpu.memory_space<vmem>>[vector<16xi32>, vector<16xi32>], vector<16xf32>,
        %parallel_loop3A_1822 = arith.constant 5 : i32
        %parallel_loop3A_1823 = arith.shli %parallel_loop3A_1413, %parallel_loop3A_1822 : i32
        %parallel_loop3A_1824 = vector.broadcast %parallel_loop3A_1823 : i32 to vector<16xi32>
        %parallel_loop3A_1825 = arith.addi %parallel_loop3A_1824, %parallel_loop3A_1815 : vector<16xi32>
        %parallel_loop3A_1826 = arith.constant 0 : i32
        %parallel_loop3A_1827 = arith.constant 0 : i32
        %parallel_loop3A_1828 = arith.constant 0 : i32
        %parallel_loop3A_1829 = tpu.memref_slice %arg8[%parallel_loop3A_1826, %parallel_loop3A_1827, %parallel_loop3A_1828] : memref<2x128x128xf32, #tpu.memory_space<vmem>> -> memref<1x128x128xf32, #tpu.memory_space<vmem>>
        %parallel_loop3A_1830 = tpu.memref_squeeze %parallel_loop3A_1829 : memref<1x128x128xf32, #tpu.memory_space<vmem>> -> memref<128x128xf32, #tpu.memory_space<vmem>>
        tpu.vector_store_idx %parallel_loop3A_1830[%parallel_loop3A_1825, %parallel_loop3A_1430], %parallel_loop3A_1821 : memref<128x128xf32, #tpu.memory_space<vmem>>[vector<16xi32>, vector<16xi32>], vector<16xf32>,
      } {sc.loop_unroll_factor = 2 : i64, sc.parallel_access}
      %mul3A_669 = arith.constant 4 : i32
      %mul3A_670 = arith.muli %mul3A_638, %mul3A_669 : i32
      %add3A_671 = arith.constant 0 : i32
      %add3A_672 = arith.addi %mul3A_670, %add3A_671 : i32
      %mul3A_673 = arith.constant 4 : i32
      %mul3A_674 = arith.muli %mul3A_638, %mul3A_673 : i32
      %add3A_675 = arith.constant 0 : i32
      %add3A_676 = arith.addi %mul3A_674, %add3A_675 : i32
      %mul3A_677 = arith.constant 4 : i32
      %mul3A_678 = arith.muli %mul3A_638, %mul3A_677 : i32
      %add3A_679 = arith.constant 0 : i32
      %add3A_680 = arith.addi %mul3A_678, %add3A_679 : i32
      %mul3A_681 = arith.constant 4 : i32
      %mul3A_682 = arith.muli %mul3A_638, %mul3A_681 : i32
      %add3A_683 = arith.constant 0 : i32
      %add3A_684 = arith.addi %mul3A_682, %add3A_683 : i32
      %mul3A_685 = arith.constant 4 : i32
      %mul3A_686 = arith.muli %mul3A_638, %mul3A_685 : i32
      %add3A_687 = arith.constant 1 : i32
      %add3A_688 = arith.addi %mul3A_686, %add3A_687 : i32
      %mul3A_689 = arith.constant 4 : i32
      %mul3A_690 = arith.muli %mul3A_638, %mul3A_689 : i32
      %add3A_691 = arith.constant 1 : i32
      %add3A_692 = arith.addi %mul3A_690, %add3A_691 : i32
      %mul3A_693 = arith.constant 4 : i32
      %mul3A_694 = arith.muli %mul3A_638, %mul3A_693 : i32
      %add3A_695 = arith.constant 1 : i32
      %add3A_696 = arith.addi %mul3A_694, %add3A_695 : i32
      %mul3A_697 = arith.constant 4 : i32
      %mul3A_698 = arith.muli %mul3A_638, %mul3A_697 : i32
      %add3A_699 = arith.constant 1 : i32
      %add3A_700 = arith.addi %mul3A_698, %add3A_699 : i32
      %mul3A_701 = arith.constant 4 : i32
      %mul3A_702 = arith.muli %mul3A_638, %mul3A_701 : i32
      %add3A_703 = arith.constant 2 : i32
      %add3A_704 = arith.addi %mul3A_702, %add3A_703 : i32
      %mul3A_705 = arith.constant 4 : i32
      %mul3A_706 = arith.muli %mul3A_638, %mul3A_705 : i32
      %add3A_707 = arith.constant 2 : i32
      %add3A_708 = arith.addi %mul3A_706, %add3A_707 : i32
      %mul3A_709 = arith.constant 4 : i32
      %mul3A_710 = arith.muli %mul3A_638, %mul3A_709 : i32
      %add3A_711 = arith.constant 2 : i32
      %add3A_712 = arith.addi %mul3A_710, %add3A_711 : i32
      %mul3A_713 = arith.constant 4 : i32
      %mul3A_714 = arith.muli %mul3A_638, %mul3A_713 : i32
      %add3A_715 = arith.constant 2 : i32
      %add3A_716 = arith.addi %mul3A_714, %add3A_715 : i32
      %mul3A_717 = arith.constant 4 : i32
      %mul3A_718 = arith.muli %mul3A_638, %mul3A_717 : i32
      %add3A_719 = arith.constant 3 : i32
      %add3A_720 = arith.addi %mul3A_718, %add3A_719 : i32
      %mul3A_721 = arith.constant 4 : i32
      %mul3A_722 = arith.muli %mul3A_638, %mul3A_721 : i32
      %add3A_723 = arith.constant 3 : i32
      %add3A_724 = arith.addi %mul3A_722, %add3A_723 : i32
      %mul3A_725 = arith.constant 4 : i32
      %mul3A_726 = arith.muli %mul3A_638, %mul3A_725 : i32
      %add3A_727 = arith.constant 3 : i32
      %add3A_728 = arith.addi %mul3A_726, %add3A_727 : i32
      %mul3A_729 = arith.constant 4 : i32
      %mul3A_730 = arith.muli %mul3A_638, %mul3A_729 : i32
      %add3A_731 = arith.constant 3 : i32
      %add3A_732 = arith.addi %mul3A_730, %add3A_731 : i32
      %dma_start3A_733 = arith.constant 0 : i32
      %dma_start3A_734 = arith.constant 0 : i32
      %dma_start3A_735 = arith.constant 0 : i32
      %dma_start3A_736 = arith.constant 0 : i32
      %dma_start3A_737 = tpu.memref_slice %arg8[%dma_start3A_733, %dma_start3A_735, %dma_start3A_736] : memref<2x128x128xf32, #tpu.memory_space<vmem>> -> memref<1x8x128xf32, #tpu.memory_space<vmem>>
      %dma_start3A_738 = tpu.memref_squeeze %dma_start3A_737 : memref<1x8x128xf32, #tpu.memory_space<vmem>> -> memref<8x128xf32, #tpu.memory_space<vmem>>
      %dma_start3A_739 = arith.constant 0 : i32
      %dma_start3A_740 = arith.constant 0 : i32
      %dma_start3A_741 = tpu.memref_slice %arg4[%add3A_672, %dma_start3A_734, %add3A, %dma_start3A_739, %dma_start3A_740] : memref<200x4x32x8x128xf32, #tpu.memory_space<hbm>> -> memref<1x1x1x8x128xf32, #tpu.memory_space<hbm>>
      %dma_start3A_742 = tpu.memref_squeeze %dma_start3A_741 : memref<1x1x1x8x128xf32, #tpu.memory_space<hbm>> -> memref<8x128xf32, #tpu.memory_space<hbm>>
      %dma_start3A_743 = arith.constant 0 : i32
      %dma_start3A_744 = arith.constant 0 : i32
      %dma_start3A_745 = tpu.memref_slice %arg4[%add3A_672, %dma_start3A_734, %add3A, %dma_start3A_743, %dma_start3A_744] : memref<200x4x32x8x128xf32, #tpu.memory_space<hbm>> -> memref<1x1x1x8x128xf32, #tpu.memory_space<hbm>>
      %dma_start3A_746 = tpu.memref_squeeze %dma_start3A_745 : memref<1x1x1x8x128xf32, #tpu.memory_space<hbm>> -> memref<8x128xf32, #tpu.memory_space<hbm>>
      %dma_start3A_747 = arith.constant 0 : i32
      %dma_start3A_748 = arith.constant 0 : i32
      %dma_start3A_749 = tpu.memref_slice %arg8[%dma_start3A_733, %dma_start3A_747, %dma_start3A_748] : memref<2x128x128xf32, #tpu.memory_space<vmem>> -> memref<1x8x128xf32, #tpu.memory_space<vmem>>
      %dma_start3A_750 = tpu.memref_squeeze %dma_start3A_749 : memref<1x8x128xf32, #tpu.memory_space<vmem>> -> memref<8x128xf32, #tpu.memory_space<vmem>>
      tpu.enqueue_dma source(%dma_start3A_750 : memref<8x128xf32, #tpu.memory_space<vmem>>) target(%dma_start3A_746 : memref<8x128xf32, #tpu.memory_space<hbm>>) target_semaphore(%arg12 : memref<!tpu.dma_semaphore, #tpu.memory_space<semaphore_mem>>)
      %dma_start3A_751 = arith.constant 0 : i32
      %dma_start3A_752 = arith.constant 1 : i32
      %dma_start3A_753 = arith.constant 8 : i32
      %dma_start3A_754 = arith.constant 0 : i32
      %dma_start3A_755 = tpu.memref_slice %arg8[%dma_start3A_751, %dma_start3A_753, %dma_start3A_754] : memref<2x128x128xf32, #tpu.memory_space<vmem>> -> memref<1x8x128xf32, #tpu.memory_space<vmem>>
      %dma_start3A_756 = tpu.memref_squeeze %dma_start3A_755 : memref<1x8x128xf32, #tpu.memory_space<vmem>> -> memref<8x128xf32, #tpu.memory_space<vmem>>
      %dma_start3A_757 = arith.constant 0 : i32
      %dma_start3A_758 = arith.constant 0 : i32
      %dma_start3A_759 = tpu.memref_slice %arg4[%add3A_676, %dma_start3A_752, %add3A, %dma_start3A_757, %dma_start3A_758] : memref<200x4x32x8x128xf32, #tpu.memory_space<hbm>> -> memref<1x1x1x8x128xf32, #tpu.memory_space<hbm>>
      %dma_start3A_760 = tpu.memref_squeeze %dma_start3A_759 : memref<1x1x1x8x128xf32, #tpu.memory_space<hbm>> -> memref<8x128xf32, #tpu.memory_space<hbm>>
      %dma_start3A_761 = arith.constant 0 : i32
      %dma_start3A_762 = arith.constant 0 : i32
      %dma_start3A_763 = tpu.memref_slice %arg4[%add3A_676, %dma_start3A_752, %add3A, %dma_start3A_761, %dma_start3A_762] : memref<200x4x32x8x128xf32, #tpu.memory_space<hbm>> -> memref<1x1x1x8x128xf32, #tpu.memory_space<hbm>>
      %dma_start3A_764 = tpu.memref_squeeze %dma_start3A_763 : memref<1x1x1x8x128xf32, #tpu.memory_space<hbm>> -> memref<8x128xf32, #tpu.memory_space<hbm>>
      %dma_start3A_765 = arith.constant 8 : i32
      %dma_start3A_766 = arith.constant 0 : i32
      %dma_start3A_767 = tpu.memref_slice %arg8[%dma_start3A_751, %dma_start3A_765, %dma_start3A_766] : memref<2x128x128xf32, #tpu.memory_space<vmem>> -> memref<1x8x128xf32, #tpu.memory_space<vmem>>
      %dma_start3A_768 = tpu.memref_squeeze %dma_start3A_767 : memref<1x8x128xf32, #tpu.memory_space<vmem>> -> memref<8x128xf32, #tpu.memory_space<vmem>>
      tpu.enqueue_dma source(%dma_start3A_768 : memref<8x128xf32, #tpu.memory_space<vmem>>) target(%dma_start3A_764 : memref<8x128xf32, #tpu.memory_space<hbm>>) target_semaphore(%arg12 : memref<!tpu.dma_semaphore, #tpu.memory_space<semaphore_mem>>)
      %dma_start3A_769 = arith.constant 0 : i32
      %dma_start3A_770 = arith.constant 2 : i32
      %dma_start3A_771 = arith.constant 16 : i32
      %dma_start3A_772 = arith.constant 0 : i32
      %dma_start3A_773 = tpu.memref_slice %arg8[%dma_start3A_769, %dma_start3A_771, %dma_start3A_772] : memref<2x128x128xf32, #tpu.memory_space<vmem>> -> memref<1x8x128xf32, #tpu.memory_space<vmem>>
      %dma_start3A_774 = tpu.memref_squeeze %dma_start3A_773 : memref<1x8x128xf32, #tpu.memory_space<vmem>> -> memref<8x128xf32, #tpu.memory_space<vmem>>
      %dma_start3A_775 = arith.constant 0 : i32
      %dma_start3A_776 = arith.constant 0 : i32
      %dma_start3A_777 = tpu.memref_slice %arg4[%add3A_680, %dma_start3A_770, %add3A, %dma_start3A_775, %dma_start3A_776] : memref<200x4x32x8x128xf32, #tpu.memory_space<hbm>> -> memref<1x1x1x8x128xf32, #tpu.memory_space<hbm>>
      %dma_start3A_778 = tpu.memref_squeeze %dma_start3A_777 : memref<1x1x1x8x128xf32, #tpu.memory_space<hbm>> -> memref<8x128xf32, #tpu.memory_space<hbm>>
      %dma_start3A_779 = arith.constant 0 : i32
      %dma_start3A_780 = arith.constant 0 : i32
      %dma_start3A_781 = tpu.memref_slice %arg4[%add3A_680, %dma_start3A_770, %add3A, %dma_start3A_779, %dma_start3A_780] : memref<200x4x32x8x128xf32, #tpu.memory_space<hbm>> -> memref<1x1x1x8x128xf32, #tpu.memory_space<hbm>>
      %dma_start3A_782 = tpu.memref_squeeze %dma_start3A_781 : memref<1x1x1x8x128xf32, #tpu.memory_space<hbm>> -> memref<8x128xf32, #tpu.memory_space<hbm>>
      %dma_start3A_783 = arith.constant 16 : i32
      %dma_start3A_784 = arith.constant 0 : i32
      %dma_start3A_785 = tpu.memref_slice %arg8[%dma_start3A_769, %dma_start3A_783, %dma_start3A_784] : memref<2x128x128xf32, #tpu.memory_space<vmem>> -> memref<1x8x128xf32, #tpu.memory_space<vmem>>
      %dma_start3A_786 = tpu.memref_squeeze %dma_start3A_785 : memref<1x8x128xf32, #tpu.memory_space<vmem>> -> memref<8x128xf32, #tpu.memory_space<vmem>>
      tpu.enqueue_dma source(%dma_start3A_786 : memref<8x128xf32, #tpu.memory_space<vmem>>) target(%dma_start3A_782 : memref<8x128xf32, #tpu.memory_space<hbm>>) target_semaphore(%arg12 : memref<!tpu.dma_semaphore, #tpu.memory_space<semaphore_mem>>)
      %dma_start3A_787 = arith.constant 0 : i32
      %dma_start3A_788 = arith.constant 3 : i32
      %dma_start3A_789 = arith.constant 24 : i32
      %dma_start3A_790 = arith.constant 0 : i32
      %dma_start3A_791 = tpu.memref_slice %arg8[%dma_start3A_787, %dma_start3A_789, %dma_start3A_790] : memref<2x128x128xf32, #tpu.memory_space<vmem>> -> memref<1x8x128xf32, #tpu.memory_space<vmem>>
      %dma_start3A_792 = tpu.memref_squeeze %dma_start3A_791 : memref<1x8x128xf32, #tpu.memory_space<vmem>> -> memref<8x128xf32, #tpu.memory_space<vmem>>
      %dma_start3A_793 = arith.constant 0 : i32
      %dma_start3A_794 = arith.constant 0 : i32
      %dma_start3A_795 = tpu.memref_slice %arg4[%add3A_684, %dma_start3A_788, %add3A, %dma_start3A_793, %dma_start3A_794] : memref<200x4x32x8x128xf32, #tpu.memory_space<hbm>> -> memref<1x1x1x8x128xf32, #tpu.memory_space<hbm>>
      %dma_start3A_796 = tpu.memref_squeeze %dma_start3A_795 : memref<1x1x1x8x128xf32, #tpu.memory_space<hbm>> -> memref<8x128xf32, #tpu.memory_space<hbm>>
      %dma_start3A_797 = arith.constant 0 : i32
      %dma_start3A_798 = arith.constant 0 : i32
      %dma_start3A_799 = tpu.memref_slice %arg4[%add3A_684, %dma_start3A_788, %add3A, %dma_start3A_797, %dma_start3A_798] : memref<200x4x32x8x128xf32, #tpu.memory_space<hbm>> -> memref<1x1x1x8x128xf32, #tpu.memory_space<hbm>>
      %dma_start3A_800 = tpu.memref_squeeze %dma_start3A_799 : memref<1x1x1x8x128xf32, #tpu.memory_space<hbm>> -> memref<8x128xf32, #tpu.memory_space<hbm>>
      %dma_start3A_801 = arith.constant 24 : i32
      %dma_start3A_802 = arith.constant 0 : i32
      %dma_start3A_803 = tpu.memref_slice %arg8[%dma_start3A_787, %dma_start3A_801, %dma_start3A_802] : memref<2x128x128xf32, #tpu.memory_space<vmem>> -> memref<1x8x128xf32, #tpu.memory_space<vmem>>
      %dma_start3A_804 = tpu.memref_squeeze %dma_start3A_803 : memref<1x8x128xf32, #tpu.memory_space<vmem>> -> memref<8x128xf32, #tpu.memory_space<vmem>>
      tpu.enqueue_dma source(%dma_start3A_804 : memref<8x128xf32, #tpu.memory_space<vmem>>) target(%dma_start3A_800 : memref<8x128xf32, #tpu.memory_space<hbm>>) target_semaphore(%arg12 : memref<!tpu.dma_semaphore, #tpu.memory_space<semaphore_mem>>)
      %dma_start3A_805 = arith.constant 0 : i32
      %dma_start3A_806 = arith.constant 0 : i32
      %dma_start3A_807 = arith.constant 32 : i32
      %dma_start3A_808 = arith.constant 0 : i32
      %dma_start3A_809 = tpu.memref_slice %arg8[%dma_start3A_805, %dma_start3A_807, %dma_start3A_808] : memref<2x128x128xf32, #tpu.memory_space<vmem>> -> memref<1x8x128xf32, #tpu.memory_space<vmem>>
      %dma_start3A_810 = tpu.memref_squeeze %dma_start3A_809 : memref<1x8x128xf32, #tpu.memory_space<vmem>> -> memref<8x128xf32, #tpu.memory_space<vmem>>
      %dma_start3A_811 = arith.constant 0 : i32
      %dma_start3A_812 = arith.constant 0 : i32
      %dma_start3A_813 = tpu.memref_slice %arg4[%add3A_688, %dma_start3A_806, %add3A, %dma_start3A_811, %dma_start3A_812] : memref<200x4x32x8x128xf32, #tpu.memory_space<hbm>> -> memref<1x1x1x8x128xf32, #tpu.memory_space<hbm>>
      %dma_start3A_814 = tpu.memref_squeeze %dma_start3A_813 : memref<1x1x1x8x128xf32, #tpu.memory_space<hbm>> -> memref<8x128xf32, #tpu.memory_space<hbm>>
      %dma_start3A_815 = arith.constant 0 : i32
      %dma_start3A_816 = arith.constant 0 : i32
      %dma_start3A_817 = tpu.memref_slice %arg4[%add3A_688, %dma_start3A_806, %add3A, %dma_start3A_815, %dma_start3A_816] : memref<200x4x32x8x128xf32, #tpu.memory_space<hbm>> -> memref<1x1x1x8x128xf32, #tpu.memory_space<hbm>>
      %dma_start3A_818 = tpu.memref_squeeze %dma_start3A_817 : memref<1x1x1x8x128xf32, #tpu.memory_space<hbm>> -> memref<8x128xf32, #tpu.memory_space<hbm>>
      %dma_start3A_819 = arith.constant 32 : i32
      %dma_start3A_820 = arith.constant 0 : i32
      %dma_start3A_821 = tpu.memref_slice %arg8[%dma_start3A_805, %dma_start3A_819, %dma_start3A_820] : memref<2x128x128xf32, #tpu.memory_space<vmem>> -> memref<1x8x128xf32, #tpu.memory_space<vmem>>
      %dma_start3A_822 = tpu.memref_squeeze %dma_start3A_821 : memref<1x8x128xf32, #tpu.memory_space<vmem>> -> memref<8x128xf32, #tpu.memory_space<vmem>>
      tpu.enqueue_dma source(%dma_start3A_822 : memref<8x128xf32, #tpu.memory_space<vmem>>) target(%dma_start3A_818 : memref<8x128xf32, #tpu.memory_space<hbm>>) target_semaphore(%arg12 : memref<!tpu.dma_semaphore, #tpu.memory_space<semaphore_mem>>)
      %dma_start3A_823 = arith.constant 0 : i32
      %dma_start3A_824 = arith.constant 1 : i32
      %dma_start3A_825 = arith.constant 40 : i32
      %dma_start3A_826 = arith.constant 0 : i32
      %dma_start3A_827 = tpu.memref_slice %arg8[%dma_start3A_823, %dma_start3A_825, %dma_start3A_826] : memref<2x128x128xf32, #tpu.memory_space<vmem>> -> memref<1x8x128xf32, #tpu.memory_space<vmem>>
      %dma_start3A_828 = tpu.memref_squeeze %dma_start3A_827 : memref<1x8x128xf32, #tpu.memory_space<vmem>> -> memref<8x128xf32, #tpu.memory_space<vmem>>
      %dma_start3A_829 = arith.constant 0 : i32
      %dma_start3A_830 = arith.constant 0 : i32
      %dma_start3A_831 = tpu.memref_slice %arg4[%add3A_692, %dma_start3A_824, %add3A, %dma_start3A_829, %dma_start3A_830] : memref<200x4x32x8x128xf32, #tpu.memory_space<hbm>> -> memref<1x1x1x8x128xf32, #tpu.memory_space<hbm>>
      %dma_start3A_832 = tpu.memref_squeeze %dma_start3A_831 : memref<1x1x1x8x128xf32, #tpu.memory_space<hbm>> -> memref<8x128xf32, #tpu.memory_space<hbm>>
      %dma_start3A_833 = arith.constant 0 : i32
      %dma_start3A_834 = arith.constant 0 : i32
      %dma_start3A_835 = tpu.memref_slice %arg4[%add3A_692, %dma_start3A_824, %add3A, %dma_start3A_833, %dma_start3A_834] : memref<200x4x32x8x128xf32, #tpu.memory_space<hbm>> -> memref<1x1x1x8x128xf32, #tpu.memory_space<hbm>>
      %dma_start3A_836 = tpu.memref_squeeze %dma_start3A_835 : memref<1x1x1x8x128xf32, #tpu.memory_space<hbm>> -> memref<8x128xf32, #tpu.memory_space<hbm>>
      %dma_start3A_837 = arith.constant 40 : i32
      %dma_start3A_838 = arith.constant 0 : i32
      %dma_start3A_839 = tpu.memref_slice %arg8[%dma_start3A_823, %dma_start3A_837, %dma_start3A_838] : memref<2x128x128xf32, #tpu.memory_space<vmem>> -> memref<1x8x128xf32, #tpu.memory_space<vmem>>
      %dma_start3A_840 = tpu.memref_squeeze %dma_start3A_839 : memref<1x8x128xf32, #tpu.memory_space<vmem>> -> memref<8x128xf32, #tpu.memory_space<vmem>>
      tpu.enqueue_dma source(%dma_start3A_840 : memref<8x128xf32, #tpu.memory_space<vmem>>) target(%dma_start3A_836 : memref<8x128xf32, #tpu.memory_space<hbm>>) target_semaphore(%arg12 : memref<!tpu.dma_semaphore, #tpu.memory_space<semaphore_mem>>)
      %dma_start3A_841 = arith.constant 0 : i32
      %dma_start3A_842 = arith.constant 2 : i32
      %dma_start3A_843 = arith.constant 48 : i32
      %dma_start3A_844 = arith.constant 0 : i32
      %dma_start3A_845 = tpu.memref_slice %arg8[%dma_start3A_841, %dma_start3A_843, %dma_start3A_844] : memref<2x128x128xf32, #tpu.memory_space<vmem>> -> memref<1x8x128xf32, #tpu.memory_space<vmem>>
      %dma_start3A_846 = tpu.memref_squeeze %dma_start3A_845 : memref<1x8x128xf32, #tpu.memory_space<vmem>> -> memref<8x128xf32, #tpu.memory_space<vmem>>
      %dma_start3A_847 = arith.constant 0 : i32
      %dma_start3A_848 = arith.constant 0 : i32
      %dma_start3A_849 = tpu.memref_slice %arg4[%add3A_696, %dma_start3A_842, %add3A, %dma_start3A_847, %dma_start3A_848] : memref<200x4x32x8x128xf32, #tpu.memory_space<hbm>> -> memref<1x1x1x8x128xf32, #tpu.memory_space<hbm>>
      %dma_start3A_850 = tpu.memref_squeeze %dma_start3A_849 : memref<1x1x1x8x128xf32, #tpu.memory_space<hbm>> -> memref<8x128xf32, #tpu.memory_space<hbm>>
      %dma_start3A_851 = arith.constant 0 : i32
      %dma_start3A_852 = arith.constant 0 : i32
      %dma_start3A_853 = tpu.memref_slice %arg4[%add3A_696, %dma_start3A_842, %add3A, %dma_start3A_851, %dma_start3A_852] : memref<200x4x32x8x128xf32, #tpu.memory_space<hbm>> -> memref<1x1x1x8x128xf32, #tpu.memory_space<hbm>>
      %dma_start3A_854 = tpu.memref_squeeze %dma_start3A_853 : memref<1x1x1x8x128xf32, #tpu.memory_space<hbm>> -> memref<8x128xf32, #tpu.memory_space<hbm>>
      %dma_start3A_855 = arith.constant 48 : i32
      %dma_start3A_856 = arith.constant 0 : i32
      %dma_start3A_857 = tpu.memref_slice %arg8[%dma_start3A_841, %dma_start3A_855, %dma_start3A_856] : memref<2x128x128xf32, #tpu.memory_space<vmem>> -> memref<1x8x128xf32, #tpu.memory_space<vmem>>
      %dma_start3A_858 = tpu.memref_squeeze %dma_start3A_857 : memref<1x8x128xf32, #tpu.memory_space<vmem>> -> memref<8x128xf32, #tpu.memory_space<vmem>>
      tpu.enqueue_dma source(%dma_start3A_858 : memref<8x128xf32, #tpu.memory_space<vmem>>) target(%dma_start3A_854 : memref<8x128xf32, #tpu.memory_space<hbm>>) target_semaphore(%arg12 : memref<!tpu.dma_semaphore, #tpu.memory_space<semaphore_mem>>)
      %dma_start3A_859 = arith.constant 0 : i32
      %dma_start3A_860 = arith.constant 3 : i32
      %dma_start3A_861 = arith.constant 56 : i32
      %dma_start3A_862 = arith.constant 0 : i32
      %dma_start3A_863 = tpu.memref_slice %arg8[%dma_start3A_859, %dma_start3A_861, %dma_start3A_862] : memref<2x128x128xf32, #tpu.memory_space<vmem>> -> memref<1x8x128xf32, #tpu.memory_space<vmem>>
      %dma_start3A_864 = tpu.memref_squeeze %dma_start3A_863 : memref<1x8x128xf32, #tpu.memory_space<vmem>> -> memref<8x128xf32, #tpu.memory_space<vmem>>
      %dma_start3A_865 = arith.constant 0 : i32
      %dma_start3A_866 = arith.constant 0 : i32
      %dma_start3A_867 = tpu.memref_slice %arg4[%add3A_700, %dma_start3A_860, %add3A, %dma_start3A_865, %dma_start3A_866] : memref<200x4x32x8x128xf32, #tpu.memory_space<hbm>> -> memref<1x1x1x8x128xf32, #tpu.memory_space<hbm>>
      %dma_start3A_868 = tpu.memref_squeeze %dma_start3A_867 : memref<1x1x1x8x128xf32, #tpu.memory_space<hbm>> -> memref<8x128xf32, #tpu.memory_space<hbm>>
      %dma_start3A_869 = arith.constant 0 : i32
      %dma_start3A_870 = arith.constant 0 : i32
      %dma_start3A_871 = tpu.memref_slice %arg4[%add3A_700, %dma_start3A_860, %add3A, %dma_start3A_869, %dma_start3A_870] : memref<200x4x32x8x128xf32, #tpu.memory_space<hbm>> -> memref<1x1x1x8x128xf32, #tpu.memory_space<hbm>>
      %dma_start3A_872 = tpu.memref_squeeze %dma_start3A_871 : memref<1x1x1x8x128xf32, #tpu.memory_space<hbm>> -> memref<8x128xf32, #tpu.memory_space<hbm>>
      %dma_start3A_873 = arith.constant 56 : i32
      %dma_start3A_874 = arith.constant 0 : i32
      %dma_start3A_875 = tpu.memref_slice %arg8[%dma_start3A_859, %dma_start3A_873, %dma_start3A_874] : memref<2x128x128xf32, #tpu.memory_space<vmem>> -> memref<1x8x128xf32, #tpu.memory_space<vmem>>
      %dma_start3A_876 = tpu.memref_squeeze %dma_start3A_875 : memref<1x8x128xf32, #tpu.memory_space<vmem>> -> memref<8x128xf32, #tpu.memory_space<vmem>>
      tpu.enqueue_dma source(%dma_start3A_876 : memref<8x128xf32, #tpu.memory_space<vmem>>) target(%dma_start3A_872 : memref<8x128xf32, #tpu.memory_space<hbm>>) target_semaphore(%arg12 : memref<!tpu.dma_semaphore, #tpu.memory_space<semaphore_mem>>)
      %dma_start3A_877 = arith.constant 0 : i32
      %dma_start3A_878 = arith.constant 0 : i32
      %dma_start3A_879 = arith.constant 64 : i32
      %dma_start3A_880 = arith.constant 0 : i32
      %dma_start3A_881 = tpu.memref_slice %arg8[%dma_start3A_877, %dma_start3A_879, %dma_start3A_880] : memref<2x128x128xf32, #tpu.memory_space<vmem>> -> memref<1x8x128xf32, #tpu.memory_space<vmem>>
      %dma_start3A_882 = tpu.memref_squeeze %dma_start3A_881 : memref<1x8x128xf32, #tpu.memory_space<vmem>> -> memref<8x128xf32, #tpu.memory_space<vmem>>
      %dma_start3A_883 = arith.constant 0 : i32
      %dma_start3A_884 = arith.constant 0 : i32
      %dma_start3A_885 = tpu.memref_slice %arg4[%add3A_704, %dma_start3A_878, %add3A, %dma_start3A_883, %dma_start3A_884] : memref<200x4x32x8x128xf32, #tpu.memory_space<hbm>> -> memref<1x1x1x8x128xf32, #tpu.memory_space<hbm>>
      %dma_start3A_886 = tpu.memref_squeeze %dma_start3A_885 : memref<1x1x1x8x128xf32, #tpu.memory_space<hbm>> -> memref<8x128xf32, #tpu.memory_space<hbm>>
      %dma_start3A_887 = arith.constant 0 : i32
      %dma_start3A_888 = arith.constant 0 : i32
      %dma_start3A_889 = tpu.memref_slice %arg4[%add3A_704, %dma_start3A_878, %add3A, %dma_start3A_887, %dma_start3A_888] : memref<200x4x32x8x128xf32, #tpu.memory_space<hbm>> -> memref<1x1x1x8x128xf32, #tpu.memory_space<hbm>>
      %dma_start3A_890 = tpu.memref_squeeze %dma_start3A_889 : memref<1x1x1x8x128xf32, #tpu.memory_space<hbm>> -> memref<8x128xf32, #tpu.memory_space<hbm>>
      %dma_start3A_891 = arith.constant 64 : i32
      %dma_start3A_892 = arith.constant 0 : i32
      %dma_start3A_893 = tpu.memref_slice %arg8[%dma_start3A_877, %dma_start3A_891, %dma_start3A_892] : memref<2x128x128xf32, #tpu.memory_space<vmem>> -> memref<1x8x128xf32, #tpu.memory_space<vmem>>
      %dma_start3A_894 = tpu.memref_squeeze %dma_start3A_893 : memref<1x8x128xf32, #tpu.memory_space<vmem>> -> memref<8x128xf32, #tpu.memory_space<vmem>>
      tpu.enqueue_dma source(%dma_start3A_894 : memref<8x128xf32, #tpu.memory_space<vmem>>) target(%dma_start3A_890 : memref<8x128xf32, #tpu.memory_space<hbm>>) target_semaphore(%arg12 : memref<!tpu.dma_semaphore, #tpu.memory_space<semaphore_mem>>)
      %dma_start3A_895 = arith.constant 0 : i32
      %dma_start3A_896 = arith.constant 1 : i32
      %dma_start3A_897 = arith.constant 72 : i32
      %dma_start3A_898 = arith.constant 0 : i32
      %dma_start3A_899 = tpu.memref_slice %arg8[%dma_start3A_895, %dma_start3A_897, %dma_start3A_898] : memref<2x128x128xf32, #tpu.memory_space<vmem>> -> memref<1x8x128xf32, #tpu.memory_space<vmem>>
      %dma_start3A_900 = tpu.memref_squeeze %dma_start3A_899 : memref<1x8x128xf32, #tpu.memory_space<vmem>> -> memref<8x128xf32, #tpu.memory_space<vmem>>
      %dma_start3A_901 = arith.constant 0 : i32
      %dma_start3A_902 = arith.constant 0 : i32
      %dma_start3A_903 = tpu.memref_slice %arg4[%add3A_708, %dma_start3A_896, %add3A, %dma_start3A_901, %dma_start3A_902] : memref<200x4x32x8x128xf32, #tpu.memory_space<hbm>> -> memref<1x1x1x8x128xf32, #tpu.memory_space<hbm>>
      %dma_start3A_904 = tpu.memref_squeeze %dma_start3A_903 : memref<1x1x1x8x128xf32, #tpu.memory_space<hbm>> -> memref<8x128xf32, #tpu.memory_space<hbm>>
      %dma_start3A_905 = arith.constant 0 : i32
      %dma_start3A_906 = arith.constant 0 : i32
      %dma_start3A_907 = tpu.memref_slice %arg4[%add3A_708, %dma_start3A_896, %add3A, %dma_start3A_905, %dma_start3A_906] : memref<200x4x32x8x128xf32, #tpu.memory_space<hbm>> -> memref<1x1x1x8x128xf32, #tpu.memory_space<hbm>>
      %dma_start3A_908 = tpu.memref_squeeze %dma_start3A_907 : memref<1x1x1x8x128xf32, #tpu.memory_space<hbm>> -> memref<8x128xf32, #tpu.memory_space<hbm>>
      %dma_start3A_909 = arith.constant 72 : i32
      %dma_start3A_910 = arith.constant 0 : i32
      %dma_start3A_911 = tpu.memref_slice %arg8[%dma_start3A_895, %dma_start3A_909, %dma_start3A_910] : memref<2x128x128xf32, #tpu.memory_space<vmem>> -> memref<1x8x128xf32, #tpu.memory_space<vmem>>
      %dma_start3A_912 = tpu.memref_squeeze %dma_start3A_911 : memref<1x8x128xf32, #tpu.memory_space<vmem>> -> memref<8x128xf32, #tpu.memory_space<vmem>>
      tpu.enqueue_dma source(%dma_start3A_912 : memref<8x128xf32, #tpu.memory_space<vmem>>) target(%dma_start3A_908 : memref<8x128xf32, #tpu.memory_space<hbm>>) target_semaphore(%arg12 : memref<!tpu.dma_semaphore, #tpu.memory_space<semaphore_mem>>)
      %dma_start3A_913 = arith.constant 0 : i32
      %dma_start3A_914 = arith.constant 2 : i32
      %dma_start3A_915 = arith.constant 80 : i32
      %dma_start3A_916 = arith.constant 0 : i32
      %dma_start3A_917 = tpu.memref_slice %arg8[%dma_start3A_913, %dma_start3A_915, %dma_start3A_916] : memref<2x128x128xf32, #tpu.memory_space<vmem>> -> memref<1x8x128xf32, #tpu.memory_space<vmem>>
      %dma_start3A_918 = tpu.memref_squeeze %dma_start3A_917 : memref<1x8x128xf32, #tpu.memory_space<vmem>> -> memref<8x128xf32, #tpu.memory_space<vmem>>
      %dma_start3A_919 = arith.constant 0 : i32
      %dma_start3A_920 = arith.constant 0 : i32
      %dma_start3A_921 = tpu.memref_slice %arg4[%add3A_712, %dma_start3A_914, %add3A, %dma_start3A_919, %dma_start3A_920] : memref<200x4x32x8x128xf32, #tpu.memory_space<hbm>> -> memref<1x1x1x8x128xf32, #tpu.memory_space<hbm>>
      %dma_start3A_922 = tpu.memref_squeeze %dma_start3A_921 : memref<1x1x1x8x128xf32, #tpu.memory_space<hbm>> -> memref<8x128xf32, #tpu.memory_space<hbm>>
      %dma_start3A_923 = arith.constant 0 : i32
      %dma_start3A_924 = arith.constant 0 : i32
      %dma_start3A_925 = tpu.memref_slice %arg4[%add3A_712, %dma_start3A_914, %add3A, %dma_start3A_923, %dma_start3A_924] : memref<200x4x32x8x128xf32, #tpu.memory_space<hbm>> -> memref<1x1x1x8x128xf32, #tpu.memory_space<hbm>>
      %dma_start3A_926 = tpu.memref_squeeze %dma_start3A_925 : memref<1x1x1x8x128xf32, #tpu.memory_space<hbm>> -> memref<8x128xf32, #tpu.memory_space<hbm>>
      %dma_start3A_927 = arith.constant 80 : i32
      %dma_start3A_928 = arith.constant 0 : i32
      %dma_start3A_929 = tpu.memref_slice %arg8[%dma_start3A_913, %dma_start3A_927, %dma_start3A_928] : memref<2x128x128xf32, #tpu.memory_space<vmem>> -> memref<1x8x128xf32, #tpu.memory_space<vmem>>
      %dma_start3A_930 = tpu.memref_squeeze %dma_start3A_929 : memref<1x8x128xf32, #tpu.memory_space<vmem>> -> memref<8x128xf32, #tpu.memory_space<vmem>>
      tpu.enqueue_dma source(%dma_start3A_930 : memref<8x128xf32, #tpu.memory_space<vmem>>) target(%dma_start3A_926 : memref<8x128xf32, #tpu.memory_space<hbm>>) target_semaphore(%arg12 : memref<!tpu.dma_semaphore, #tpu.memory_space<semaphore_mem>>)
      %dma_start3A_931 = arith.constant 0 : i32
      %dma_start3A_932 = arith.constant 3 : i32
      %dma_start3A_933 = arith.constant 88 : i32
      %dma_start3A_934 = arith.constant 0 : i32
      %dma_start3A_935 = tpu.memref_slice %arg8[%dma_start3A_931, %dma_start3A_933, %dma_start3A_934] : memref<2x128x128xf32, #tpu.memory_space<vmem>> -> memref<1x8x128xf32, #tpu.memory_space<vmem>>
      %dma_start3A_936 = tpu.memref_squeeze %dma_start3A_935 : memref<1x8x128xf32, #tpu.memory_space<vmem>> -> memref<8x128xf32, #tpu.memory_space<vmem>>
      %dma_start3A_937 = arith.constant 0 : i32
      %dma_start3A_938 = arith.constant 0 : i32
      %dma_start3A_939 = tpu.memref_slice %arg4[%add3A_716, %dma_start3A_932, %add3A, %dma_start3A_937, %dma_start3A_938] : memref<200x4x32x8x128xf32, #tpu.memory_space<hbm>> -> memref<1x1x1x8x128xf32, #tpu.memory_space<hbm>>
      %dma_start3A_940 = tpu.memref_squeeze %dma_start3A_939 : memref<1x1x1x8x128xf32, #tpu.memory_space<hbm>> -> memref<8x128xf32, #tpu.memory_space<hbm>>
      %dma_start3A_941 = arith.constant 0 : i32
      %dma_start3A_942 = arith.constant 0 : i32
      %dma_start3A_943 = tpu.memref_slice %arg4[%add3A_716, %dma_start3A_932, %add3A, %dma_start3A_941, %dma_start3A_942] : memref<200x4x32x8x128xf32, #tpu.memory_space<hbm>> -> memref<1x1x1x8x128xf32, #tpu.memory_space<hbm>>
      %dma_start3A_944 = tpu.memref_squeeze %dma_start3A_943 : memref<1x1x1x8x128xf32, #tpu.memory_space<hbm>> -> memref<8x128xf32, #tpu.memory_space<hbm>>
      %dma_start3A_945 = arith.constant 88 : i32
      %dma_start3A_946 = arith.constant 0 : i32
      %dma_start3A_947 = tpu.memref_slice %arg8[%dma_start3A_931, %dma_start3A_945, %dma_start3A_946] : memref<2x128x128xf32, #tpu.memory_space<vmem>> -> memref<1x8x128xf32, #tpu.memory_space<vmem>>
      %dma_start3A_948 = tpu.memref_squeeze %dma_start3A_947 : memref<1x8x128xf32, #tpu.memory_space<vmem>> -> memref<8x128xf32, #tpu.memory_space<vmem>>
      tpu.enqueue_dma source(%dma_start3A_948 : memref<8x128xf32, #tpu.memory_space<vmem>>) target(%dma_start3A_944 : memref<8x128xf32, #tpu.memory_space<hbm>>) target_semaphore(%arg12 : memref<!tpu.dma_semaphore, #tpu.memory_space<semaphore_mem>>)
      %dma_start3A_949 = arith.constant 0 : i32
      %dma_start3A_950 = arith.constant 0 : i32
      %dma_start3A_951 = arith.constant 96 : i32
      %dma_start3A_952 = arith.constant 0 : i32
      %dma_start3A_953 = tpu.memref_slice %arg8[%dma_start3A_949, %dma_start3A_951, %dma_start3A_952] : memref<2x128x128xf32, #tpu.memory_space<vmem>> -> memref<1x8x128xf32, #tpu.memory_space<vmem>>
      %dma_start3A_954 = tpu.memref_squeeze %dma_start3A_953 : memref<1x8x128xf32, #tpu.memory_space<vmem>> -> memref<8x128xf32, #tpu.memory_space<vmem>>
      %dma_start3A_955 = arith.constant 0 : i32
      %dma_start3A_956 = arith.constant 0 : i32
      %dma_start3A_957 = tpu.memref_slice %arg4[%add3A_720, %dma_start3A_950, %add3A, %dma_start3A_955, %dma_start3A_956] : memref<200x4x32x8x128xf32, #tpu.memory_space<hbm>> -> memref<1x1x1x8x128xf32, #tpu.memory_space<hbm>>
      %dma_start3A_958 = tpu.memref_squeeze %dma_start3A_957 : memref<1x1x1x8x128xf32, #tpu.memory_space<hbm>> -> memref<8x128xf32, #tpu.memory_space<hbm>>
      %dma_start3A_959 = arith.constant 0 : i32
      %dma_start3A_960 = arith.constant 0 : i32
      %dma_start3A_961 = tpu.memref_slice %arg4[%add3A_720, %dma_start3A_950, %add3A, %dma_start3A_959, %dma_start3A_960] : memref<200x4x32x8x128xf32, #tpu.memory_space<hbm>> -> memref<1x1x1x8x128xf32, #tpu.memory_space<hbm>>
      %dma_start3A_962 = tpu.memref_squeeze %dma_start3A_961 : memref<1x1x1x8x128xf32, #tpu.memory_space<hbm>> -> memref<8x128xf32, #tpu.memory_space<hbm>>
      %dma_start3A_963 = arith.constant 96 : i32
      %dma_start3A_964 = arith.constant 0 : i32
      %dma_start3A_965 = tpu.memref_slice %arg8[%dma_start3A_949, %dma_start3A_963, %dma_start3A_964] : memref<2x128x128xf32, #tpu.memory_space<vmem>> -> memref<1x8x128xf32, #tpu.memory_space<vmem>>
      %dma_start3A_966 = tpu.memref_squeeze %dma_start3A_965 : memref<1x8x128xf32, #tpu.memory_space<vmem>> -> memref<8x128xf32, #tpu.memory_space<vmem>>
      tpu.enqueue_dma source(%dma_start3A_966 : memref<8x128xf32, #tpu.memory_space<vmem>>) target(%dma_start3A_962 : memref<8x128xf32, #tpu.memory_space<hbm>>) target_semaphore(%arg12 : memref<!tpu.dma_semaphore, #tpu.memory_space<semaphore_mem>>)
      %dma_start3A_967 = arith.constant 0 : i32
      %dma_start3A_968 = arith.constant 1 : i32
      %dma_start3A_969 = arith.constant 104 : i32
      %dma_start3A_970 = arith.constant 0 : i32
      %dma_start3A_971 = tpu.memref_slice %arg8[%dma_start3A_967, %dma_start3A_969, %dma_start3A_970] : memref<2x128x128xf32, #tpu.memory_space<vmem>> -> memref<1x8x128xf32, #tpu.memory_space<vmem>>
      %dma_start3A_972 = tpu.memref_squeeze %dma_start3A_971 : memref<1x8x128xf32, #tpu.memory_space<vmem>> -> memref<8x128xf32, #tpu.memory_space<vmem>>
      %dma_start3A_973 = arith.constant 0 : i32
      %dma_start3A_974 = arith.constant 0 : i32
      %dma_start3A_975 = tpu.memref_slice %arg4[%add3A_724, %dma_start3A_968, %add3A, %dma_start3A_973, %dma_start3A_974] : memref<200x4x32x8x128xf32, #tpu.memory_space<hbm>> -> memref<1x1x1x8x128xf32, #tpu.memory_space<hbm>>
      %dma_start3A_976 = tpu.memref_squeeze %dma_start3A_975 : memref<1x1x1x8x128xf32, #tpu.memory_space<hbm>> -> memref<8x128xf32, #tpu.memory_space<hbm>>
      %dma_start3A_977 = arith.constant 0 : i32
      %dma_start3A_978 = arith.constant 0 : i32
      %dma_start3A_979 = tpu.memref_slice %arg4[%add3A_724, %dma_start3A_968, %add3A, %dma_start3A_977, %dma_start3A_978] : memref<200x4x32x8x128xf32, #tpu.memory_space<hbm>> -> memref<1x1x1x8x128xf32, #tpu.memory_space<hbm>>
      %dma_start3A_980 = tpu.memref_squeeze %dma_start3A_979 : memref<1x1x1x8x128xf32, #tpu.memory_space<hbm>> -> memref<8x128xf32, #tpu.memory_space<hbm>>
      %dma_start3A_981 = arith.constant 104 : i32
      %dma_start3A_982 = arith.constant 0 : i32
      %dma_start3A_983 = tpu.memref_slice %arg8[%dma_start3A_967, %dma_start3A_981, %dma_start3A_982] : memref<2x128x128xf32, #tpu.memory_space<vmem>> -> memref<1x8x128xf32, #tpu.memory_space<vmem>>
      %dma_start3A_984 = tpu.memref_squeeze %dma_start3A_983 : memref<1x8x128xf32, #tpu.memory_space<vmem>> -> memref<8x128xf32, #tpu.memory_space<vmem>>
      tpu.enqueue_dma source(%dma_start3A_984 : memref<8x128xf32, #tpu.memory_space<vmem>>) target(%dma_start3A_980 : memref<8x128xf32, #tpu.memory_space<hbm>>) target_semaphore(%arg12 : memref<!tpu.dma_semaphore, #tpu.memory_space<semaphore_mem>>)
      %dma_start3A_985 = arith.constant 0 : i32
      %dma_start3A_986 = arith.constant 2 : i32
      %dma_start3A_987 = arith.constant 112 : i32
      %dma_start3A_988 = arith.constant 0 : i32
      %dma_start3A_989 = tpu.memref_slice %arg8[%dma_start3A_985, %dma_start3A_987, %dma_start3A_988] : memref<2x128x128xf32, #tpu.memory_space<vmem>> -> memref<1x8x128xf32, #tpu.memory_space<vmem>>
      %dma_start3A_990 = tpu.memref_squeeze %dma_start3A_989 : memref<1x8x128xf32, #tpu.memory_space<vmem>> -> memref<8x128xf32, #tpu.memory_space<vmem>>
      %dma_start3A_991 = arith.constant 0 : i32
      %dma_start3A_992 = arith.constant 0 : i32
      %dma_start3A_993 = tpu.memref_slice %arg4[%add3A_728, %dma_start3A_986, %add3A, %dma_start3A_991, %dma_start3A_992] : memref<200x4x32x8x128xf32, #tpu.memory_space<hbm>> -> memref<1x1x1x8x128xf32, #tpu.memory_space<hbm>>
      %dma_start3A_994 = tpu.memref_squeeze %dma_start3A_993 : memref<1x1x1x8x128xf32, #tpu.memory_space<hbm>> -> memref<8x128xf32, #tpu.memory_space<hbm>>
      %dma_start3A_995 = arith.constant 0 : i32
      %dma_start3A_996 = arith.constant 0 : i32
      %dma_start3A_997 = tpu.memref_slice %arg4[%add3A_728, %dma_start3A_986, %add3A, %dma_start3A_995, %dma_start3A_996] : memref<200x4x32x8x128xf32, #tpu.memory_space<hbm>> -> memref<1x1x1x8x128xf32, #tpu.memory_space<hbm>>
      %dma_start3A_998 = tpu.memref_squeeze %dma_start3A_997 : memref<1x1x1x8x128xf32, #tpu.memory_space<hbm>> -> memref<8x128xf32, #tpu.memory_space<hbm>>
      %dma_start3A_999 = arith.constant 112 : i32
      %dma_start3A_1000 = arith.constant 0 : i32
      %dma_start3A_1001 = tpu.memref_slice %arg8[%dma_start3A_985, %dma_start3A_999, %dma_start3A_1000] : memref<2x128x128xf32, #tpu.memory_space<vmem>> -> memref<1x8x128xf32, #tpu.memory_space<vmem>>
      %dma_start3A_1002 = tpu.memref_squeeze %dma_start3A_1001 : memref<1x8x128xf32, #tpu.memory_space<vmem>> -> memref<8x128xf32, #tpu.memory_space<vmem>>
      tpu.enqueue_dma source(%dma_start3A_1002 : memref<8x128xf32, #tpu.memory_space<vmem>>) target(%dma_start3A_998 : memref<8x128xf32, #tpu.memory_space<hbm>>) target_semaphore(%arg12 : memref<!tpu.dma_semaphore, #tpu.memory_space<semaphore_mem>>)
      %dma_start3A_1003 = arith.constant 0 : i32
      %dma_start3A_1004 = arith.constant 3 : i32
      %dma_start3A_1005 = arith.constant 120 : i32
      %dma_start3A_1006 = arith.constant 0 : i32
      %dma_start3A_1007 = tpu.memref_slice %arg8[%dma_start3A_1003, %dma_start3A_1005, %dma_start3A_1006] : memref<2x128x128xf32, #tpu.memory_space<vmem>> -> memref<1x8x128xf32, #tpu.memory_space<vmem>>
      %dma_start3A_1008 = tpu.memref_squeeze %dma_start3A_1007 : memref<1x8x128xf32, #tpu.memory_space<vmem>> -> memref<8x128xf32, #tpu.memory_space<vmem>>
      %dma_start3A_1009 = arith.constant 0 : i32
      %dma_start3A_1010 = arith.constant 0 : i32
      %dma_start3A_1011 = tpu.memref_slice %arg4[%add3A_732, %dma_start3A_1004, %add3A, %dma_start3A_1009, %dma_start3A_1010] : memref<200x4x32x8x128xf32, #tpu.memory_space<hbm>> -> memref<1x1x1x8x128xf32, #tpu.memory_space<hbm>>
      %dma_start3A_1012 = tpu.memref_squeeze %dma_start3A_1011 : memref<1x1x1x8x128xf32, #tpu.memory_space<hbm>> -> memref<8x128xf32, #tpu.memory_space<hbm>>
      %dma_start3A_1013 = arith.constant 0 : i32
      %dma_start3A_1014 = arith.constant 0 : i32
      %dma_start3A_1015 = tpu.memref_slice %arg4[%add3A_732, %dma_start3A_1004, %add3A, %dma_start3A_1013, %dma_start3A_1014] : memref<200x4x32x8x128xf32, #tpu.memory_space<hbm>> -> memref<1x1x1x8x128xf32, #tpu.memory_space<hbm>>
      %dma_start3A_1016 = tpu.memref_squeeze %dma_start3A_1015 : memref<1x1x1x8x128xf32, #tpu.memory_space<hbm>> -> memref<8x128xf32, #tpu.memory_space<hbm>>
      %dma_start3A_1017 = arith.constant 120 : i32
      %dma_start3A_1018 = arith.constant 0 : i32
      %dma_start3A_1019 = tpu.memref_slice %arg8[%dma_start3A_1003, %dma_start3A_1017, %dma_start3A_1018] : memref<2x128x128xf32, #tpu.memory_space<vmem>> -> memref<1x8x128xf32, #tpu.memory_space<vmem>>
      %dma_start3A_1020 = tpu.memref_squeeze %dma_start3A_1019 : memref<1x8x128xf32, #tpu.memory_space<vmem>> -> memref<8x128xf32, #tpu.memory_space<vmem>>
      tpu.enqueue_dma source(%dma_start3A_1020 : memref<8x128xf32, #tpu.memory_space<vmem>>) target(%dma_start3A_1016 : memref<8x128xf32, #tpu.memory_space<hbm>>) target_semaphore(%arg12 : memref<!tpu.dma_semaphore, #tpu.memory_space<semaphore_mem>>)
      %mul3A_1021 = arith.constant 2 : i32
      %mul3A_1022 = arith.muli %mul3A_1021, %scan3A_636 : i32
      %add3A_1023 = arith.constant 1 : i32
      %add3A_1024 = arith.addi %mul3A_1022, %add3A_1023 : i32
      %add3A_1025 = arith.constant 1 : i32
      %add3A_1026 = arith.addi %add3A_1024, %add3A_1025 : i32
      %lt3A_1027 = arith.constant 50 : i32
      %lt3A_1028 = arith.cmpi slt, %add3A_1026, %lt3A_1027 : i32
      %convert_element_type3A_1029 = arith.extui %lt3A_1028 : i1 to i32
      %cond3A_1030 = arith.constant 0 : i32
      %cond3A_1031 = arith.cmpi ne, %convert_element_type3A_1029, %cond3A_1030 : i32
      scf.if %cond3A_1031 {
        %add3A_1411 = arith.constant 1 : i32
        %add3A_1412 = arith.addi %add3A_1024, %add3A_1411 : i32
        %parallel_loop3A_1413 = arith.constant 0 : i32
        %parallel_loop3A_1414 = arith.constant 32 : i32
        %parallel_loop3A_1415 = arith.constant 1 : i32
        scf.for %parallel_loop3A_1416 = %parallel_loop3A_1413 to %parallel_loop3A_1414 step %parallel_loop3A_1415  : i32 {
          %parallel_loop3A_1417 = arith.constant 3 : i32
          %parallel_loop3A_1418 = arith.shrsi %parallel_loop3A_1416, %parallel_loop3A_1417 : i32
          %parallel_loop3A_1419 = arith.constant 7 : i32
          %parallel_loop3A_1420 = arith.andi %parallel_loop3A_1416, %parallel_loop3A_1419 : i32
          %parallel_loop3A_1421 = arith.constant 4 : i32
          %parallel_loop3A_1422 = arith.shli %parallel_loop3A_1420, %parallel_loop3A_1421 : i32
          %parallel_loop3A_1423 = vector.broadcast %parallel_loop3A_1422 : i32 to vector<16xi32>
          %parallel_loop3A_1424 = arith.addi %parallel_loop3A_1423, %iota3A : vector<16xi32>
          %parallel_loop3A_1425 = arith.constant 0 : i32
          %parallel_loop3A_1426 = vector.broadcast %parallel_loop3A_1425 : i32 to vector<16xi32>
          %parallel_loop3A_1427 = arith.constant 4 : i32
          %parallel_loop3A_1428 = arith.muli %add3A_1412, %parallel_loop3A_1427 : i32
          %parallel_loop3A_1429 = vector.broadcast %parallel_loop3A_1428 : i32 to vector<16xi32>
          %parallel_loop3A_1430 = arith.addi %parallel_loop3A_1426, %parallel_loop3A_1429 : vector<16xi32>
          %parallel_loop3A_1431 = vector.broadcast %parallel_loop3A_1418 : i32 to vector<16xi32>
          %parallel_loop3A_1432 = arith.addi %parallel_loop3A_1430, %parallel_loop3A_1431 : vector<16xi32>
          %parallel_loop3A_1433 = tpu.vector_load_idx %arg5[%parallel_loop3A_1424, %parallel_loop3A_1432] : memref<128x200xi32, #tpu.memory_space<vmem>>[vector<16xi32>, vector<16xi32>], vector<16xi32>,
          %parallel_loop3A_1434 = arith.constant 16 : i32
          %parallel_loop3A_1435 = arith.muli %parallel_loop3A_1416, %parallel_loop3A_1434 : i32
          %parallel_loop3A_1436 = arith.constant 0 : i32
          %parallel_loop3A_1437 = arith.index_cast %parallel_loop3A_1436 : i32 to index
          %parallel_loop3A_1438 = arith.index_cast %parallel_loop3A_1435 : i32 to index
          %parallel_loop3A_1439 = tpu.vector_load %arg6[%parallel_loop3A_1437, %parallel_loop3A_1438] {strides = array<i32>} : memref<2x512xi32, #tpu.memory_space<vmem>>, vector<16xi32>,
          tpu.vector_store %arg6[%parallel_loop3A_1437, %parallel_loop3A_1438], %parallel_loop3A_1433 {strides = array<i32>} : memref<2x512xi32, #tpu.memory_space<vmem>>, vector<16xi32>,
        } {sc.loop_unroll_factor = 4 : i64, sc.parallel_access}
      } else {
      }
      %dma_wait3A_1032 = arith.constant 1 : i32
      %dma_wait3A_1033 = arith.constant 1 : i32
      %dma_wait3A_1034 = arith.constant 0 : i32
      %dma_wait3A_1035 = arith.constant 0 : i32
      %dma_wait3A_1036 = tpu.memref_slice %arg7[%dma_wait3A_1033, %dma_wait3A_1034, %dma_wait3A_1035] : memref<2x512x32xf32, #tpu.memory_space<vmem>> -> memref<1x512x32xf32, #tpu.memory_space<vmem>>
      %dma_wait3A_1037 = tpu.memref_squeeze %dma_wait3A_1036 : memref<1x512x32xf32, #tpu.memory_space<vmem>> -> memref<512x32xf32, #tpu.memory_space<vmem>>
      %dma_wait3A_1038 = arith.constant 0 : i32
      %dma_wait3A_1039 = tpu.memref_slice %arg6[%dma_wait3A_1032, %dma_wait3A_1038] : memref<2x512xi32, #tpu.memory_space<vmem>> -> memref<1x512xi32, #tpu.memory_space<vmem>>
      %dma_wait3A_1040 = tpu.memref_squeeze %dma_wait3A_1039 : memref<1x512xi32, #tpu.memory_space<vmem>> -> memref<512xi32, #tpu.memory_space<vmem>>
      %dma_wait3A_1041 = arith.constant 0 : i32
      %dma_wait3A_1042 = arith.constant 0 : i32
      %dma_wait3A_1043 = tpu.memref_slice %arg2[%dma_wait3A_1041, %dma_wait3A_1042] : memref<1000000x32xf32, #tpu.memory_space<hbm>> -> memref<1000000x32xf32, #tpu.memory_space<hbm>>
      tpu.wait_indirect_dma semaphore(%arg11 : memref<!tpu.dma_semaphore, #tpu.memory_space<semaphore_mem>>) src(%dma_wait3A_1043 : memref<1000000x32xf32, #tpu.memory_space<hbm>>) dst(%dma_wait3A_1037 : memref<512x32xf32, #tpu.memory_space<vmem>>)
      %add3A_1044 = arith.constant 1 : i32
      %add3A_1045 = arith.addi %add3A_1024, %add3A_1044 : i32
      %lt3A_1046 = arith.constant 50 : i32
      %lt3A_1047 = arith.cmpi slt, %add3A_1045, %lt3A_1046 : i32
      %convert_element_type3A_1048 = arith.extui %lt3A_1047 : i1 to i32
      %cond3A_1049 = arith.constant 0 : i32
      %cond3A_1050 = arith.cmpi ne, %convert_element_type3A_1048, %cond3A_1049 : i32
      scf.if %cond3A_1050 {
        %dma_start3A_1411 = arith.constant 0 : i32
        %dma_start3A_1412 = arith.constant 0 : i32
        %dma_start3A_1413 = arith.constant 0 : i32
        %dma_start3A_1414 = arith.constant 0 : i32
        %dma_start3A_1415 = tpu.memref_slice %arg7[%dma_start3A_1412, %dma_start3A_1413, %dma_start3A_1414] : memref<2x512x32xf32, #tpu.memory_space<vmem>> -> memref<1x512x32xf32, #tpu.memory_space<vmem>>
        %dma_start3A_1416 = tpu.memref_squeeze %dma_start3A_1415 : memref<1x512x32xf32, #tpu.memory_space<vmem>> -> memref<512x32xf32, #tpu.memory_space<vmem>>
        %dma_start3A_1417 = arith.constant 0 : i32
        %dma_start3A_1418 = tpu.memref_slice %arg6[%dma_start3A_1411, %dma_start3A_1417] : memref<2x512xi32, #tpu.memory_space<vmem>> -> memref<1x512xi32, #tpu.memory_space<vmem>>
        %dma_start3A_1419 = tpu.memref_squeeze %dma_start3A_1418 : memref<1x512xi32, #tpu.memory_space<vmem>> -> memref<512xi32, #tpu.memory_space<vmem>>
        %dma_start3A_1420 = arith.constant 0 : i32
        %dma_start3A_1421 = arith.constant 0 : i32
        %dma_start3A_1422 = tpu.memref_slice %arg2[%dma_start3A_1420, %dma_start3A_1421] : memref<1000000x32xf32, #tpu.memory_space<hbm>> -> memref<1000000x32xf32, #tpu.memory_space<hbm>>
        tpu.enqueue_indirect_dma source(%dma_start3A_1422 : memref<1000000x32xf32, #tpu.memory_space<hbm>>) target(%dma_start3A_1416 : memref<512x32xf32, #tpu.memory_space<vmem>>) offsets(%dma_start3A_1419 : memref<512xi32, #tpu.memory_space<vmem>>) semaphore(%arg10 : memref<!tpu.dma_semaphore, #tpu.memory_space<semaphore_mem>>)
      } else {
      }
      %ge3A_1051 = arith.constant 2 : i32
      %ge3A_1052 = arith.cmpi sge, %add3A_1024, %ge3A_1051 : i32
      %convert_element_type3A_1053 = arith.extui %ge3A_1052 : i1 to i32
      %cond3A_1054 = arith.constant 0 : i32
      %cond3A_1055 = arith.cmpi ne, %convert_element_type3A_1053, %cond3A_1054 : i32
      scf.if %cond3A_1055 {
        %sub3A = arith.constant 2 : i32
        %sub3A_1411 = arith.subi %add3A_1024, %sub3A : i32
        %mul3A_1412 = arith.constant 4 : i32
        %mul3A_1413 = arith.muli %sub3A_1411, %mul3A_1412 : i32
        %add3A_1414 = arith.constant 0 : i32
        %add3A_1415 = arith.addi %mul3A_1413, %add3A_1414 : i32
        %mul3A_1416 = arith.constant 4 : i32
        %mul3A_1417 = arith.muli %sub3A_1411, %mul3A_1416 : i32
        %add3A_1418 = arith.constant 0 : i32
        %add3A_1419 = arith.addi %mul3A_1417, %add3A_1418 : i32
        %mul3A_1420 = arith.constant 4 : i32
        %mul3A_1421 = arith.muli %sub3A_1411, %mul3A_1420 : i32
        %add3A_1422 = arith.constant 0 : i32
        %add3A_1423 = arith.addi %mul3A_1421, %add3A_1422 : i32
        %mul3A_1424 = arith.constant 4 : i32
        %mul3A_1425 = arith.muli %sub3A_1411, %mul3A_1424 : i32
        %add3A_1426 = arith.constant 0 : i32
        %add3A_1427 = arith.addi %mul3A_1425, %add3A_1426 : i32
        %mul3A_1428 = arith.constant 4 : i32
        %mul3A_1429 = arith.muli %sub3A_1411, %mul3A_1428 : i32
        %add3A_1430 = arith.constant 1 : i32
        %add3A_1431 = arith.addi %mul3A_1429, %add3A_1430 : i32
        %mul3A_1432 = arith.constant 4 : i32
        %mul3A_1433 = arith.muli %sub3A_1411, %mul3A_1432 : i32
        %add3A_1434 = arith.constant 1 : i32
        %add3A_1435 = arith.addi %mul3A_1433, %add3A_1434 : i32
        %mul3A_1436 = arith.constant 4 : i32
        %mul3A_1437 = arith.muli %sub3A_1411, %mul3A_1436 : i32
        %add3A_1438 = arith.constant 1 : i32
        %add3A_1439 = arith.addi %mul3A_1437, %add3A_1438 : i32
        %mul3A_1440 = arith.constant 4 : i32
        %mul3A_1441 = arith.muli %sub3A_1411, %mul3A_1440 : i32
        %add3A_1442 = arith.constant 1 : i32
        %add3A_1443 = arith.addi %mul3A_1441, %add3A_1442 : i32
        %mul3A_1444 = arith.constant 4 : i32
        %mul3A_1445 = arith.muli %sub3A_1411, %mul3A_1444 : i32
        %add3A_1446 = arith.constant 2 : i32
        %add3A_1447 = arith.addi %mul3A_1445, %add3A_1446 : i32
        %mul3A_1448 = arith.constant 4 : i32
        %mul3A_1449 = arith.muli %sub3A_1411, %mul3A_1448 : i32
        %add3A_1450 = arith.constant 2 : i32
        %add3A_1451 = arith.addi %mul3A_1449, %add3A_1450 : i32
        %mul3A_1452 = arith.constant 4 : i32
        %mul3A_1453 = arith.muli %sub3A_1411, %mul3A_1452 : i32
        %add3A_1454 = arith.constant 2 : i32
        %add3A_1455 = arith.addi %mul3A_1453, %add3A_1454 : i32
        %mul3A_1456 = arith.constant 4 : i32
        %mul3A_1457 = arith.muli %sub3A_1411, %mul3A_1456 : i32
        %add3A_1458 = arith.constant 2 : i32
        %add3A_1459 = arith.addi %mul3A_1457, %add3A_1458 : i32
        %mul3A_1460 = arith.constant 4 : i32
        %mul3A_1461 = arith.muli %sub3A_1411, %mul3A_1460 : i32
        %add3A_1462 = arith.constant 3 : i32
        %add3A_1463 = arith.addi %mul3A_1461, %add3A_1462 : i32
        %mul3A_1464 = arith.constant 4 : i32
        %mul3A_1465 = arith.muli %sub3A_1411, %mul3A_1464 : i32
        %add3A_1466 = arith.constant 3 : i32
        %add3A_1467 = arith.addi %mul3A_1465, %add3A_1466 : i32
        %mul3A_1468 = arith.constant 4 : i32
        %mul3A_1469 = arith.muli %sub3A_1411, %mul3A_1468 : i32
        %add3A_1470 = arith.constant 3 : i32
        %add3A_1471 = arith.addi %mul3A_1469, %add3A_1470 : i32
        %mul3A_1472 = arith.constant 4 : i32
        %mul3A_1473 = arith.muli %sub3A_1411, %mul3A_1472 : i32
        %add3A_1474 = arith.constant 3 : i32
        %add3A_1475 = arith.addi %mul3A_1473, %add3A_1474 : i32
        %dma_wait3A_1476 = arith.constant 1 : i32
        %dma_wait3A_1477 = arith.constant 0 : i32
        %dma_wait3A_1478 = arith.constant 0 : i32
        %dma_wait3A_1479 = arith.constant 0 : i32
        %dma_wait3A_1480 = tpu.memref_slice %arg8[%dma_wait3A_1476, %dma_wait3A_1478, %dma_wait3A_1479] : memref<2x128x128xf32, #tpu.memory_space<vmem>> -> memref<1x8x128xf32, #tpu.memory_space<vmem>>
        %dma_wait3A_1481 = tpu.memref_squeeze %dma_wait3A_1480 : memref<1x8x128xf32, #tpu.memory_space<vmem>> -> memref<8x128xf32, #tpu.memory_space<vmem>>
        %dma_wait3A_1482 = arith.constant 0 : i32
        %dma_wait3A_1483 = arith.constant 0 : i32
        %dma_wait3A_1484 = tpu.memref_slice %arg4[%add3A_1415, %dma_wait3A_1477, %add3A, %dma_wait3A_1482, %dma_wait3A_1483] : memref<200x4x32x8x128xf32, #tpu.memory_space<hbm>> -> memref<1x1x1x8x128xf32, #tpu.memory_space<hbm>>
        %dma_wait3A_1485 = tpu.memref_squeeze %dma_wait3A_1484 : memref<1x1x1x8x128xf32, #tpu.memory_space<hbm>> -> memref<8x128xf32, #tpu.memory_space<hbm>>
        %dma_wait3A_1486 = arith.constant 0 : i32
        %dma_wait3A_1487 = arith.constant 0 : i32
        %dma_wait3A_1488 = tpu.memref_slice %arg4[%add3A_1415, %dma_wait3A_1477, %add3A, %dma_wait3A_1486, %dma_wait3A_1487] : memref<200x4x32x8x128xf32, #tpu.memory_space<hbm>> -> memref<1x1x1x8x128xf32, #tpu.memory_space<hbm>>
        %dma_wait3A_1489 = tpu.memref_squeeze %dma_wait3A_1488 : memref<1x1x1x8x128xf32, #tpu.memory_space<hbm>> -> memref<8x128xf32, #tpu.memory_space<hbm>>
        %dma_wait3A_1490 = arith.constant 0 : i32
        %dma_wait3A_1491 = arith.constant 0 : i32
        %dma_wait3A_1492 = tpu.memref_slice %arg8[%dma_wait3A_1476, %dma_wait3A_1490, %dma_wait3A_1491] : memref<2x128x128xf32, #tpu.memory_space<vmem>> -> memref<1x8x128xf32, #tpu.memory_space<vmem>>
        %dma_wait3A_1493 = tpu.memref_squeeze %dma_wait3A_1492 : memref<1x8x128xf32, #tpu.memory_space<vmem>> -> memref<8x128xf32, #tpu.memory_space<vmem>>
        tpu.wait_dma2 semaphore(%arg13 : memref<!tpu.dma_semaphore, #tpu.memory_space<semaphore_mem>>) src(%dma_wait3A_1493 : memref<8x128xf32, #tpu.memory_space<vmem>>) dst(%dma_wait3A_1489 : memref<8x128xf32, #tpu.memory_space<hbm>>)
        %dma_wait3A_1494 = arith.constant 1 : i32
        %dma_wait3A_1495 = arith.constant 1 : i32
        %dma_wait3A_1496 = arith.constant 8 : i32
        %dma_wait3A_1497 = arith.constant 0 : i32
        %dma_wait3A_1498 = tpu.memref_slice %arg8[%dma_wait3A_1494, %dma_wait3A_1496, %dma_wait3A_1497] : memref<2x128x128xf32, #tpu.memory_space<vmem>> -> memref<1x8x128xf32, #tpu.memory_space<vmem>>
        %dma_wait3A_1499 = tpu.memref_squeeze %dma_wait3A_1498 : memref<1x8x128xf32, #tpu.memory_space<vmem>> -> memref<8x128xf32, #tpu.memory_space<vmem>>
        %dma_wait3A_1500 = arith.constant 0 : i32
        %dma_wait3A_1501 = arith.constant 0 : i32
        %dma_wait3A_1502 = tpu.memref_slice %arg4[%add3A_1419, %dma_wait3A_1495, %add3A, %dma_wait3A_1500, %dma_wait3A_1501] : memref<200x4x32x8x128xf32, #tpu.memory_space<hbm>> -> memref<1x1x1x8x128xf32, #tpu.memory_space<hbm>>
        %dma_wait3A_1503 = tpu.memref_squeeze %dma_wait3A_1502 : memref<1x1x1x8x128xf32, #tpu.memory_space<hbm>> -> memref<8x128xf32, #tpu.memory_space<hbm>>
        %dma_wait3A_1504 = arith.constant 0 : i32
        %dma_wait3A_1505 = arith.constant 0 : i32
        %dma_wait3A_1506 = tpu.memref_slice %arg4[%add3A_1419, %dma_wait3A_1495, %add3A, %dma_wait3A_1504, %dma_wait3A_1505] : memref<200x4x32x8x128xf32, #tpu.memory_space<hbm>> -> memref<1x1x1x8x128xf32, #tpu.memory_space<hbm>>
        %dma_wait3A_1507 = tpu.memref_squeeze %dma_wait3A_1506 : memref<1x1x1x8x128xf32, #tpu.memory_space<hbm>> -> memref<8x128xf32, #tpu.memory_space<hbm>>
        %dma_wait3A_1508 = arith.constant 8 : i32
        %dma_wait3A_1509 = arith.constant 0 : i32
        %dma_wait3A_1510 = tpu.memref_slice %arg8[%dma_wait3A_1494, %dma_wait3A_1508, %dma_wait3A_1509] : memref<2x128x128xf32, #tpu.memory_space<vmem>> -> memref<1x8x128xf32, #tpu.memory_space<vmem>>
        %dma_wait3A_1511 = tpu.memref_squeeze %dma_wait3A_1510 : memref<1x8x128xf32, #tpu.memory_space<vmem>> -> memref<8x128xf32, #tpu.memory_space<vmem>>
        tpu.wait_dma2 semaphore(%arg13 : memref<!tpu.dma_semaphore, #tpu.memory_space<semaphore_mem>>) src(%dma_wait3A_1511 : memref<8x128xf32, #tpu.memory_space<vmem>>) dst(%dma_wait3A_1507 : memref<8x128xf32, #tpu.memory_space<hbm>>)
        %dma_wait3A_1512 = arith.constant 1 : i32
        %dma_wait3A_1513 = arith.constant 2 : i32
        %dma_wait3A_1514 = arith.constant 16 : i32
        %dma_wait3A_1515 = arith.constant 0 : i32
        %dma_wait3A_1516 = tpu.memref_slice %arg8[%dma_wait3A_1512, %dma_wait3A_1514, %dma_wait3A_1515] : memref<2x128x128xf32, #tpu.memory_space<vmem>> -> memref<1x8x128xf32, #tpu.memory_space<vmem>>
        %dma_wait3A_1517 = tpu.memref_squeeze %dma_wait3A_1516 : memref<1x8x128xf32, #tpu.memory_space<vmem>> -> memref<8x128xf32, #tpu.memory_space<vmem>>
        %dma_wait3A_1518 = arith.constant 0 : i32
        %dma_wait3A_1519 = arith.constant 0 : i32
        %dma_wait3A_1520 = tpu.memref_slice %arg4[%add3A_1423, %dma_wait3A_1513, %add3A, %dma_wait3A_1518, %dma_wait3A_1519] : memref<200x4x32x8x128xf32, #tpu.memory_space<hbm>> -> memref<1x1x1x8x128xf32, #tpu.memory_space<hbm>>
        %dma_wait3A_1521 = tpu.memref_squeeze %dma_wait3A_1520 : memref<1x1x1x8x128xf32, #tpu.memory_space<hbm>> -> memref<8x128xf32, #tpu.memory_space<hbm>>
        %dma_wait3A_1522 = arith.constant 0 : i32
        %dma_wait3A_1523 = arith.constant 0 : i32
        %dma_wait3A_1524 = tpu.memref_slice %arg4[%add3A_1423, %dma_wait3A_1513, %add3A, %dma_wait3A_1522, %dma_wait3A_1523] : memref<200x4x32x8x128xf32, #tpu.memory_space<hbm>> -> memref<1x1x1x8x128xf32, #tpu.memory_space<hbm>>
        %dma_wait3A_1525 = tpu.memref_squeeze %dma_wait3A_1524 : memref<1x1x1x8x128xf32, #tpu.memory_space<hbm>> -> memref<8x128xf32, #tpu.memory_space<hbm>>
        %dma_wait3A_1526 = arith.constant 16 : i32
        %dma_wait3A_1527 = arith.constant 0 : i32
        %dma_wait3A_1528 = tpu.memref_slice %arg8[%dma_wait3A_1512, %dma_wait3A_1526, %dma_wait3A_1527] : memref<2x128x128xf32, #tpu.memory_space<vmem>> -> memref<1x8x128xf32, #tpu.memory_space<vmem>>
        %dma_wait3A_1529 = tpu.memref_squeeze %dma_wait3A_1528 : memref<1x8x128xf32, #tpu.memory_space<vmem>> -> memref<8x128xf32, #tpu.memory_space<vmem>>
        tpu.wait_dma2 semaphore(%arg13 : memref<!tpu.dma_semaphore, #tpu.memory_space<semaphore_mem>>) src(%dma_wait3A_1529 : memref<8x128xf32, #tpu.memory_space<vmem>>) dst(%dma_wait3A_1525 : memref<8x128xf32, #tpu.memory_space<hbm>>)
        %dma_wait3A_1530 = arith.constant 1 : i32
        %dma_wait3A_1531 = arith.constant 3 : i32
        %dma_wait3A_1532 = arith.constant 24 : i32
        %dma_wait3A_1533 = arith.constant 0 : i32
        %dma_wait3A_1534 = tpu.memref_slice %arg8[%dma_wait3A_1530, %dma_wait3A_1532, %dma_wait3A_1533] : memref<2x128x128xf32, #tpu.memory_space<vmem>> -> memref<1x8x128xf32, #tpu.memory_space<vmem>>
        %dma_wait3A_1535 = tpu.memref_squeeze %dma_wait3A_1534 : memref<1x8x128xf32, #tpu.memory_space<vmem>> -> memref<8x128xf32, #tpu.memory_space<vmem>>
        %dma_wait3A_1536 = arith.constant 0 : i32
        %dma_wait3A_1537 = arith.constant 0 : i32
        %dma_wait3A_1538 = tpu.memref_slice %arg4[%add3A_1427, %dma_wait3A_1531, %add3A, %dma_wait3A_1536, %dma_wait3A_1537] : memref<200x4x32x8x128xf32, #tpu.memory_space<hbm>> -> memref<1x1x1x8x128xf32, #tpu.memory_space<hbm>>
        %dma_wait3A_1539 = tpu.memref_squeeze %dma_wait3A_1538 : memref<1x1x1x8x128xf32, #tpu.memory_space<hbm>> -> memref<8x128xf32, #tpu.memory_space<hbm>>
        %dma_wait3A_1540 = arith.constant 0 : i32
        %dma_wait3A_1541 = arith.constant 0 : i32
        %dma_wait3A_1542 = tpu.memref_slice %arg4[%add3A_1427, %dma_wait3A_1531, %add3A, %dma_wait3A_1540, %dma_wait3A_1541] : memref<200x4x32x8x128xf32, #tpu.memory_space<hbm>> -> memref<1x1x1x8x128xf32, #tpu.memory_space<hbm>>
        %dma_wait3A_1543 = tpu.memref_squeeze %dma_wait3A_1542 : memref<1x1x1x8x128xf32, #tpu.memory_space<hbm>> -> memref<8x128xf32, #tpu.memory_space<hbm>>
        %dma_wait3A_1544 = arith.constant 24 : i32
        %dma_wait3A_1545 = arith.constant 0 : i32
        %dma_wait3A_1546 = tpu.memref_slice %arg8[%dma_wait3A_1530, %dma_wait3A_1544, %dma_wait3A_1545] : memref<2x128x128xf32, #tpu.memory_space<vmem>> -> memref<1x8x128xf32, #tpu.memory_space<vmem>>
        %dma_wait3A_1547 = tpu.memref_squeeze %dma_wait3A_1546 : memref<1x8x128xf32, #tpu.memory_space<vmem>> -> memref<8x128xf32, #tpu.memory_space<vmem>>
        tpu.wait_dma2 semaphore(%arg13 : memref<!tpu.dma_semaphore, #tpu.memory_space<semaphore_mem>>) src(%dma_wait3A_1547 : memref<8x128xf32, #tpu.memory_space<vmem>>) dst(%dma_wait3A_1543 : memref<8x128xf32, #tpu.memory_space<hbm>>)
        %dma_wait3A_1548 = arith.constant 1 : i32
        %dma_wait3A_1549 = arith.constant 0 : i32
        %dma_wait3A_1550 = arith.constant 32 : i32
        %dma_wait3A_1551 = arith.constant 0 : i32
        %dma_wait3A_1552 = tpu.memref_slice %arg8[%dma_wait3A_1548, %dma_wait3A_1550, %dma_wait3A_1551] : memref<2x128x128xf32, #tpu.memory_space<vmem>> -> memref<1x8x128xf32, #tpu.memory_space<vmem>>
        %dma_wait3A_1553 = tpu.memref_squeeze %dma_wait3A_1552 : memref<1x8x128xf32, #tpu.memory_space<vmem>> -> memref<8x128xf32, #tpu.memory_space<vmem>>
        %dma_wait3A_1554 = arith.constant 0 : i32
        %dma_wait3A_1555 = arith.constant 0 : i32
        %dma_wait3A_1556 = tpu.memref_slice %arg4[%add3A_1431, %dma_wait3A_1549, %add3A, %dma_wait3A_1554, %dma_wait3A_1555] : memref<200x4x32x8x128xf32, #tpu.memory_space<hbm>> -> memref<1x1x1x8x128xf32, #tpu.memory_space<hbm>>
        %dma_wait3A_1557 = tpu.memref_squeeze %dma_wait3A_1556 : memref<1x1x1x8x128xf32, #tpu.memory_space<hbm>> -> memref<8x128xf32, #tpu.memory_space<hbm>>
        %dma_wait3A_1558 = arith.constant 0 : i32
        %dma_wait3A_1559 = arith.constant 0 : i32
        %dma_wait3A_1560 = tpu.memref_slice %arg4[%add3A_1431, %dma_wait3A_1549, %add3A, %dma_wait3A_1558, %dma_wait3A_1559] : memref<200x4x32x8x128xf32, #tpu.memory_space<hbm>> -> memref<1x1x1x8x128xf32, #tpu.memory_space<hbm>>
        %dma_wait3A_1561 = tpu.memref_squeeze %dma_wait3A_1560 : memref<1x1x1x8x128xf32, #tpu.memory_space<hbm>> -> memref<8x128xf32, #tpu.memory_space<hbm>>
        %dma_wait3A_1562 = arith.constant 32 : i32
        %dma_wait3A_1563 = arith.constant 0 : i32
        %dma_wait3A_1564 = tpu.memref_slice %arg8[%dma_wait3A_1548, %dma_wait3A_1562, %dma_wait3A_1563] : memref<2x128x128xf32, #tpu.memory_space<vmem>> -> memref<1x8x128xf32, #tpu.memory_space<vmem>>
        %dma_wait3A_1565 = tpu.memref_squeeze %dma_wait3A_1564 : memref<1x8x128xf32, #tpu.memory_space<vmem>> -> memref<8x128xf32, #tpu.memory_space<vmem>>
        tpu.wait_dma2 semaphore(%arg13 : memref<!tpu.dma_semaphore, #tpu.memory_space<semaphore_mem>>) src(%dma_wait3A_1565 : memref<8x128xf32, #tpu.memory_space<vmem>>) dst(%dma_wait3A_1561 : memref<8x128xf32, #tpu.memory_space<hbm>>)
        %dma_wait3A_1566 = arith.constant 1 : i32
        %dma_wait3A_1567 = arith.constant 1 : i32
        %dma_wait3A_1568 = arith.constant 40 : i32
        %dma_wait3A_1569 = arith.constant 0 : i32
        %dma_wait3A_1570 = tpu.memref_slice %arg8[%dma_wait3A_1566, %dma_wait3A_1568, %dma_wait3A_1569] : memref<2x128x128xf32, #tpu.memory_space<vmem>> -> memref<1x8x128xf32, #tpu.memory_space<vmem>>
        %dma_wait3A_1571 = tpu.memref_squeeze %dma_wait3A_1570 : memref<1x8x128xf32, #tpu.memory_space<vmem>> -> memref<8x128xf32, #tpu.memory_space<vmem>>
        %dma_wait3A_1572 = arith.constant 0 : i32
        %dma_wait3A_1573 = arith.constant 0 : i32
        %dma_wait3A_1574 = tpu.memref_slice %arg4[%add3A_1435, %dma_wait3A_1567, %add3A, %dma_wait3A_1572, %dma_wait3A_1573] : memref<200x4x32x8x128xf32, #tpu.memory_space<hbm>> -> memref<1x1x1x8x128xf32, #tpu.memory_space<hbm>>
        %dma_wait3A_1575 = tpu.memref_squeeze %dma_wait3A_1574 : memref<1x1x1x8x128xf32, #tpu.memory_space<hbm>> -> memref<8x128xf32, #tpu.memory_space<hbm>>
        %dma_wait3A_1576 = arith.constant 0 : i32
        %dma_wait3A_1577 = arith.constant 0 : i32
        %dma_wait3A_1578 = tpu.memref_slice %arg4[%add3A_1435, %dma_wait3A_1567, %add3A, %dma_wait3A_1576, %dma_wait3A_1577] : memref<200x4x32x8x128xf32, #tpu.memory_space<hbm>> -> memref<1x1x1x8x128xf32, #tpu.memory_space<hbm>>
        %dma_wait3A_1579 = tpu.memref_squeeze %dma_wait3A_1578 : memref<1x1x1x8x128xf32, #tpu.memory_space<hbm>> -> memref<8x128xf32, #tpu.memory_space<hbm>>
        %dma_wait3A_1580 = arith.constant 40 : i32
        %dma_wait3A_1581 = arith.constant 0 : i32
        %dma_wait3A_1582 = tpu.memref_slice %arg8[%dma_wait3A_1566, %dma_wait3A_1580, %dma_wait3A_1581] : memref<2x128x128xf32, #tpu.memory_space<vmem>> -> memref<1x8x128xf32, #tpu.memory_space<vmem>>
        %dma_wait3A_1583 = tpu.memref_squeeze %dma_wait3A_1582 : memref<1x8x128xf32, #tpu.memory_space<vmem>> -> memref<8x128xf32, #tpu.memory_space<vmem>>
        tpu.wait_dma2 semaphore(%arg13 : memref<!tpu.dma_semaphore, #tpu.memory_space<semaphore_mem>>) src(%dma_wait3A_1583 : memref<8x128xf32, #tpu.memory_space<vmem>>) dst(%dma_wait3A_1579 : memref<8x128xf32, #tpu.memory_space<hbm>>)
        %dma_wait3A_1584 = arith.constant 1 : i32
        %dma_wait3A_1585 = arith.constant 2 : i32
        %dma_wait3A_1586 = arith.constant 48 : i32
        %dma_wait3A_1587 = arith.constant 0 : i32
        %dma_wait3A_1588 = tpu.memref_slice %arg8[%dma_wait3A_1584, %dma_wait3A_1586, %dma_wait3A_1587] : memref<2x128x128xf32, #tpu.memory_space<vmem>> -> memref<1x8x128xf32, #tpu.memory_space<vmem>>
        %dma_wait3A_1589 = tpu.memref_squeeze %dma_wait3A_1588 : memref<1x8x128xf32, #tpu.memory_space<vmem>> -> memref<8x128xf32, #tpu.memory_space<vmem>>
        %dma_wait3A_1590 = arith.constant 0 : i32
        %dma_wait3A_1591 = arith.constant 0 : i32
        %dma_wait3A_1592 = tpu.memref_slice %arg4[%add3A_1439, %dma_wait3A_1585, %add3A, %dma_wait3A_1590, %dma_wait3A_1591] : memref<200x4x32x8x128xf32, #tpu.memory_space<hbm>> -> memref<1x1x1x8x128xf32, #tpu.memory_space<hbm>>
        %dma_wait3A_1593 = tpu.memref_squeeze %dma_wait3A_1592 : memref<1x1x1x8x128xf32, #tpu.memory_space<hbm>> -> memref<8x128xf32, #tpu.memory_space<hbm>>
        %dma_wait3A_1594 = arith.constant 0 : i32
        %dma_wait3A_1595 = arith.constant 0 : i32
        %dma_wait3A_1596 = tpu.memref_slice %arg4[%add3A_1439, %dma_wait3A_1585, %add3A, %dma_wait3A_1594, %dma_wait3A_1595] : memref<200x4x32x8x128xf32, #tpu.memory_space<hbm>> -> memref<1x1x1x8x128xf32, #tpu.memory_space<hbm>>
        %dma_wait3A_1597 = tpu.memref_squeeze %dma_wait3A_1596 : memref<1x1x1x8x128xf32, #tpu.memory_space<hbm>> -> memref<8x128xf32, #tpu.memory_space<hbm>>
        %dma_wait3A_1598 = arith.constant 48 : i32
        %dma_wait3A_1599 = arith.constant 0 : i32
        %dma_wait3A_1600 = tpu.memref_slice %arg8[%dma_wait3A_1584, %dma_wait3A_1598, %dma_wait3A_1599] : memref<2x128x128xf32, #tpu.memory_space<vmem>> -> memref<1x8x128xf32, #tpu.memory_space<vmem>>
        %dma_wait3A_1601 = tpu.memref_squeeze %dma_wait3A_1600 : memref<1x8x128xf32, #tpu.memory_space<vmem>> -> memref<8x128xf32, #tpu.memory_space<vmem>>
        tpu.wait_dma2 semaphore(%arg13 : memref<!tpu.dma_semaphore, #tpu.memory_space<semaphore_mem>>) src(%dma_wait3A_1601 : memref<8x128xf32, #tpu.memory_space<vmem>>) dst(%dma_wait3A_1597 : memref<8x128xf32, #tpu.memory_space<hbm>>)
        %dma_wait3A_1602 = arith.constant 1 : i32
        %dma_wait3A_1603 = arith.constant 3 : i32
        %dma_wait3A_1604 = arith.constant 56 : i32
        %dma_wait3A_1605 = arith.constant 0 : i32
        %dma_wait3A_1606 = tpu.memref_slice %arg8[%dma_wait3A_1602, %dma_wait3A_1604, %dma_wait3A_1605] : memref<2x128x128xf32, #tpu.memory_space<vmem>> -> memref<1x8x128xf32, #tpu.memory_space<vmem>>
        %dma_wait3A_1607 = tpu.memref_squeeze %dma_wait3A_1606 : memref<1x8x128xf32, #tpu.memory_space<vmem>> -> memref<8x128xf32, #tpu.memory_space<vmem>>
        %dma_wait3A_1608 = arith.constant 0 : i32
        %dma_wait3A_1609 = arith.constant 0 : i32
        %dma_wait3A_1610 = tpu.memref_slice %arg4[%add3A_1443, %dma_wait3A_1603, %add3A, %dma_wait3A_1608, %dma_wait3A_1609] : memref<200x4x32x8x128xf32, #tpu.memory_space<hbm>> -> memref<1x1x1x8x128xf32, #tpu.memory_space<hbm>>
        %dma_wait3A_1611 = tpu.memref_squeeze %dma_wait3A_1610 : memref<1x1x1x8x128xf32, #tpu.memory_space<hbm>> -> memref<8x128xf32, #tpu.memory_space<hbm>>
        %dma_wait3A_1612 = arith.constant 0 : i32
        %dma_wait3A_1613 = arith.constant 0 : i32
        %dma_wait3A_1614 = tpu.memref_slice %arg4[%add3A_1443, %dma_wait3A_1603, %add3A, %dma_wait3A_1612, %dma_wait3A_1613] : memref<200x4x32x8x128xf32, #tpu.memory_space<hbm>> -> memref<1x1x1x8x128xf32, #tpu.memory_space<hbm>>
        %dma_wait3A_1615 = tpu.memref_squeeze %dma_wait3A_1614 : memref<1x1x1x8x128xf32, #tpu.memory_space<hbm>> -> memref<8x128xf32, #tpu.memory_space<hbm>>
        %dma_wait3A_1616 = arith.constant 56 : i32
        %dma_wait3A_1617 = arith.constant 0 : i32
        %dma_wait3A_1618 = tpu.memref_slice %arg8[%dma_wait3A_1602, %dma_wait3A_1616, %dma_wait3A_1617] : memref<2x128x128xf32, #tpu.memory_space<vmem>> -> memref<1x8x128xf32, #tpu.memory_space<vmem>>
        %dma_wait3A_1619 = tpu.memref_squeeze %dma_wait3A_1618 : memref<1x8x128xf32, #tpu.memory_space<vmem>> -> memref<8x128xf32, #tpu.memory_space<vmem>>
        tpu.wait_dma2 semaphore(%arg13 : memref<!tpu.dma_semaphore, #tpu.memory_space<semaphore_mem>>) src(%dma_wait3A_1619 : memref<8x128xf32, #tpu.memory_space<vmem>>) dst(%dma_wait3A_1615 : memref<8x128xf32, #tpu.memory_space<hbm>>)
        %dma_wait3A_1620 = arith.constant 1 : i32
        %dma_wait3A_1621 = arith.constant 0 : i32
        %dma_wait3A_1622 = arith.constant 64 : i32
        %dma_wait3A_1623 = arith.constant 0 : i32
        %dma_wait3A_1624 = tpu.memref_slice %arg8[%dma_wait3A_1620, %dma_wait3A_1622, %dma_wait3A_1623] : memref<2x128x128xf32, #tpu.memory_space<vmem>> -> memref<1x8x128xf32, #tpu.memory_space<vmem>>
        %dma_wait3A_1625 = tpu.memref_squeeze %dma_wait3A_1624 : memref<1x8x128xf32, #tpu.memory_space<vmem>> -> memref<8x128xf32, #tpu.memory_space<vmem>>
        %dma_wait3A_1626 = arith.constant 0 : i32
        %dma_wait3A_1627 = arith.constant 0 : i32
        %dma_wait3A_1628 = tpu.memref_slice %arg4[%add3A_1447, %dma_wait3A_1621, %add3A, %dma_wait3A_1626, %dma_wait3A_1627] : memref<200x4x32x8x128xf32, #tpu.memory_space<hbm>> -> memref<1x1x1x8x128xf32, #tpu.memory_space<hbm>>
        %dma_wait3A_1629 = tpu.memref_squeeze %dma_wait3A_1628 : memref<1x1x1x8x128xf32, #tpu.memory_space<hbm>> -> memref<8x128xf32, #tpu.memory_space<hbm>>
        %dma_wait3A_1630 = arith.constant 0 : i32
        %dma_wait3A_1631 = arith.constant 0 : i32
        %dma_wait3A_1632 = tpu.memref_slice %arg4[%add3A_1447, %dma_wait3A_1621, %add3A, %dma_wait3A_1630, %dma_wait3A_1631] : memref<200x4x32x8x128xf32, #tpu.memory_space<hbm>> -> memref<1x1x1x8x128xf32, #tpu.memory_space<hbm>>
        %dma_wait3A_1633 = tpu.memref_squeeze %dma_wait3A_1632 : memref<1x1x1x8x128xf32, #tpu.memory_space<hbm>> -> memref<8x128xf32, #tpu.memory_space<hbm>>
        %dma_wait3A_1634 = arith.constant 64 : i32
        %dma_wait3A_1635 = arith.constant 0 : i32
        %dma_wait3A_1636 = tpu.memref_slice %arg8[%dma_wait3A_1620, %dma_wait3A_1634, %dma_wait3A_1635] : memref<2x128x128xf32, #tpu.memory_space<vmem>> -> memref<1x8x128xf32, #tpu.memory_space<vmem>>
        %dma_wait3A_1637 = tpu.memref_squeeze %dma_wait3A_1636 : memref<1x8x128xf32, #tpu.memory_space<vmem>> -> memref<8x128xf32, #tpu.memory_space<vmem>>
        tpu.wait_dma2 semaphore(%arg13 : memref<!tpu.dma_semaphore, #tpu.memory_space<semaphore_mem>>) src(%dma_wait3A_1637 : memref<8x128xf32, #tpu.memory_space<vmem>>) dst(%dma_wait3A_1633 : memref<8x128xf32, #tpu.memory_space<hbm>>)
        %dma_wait3A_1638 = arith.constant 1 : i32
        %dma_wait3A_1639 = arith.constant 1 : i32
        %dma_wait3A_1640 = arith.constant 72 : i32
        %dma_wait3A_1641 = arith.constant 0 : i32
        %dma_wait3A_1642 = tpu.memref_slice %arg8[%dma_wait3A_1638, %dma_wait3A_1640, %dma_wait3A_1641] : memref<2x128x128xf32, #tpu.memory_space<vmem>> -> memref<1x8x128xf32, #tpu.memory_space<vmem>>
        %dma_wait3A_1643 = tpu.memref_squeeze %dma_wait3A_1642 : memref<1x8x128xf32, #tpu.memory_space<vmem>> -> memref<8x128xf32, #tpu.memory_space<vmem>>
        %dma_wait3A_1644 = arith.constant 0 : i32
        %dma_wait3A_1645 = arith.constant 0 : i32
        %dma_wait3A_1646 = tpu.memref_slice %arg4[%add3A_1451, %dma_wait3A_1639, %add3A, %dma_wait3A_1644, %dma_wait3A_1645] : memref<200x4x32x8x128xf32, #tpu.memory_space<hbm>> -> memref<1x1x1x8x128xf32, #tpu.memory_space<hbm>>
        %dma_wait3A_1647 = tpu.memref_squeeze %dma_wait3A_1646 : memref<1x1x1x8x128xf32, #tpu.memory_space<hbm>> -> memref<8x128xf32, #tpu.memory_space<hbm>>
        %dma_wait3A_1648 = arith.constant 0 : i32
        %dma_wait3A_1649 = arith.constant 0 : i32
        %dma_wait3A_1650 = tpu.memref_slice %arg4[%add3A_1451, %dma_wait3A_1639, %add3A, %dma_wait3A_1648, %dma_wait3A_1649] : memref<200x4x32x8x128xf32, #tpu.memory_space<hbm>> -> memref<1x1x1x8x128xf32, #tpu.memory_space<hbm>>
        %dma_wait3A_1651 = tpu.memref_squeeze %dma_wait3A_1650 : memref<1x1x1x8x128xf32, #tpu.memory_space<hbm>> -> memref<8x128xf32, #tpu.memory_space<hbm>>
        %dma_wait3A_1652 = arith.constant 72 : i32
        %dma_wait3A_1653 = arith.constant 0 : i32
        %dma_wait3A_1654 = tpu.memref_slice %arg8[%dma_wait3A_1638, %dma_wait3A_1652, %dma_wait3A_1653] : memref<2x128x128xf32, #tpu.memory_space<vmem>> -> memref<1x8x128xf32, #tpu.memory_space<vmem>>
        %dma_wait3A_1655 = tpu.memref_squeeze %dma_wait3A_1654 : memref<1x8x128xf32, #tpu.memory_space<vmem>> -> memref<8x128xf32, #tpu.memory_space<vmem>>
        tpu.wait_dma2 semaphore(%arg13 : memref<!tpu.dma_semaphore, #tpu.memory_space<semaphore_mem>>) src(%dma_wait3A_1655 : memref<8x128xf32, #tpu.memory_space<vmem>>) dst(%dma_wait3A_1651 : memref<8x128xf32, #tpu.memory_space<hbm>>)
        %dma_wait3A_1656 = arith.constant 1 : i32
        %dma_wait3A_1657 = arith.constant 2 : i32
        %dma_wait3A_1658 = arith.constant 80 : i32
        %dma_wait3A_1659 = arith.constant 0 : i32
        %dma_wait3A_1660 = tpu.memref_slice %arg8[%dma_wait3A_1656, %dma_wait3A_1658, %dma_wait3A_1659] : memref<2x128x128xf32, #tpu.memory_space<vmem>> -> memref<1x8x128xf32, #tpu.memory_space<vmem>>
        %dma_wait3A_1661 = tpu.memref_squeeze %dma_wait3A_1660 : memref<1x8x128xf32, #tpu.memory_space<vmem>> -> memref<8x128xf32, #tpu.memory_space<vmem>>
        %dma_wait3A_1662 = arith.constant 0 : i32
        %dma_wait3A_1663 = arith.constant 0 : i32
        %dma_wait3A_1664 = tpu.memref_slice %arg4[%add3A_1455, %dma_wait3A_1657, %add3A, %dma_wait3A_1662, %dma_wait3A_1663] : memref<200x4x32x8x128xf32, #tpu.memory_space<hbm>> -> memref<1x1x1x8x128xf32, #tpu.memory_space<hbm>>
        %dma_wait3A_1665 = tpu.memref_squeeze %dma_wait3A_1664 : memref<1x1x1x8x128xf32, #tpu.memory_space<hbm>> -> memref<8x128xf32, #tpu.memory_space<hbm>>
        %dma_wait3A_1666 = arith.constant 0 : i32
        %dma_wait3A_1667 = arith.constant 0 : i32
        %dma_wait3A_1668 = tpu.memref_slice %arg4[%add3A_1455, %dma_wait3A_1657, %add3A, %dma_wait3A_1666, %dma_wait3A_1667] : memref<200x4x32x8x128xf32, #tpu.memory_space<hbm>> -> memref<1x1x1x8x128xf32, #tpu.memory_space<hbm>>
        %dma_wait3A_1669 = tpu.memref_squeeze %dma_wait3A_1668 : memref<1x1x1x8x128xf32, #tpu.memory_space<hbm>> -> memref<8x128xf32, #tpu.memory_space<hbm>>
        %dma_wait3A_1670 = arith.constant 80 : i32
        %dma_wait3A_1671 = arith.constant 0 : i32
        %dma_wait3A_1672 = tpu.memref_slice %arg8[%dma_wait3A_1656, %dma_wait3A_1670, %dma_wait3A_1671] : memref<2x128x128xf32, #tpu.memory_space<vmem>> -> memref<1x8x128xf32, #tpu.memory_space<vmem>>
        %dma_wait3A_1673 = tpu.memref_squeeze %dma_wait3A_1672 : memref<1x8x128xf32, #tpu.memory_space<vmem>> -> memref<8x128xf32, #tpu.memory_space<vmem>>
        tpu.wait_dma2 semaphore(%arg13 : memref<!tpu.dma_semaphore, #tpu.memory_space<semaphore_mem>>) src(%dma_wait3A_1673 : memref<8x128xf32, #tpu.memory_space<vmem>>) dst(%dma_wait3A_1669 : memref<8x128xf32, #tpu.memory_space<hbm>>)
        %dma_wait3A_1674 = arith.constant 1 : i32
        %dma_wait3A_1675 = arith.constant 3 : i32
        %dma_wait3A_1676 = arith.constant 88 : i32
        %dma_wait3A_1677 = arith.constant 0 : i32
        %dma_wait3A_1678 = tpu.memref_slice %arg8[%dma_wait3A_1674, %dma_wait3A_1676, %dma_wait3A_1677] : memref<2x128x128xf32, #tpu.memory_space<vmem>> -> memref<1x8x128xf32, #tpu.memory_space<vmem>>
        %dma_wait3A_1679 = tpu.memref_squeeze %dma_wait3A_1678 : memref<1x8x128xf32, #tpu.memory_space<vmem>> -> memref<8x128xf32, #tpu.memory_space<vmem>>
        %dma_wait3A_1680 = arith.constant 0 : i32
        %dma_wait3A_1681 = arith.constant 0 : i32
        %dma_wait3A_1682 = tpu.memref_slice %arg4[%add3A_1459, %dma_wait3A_1675, %add3A, %dma_wait3A_1680, %dma_wait3A_1681] : memref<200x4x32x8x128xf32, #tpu.memory_space<hbm>> -> memref<1x1x1x8x128xf32, #tpu.memory_space<hbm>>
        %dma_wait3A_1683 = tpu.memref_squeeze %dma_wait3A_1682 : memref<1x1x1x8x128xf32, #tpu.memory_space<hbm>> -> memref<8x128xf32, #tpu.memory_space<hbm>>
        %dma_wait3A_1684 = arith.constant 0 : i32
        %dma_wait3A_1685 = arith.constant 0 : i32
        %dma_wait3A_1686 = tpu.memref_slice %arg4[%add3A_1459, %dma_wait3A_1675, %add3A, %dma_wait3A_1684, %dma_wait3A_1685] : memref<200x4x32x8x128xf32, #tpu.memory_space<hbm>> -> memref<1x1x1x8x128xf32, #tpu.memory_space<hbm>>
        %dma_wait3A_1687 = tpu.memref_squeeze %dma_wait3A_1686 : memref<1x1x1x8x128xf32, #tpu.memory_space<hbm>> -> memref<8x128xf32, #tpu.memory_space<hbm>>
        %dma_wait3A_1688 = arith.constant 88 : i32
        %dma_wait3A_1689 = arith.constant 0 : i32
        %dma_wait3A_1690 = tpu.memref_slice %arg8[%dma_wait3A_1674, %dma_wait3A_1688, %dma_wait3A_1689] : memref<2x128x128xf32, #tpu.memory_space<vmem>> -> memref<1x8x128xf32, #tpu.memory_space<vmem>>
        %dma_wait3A_1691 = tpu.memref_squeeze %dma_wait3A_1690 : memref<1x8x128xf32, #tpu.memory_space<vmem>> -> memref<8x128xf32, #tpu.memory_space<vmem>>
        tpu.wait_dma2 semaphore(%arg13 : memref<!tpu.dma_semaphore, #tpu.memory_space<semaphore_mem>>) src(%dma_wait3A_1691 : memref<8x128xf32, #tpu.memory_space<vmem>>) dst(%dma_wait3A_1687 : memref<8x128xf32, #tpu.memory_space<hbm>>)
        %dma_wait3A_1692 = arith.constant 1 : i32
        %dma_wait3A_1693 = arith.constant 0 : i32
        %dma_wait3A_1694 = arith.constant 96 : i32
        %dma_wait3A_1695 = arith.constant 0 : i32
        %dma_wait3A_1696 = tpu.memref_slice %arg8[%dma_wait3A_1692, %dma_wait3A_1694, %dma_wait3A_1695] : memref<2x128x128xf32, #tpu.memory_space<vmem>> -> memref<1x8x128xf32, #tpu.memory_space<vmem>>
        %dma_wait3A_1697 = tpu.memref_squeeze %dma_wait3A_1696 : memref<1x8x128xf32, #tpu.memory_space<vmem>> -> memref<8x128xf32, #tpu.memory_space<vmem>>
        %dma_wait3A_1698 = arith.constant 0 : i32
        %dma_wait3A_1699 = arith.constant 0 : i32
        %dma_wait3A_1700 = tpu.memref_slice %arg4[%add3A_1463, %dma_wait3A_1693, %add3A, %dma_wait3A_1698, %dma_wait3A_1699] : memref<200x4x32x8x128xf32, #tpu.memory_space<hbm>> -> memref<1x1x1x8x128xf32, #tpu.memory_space<hbm>>
        %dma_wait3A_1701 = tpu.memref_squeeze %dma_wait3A_1700 : memref<1x1x1x8x128xf32, #tpu.memory_space<hbm>> -> memref<8x128xf32, #tpu.memory_space<hbm>>
        %dma_wait3A_1702 = arith.constant 0 : i32
        %dma_wait3A_1703 = arith.constant 0 : i32
        %dma_wait3A_1704 = tpu.memref_slice %arg4[%add3A_1463, %dma_wait3A_1693, %add3A, %dma_wait3A_1702, %dma_wait3A_1703] : memref<200x4x32x8x128xf32, #tpu.memory_space<hbm>> -> memref<1x1x1x8x128xf32, #tpu.memory_space<hbm>>
        %dma_wait3A_1705 = tpu.memref_squeeze %dma_wait3A_1704 : memref<1x1x1x8x128xf32, #tpu.memory_space<hbm>> -> memref<8x128xf32, #tpu.memory_space<hbm>>
        %dma_wait3A_1706 = arith.constant 96 : i32
        %dma_wait3A_1707 = arith.constant 0 : i32
        %dma_wait3A_1708 = tpu.memref_slice %arg8[%dma_wait3A_1692, %dma_wait3A_1706, %dma_wait3A_1707] : memref<2x128x128xf32, #tpu.memory_space<vmem>> -> memref<1x8x128xf32, #tpu.memory_space<vmem>>
        %dma_wait3A_1709 = tpu.memref_squeeze %dma_wait3A_1708 : memref<1x8x128xf32, #tpu.memory_space<vmem>> -> memref<8x128xf32, #tpu.memory_space<vmem>>
        tpu.wait_dma2 semaphore(%arg13 : memref<!tpu.dma_semaphore, #tpu.memory_space<semaphore_mem>>) src(%dma_wait3A_1709 : memref<8x128xf32, #tpu.memory_space<vmem>>) dst(%dma_wait3A_1705 : memref<8x128xf32, #tpu.memory_space<hbm>>)
        %dma_wait3A_1710 = arith.constant 1 : i32
        %dma_wait3A_1711 = arith.constant 1 : i32
        %dma_wait3A_1712 = arith.constant 104 : i32
        %dma_wait3A_1713 = arith.constant 0 : i32
        %dma_wait3A_1714 = tpu.memref_slice %arg8[%dma_wait3A_1710, %dma_wait3A_1712, %dma_wait3A_1713] : memref<2x128x128xf32, #tpu.memory_space<vmem>> -> memref<1x8x128xf32, #tpu.memory_space<vmem>>
        %dma_wait3A_1715 = tpu.memref_squeeze %dma_wait3A_1714 : memref<1x8x128xf32, #tpu.memory_space<vmem>> -> memref<8x128xf32, #tpu.memory_space<vmem>>
        %dma_wait3A_1716 = arith.constant 0 : i32
        %dma_wait3A_1717 = arith.constant 0 : i32
        %dma_wait3A_1718 = tpu.memref_slice %arg4[%add3A_1467, %dma_wait3A_1711, %add3A, %dma_wait3A_1716, %dma_wait3A_1717] : memref<200x4x32x8x128xf32, #tpu.memory_space<hbm>> -> memref<1x1x1x8x128xf32, #tpu.memory_space<hbm>>
        %dma_wait3A_1719 = tpu.memref_squeeze %dma_wait3A_1718 : memref<1x1x1x8x128xf32, #tpu.memory_space<hbm>> -> memref<8x128xf32, #tpu.memory_space<hbm>>
        %dma_wait3A_1720 = arith.constant 0 : i32
        %dma_wait3A_1721 = arith.constant 0 : i32
        %dma_wait3A_1722 = tpu.memref_slice %arg4[%add3A_1467, %dma_wait3A_1711, %add3A, %dma_wait3A_1720, %dma_wait3A_1721] : memref<200x4x32x8x128xf32, #tpu.memory_space<hbm>> -> memref<1x1x1x8x128xf32, #tpu.memory_space<hbm>>
        %dma_wait3A_1723 = tpu.memref_squeeze %dma_wait3A_1722 : memref<1x1x1x8x128xf32, #tpu.memory_space<hbm>> -> memref<8x128xf32, #tpu.memory_space<hbm>>
        %dma_wait3A_1724 = arith.constant 104 : i32
        %dma_wait3A_1725 = arith.constant 0 : i32
        %dma_wait3A_1726 = tpu.memref_slice %arg8[%dma_wait3A_1710, %dma_wait3A_1724, %dma_wait3A_1725] : memref<2x128x128xf32, #tpu.memory_space<vmem>> -> memref<1x8x128xf32, #tpu.memory_space<vmem>>
        %dma_wait3A_1727 = tpu.memref_squeeze %dma_wait3A_1726 : memref<1x8x128xf32, #tpu.memory_space<vmem>> -> memref<8x128xf32, #tpu.memory_space<vmem>>
        tpu.wait_dma2 semaphore(%arg13 : memref<!tpu.dma_semaphore, #tpu.memory_space<semaphore_mem>>) src(%dma_wait3A_1727 : memref<8x128xf32, #tpu.memory_space<vmem>>) dst(%dma_wait3A_1723 : memref<8x128xf32, #tpu.memory_space<hbm>>)
        %dma_wait3A_1728 = arith.constant 1 : i32
        %dma_wait3A_1729 = arith.constant 2 : i32
        %dma_wait3A_1730 = arith.constant 112 : i32
        %dma_wait3A_1731 = arith.constant 0 : i32
        %dma_wait3A_1732 = tpu.memref_slice %arg8[%dma_wait3A_1728, %dma_wait3A_1730, %dma_wait3A_1731] : memref<2x128x128xf32, #tpu.memory_space<vmem>> -> memref<1x8x128xf32, #tpu.memory_space<vmem>>
        %dma_wait3A_1733 = tpu.memref_squeeze %dma_wait3A_1732 : memref<1x8x128xf32, #tpu.memory_space<vmem>> -> memref<8x128xf32, #tpu.memory_space<vmem>>
        %dma_wait3A_1734 = arith.constant 0 : i32
        %dma_wait3A_1735 = arith.constant 0 : i32
        %dma_wait3A_1736 = tpu.memref_slice %arg4[%add3A_1471, %dma_wait3A_1729, %add3A, %dma_wait3A_1734, %dma_wait3A_1735] : memref<200x4x32x8x128xf32, #tpu.memory_space<hbm>> -> memref<1x1x1x8x128xf32, #tpu.memory_space<hbm>>
        %dma_wait3A_1737 = tpu.memref_squeeze %dma_wait3A_1736 : memref<1x1x1x8x128xf32, #tpu.memory_space<hbm>> -> memref<8x128xf32, #tpu.memory_space<hbm>>
        %dma_wait3A_1738 = arith.constant 0 : i32
        %dma_wait3A_1739 = arith.constant 0 : i32
        %dma_wait3A_1740 = tpu.memref_slice %arg4[%add3A_1471, %dma_wait3A_1729, %add3A, %dma_wait3A_1738, %dma_wait3A_1739] : memref<200x4x32x8x128xf32, #tpu.memory_space<hbm>> -> memref<1x1x1x8x128xf32, #tpu.memory_space<hbm>>
        %dma_wait3A_1741 = tpu.memref_squeeze %dma_wait3A_1740 : memref<1x1x1x8x128xf32, #tpu.memory_space<hbm>> -> memref<8x128xf32, #tpu.memory_space<hbm>>
        %dma_wait3A_1742 = arith.constant 112 : i32
        %dma_wait3A_1743 = arith.constant 0 : i32
        %dma_wait3A_1744 = tpu.memref_slice %arg8[%dma_wait3A_1728, %dma_wait3A_1742, %dma_wait3A_1743] : memref<2x128x128xf32, #tpu.memory_space<vmem>> -> memref<1x8x128xf32, #tpu.memory_space<vmem>>
        %dma_wait3A_1745 = tpu.memref_squeeze %dma_wait3A_1744 : memref<1x8x128xf32, #tpu.memory_space<vmem>> -> memref<8x128xf32, #tpu.memory_space<vmem>>
        tpu.wait_dma2 semaphore(%arg13 : memref<!tpu.dma_semaphore, #tpu.memory_space<semaphore_mem>>) src(%dma_wait3A_1745 : memref<8x128xf32, #tpu.memory_space<vmem>>) dst(%dma_wait3A_1741 : memref<8x128xf32, #tpu.memory_space<hbm>>)
        %dma_wait3A_1746 = arith.constant 1 : i32
        %dma_wait3A_1747 = arith.constant 3 : i32
        %dma_wait3A_1748 = arith.constant 120 : i32
        %dma_wait3A_1749 = arith.constant 0 : i32
        %dma_wait3A_1750 = tpu.memref_slice %arg8[%dma_wait3A_1746, %dma_wait3A_1748, %dma_wait3A_1749] : memref<2x128x128xf32, #tpu.memory_space<vmem>> -> memref<1x8x128xf32, #tpu.memory_space<vmem>>
        %dma_wait3A_1751 = tpu.memref_squeeze %dma_wait3A_1750 : memref<1x8x128xf32, #tpu.memory_space<vmem>> -> memref<8x128xf32, #tpu.memory_space<vmem>>
        %dma_wait3A_1752 = arith.constant 0 : i32
        %dma_wait3A_1753 = arith.constant 0 : i32
        %dma_wait3A_1754 = tpu.memref_slice %arg4[%add3A_1475, %dma_wait3A_1747, %add3A, %dma_wait3A_1752, %dma_wait3A_1753] : memref<200x4x32x8x128xf32, #tpu.memory_space<hbm>> -> memref<1x1x1x8x128xf32, #tpu.memory_space<hbm>>
        %dma_wait3A_1755 = tpu.memref_squeeze %dma_wait3A_1754 : memref<1x1x1x8x128xf32, #tpu.memory_space<hbm>> -> memref<8x128xf32, #tpu.memory_space<hbm>>
        %dma_wait3A_1756 = arith.constant 0 : i32
        %dma_wait3A_1757 = arith.constant 0 : i32
        %dma_wait3A_1758 = tpu.memref_slice %arg4[%add3A_1475, %dma_wait3A_1747, %add3A, %dma_wait3A_1756, %dma_wait3A_1757] : memref<200x4x32x8x128xf32, #tpu.memory_space<hbm>> -> memref<1x1x1x8x128xf32, #tpu.memory_space<hbm>>
        %dma_wait3A_1759 = tpu.memref_squeeze %dma_wait3A_1758 : memref<1x1x1x8x128xf32, #tpu.memory_space<hbm>> -> memref<8x128xf32, #tpu.memory_space<hbm>>
        %dma_wait3A_1760 = arith.constant 120 : i32
        %dma_wait3A_1761 = arith.constant 0 : i32
        %dma_wait3A_1762 = tpu.memref_slice %arg8[%dma_wait3A_1746, %dma_wait3A_1760, %dma_wait3A_1761] : memref<2x128x128xf32, #tpu.memory_space<vmem>> -> memref<1x8x128xf32, #tpu.memory_space<vmem>>
        %dma_wait3A_1763 = tpu.memref_squeeze %dma_wait3A_1762 : memref<1x8x128xf32, #tpu.memory_space<vmem>> -> memref<8x128xf32, #tpu.memory_space<vmem>>
        tpu.wait_dma2 semaphore(%arg13 : memref<!tpu.dma_semaphore, #tpu.memory_space<semaphore_mem>>) src(%dma_wait3A_1763 : memref<8x128xf32, #tpu.memory_space<vmem>>) dst(%dma_wait3A_1759 : memref<8x128xf32, #tpu.memory_space<hbm>>)
      } else {
      }
      %parallel_loop3A_1056 = arith.constant 0 : i32
      %parallel_loop3A_1057 = arith.constant 64 : i32
      %parallel_loop3A_1058 = arith.constant 1 : i32
      scf.for %parallel_loop3A_1411 = %parallel_loop3A_1056 to %parallel_loop3A_1057 step %parallel_loop3A_1058  : i32 {
        %parallel_loop3A_1412 = arith.constant 4 : i32
        %parallel_loop3A_1413 = arith.shrsi %parallel_loop3A_1411, %parallel_loop3A_1412 : i32
        %parallel_loop3A_1414 = arith.constant 3 : i32
        %parallel_loop3A_1415 = arith.shrsi %parallel_loop3A_1411, %parallel_loop3A_1414 : i32
        %parallel_loop3A_1416 = arith.constant 1 : i32
        %parallel_loop3A_1417 = arith.andi %parallel_loop3A_1415, %parallel_loop3A_1416 : i32
        %parallel_loop3A_1418 = arith.constant 7 : i32
        %parallel_loop3A_1419 = arith.andi %parallel_loop3A_1411, %parallel_loop3A_1418 : i32
        %parallel_loop3A_1420 = arith.constant 7 : i32
        %parallel_loop3A_1421 = arith.shli %parallel_loop3A_1413, %parallel_loop3A_1420 : i32
        %parallel_loop3A_1422 = arith.constant 4 : i32
        %parallel_loop3A_1423 = arith.shli %parallel_loop3A_1419, %parallel_loop3A_1422 : i32
        %parallel_loop3A_1424 = arith.addi %parallel_loop3A_1421, %parallel_loop3A_1423 : i32
        %parallel_loop3A_1425 = vector.broadcast %parallel_loop3A_1424 : i32 to vector<16xi32>
        %parallel_loop3A_1426 = arith.addi %parallel_loop3A_1425, %iota3A : vector<16xi32>
        %parallel_loop3A_1427 = arith.constant 4 : i32
        %parallel_loop3A_1428 = arith.shli %parallel_loop3A_1419, %parallel_loop3A_1427 : i32
        %parallel_loop3A_1429 = vector.broadcast %parallel_loop3A_1428 : i32 to vector<16xi32>
        %parallel_loop3A_1430 = arith.addi %parallel_loop3A_1429, %iota3A : vector<16xi32>
        %parallel_loop3A_1431 = arith.constant 0 : i32
        %parallel_loop3A_1432 = vector.broadcast %parallel_loop3A_1431 : i32 to vector<16xi32>
        %parallel_loop3A_1433 = arith.addi %iota3A, %parallel_loop3A_1432 : vector<16xi32>
        %parallel_loop3A_1434 = arith.constant 15 : i32
        %parallel_loop3A_1435 = vector.broadcast %parallel_loop3A_1434 : i32 to vector<16xi32>
        %parallel_loop3A_1436 = arith.andi %parallel_loop3A_1433, %parallel_loop3A_1435 : vector<16xi32>
        %parallel_loop3A_1437 = arith.constant 4 : i32
        %parallel_loop3A_1438 = arith.shli %parallel_loop3A_1417, %parallel_loop3A_1437 : i32
        %parallel_loop3A_1439 = vector.broadcast %parallel_loop3A_1438 : i32 to vector<16xi32>
        %parallel_loop3A_1440 = arith.addi %parallel_loop3A_1439, %parallel_loop3A_1436 : vector<16xi32>
        %parallel_loop3A_1441 = arith.constant 1 : i32
        %parallel_loop3A_1442 = arith.constant 0 : i32
        %parallel_loop3A_1443 = arith.constant 0 : i32
        %parallel_loop3A_1444 = tpu.memref_slice %arg7[%parallel_loop3A_1441, %parallel_loop3A_1442, %parallel_loop3A_1443] : memref<2x512x32xf32, #tpu.memory_space<vmem>> -> memref<1x512x32xf32, #tpu.memory_space<vmem>>
        %parallel_loop3A_1445 = tpu.memref_squeeze %parallel_loop3A_1444 : memref<1x512x32xf32, #tpu.memory_space<vmem>> -> memref<512x32xf32, #tpu.memory_space<vmem>>
        %parallel_loop3A_1446 = tpu.vector_load_idx %parallel_loop3A_1445[%parallel_loop3A_1426, %parallel_loop3A_1440] : memref<512x32xf32, #tpu.memory_space<vmem>>[vector<16xi32>, vector<16xi32>], vector<16xf32>,
        %parallel_loop3A_1447 = arith.constant 5 : i32
        %parallel_loop3A_1448 = arith.shli %parallel_loop3A_1413, %parallel_loop3A_1447 : i32
        %parallel_loop3A_1449 = vector.broadcast %parallel_loop3A_1448 : i32 to vector<16xi32>
        %parallel_loop3A_1450 = arith.addi %parallel_loop3A_1449, %parallel_loop3A_1440 : vector<16xi32>
        %parallel_loop3A_1451 = arith.constant 1 : i32
        %parallel_loop3A_1452 = arith.constant 0 : i32
        %parallel_loop3A_1453 = arith.constant 0 : i32
        %parallel_loop3A_1454 = tpu.memref_slice %arg8[%parallel_loop3A_1451, %parallel_loop3A_1452, %parallel_loop3A_1453] : memref<2x128x128xf32, #tpu.memory_space<vmem>> -> memref<1x128x128xf32, #tpu.memory_space<vmem>>
        %parallel_loop3A_1455 = tpu.memref_squeeze %parallel_loop3A_1454 : memref<1x128x128xf32, #tpu.memory_space<vmem>> -> memref<128x128xf32, #tpu.memory_space<vmem>>
        tpu.vector_store_idx %parallel_loop3A_1455[%parallel_loop3A_1450, %parallel_loop3A_1430], %parallel_loop3A_1446 : memref<128x128xf32, #tpu.memory_space<vmem>>[vector<16xi32>, vector<16xi32>], vector<16xf32>,
        %parallel_loop3A_1456 = arith.constant 1 : i32
        %parallel_loop3A_1457 = vector.broadcast %parallel_loop3A_1456 : i32 to vector<16xi32>
        %parallel_loop3A_1458 = arith.addi %iota3A, %parallel_loop3A_1457 : vector<16xi32>
        %parallel_loop3A_1459 = arith.constant 15 : i32
        %parallel_loop3A_1460 = vector.broadcast %parallel_loop3A_1459 : i32 to vector<16xi32>
        %parallel_loop3A_1461 = arith.andi %parallel_loop3A_1458, %parallel_loop3A_1460 : vector<16xi32>
        %parallel_loop3A_1462 = arith.constant 4 : i32
        %parallel_loop3A_1463 = arith.shli %parallel_loop3A_1417, %parallel_loop3A_1462 : i32
        %parallel_loop3A_1464 = vector.broadcast %parallel_loop3A_1463 : i32 to vector<16xi32>
        %parallel_loop3A_1465 = arith.addi %parallel_loop3A_1464, %parallel_loop3A_1461 : vector<16xi32>
        %parallel_loop3A_1466 = arith.constant 1 : i32
        %parallel_loop3A_1467 = arith.constant 0 : i32
        %parallel_loop3A_1468 = arith.constant 0 : i32
        %parallel_loop3A_1469 = tpu.memref_slice %arg7[%parallel_loop3A_1466, %parallel_loop3A_1467, %parallel_loop3A_1468] : memref<2x512x32xf32, #tpu.memory_space<vmem>> -> memref<1x512x32xf32, #tpu.memory_space<vmem>>
        %parallel_loop3A_1470 = tpu.memref_squeeze %parallel_loop3A_1469 : memref<1x512x32xf32, #tpu.memory_space<vmem>> -> memref<512x32xf32, #tpu.memory_space<vmem>>
        %parallel_loop3A_1471 = tpu.vector_load_idx %parallel_loop3A_1470[%parallel_loop3A_1426, %parallel_loop3A_1465] : memref<512x32xf32, #tpu.memory_space<vmem>>[vector<16xi32>, vector<16xi32>], vector<16xf32>,
        %parallel_loop3A_1472 = arith.constant 5 : i32
        %parallel_loop3A_1473 = arith.shli %parallel_loop3A_1413, %parallel_loop3A_1472 : i32
        %parallel_loop3A_1474 = vector.broadcast %parallel_loop3A_1473 : i32 to vector<16xi32>
        %parallel_loop3A_1475 = arith.addi %parallel_loop3A_1474, %parallel_loop3A_1465 : vector<16xi32>
        %parallel_loop3A_1476 = arith.constant 1 : i32
        %parallel_loop3A_1477 = arith.constant 0 : i32
        %parallel_loop3A_1478 = arith.constant 0 : i32
        %parallel_loop3A_1479 = tpu.memref_slice %arg8[%parallel_loop3A_1476, %parallel_loop3A_1477, %parallel_loop3A_1478] : memref<2x128x128xf32, #tpu.memory_space<vmem>> -> memref<1x128x128xf32, #tpu.memory_space<vmem>>
        %parallel_loop3A_1480 = tpu.memref_squeeze %parallel_loop3A_1479 : memref<1x128x128xf32, #tpu.memory_space<vmem>> -> memref<128x128xf32, #tpu.memory_space<vmem>>
        tpu.vector_store_idx %parallel_loop3A_1480[%parallel_loop3A_1475, %parallel_loop3A_1430], %parallel_loop3A_1471 : memref<128x128xf32, #tpu.memory_space<vmem>>[vector<16xi32>, vector<16xi32>], vector<16xf32>,
        %parallel_loop3A_1481 = arith.constant 2 : i32
        %parallel_loop3A_1482 = vector.broadcast %parallel_loop3A_1481 : i32 to vector<16xi32>
        %parallel_loop3A_1483 = arith.addi %iota3A, %parallel_loop3A_1482 : vector<16xi32>
        %parallel_loop3A_1484 = arith.constant 15 : i32
        %parallel_loop3A_1485 = vector.broadcast %parallel_loop3A_1484 : i32 to vector<16xi32>
        %parallel_loop3A_1486 = arith.andi %parallel_loop3A_1483, %parallel_loop3A_1485 : vector<16xi32>
        %parallel_loop3A_1487 = arith.constant 4 : i32
        %parallel_loop3A_1488 = arith.shli %parallel_loop3A_1417, %parallel_loop3A_1487 : i32
        %parallel_loop3A_1489 = vector.broadcast %parallel_loop3A_1488 : i32 to vector<16xi32>
        %parallel_loop3A_1490 = arith.addi %parallel_loop3A_1489, %parallel_loop3A_1486 : vector<16xi32>
        %parallel_loop3A_1491 = arith.constant 1 : i32
        %parallel_loop3A_1492 = arith.constant 0 : i32
        %parallel_loop3A_1493 = arith.constant 0 : i32
        %parallel_loop3A_1494 = tpu.memref_slice %arg7[%parallel_loop3A_1491, %parallel_loop3A_1492, %parallel_loop3A_1493] : memref<2x512x32xf32, #tpu.memory_space<vmem>> -> memref<1x512x32xf32, #tpu.memory_space<vmem>>
        %parallel_loop3A_1495 = tpu.memref_squeeze %parallel_loop3A_1494 : memref<1x512x32xf32, #tpu.memory_space<vmem>> -> memref<512x32xf32, #tpu.memory_space<vmem>>
        %parallel_loop3A_1496 = tpu.vector_load_idx %parallel_loop3A_1495[%parallel_loop3A_1426, %parallel_loop3A_1490] : memref<512x32xf32, #tpu.memory_space<vmem>>[vector<16xi32>, vector<16xi32>], vector<16xf32>,
        %parallel_loop3A_1497 = arith.constant 5 : i32
        %parallel_loop3A_1498 = arith.shli %parallel_loop3A_1413, %parallel_loop3A_1497 : i32
        %parallel_loop3A_1499 = vector.broadcast %parallel_loop3A_1498 : i32 to vector<16xi32>
        %parallel_loop3A_1500 = arith.addi %parallel_loop3A_1499, %parallel_loop3A_1490 : vector<16xi32>
        %parallel_loop3A_1501 = arith.constant 1 : i32
        %parallel_loop3A_1502 = arith.constant 0 : i32
        %parallel_loop3A_1503 = arith.constant 0 : i32
        %parallel_loop3A_1504 = tpu.memref_slice %arg8[%parallel_loop3A_1501, %parallel_loop3A_1502, %parallel_loop3A_1503] : memref<2x128x128xf32, #tpu.memory_space<vmem>> -> memref<1x128x128xf32, #tpu.memory_space<vmem>>
        %parallel_loop3A_1505 = tpu.memref_squeeze %parallel_loop3A_1504 : memref<1x128x128xf32, #tpu.memory_space<vmem>> -> memref<128x128xf32, #tpu.memory_space<vmem>>
        tpu.vector_store_idx %parallel_loop3A_1505[%parallel_loop3A_1500, %parallel_loop3A_1430], %parallel_loop3A_1496 : memref<128x128xf32, #tpu.memory_space<vmem>>[vector<16xi32>, vector<16xi32>], vector<16xf32>,
        %parallel_loop3A_1506 = arith.constant 3 : i32
        %parallel_loop3A_1507 = vector.broadcast %parallel_loop3A_1506 : i32 to vector<16xi32>
        %parallel_loop3A_1508 = arith.addi %iota3A, %parallel_loop3A_1507 : vector<16xi32>
        %parallel_loop3A_1509 = arith.constant 15 : i32
        %parallel_loop3A_1510 = vector.broadcast %parallel_loop3A_1509 : i32 to vector<16xi32>
        %parallel_loop3A_1511 = arith.andi %parallel_loop3A_1508, %parallel_loop3A_1510 : vector<16xi32>
        %parallel_loop3A_1512 = arith.constant 4 : i32
        %parallel_loop3A_1513 = arith.shli %parallel_loop3A_1417, %parallel_loop3A_1512 : i32
        %parallel_loop3A_1514 = vector.broadcast %parallel_loop3A_1513 : i32 to vector<16xi32>
        %parallel_loop3A_1515 = arith.addi %parallel_loop3A_1514, %parallel_loop3A_1511 : vector<16xi32>
        %parallel_loop3A_1516 = arith.constant 1 : i32
        %parallel_loop3A_1517 = arith.constant 0 : i32
        %parallel_loop3A_1518 = arith.constant 0 : i32
        %parallel_loop3A_1519 = tpu.memref_slice %arg7[%parallel_loop3A_1516, %parallel_loop3A_1517, %parallel_loop3A_1518] : memref<2x512x32xf32, #tpu.memory_space<vmem>> -> memref<1x512x32xf32, #tpu.memory_space<vmem>>
        %parallel_loop3A_1520 = tpu.memref_squeeze %parallel_loop3A_1519 : memref<1x512x32xf32, #tpu.memory_space<vmem>> -> memref<512x32xf32, #tpu.memory_space<vmem>>
        %parallel_loop3A_1521 = tpu.vector_load_idx %parallel_loop3A_1520[%parallel_loop3A_1426, %parallel_loop3A_1515] : memref<512x32xf32, #tpu.memory_space<vmem>>[vector<16xi32>, vector<16xi32>], vector<16xf32>,
        %parallel_loop3A_1522 = arith.constant 5 : i32
        %parallel_loop3A_1523 = arith.shli %parallel_loop3A_1413, %parallel_loop3A_1522 : i32
        %parallel_loop3A_1524 = vector.broadcast %parallel_loop3A_1523 : i32 to vector<16xi32>
        %parallel_loop3A_1525 = arith.addi %parallel_loop3A_1524, %parallel_loop3A_1515 : vector<16xi32>
        %parallel_loop3A_1526 = arith.constant 1 : i32
        %parallel_loop3A_1527 = arith.constant 0 : i32
        %parallel_loop3A_1528 = arith.constant 0 : i32
        %parallel_loop3A_1529 = tpu.memref_slice %arg8[%parallel_loop3A_1526, %parallel_loop3A_1527, %parallel_loop3A_1528] : memref<2x128x128xf32, #tpu.memory_space<vmem>> -> memref<1x128x128xf32, #tpu.memory_space<vmem>>
        %parallel_loop3A_1530 = tpu.memref_squeeze %parallel_loop3A_1529 : memref<1x128x128xf32, #tpu.memory_space<vmem>> -> memref<128x128xf32, #tpu.memory_space<vmem>>
        tpu.vector_store_idx %parallel_loop3A_1530[%parallel_loop3A_1525, %parallel_loop3A_1430], %parallel_loop3A_1521 : memref<128x128xf32, #tpu.memory_space<vmem>>[vector<16xi32>, vector<16xi32>], vector<16xf32>,
        %parallel_loop3A_1531 = arith.constant 4 : i32
        %parallel_loop3A_1532 = vector.broadcast %parallel_loop3A_1531 : i32 to vector<16xi32>
        %parallel_loop3A_1533 = arith.addi %iota3A, %parallel_loop3A_1532 : vector<16xi32>
        %parallel_loop3A_1534 = arith.constant 15 : i32
        %parallel_loop3A_1535 = vector.broadcast %parallel_loop3A_1534 : i32 to vector<16xi32>
        %parallel_loop3A_1536 = arith.andi %parallel_loop3A_1533, %parallel_loop3A_1535 : vector<16xi32>
        %parallel_loop3A_1537 = arith.constant 4 : i32
        %parallel_loop3A_1538 = arith.shli %parallel_loop3A_1417, %parallel_loop3A_1537 : i32
        %parallel_loop3A_1539 = vector.broadcast %parallel_loop3A_1538 : i32 to vector<16xi32>
        %parallel_loop3A_1540 = arith.addi %parallel_loop3A_1539, %parallel_loop3A_1536 : vector<16xi32>
        %parallel_loop3A_1541 = arith.constant 1 : i32
        %parallel_loop3A_1542 = arith.constant 0 : i32
        %parallel_loop3A_1543 = arith.constant 0 : i32
        %parallel_loop3A_1544 = tpu.memref_slice %arg7[%parallel_loop3A_1541, %parallel_loop3A_1542, %parallel_loop3A_1543] : memref<2x512x32xf32, #tpu.memory_space<vmem>> -> memref<1x512x32xf32, #tpu.memory_space<vmem>>
        %parallel_loop3A_1545 = tpu.memref_squeeze %parallel_loop3A_1544 : memref<1x512x32xf32, #tpu.memory_space<vmem>> -> memref<512x32xf32, #tpu.memory_space<vmem>>
        %parallel_loop3A_1546 = tpu.vector_load_idx %parallel_loop3A_1545[%parallel_loop3A_1426, %parallel_loop3A_1540] : memref<512x32xf32, #tpu.memory_space<vmem>>[vector<16xi32>, vector<16xi32>], vector<16xf32>,
        %parallel_loop3A_1547 = arith.constant 5 : i32
        %parallel_loop3A_1548 = arith.shli %parallel_loop3A_1413, %parallel_loop3A_1547 : i32
        %parallel_loop3A_1549 = vector.broadcast %parallel_loop3A_1548 : i32 to vector<16xi32>
        %parallel_loop3A_1550 = arith.addi %parallel_loop3A_1549, %parallel_loop3A_1540 : vector<16xi32>
        %parallel_loop3A_1551 = arith.constant 1 : i32
        %parallel_loop3A_1552 = arith.constant 0 : i32
        %parallel_loop3A_1553 = arith.constant 0 : i32
        %parallel_loop3A_1554 = tpu.memref_slice %arg8[%parallel_loop3A_1551, %parallel_loop3A_1552, %parallel_loop3A_1553] : memref<2x128x128xf32, #tpu.memory_space<vmem>> -> memref<1x128x128xf32, #tpu.memory_space<vmem>>
        %parallel_loop3A_1555 = tpu.memref_squeeze %parallel_loop3A_1554 : memref<1x128x128xf32, #tpu.memory_space<vmem>> -> memref<128x128xf32, #tpu.memory_space<vmem>>
        tpu.vector_store_idx %parallel_loop3A_1555[%parallel_loop3A_1550, %parallel_loop3A_1430], %parallel_loop3A_1546 : memref<128x128xf32, #tpu.memory_space<vmem>>[vector<16xi32>, vector<16xi32>], vector<16xf32>,
        %parallel_loop3A_1556 = arith.constant 5 : i32
        %parallel_loop3A_1557 = vector.broadcast %parallel_loop3A_1556 : i32 to vector<16xi32>
        %parallel_loop3A_1558 = arith.addi %iota3A, %parallel_loop3A_1557 : vector<16xi32>
        %parallel_loop3A_1559 = arith.constant 15 : i32
        %parallel_loop3A_1560 = vector.broadcast %parallel_loop3A_1559 : i32 to vector<16xi32>
        %parallel_loop3A_1561 = arith.andi %parallel_loop3A_1558, %parallel_loop3A_1560 : vector<16xi32>
        %parallel_loop3A_1562 = arith.constant 4 : i32
        %parallel_loop3A_1563 = arith.shli %parallel_loop3A_1417, %parallel_loop3A_1562 : i32
        %parallel_loop3A_1564 = vector.broadcast %parallel_loop3A_1563 : i32 to vector<16xi32>
        %parallel_loop3A_1565 = arith.addi %parallel_loop3A_1564, %parallel_loop3A_1561 : vector<16xi32>
        %parallel_loop3A_1566 = arith.constant 1 : i32
        %parallel_loop3A_1567 = arith.constant 0 : i32
        %parallel_loop3A_1568 = arith.constant 0 : i32
        %parallel_loop3A_1569 = tpu.memref_slice %arg7[%parallel_loop3A_1566, %parallel_loop3A_1567, %parallel_loop3A_1568] : memref<2x512x32xf32, #tpu.memory_space<vmem>> -> memref<1x512x32xf32, #tpu.memory_space<vmem>>
        %parallel_loop3A_1570 = tpu.memref_squeeze %parallel_loop3A_1569 : memref<1x512x32xf32, #tpu.memory_space<vmem>> -> memref<512x32xf32, #tpu.memory_space<vmem>>
        %parallel_loop3A_1571 = tpu.vector_load_idx %parallel_loop3A_1570[%parallel_loop3A_1426, %parallel_loop3A_1565] : memref<512x32xf32, #tpu.memory_space<vmem>>[vector<16xi32>, vector<16xi32>], vector<16xf32>,
        %parallel_loop3A_1572 = arith.constant 5 : i32
        %parallel_loop3A_1573 = arith.shli %parallel_loop3A_1413, %parallel_loop3A_1572 : i32
        %parallel_loop3A_1574 = vector.broadcast %parallel_loop3A_1573 : i32 to vector<16xi32>
        %parallel_loop3A_1575 = arith.addi %parallel_loop3A_1574, %parallel_loop3A_1565 : vector<16xi32>
        %parallel_loop3A_1576 = arith.constant 1 : i32
        %parallel_loop3A_1577 = arith.constant 0 : i32
        %parallel_loop3A_1578 = arith.constant 0 : i32
        %parallel_loop3A_1579 = tpu.memref_slice %arg8[%parallel_loop3A_1576, %parallel_loop3A_1577, %parallel_loop3A_1578] : memref<2x128x128xf32, #tpu.memory_space<vmem>> -> memref<1x128x128xf32, #tpu.memory_space<vmem>>
        %parallel_loop3A_1580 = tpu.memref_squeeze %parallel_loop3A_1579 : memref<1x128x128xf32, #tpu.memory_space<vmem>> -> memref<128x128xf32, #tpu.memory_space<vmem>>
        tpu.vector_store_idx %parallel_loop3A_1580[%parallel_loop3A_1575, %parallel_loop3A_1430], %parallel_loop3A_1571 : memref<128x128xf32, #tpu.memory_space<vmem>>[vector<16xi32>, vector<16xi32>], vector<16xf32>,
        %parallel_loop3A_1581 = arith.constant 6 : i32
        %parallel_loop3A_1582 = vector.broadcast %parallel_loop3A_1581 : i32 to vector<16xi32>
        %parallel_loop3A_1583 = arith.addi %iota3A, %parallel_loop3A_1582 : vector<16xi32>
        %parallel_loop3A_1584 = arith.constant 15 : i32
        %parallel_loop3A_1585 = vector.broadcast %parallel_loop3A_1584 : i32 to vector<16xi32>
        %parallel_loop3A_1586 = arith.andi %parallel_loop3A_1583, %parallel_loop3A_1585 : vector<16xi32>
        %parallel_loop3A_1587 = arith.constant 4 : i32
        %parallel_loop3A_1588 = arith.shli %parallel_loop3A_1417, %parallel_loop3A_1587 : i32
        %parallel_loop3A_1589 = vector.broadcast %parallel_loop3A_1588 : i32 to vector<16xi32>
        %parallel_loop3A_1590 = arith.addi %parallel_loop3A_1589, %parallel_loop3A_1586 : vector<16xi32>
        %parallel_loop3A_1591 = arith.constant 1 : i32
        %parallel_loop3A_1592 = arith.constant 0 : i32
        %parallel_loop3A_1593 = arith.constant 0 : i32
        %parallel_loop3A_1594 = tpu.memref_slice %arg7[%parallel_loop3A_1591, %parallel_loop3A_1592, %parallel_loop3A_1593] : memref<2x512x32xf32, #tpu.memory_space<vmem>> -> memref<1x512x32xf32, #tpu.memory_space<vmem>>
        %parallel_loop3A_1595 = tpu.memref_squeeze %parallel_loop3A_1594 : memref<1x512x32xf32, #tpu.memory_space<vmem>> -> memref<512x32xf32, #tpu.memory_space<vmem>>
        %parallel_loop3A_1596 = tpu.vector_load_idx %parallel_loop3A_1595[%parallel_loop3A_1426, %parallel_loop3A_1590] : memref<512x32xf32, #tpu.memory_space<vmem>>[vector<16xi32>, vector<16xi32>], vector<16xf32>,
        %parallel_loop3A_1597 = arith.constant 5 : i32
        %parallel_loop3A_1598 = arith.shli %parallel_loop3A_1413, %parallel_loop3A_1597 : i32
        %parallel_loop3A_1599 = vector.broadcast %parallel_loop3A_1598 : i32 to vector<16xi32>
        %parallel_loop3A_1600 = arith.addi %parallel_loop3A_1599, %parallel_loop3A_1590 : vector<16xi32>
        %parallel_loop3A_1601 = arith.constant 1 : i32
        %parallel_loop3A_1602 = arith.constant 0 : i32
        %parallel_loop3A_1603 = arith.constant 0 : i32
        %parallel_loop3A_1604 = tpu.memref_slice %arg8[%parallel_loop3A_1601, %parallel_loop3A_1602, %parallel_loop3A_1603] : memref<2x128x128xf32, #tpu.memory_space<vmem>> -> memref<1x128x128xf32, #tpu.memory_space<vmem>>
        %parallel_loop3A_1605 = tpu.memref_squeeze %parallel_loop3A_1604 : memref<1x128x128xf32, #tpu.memory_space<vmem>> -> memref<128x128xf32, #tpu.memory_space<vmem>>
        tpu.vector_store_idx %parallel_loop3A_1605[%parallel_loop3A_1600, %parallel_loop3A_1430], %parallel_loop3A_1596 : memref<128x128xf32, #tpu.memory_space<vmem>>[vector<16xi32>, vector<16xi32>], vector<16xf32>,
        %parallel_loop3A_1606 = arith.constant 7 : i32
        %parallel_loop3A_1607 = vector.broadcast %parallel_loop3A_1606 : i32 to vector<16xi32>
        %parallel_loop3A_1608 = arith.addi %iota3A, %parallel_loop3A_1607 : vector<16xi32>
        %parallel_loop3A_1609 = arith.constant 15 : i32
        %parallel_loop3A_1610 = vector.broadcast %parallel_loop3A_1609 : i32 to vector<16xi32>
        %parallel_loop3A_1611 = arith.andi %parallel_loop3A_1608, %parallel_loop3A_1610 : vector<16xi32>
        %parallel_loop3A_1612 = arith.constant 4 : i32
        %parallel_loop3A_1613 = arith.shli %parallel_loop3A_1417, %parallel_loop3A_1612 : i32
        %parallel_loop3A_1614 = vector.broadcast %parallel_loop3A_1613 : i32 to vector<16xi32>
        %parallel_loop3A_1615 = arith.addi %parallel_loop3A_1614, %parallel_loop3A_1611 : vector<16xi32>
        %parallel_loop3A_1616 = arith.constant 1 : i32
        %parallel_loop3A_1617 = arith.constant 0 : i32
        %parallel_loop3A_1618 = arith.constant 0 : i32
        %parallel_loop3A_1619 = tpu.memref_slice %arg7[%parallel_loop3A_1616, %parallel_loop3A_1617, %parallel_loop3A_1618] : memref<2x512x32xf32, #tpu.memory_space<vmem>> -> memref<1x512x32xf32, #tpu.memory_space<vmem>>
        %parallel_loop3A_1620 = tpu.memref_squeeze %parallel_loop3A_1619 : memref<1x512x32xf32, #tpu.memory_space<vmem>> -> memref<512x32xf32, #tpu.memory_space<vmem>>
        %parallel_loop3A_1621 = tpu.vector_load_idx %parallel_loop3A_1620[%parallel_loop3A_1426, %parallel_loop3A_1615] : memref<512x32xf32, #tpu.memory_space<vmem>>[vector<16xi32>, vector<16xi32>], vector<16xf32>,
        %parallel_loop3A_1622 = arith.constant 5 : i32
        %parallel_loop3A_1623 = arith.shli %parallel_loop3A_1413, %parallel_loop3A_1622 : i32
        %parallel_loop3A_1624 = vector.broadcast %parallel_loop3A_1623 : i32 to vector<16xi32>
        %parallel_loop3A_1625 = arith.addi %parallel_loop3A_1624, %parallel_loop3A_1615 : vector<16xi32>
        %parallel_loop3A_1626 = arith.constant 1 : i32
        %parallel_loop3A_1627 = arith.constant 0 : i32
        %parallel_loop3A_1628 = arith.constant 0 : i32
        %parallel_loop3A_1629 = tpu.memref_slice %arg8[%parallel_loop3A_1626, %parallel_loop3A_1627, %parallel_loop3A_1628] : memref<2x128x128xf32, #tpu.memory_space<vmem>> -> memref<1x128x128xf32, #tpu.memory_space<vmem>>
        %parallel_loop3A_1630 = tpu.memref_squeeze %parallel_loop3A_1629 : memref<1x128x128xf32, #tpu.memory_space<vmem>> -> memref<128x128xf32, #tpu.memory_space<vmem>>
        tpu.vector_store_idx %parallel_loop3A_1630[%parallel_loop3A_1625, %parallel_loop3A_1430], %parallel_loop3A_1621 : memref<128x128xf32, #tpu.memory_space<vmem>>[vector<16xi32>, vector<16xi32>], vector<16xf32>,
        %parallel_loop3A_1631 = arith.constant 8 : i32
        %parallel_loop3A_1632 = vector.broadcast %parallel_loop3A_1631 : i32 to vector<16xi32>
        %parallel_loop3A_1633 = arith.addi %iota3A, %parallel_loop3A_1632 : vector<16xi32>
        %parallel_loop3A_1634 = arith.constant 15 : i32
        %parallel_loop3A_1635 = vector.broadcast %parallel_loop3A_1634 : i32 to vector<16xi32>
        %parallel_loop3A_1636 = arith.andi %parallel_loop3A_1633, %parallel_loop3A_1635 : vector<16xi32>
        %parallel_loop3A_1637 = arith.constant 4 : i32
        %parallel_loop3A_1638 = arith.shli %parallel_loop3A_1417, %parallel_loop3A_1637 : i32
        %parallel_loop3A_1639 = vector.broadcast %parallel_loop3A_1638 : i32 to vector<16xi32>
        %parallel_loop3A_1640 = arith.addi %parallel_loop3A_1639, %parallel_loop3A_1636 : vector<16xi32>
        %parallel_loop3A_1641 = arith.constant 1 : i32
        %parallel_loop3A_1642 = arith.constant 0 : i32
        %parallel_loop3A_1643 = arith.constant 0 : i32
        %parallel_loop3A_1644 = tpu.memref_slice %arg7[%parallel_loop3A_1641, %parallel_loop3A_1642, %parallel_loop3A_1643] : memref<2x512x32xf32, #tpu.memory_space<vmem>> -> memref<1x512x32xf32, #tpu.memory_space<vmem>>
        %parallel_loop3A_1645 = tpu.memref_squeeze %parallel_loop3A_1644 : memref<1x512x32xf32, #tpu.memory_space<vmem>> -> memref<512x32xf32, #tpu.memory_space<vmem>>
        %parallel_loop3A_1646 = tpu.vector_load_idx %parallel_loop3A_1645[%parallel_loop3A_1426, %parallel_loop3A_1640] : memref<512x32xf32, #tpu.memory_space<vmem>>[vector<16xi32>, vector<16xi32>], vector<16xf32>,
        %parallel_loop3A_1647 = arith.constant 5 : i32
        %parallel_loop3A_1648 = arith.shli %parallel_loop3A_1413, %parallel_loop3A_1647 : i32
        %parallel_loop3A_1649 = vector.broadcast %parallel_loop3A_1648 : i32 to vector<16xi32>
        %parallel_loop3A_1650 = arith.addi %parallel_loop3A_1649, %parallel_loop3A_1640 : vector<16xi32>
        %parallel_loop3A_1651 = arith.constant 1 : i32
        %parallel_loop3A_1652 = arith.constant 0 : i32
        %parallel_loop3A_1653 = arith.constant 0 : i32
        %parallel_loop3A_1654 = tpu.memref_slice %arg8[%parallel_loop3A_1651, %parallel_loop3A_1652, %parallel_loop3A_1653] : memref<2x128x128xf32, #tpu.memory_space<vmem>> -> memref<1x128x128xf32, #tpu.memory_space<vmem>>
        %parallel_loop3A_1655 = tpu.memref_squeeze %parallel_loop3A_1654 : memref<1x128x128xf32, #tpu.memory_space<vmem>> -> memref<128x128xf32, #tpu.memory_space<vmem>>
        tpu.vector_store_idx %parallel_loop3A_1655[%parallel_loop3A_1650, %parallel_loop3A_1430], %parallel_loop3A_1646 : memref<128x128xf32, #tpu.memory_space<vmem>>[vector<16xi32>, vector<16xi32>], vector<16xf32>,
        %parallel_loop3A_1656 = arith.constant 9 : i32
        %parallel_loop3A_1657 = vector.broadcast %parallel_loop3A_1656 : i32 to vector<16xi32>
        %parallel_loop3A_1658 = arith.addi %iota3A, %parallel_loop3A_1657 : vector<16xi32>
        %parallel_loop3A_1659 = arith.constant 15 : i32
        %parallel_loop3A_1660 = vector.broadcast %parallel_loop3A_1659 : i32 to vector<16xi32>
        %parallel_loop3A_1661 = arith.andi %parallel_loop3A_1658, %parallel_loop3A_1660 : vector<16xi32>
        %parallel_loop3A_1662 = arith.constant 4 : i32
        %parallel_loop3A_1663 = arith.shli %parallel_loop3A_1417, %parallel_loop3A_1662 : i32
        %parallel_loop3A_1664 = vector.broadcast %parallel_loop3A_1663 : i32 to vector<16xi32>
        %parallel_loop3A_1665 = arith.addi %parallel_loop3A_1664, %parallel_loop3A_1661 : vector<16xi32>
        %parallel_loop3A_1666 = arith.constant 1 : i32
        %parallel_loop3A_1667 = arith.constant 0 : i32
        %parallel_loop3A_1668 = arith.constant 0 : i32
        %parallel_loop3A_1669 = tpu.memref_slice %arg7[%parallel_loop3A_1666, %parallel_loop3A_1667, %parallel_loop3A_1668] : memref<2x512x32xf32, #tpu.memory_space<vmem>> -> memref<1x512x32xf32, #tpu.memory_space<vmem>>
        %parallel_loop3A_1670 = tpu.memref_squeeze %parallel_loop3A_1669 : memref<1x512x32xf32, #tpu.memory_space<vmem>> -> memref<512x32xf32, #tpu.memory_space<vmem>>
        %parallel_loop3A_1671 = tpu.vector_load_idx %parallel_loop3A_1670[%parallel_loop3A_1426, %parallel_loop3A_1665] : memref<512x32xf32, #tpu.memory_space<vmem>>[vector<16xi32>, vector<16xi32>], vector<16xf32>,
        %parallel_loop3A_1672 = arith.constant 5 : i32
        %parallel_loop3A_1673 = arith.shli %parallel_loop3A_1413, %parallel_loop3A_1672 : i32
        %parallel_loop3A_1674 = vector.broadcast %parallel_loop3A_1673 : i32 to vector<16xi32>
        %parallel_loop3A_1675 = arith.addi %parallel_loop3A_1674, %parallel_loop3A_1665 : vector<16xi32>
        %parallel_loop3A_1676 = arith.constant 1 : i32
        %parallel_loop3A_1677 = arith.constant 0 : i32
        %parallel_loop3A_1678 = arith.constant 0 : i32
        %parallel_loop3A_1679 = tpu.memref_slice %arg8[%parallel_loop3A_1676, %parallel_loop3A_1677, %parallel_loop3A_1678] : memref<2x128x128xf32, #tpu.memory_space<vmem>> -> memref<1x128x128xf32, #tpu.memory_space<vmem>>
        %parallel_loop3A_1680 = tpu.memref_squeeze %parallel_loop3A_1679 : memref<1x128x128xf32, #tpu.memory_space<vmem>> -> memref<128x128xf32, #tpu.memory_space<vmem>>
        tpu.vector_store_idx %parallel_loop3A_1680[%parallel_loop3A_1675, %parallel_loop3A_1430], %parallel_loop3A_1671 : memref<128x128xf32, #tpu.memory_space<vmem>>[vector<16xi32>, vector<16xi32>], vector<16xf32>,
        %parallel_loop3A_1681 = arith.constant 10 : i32
        %parallel_loop3A_1682 = vector.broadcast %parallel_loop3A_1681 : i32 to vector<16xi32>
        %parallel_loop3A_1683 = arith.addi %iota3A, %parallel_loop3A_1682 : vector<16xi32>
        %parallel_loop3A_1684 = arith.constant 15 : i32
        %parallel_loop3A_1685 = vector.broadcast %parallel_loop3A_1684 : i32 to vector<16xi32>
        %parallel_loop3A_1686 = arith.andi %parallel_loop3A_1683, %parallel_loop3A_1685 : vector<16xi32>
        %parallel_loop3A_1687 = arith.constant 4 : i32
        %parallel_loop3A_1688 = arith.shli %parallel_loop3A_1417, %parallel_loop3A_1687 : i32
        %parallel_loop3A_1689 = vector.broadcast %parallel_loop3A_1688 : i32 to vector<16xi32>
        %parallel_loop3A_1690 = arith.addi %parallel_loop3A_1689, %parallel_loop3A_1686 : vector<16xi32>
        %parallel_loop3A_1691 = arith.constant 1 : i32
        %parallel_loop3A_1692 = arith.constant 0 : i32
        %parallel_loop3A_1693 = arith.constant 0 : i32
        %parallel_loop3A_1694 = tpu.memref_slice %arg7[%parallel_loop3A_1691, %parallel_loop3A_1692, %parallel_loop3A_1693] : memref<2x512x32xf32, #tpu.memory_space<vmem>> -> memref<1x512x32xf32, #tpu.memory_space<vmem>>
        %parallel_loop3A_1695 = tpu.memref_squeeze %parallel_loop3A_1694 : memref<1x512x32xf32, #tpu.memory_space<vmem>> -> memref<512x32xf32, #tpu.memory_space<vmem>>
        %parallel_loop3A_1696 = tpu.vector_load_idx %parallel_loop3A_1695[%parallel_loop3A_1426, %parallel_loop3A_1690] : memref<512x32xf32, #tpu.memory_space<vmem>>[vector<16xi32>, vector<16xi32>], vector<16xf32>,
        %parallel_loop3A_1697 = arith.constant 5 : i32
        %parallel_loop3A_1698 = arith.shli %parallel_loop3A_1413, %parallel_loop3A_1697 : i32
        %parallel_loop3A_1699 = vector.broadcast %parallel_loop3A_1698 : i32 to vector<16xi32>
        %parallel_loop3A_1700 = arith.addi %parallel_loop3A_1699, %parallel_loop3A_1690 : vector<16xi32>
        %parallel_loop3A_1701 = arith.constant 1 : i32
        %parallel_loop3A_1702 = arith.constant 0 : i32
        %parallel_loop3A_1703 = arith.constant 0 : i32
        %parallel_loop3A_1704 = tpu.memref_slice %arg8[%parallel_loop3A_1701, %parallel_loop3A_1702, %parallel_loop3A_1703] : memref<2x128x128xf32, #tpu.memory_space<vmem>> -> memref<1x128x128xf32, #tpu.memory_space<vmem>>
        %parallel_loop3A_1705 = tpu.memref_squeeze %parallel_loop3A_1704 : memref<1x128x128xf32, #tpu.memory_space<vmem>> -> memref<128x128xf32, #tpu.memory_space<vmem>>
        tpu.vector_store_idx %parallel_loop3A_1705[%parallel_loop3A_1700, %parallel_loop3A_1430], %parallel_loop3A_1696 : memref<128x128xf32, #tpu.memory_space<vmem>>[vector<16xi32>, vector<16xi32>], vector<16xf32>,
        %parallel_loop3A_1706 = arith.constant 11 : i32
        %parallel_loop3A_1707 = vector.broadcast %parallel_loop3A_1706 : i32 to vector<16xi32>
        %parallel_loop3A_1708 = arith.addi %iota3A, %parallel_loop3A_1707 : vector<16xi32>
        %parallel_loop3A_1709 = arith.constant 15 : i32
        %parallel_loop3A_1710 = vector.broadcast %parallel_loop3A_1709 : i32 to vector<16xi32>
        %parallel_loop3A_1711 = arith.andi %parallel_loop3A_1708, %parallel_loop3A_1710 : vector<16xi32>
        %parallel_loop3A_1712 = arith.constant 4 : i32
        %parallel_loop3A_1713 = arith.shli %parallel_loop3A_1417, %parallel_loop3A_1712 : i32
        %parallel_loop3A_1714 = vector.broadcast %parallel_loop3A_1713 : i32 to vector<16xi32>
        %parallel_loop3A_1715 = arith.addi %parallel_loop3A_1714, %parallel_loop3A_1711 : vector<16xi32>
        %parallel_loop3A_1716 = arith.constant 1 : i32
        %parallel_loop3A_1717 = arith.constant 0 : i32
        %parallel_loop3A_1718 = arith.constant 0 : i32
        %parallel_loop3A_1719 = tpu.memref_slice %arg7[%parallel_loop3A_1716, %parallel_loop3A_1717, %parallel_loop3A_1718] : memref<2x512x32xf32, #tpu.memory_space<vmem>> -> memref<1x512x32xf32, #tpu.memory_space<vmem>>
        %parallel_loop3A_1720 = tpu.memref_squeeze %parallel_loop3A_1719 : memref<1x512x32xf32, #tpu.memory_space<vmem>> -> memref<512x32xf32, #tpu.memory_space<vmem>>
        %parallel_loop3A_1721 = tpu.vector_load_idx %parallel_loop3A_1720[%parallel_loop3A_1426, %parallel_loop3A_1715] : memref<512x32xf32, #tpu.memory_space<vmem>>[vector<16xi32>, vector<16xi32>], vector<16xf32>,
        %parallel_loop3A_1722 = arith.constant 5 : i32
        %parallel_loop3A_1723 = arith.shli %parallel_loop3A_1413, %parallel_loop3A_1722 : i32
        %parallel_loop3A_1724 = vector.broadcast %parallel_loop3A_1723 : i32 to vector<16xi32>
        %parallel_loop3A_1725 = arith.addi %parallel_loop3A_1724, %parallel_loop3A_1715 : vector<16xi32>
        %parallel_loop3A_1726 = arith.constant 1 : i32
        %parallel_loop3A_1727 = arith.constant 0 : i32
        %parallel_loop3A_1728 = arith.constant 0 : i32
        %parallel_loop3A_1729 = tpu.memref_slice %arg8[%parallel_loop3A_1726, %parallel_loop3A_1727, %parallel_loop3A_1728] : memref<2x128x128xf32, #tpu.memory_space<vmem>> -> memref<1x128x128xf32, #tpu.memory_space<vmem>>
        %parallel_loop3A_1730 = tpu.memref_squeeze %parallel_loop3A_1729 : memref<1x128x128xf32, #tpu.memory_space<vmem>> -> memref<128x128xf32, #tpu.memory_space<vmem>>
        tpu.vector_store_idx %parallel_loop3A_1730[%parallel_loop3A_1725, %parallel_loop3A_1430], %parallel_loop3A_1721 : memref<128x128xf32, #tpu.memory_space<vmem>>[vector<16xi32>, vector<16xi32>], vector<16xf32>,
        %parallel_loop3A_1731 = arith.constant 12 : i32
        %parallel_loop3A_1732 = vector.broadcast %parallel_loop3A_1731 : i32 to vector<16xi32>
        %parallel_loop3A_1733 = arith.addi %iota3A, %parallel_loop3A_1732 : vector<16xi32>
        %parallel_loop3A_1734 = arith.constant 15 : i32
        %parallel_loop3A_1735 = vector.broadcast %parallel_loop3A_1734 : i32 to vector<16xi32>
        %parallel_loop3A_1736 = arith.andi %parallel_loop3A_1733, %parallel_loop3A_1735 : vector<16xi32>
        %parallel_loop3A_1737 = arith.constant 4 : i32
        %parallel_loop3A_1738 = arith.shli %parallel_loop3A_1417, %parallel_loop3A_1737 : i32
        %parallel_loop3A_1739 = vector.broadcast %parallel_loop3A_1738 : i32 to vector<16xi32>
        %parallel_loop3A_1740 = arith.addi %parallel_loop3A_1739, %parallel_loop3A_1736 : vector<16xi32>
        %parallel_loop3A_1741 = arith.constant 1 : i32
        %parallel_loop3A_1742 = arith.constant 0 : i32
        %parallel_loop3A_1743 = arith.constant 0 : i32
        %parallel_loop3A_1744 = tpu.memref_slice %arg7[%parallel_loop3A_1741, %parallel_loop3A_1742, %parallel_loop3A_1743] : memref<2x512x32xf32, #tpu.memory_space<vmem>> -> memref<1x512x32xf32, #tpu.memory_space<vmem>>
        %parallel_loop3A_1745 = tpu.memref_squeeze %parallel_loop3A_1744 : memref<1x512x32xf32, #tpu.memory_space<vmem>> -> memref<512x32xf32, #tpu.memory_space<vmem>>
        %parallel_loop3A_1746 = tpu.vector_load_idx %parallel_loop3A_1745[%parallel_loop3A_1426, %parallel_loop3A_1740] : memref<512x32xf32, #tpu.memory_space<vmem>>[vector<16xi32>, vector<16xi32>], vector<16xf32>,
        %parallel_loop3A_1747 = arith.constant 5 : i32
        %parallel_loop3A_1748 = arith.shli %parallel_loop3A_1413, %parallel_loop3A_1747 : i32
        %parallel_loop3A_1749 = vector.broadcast %parallel_loop3A_1748 : i32 to vector<16xi32>
        %parallel_loop3A_1750 = arith.addi %parallel_loop3A_1749, %parallel_loop3A_1740 : vector<16xi32>
        %parallel_loop3A_1751 = arith.constant 1 : i32
        %parallel_loop3A_1752 = arith.constant 0 : i32
        %parallel_loop3A_1753 = arith.constant 0 : i32
        %parallel_loop3A_1754 = tpu.memref_slice %arg8[%parallel_loop3A_1751, %parallel_loop3A_1752, %parallel_loop3A_1753] : memref<2x128x128xf32, #tpu.memory_space<vmem>> -> memref<1x128x128xf32, #tpu.memory_space<vmem>>
        %parallel_loop3A_1755 = tpu.memref_squeeze %parallel_loop3A_1754 : memref<1x128x128xf32, #tpu.memory_space<vmem>> -> memref<128x128xf32, #tpu.memory_space<vmem>>
        tpu.vector_store_idx %parallel_loop3A_1755[%parallel_loop3A_1750, %parallel_loop3A_1430], %parallel_loop3A_1746 : memref<128x128xf32, #tpu.memory_space<vmem>>[vector<16xi32>, vector<16xi32>], vector<16xf32>,
        %parallel_loop3A_1756 = arith.constant 13 : i32
        %parallel_loop3A_1757 = vector.broadcast %parallel_loop3A_1756 : i32 to vector<16xi32>
        %parallel_loop3A_1758 = arith.addi %iota3A, %parallel_loop3A_1757 : vector<16xi32>
        %parallel_loop3A_1759 = arith.constant 15 : i32
        %parallel_loop3A_1760 = vector.broadcast %parallel_loop3A_1759 : i32 to vector<16xi32>
        %parallel_loop3A_1761 = arith.andi %parallel_loop3A_1758, %parallel_loop3A_1760 : vector<16xi32>
        %parallel_loop3A_1762 = arith.constant 4 : i32
        %parallel_loop3A_1763 = arith.shli %parallel_loop3A_1417, %parallel_loop3A_1762 : i32
        %parallel_loop3A_1764 = vector.broadcast %parallel_loop3A_1763 : i32 to vector<16xi32>
        %parallel_loop3A_1765 = arith.addi %parallel_loop3A_1764, %parallel_loop3A_1761 : vector<16xi32>
        %parallel_loop3A_1766 = arith.constant 1 : i32
        %parallel_loop3A_1767 = arith.constant 0 : i32
        %parallel_loop3A_1768 = arith.constant 0 : i32
        %parallel_loop3A_1769 = tpu.memref_slice %arg7[%parallel_loop3A_1766, %parallel_loop3A_1767, %parallel_loop3A_1768] : memref<2x512x32xf32, #tpu.memory_space<vmem>> -> memref<1x512x32xf32, #tpu.memory_space<vmem>>
        %parallel_loop3A_1770 = tpu.memref_squeeze %parallel_loop3A_1769 : memref<1x512x32xf32, #tpu.memory_space<vmem>> -> memref<512x32xf32, #tpu.memory_space<vmem>>
        %parallel_loop3A_1771 = tpu.vector_load_idx %parallel_loop3A_1770[%parallel_loop3A_1426, %parallel_loop3A_1765] : memref<512x32xf32, #tpu.memory_space<vmem>>[vector<16xi32>, vector<16xi32>], vector<16xf32>,
        %parallel_loop3A_1772 = arith.constant 5 : i32
        %parallel_loop3A_1773 = arith.shli %parallel_loop3A_1413, %parallel_loop3A_1772 : i32
        %parallel_loop3A_1774 = vector.broadcast %parallel_loop3A_1773 : i32 to vector<16xi32>
        %parallel_loop3A_1775 = arith.addi %parallel_loop3A_1774, %parallel_loop3A_1765 : vector<16xi32>
        %parallel_loop3A_1776 = arith.constant 1 : i32
        %parallel_loop3A_1777 = arith.constant 0 : i32
        %parallel_loop3A_1778 = arith.constant 0 : i32
        %parallel_loop3A_1779 = tpu.memref_slice %arg8[%parallel_loop3A_1776, %parallel_loop3A_1777, %parallel_loop3A_1778] : memref<2x128x128xf32, #tpu.memory_space<vmem>> -> memref<1x128x128xf32, #tpu.memory_space<vmem>>
        %parallel_loop3A_1780 = tpu.memref_squeeze %parallel_loop3A_1779 : memref<1x128x128xf32, #tpu.memory_space<vmem>> -> memref<128x128xf32, #tpu.memory_space<vmem>>
        tpu.vector_store_idx %parallel_loop3A_1780[%parallel_loop3A_1775, %parallel_loop3A_1430], %parallel_loop3A_1771 : memref<128x128xf32, #tpu.memory_space<vmem>>[vector<16xi32>, vector<16xi32>], vector<16xf32>,
        %parallel_loop3A_1781 = arith.constant 14 : i32
        %parallel_loop3A_1782 = vector.broadcast %parallel_loop3A_1781 : i32 to vector<16xi32>
        %parallel_loop3A_1783 = arith.addi %iota3A, %parallel_loop3A_1782 : vector<16xi32>
        %parallel_loop3A_1784 = arith.constant 15 : i32
        %parallel_loop3A_1785 = vector.broadcast %parallel_loop3A_1784 : i32 to vector<16xi32>
        %parallel_loop3A_1786 = arith.andi %parallel_loop3A_1783, %parallel_loop3A_1785 : vector<16xi32>
        %parallel_loop3A_1787 = arith.constant 4 : i32
        %parallel_loop3A_1788 = arith.shli %parallel_loop3A_1417, %parallel_loop3A_1787 : i32
        %parallel_loop3A_1789 = vector.broadcast %parallel_loop3A_1788 : i32 to vector<16xi32>
        %parallel_loop3A_1790 = arith.addi %parallel_loop3A_1789, %parallel_loop3A_1786 : vector<16xi32>
        %parallel_loop3A_1791 = arith.constant 1 : i32
        %parallel_loop3A_1792 = arith.constant 0 : i32
        %parallel_loop3A_1793 = arith.constant 0 : i32
        %parallel_loop3A_1794 = tpu.memref_slice %arg7[%parallel_loop3A_1791, %parallel_loop3A_1792, %parallel_loop3A_1793] : memref<2x512x32xf32, #tpu.memory_space<vmem>> -> memref<1x512x32xf32, #tpu.memory_space<vmem>>
        %parallel_loop3A_1795 = tpu.memref_squeeze %parallel_loop3A_1794 : memref<1x512x32xf32, #tpu.memory_space<vmem>> -> memref<512x32xf32, #tpu.memory_space<vmem>>
        %parallel_loop3A_1796 = tpu.vector_load_idx %parallel_loop3A_1795[%parallel_loop3A_1426, %parallel_loop3A_1790] : memref<512x32xf32, #tpu.memory_space<vmem>>[vector<16xi32>, vector<16xi32>], vector<16xf32>,
        %parallel_loop3A_1797 = arith.constant 5 : i32
        %parallel_loop3A_1798 = arith.shli %parallel_loop3A_1413, %parallel_loop3A_1797 : i32
        %parallel_loop3A_1799 = vector.broadcast %parallel_loop3A_1798 : i32 to vector<16xi32>
        %parallel_loop3A_1800 = arith.addi %parallel_loop3A_1799, %parallel_loop3A_1790 : vector<16xi32>
        %parallel_loop3A_1801 = arith.constant 1 : i32
        %parallel_loop3A_1802 = arith.constant 0 : i32
        %parallel_loop3A_1803 = arith.constant 0 : i32
        %parallel_loop3A_1804 = tpu.memref_slice %arg8[%parallel_loop3A_1801, %parallel_loop3A_1802, %parallel_loop3A_1803] : memref<2x128x128xf32, #tpu.memory_space<vmem>> -> memref<1x128x128xf32, #tpu.memory_space<vmem>>
        %parallel_loop3A_1805 = tpu.memref_squeeze %parallel_loop3A_1804 : memref<1x128x128xf32, #tpu.memory_space<vmem>> -> memref<128x128xf32, #tpu.memory_space<vmem>>
        tpu.vector_store_idx %parallel_loop3A_1805[%parallel_loop3A_1800, %parallel_loop3A_1430], %parallel_loop3A_1796 : memref<128x128xf32, #tpu.memory_space<vmem>>[vector<16xi32>, vector<16xi32>], vector<16xf32>,
        %parallel_loop3A_1806 = arith.constant 15 : i32
        %parallel_loop3A_1807 = vector.broadcast %parallel_loop3A_1806 : i32 to vector<16xi32>
        %parallel_loop3A_1808 = arith.addi %iota3A, %parallel_loop3A_1807 : vector<16xi32>
        %parallel_loop3A_1809 = arith.constant 15 : i32
        %parallel_loop3A_1810 = vector.broadcast %parallel_loop3A_1809 : i32 to vector<16xi32>
        %parallel_loop3A_1811 = arith.andi %parallel_loop3A_1808, %parallel_loop3A_1810 : vector<16xi32>
        %parallel_loop3A_1812 = arith.constant 4 : i32
        %parallel_loop3A_1813 = arith.shli %parallel_loop3A_1417, %parallel_loop3A_1812 : i32
        %parallel_loop3A_1814 = vector.broadcast %parallel_loop3A_1813 : i32 to vector<16xi32>
        %parallel_loop3A_1815 = arith.addi %parallel_loop3A_1814, %parallel_loop3A_1811 : vector<16xi32>
        %parallel_loop3A_1816 = arith.constant 1 : i32
        %parallel_loop3A_1817 = arith.constant 0 : i32
        %parallel_loop3A_1818 = arith.constant 0 : i32
        %parallel_loop3A_1819 = tpu.memref_slice %arg7[%parallel_loop3A_1816, %parallel_loop3A_1817, %parallel_loop3A_1818] : memref<2x512x32xf32, #tpu.memory_space<vmem>> -> memref<1x512x32xf32, #tpu.memory_space<vmem>>
        %parallel_loop3A_1820 = tpu.memref_squeeze %parallel_loop3A_1819 : memref<1x512x32xf32, #tpu.memory_space<vmem>> -> memref<512x32xf32, #tpu.memory_space<vmem>>
        %parallel_loop3A_1821 = tpu.vector_load_idx %parallel_loop3A_1820[%parallel_loop3A_1426, %parallel_loop3A_1815] : memref<512x32xf32, #tpu.memory_space<vmem>>[vector<16xi32>, vector<16xi32>], vector<16xf32>,
        %parallel_loop3A_1822 = arith.constant 5 : i32
        %parallel_loop3A_1823 = arith.shli %parallel_loop3A_1413, %parallel_loop3A_1822 : i32
        %parallel_loop3A_1824 = vector.broadcast %parallel_loop3A_1823 : i32 to vector<16xi32>
        %parallel_loop3A_1825 = arith.addi %parallel_loop3A_1824, %parallel_loop3A_1815 : vector<16xi32>
        %parallel_loop3A_1826 = arith.constant 1 : i32
        %parallel_loop3A_1827 = arith.constant 0 : i32
        %parallel_loop3A_1828 = arith.constant 0 : i32
        %parallel_loop3A_1829 = tpu.memref_slice %arg8[%parallel_loop3A_1826, %parallel_loop3A_1827, %parallel_loop3A_1828] : memref<2x128x128xf32, #tpu.memory_space<vmem>> -> memref<1x128x128xf32, #tpu.memory_space<vmem>>
        %parallel_loop3A_1830 = tpu.memref_squeeze %parallel_loop3A_1829 : memref<1x128x128xf32, #tpu.memory_space<vmem>> -> memref<128x128xf32, #tpu.memory_space<vmem>>
        tpu.vector_store_idx %parallel_loop3A_1830[%parallel_loop3A_1825, %parallel_loop3A_1430], %parallel_loop3A_1821 : memref<128x128xf32, #tpu.memory_space<vmem>>[vector<16xi32>, vector<16xi32>], vector<16xf32>,
      } {sc.loop_unroll_factor = 2 : i64, sc.parallel_access}
      %mul3A_1059 = arith.constant 4 : i32
      %mul3A_1060 = arith.muli %add3A_1024, %mul3A_1059 : i32
      %add3A_1061 = arith.constant 0 : i32
      %add3A_1062 = arith.addi %mul3A_1060, %add3A_1061 : i32
      %mul3A_1063 = arith.constant 4 : i32
      %mul3A_1064 = arith.muli %add3A_1024, %mul3A_1063 : i32
      %add3A_1065 = arith.constant 0 : i32
      %add3A_1066 = arith.addi %mul3A_1064, %add3A_1065 : i32
      %mul3A_1067 = arith.constant 4 : i32
      %mul3A_1068 = arith.muli %add3A_1024, %mul3A_1067 : i32
      %add3A_1069 = arith.constant 0 : i32
      %add3A_1070 = arith.addi %mul3A_1068, %add3A_1069 : i32
      %mul3A_1071 = arith.constant 4 : i32
      %mul3A_1072 = arith.muli %add3A_1024, %mul3A_1071 : i32
      %add3A_1073 = arith.constant 0 : i32
      %add3A_1074 = arith.addi %mul3A_1072, %add3A_1073 : i32
      %mul3A_1075 = arith.constant 4 : i32
      %mul3A_1076 = arith.muli %add3A_1024, %mul3A_1075 : i32
      %add3A_1077 = arith.constant 1 : i32
      %add3A_1078 = arith.addi %mul3A_1076, %add3A_1077 : i32
      %mul3A_1079 = arith.constant 4 : i32
      %mul3A_1080 = arith.muli %add3A_1024, %mul3A_1079 : i32
      %add3A_1081 = arith.constant 1 : i32
      %add3A_1082 = arith.addi %mul3A_1080, %add3A_1081 : i32
      %mul3A_1083 = arith.constant 4 : i32
      %mul3A_1084 = arith.muli %add3A_1024, %mul3A_1083 : i32
      %add3A_1085 = arith.constant 1 : i32
      %add3A_1086 = arith.addi %mul3A_1084, %add3A_1085 : i32
      %mul3A_1087 = arith.constant 4 : i32
      %mul3A_1088 = arith.muli %add3A_1024, %mul3A_1087 : i32
      %add3A_1089 = arith.constant 1 : i32
      %add3A_1090 = arith.addi %mul3A_1088, %add3A_1089 : i32
      %mul3A_1091 = arith.constant 4 : i32
      %mul3A_1092 = arith.muli %add3A_1024, %mul3A_1091 : i32
      %add3A_1093 = arith.constant 2 : i32
      %add3A_1094 = arith.addi %mul3A_1092, %add3A_1093 : i32
      %mul3A_1095 = arith.constant 4 : i32
      %mul3A_1096 = arith.muli %add3A_1024, %mul3A_1095 : i32
      %add3A_1097 = arith.constant 2 : i32
      %add3A_1098 = arith.addi %mul3A_1096, %add3A_1097 : i32
      %mul3A_1099 = arith.constant 4 : i32
      %mul3A_1100 = arith.muli %add3A_1024, %mul3A_1099 : i32
      %add3A_1101 = arith.constant 2 : i32
      %add3A_1102 = arith.addi %mul3A_1100, %add3A_1101 : i32
      %mul3A_1103 = arith.constant 4 : i32
      %mul3A_1104 = arith.muli %add3A_1024, %mul3A_1103 : i32
      %add3A_1105 = arith.constant 2 : i32
      %add3A_1106 = arith.addi %mul3A_1104, %add3A_1105 : i32
      %mul3A_1107 = arith.constant 4 : i32
      %mul3A_1108 = arith.muli %add3A_1024, %mul3A_1107 : i32
      %add3A_1109 = arith.constant 3 : i32
      %add3A_1110 = arith.addi %mul3A_1108, %add3A_1109 : i32
      %mul3A_1111 = arith.constant 4 : i32
      %mul3A_1112 = arith.muli %add3A_1024, %mul3A_1111 : i32
      %add3A_1113 = arith.constant 3 : i32
      %add3A_1114 = arith.addi %mul3A_1112, %add3A_1113 : i32
      %mul3A_1115 = arith.constant 4 : i32
      %mul3A_1116 = arith.muli %add3A_1024, %mul3A_1115 : i32
      %add3A_1117 = arith.constant 3 : i32
      %add3A_1118 = arith.addi %mul3A_1116, %add3A_1117 : i32
      %mul3A_1119 = arith.constant 4 : i32
      %mul3A_1120 = arith.muli %add3A_1024, %mul3A_1119 : i32
      %add3A_1121 = arith.constant 3 : i32
      %add3A_1122 = arith.addi %mul3A_1120, %add3A_1121 : i32
      %dma_start3A_1123 = arith.constant 1 : i32
      %dma_start3A_1124 = arith.constant 0 : i32
      %dma_start3A_1125 = arith.constant 0 : i32
      %dma_start3A_1126 = arith.constant 0 : i32
      %dma_start3A_1127 = tpu.memref_slice %arg8[%dma_start3A_1123, %dma_start3A_1125, %dma_start3A_1126] : memref<2x128x128xf32, #tpu.memory_space<vmem>> -> memref<1x8x128xf32, #tpu.memory_space<vmem>>
      %dma_start3A_1128 = tpu.memref_squeeze %dma_start3A_1127 : memref<1x8x128xf32, #tpu.memory_space<vmem>> -> memref<8x128xf32, #tpu.memory_space<vmem>>
      %dma_start3A_1129 = arith.constant 0 : i32
      %dma_start3A_1130 = arith.constant 0 : i32
      %dma_start3A_1131 = tpu.memref_slice %arg4[%add3A_1062, %dma_start3A_1124, %add3A, %dma_start3A_1129, %dma_start3A_1130] : memref<200x4x32x8x128xf32, #tpu.memory_space<hbm>> -> memref<1x1x1x8x128xf32, #tpu.memory_space<hbm>>
      %dma_start3A_1132 = tpu.memref_squeeze %dma_start3A_1131 : memref<1x1x1x8x128xf32, #tpu.memory_space<hbm>> -> memref<8x128xf32, #tpu.memory_space<hbm>>
      %dma_start3A_1133 = arith.constant 0 : i32
      %dma_start3A_1134 = arith.constant 0 : i32
      %dma_start3A_1135 = tpu.memref_slice %arg4[%add3A_1062, %dma_start3A_1124, %add3A, %dma_start3A_1133, %dma_start3A_1134] : memref<200x4x32x8x128xf32, #tpu.memory_space<hbm>> -> memref<1x1x1x8x128xf32, #tpu.memory_space<hbm>>
      %dma_start3A_1136 = tpu.memref_squeeze %dma_start3A_1135 : memref<1x1x1x8x128xf32, #tpu.memory_space<hbm>> -> memref<8x128xf32, #tpu.memory_space<hbm>>
      %dma_start3A_1137 = arith.constant 0 : i32
      %dma_start3A_1138 = arith.constant 0 : i32
      %dma_start3A_1139 = tpu.memref_slice %arg8[%dma_start3A_1123, %dma_start3A_1137, %dma_start3A_1138] : memref<2x128x128xf32, #tpu.memory_space<vmem>> -> memref<1x8x128xf32, #tpu.memory_space<vmem>>
      %dma_start3A_1140 = tpu.memref_squeeze %dma_start3A_1139 : memref<1x8x128xf32, #tpu.memory_space<vmem>> -> memref<8x128xf32, #tpu.memory_space<vmem>>
      tpu.enqueue_dma source(%dma_start3A_1140 : memref<8x128xf32, #tpu.memory_space<vmem>>) target(%dma_start3A_1136 : memref<8x128xf32, #tpu.memory_space<hbm>>) target_semaphore(%arg13 : memref<!tpu.dma_semaphore, #tpu.memory_space<semaphore_mem>>)
      %dma_start3A_1141 = arith.constant 1 : i32
      %dma_start3A_1142 = arith.constant 1 : i32
      %dma_start3A_1143 = arith.constant 8 : i32
      %dma_start3A_1144 = arith.constant 0 : i32
      %dma_start3A_1145 = tpu.memref_slice %arg8[%dma_start3A_1141, %dma_start3A_1143, %dma_start3A_1144] : memref<2x128x128xf32, #tpu.memory_space<vmem>> -> memref<1x8x128xf32, #tpu.memory_space<vmem>>
      %dma_start3A_1146 = tpu.memref_squeeze %dma_start3A_1145 : memref<1x8x128xf32, #tpu.memory_space<vmem>> -> memref<8x128xf32, #tpu.memory_space<vmem>>
      %dma_start3A_1147 = arith.constant 0 : i32
      %dma_start3A_1148 = arith.constant 0 : i32
      %dma_start3A_1149 = tpu.memref_slice %arg4[%add3A_1066, %dma_start3A_1142, %add3A, %dma_start3A_1147, %dma_start3A_1148] : memref<200x4x32x8x128xf32, #tpu.memory_space<hbm>> -> memref<1x1x1x8x128xf32, #tpu.memory_space<hbm>>
      %dma_start3A_1150 = tpu.memref_squeeze %dma_start3A_1149 : memref<1x1x1x8x128xf32, #tpu.memory_space<hbm>> -> memref<8x128xf32, #tpu.memory_space<hbm>>
      %dma_start3A_1151 = arith.constant 0 : i32
      %dma_start3A_1152 = arith.constant 0 : i32
      %dma_start3A_1153 = tpu.memref_slice %arg4[%add3A_1066, %dma_start3A_1142, %add3A, %dma_start3A_1151, %dma_start3A_1152] : memref<200x4x32x8x128xf32, #tpu.memory_space<hbm>> -> memref<1x1x1x8x128xf32, #tpu.memory_space<hbm>>
      %dma_start3A_1154 = tpu.memref_squeeze %dma_start3A_1153 : memref<1x1x1x8x128xf32, #tpu.memory_space<hbm>> -> memref<8x128xf32, #tpu.memory_space<hbm>>
      %dma_start3A_1155 = arith.constant 8 : i32
      %dma_start3A_1156 = arith.constant 0 : i32
      %dma_start3A_1157 = tpu.memref_slice %arg8[%dma_start3A_1141, %dma_start3A_1155, %dma_start3A_1156] : memref<2x128x128xf32, #tpu.memory_space<vmem>> -> memref<1x8x128xf32, #tpu.memory_space<vmem>>
      %dma_start3A_1158 = tpu.memref_squeeze %dma_start3A_1157 : memref<1x8x128xf32, #tpu.memory_space<vmem>> -> memref<8x128xf32, #tpu.memory_space<vmem>>
      tpu.enqueue_dma source(%dma_start3A_1158 : memref<8x128xf32, #tpu.memory_space<vmem>>) target(%dma_start3A_1154 : memref<8x128xf32, #tpu.memory_space<hbm>>) target_semaphore(%arg13 : memref<!tpu.dma_semaphore, #tpu.memory_space<semaphore_mem>>)
      %dma_start3A_1159 = arith.constant 1 : i32
      %dma_start3A_1160 = arith.constant 2 : i32
      %dma_start3A_1161 = arith.constant 16 : i32
      %dma_start3A_1162 = arith.constant 0 : i32
      %dma_start3A_1163 = tpu.memref_slice %arg8[%dma_start3A_1159, %dma_start3A_1161, %dma_start3A_1162] : memref<2x128x128xf32, #tpu.memory_space<vmem>> -> memref<1x8x128xf32, #tpu.memory_space<vmem>>
      %dma_start3A_1164 = tpu.memref_squeeze %dma_start3A_1163 : memref<1x8x128xf32, #tpu.memory_space<vmem>> -> memref<8x128xf32, #tpu.memory_space<vmem>>
      %dma_start3A_1165 = arith.constant 0 : i32
      %dma_start3A_1166 = arith.constant 0 : i32
      %dma_start3A_1167 = tpu.memref_slice %arg4[%add3A_1070, %dma_start3A_1160, %add3A, %dma_start3A_1165, %dma_start3A_1166] : memref<200x4x32x8x128xf32, #tpu.memory_space<hbm>> -> memref<1x1x1x8x128xf32, #tpu.memory_space<hbm>>
      %dma_start3A_1168 = tpu.memref_squeeze %dma_start3A_1167 : memref<1x1x1x8x128xf32, #tpu.memory_space<hbm>> -> memref<8x128xf32, #tpu.memory_space<hbm>>
      %dma_start3A_1169 = arith.constant 0 : i32
      %dma_start3A_1170 = arith.constant 0 : i32
      %dma_start3A_1171 = tpu.memref_slice %arg4[%add3A_1070, %dma_start3A_1160, %add3A, %dma_start3A_1169, %dma_start3A_1170] : memref<200x4x32x8x128xf32, #tpu.memory_space<hbm>> -> memref<1x1x1x8x128xf32, #tpu.memory_space<hbm>>
      %dma_start3A_1172 = tpu.memref_squeeze %dma_start3A_1171 : memref<1x1x1x8x128xf32, #tpu.memory_space<hbm>> -> memref<8x128xf32, #tpu.memory_space<hbm>>
      %dma_start3A_1173 = arith.constant 16 : i32
      %dma_start3A_1174 = arith.constant 0 : i32
      %dma_start3A_1175 = tpu.memref_slice %arg8[%dma_start3A_1159, %dma_start3A_1173, %dma_start3A_1174] : memref<2x128x128xf32, #tpu.memory_space<vmem>> -> memref<1x8x128xf32, #tpu.memory_space<vmem>>
      %dma_start3A_1176 = tpu.memref_squeeze %dma_start3A_1175 : memref<1x8x128xf32, #tpu.memory_space<vmem>> -> memref<8x128xf32, #tpu.memory_space<vmem>>
      tpu.enqueue_dma source(%dma_start3A_1176 : memref<8x128xf32, #tpu.memory_space<vmem>>) target(%dma_start3A_1172 : memref<8x128xf32, #tpu.memory_space<hbm>>) target_semaphore(%arg13 : memref<!tpu.dma_semaphore, #tpu.memory_space<semaphore_mem>>)
      %dma_start3A_1177 = arith.constant 1 : i32
      %dma_start3A_1178 = arith.constant 3 : i32
      %dma_start3A_1179 = arith.constant 24 : i32
      %dma_start3A_1180 = arith.constant 0 : i32
      %dma_start3A_1181 = tpu.memref_slice %arg8[%dma_start3A_1177, %dma_start3A_1179, %dma_start3A_1180] : memref<2x128x128xf32, #tpu.memory_space<vmem>> -> memref<1x8x128xf32, #tpu.memory_space<vmem>>
      %dma_start3A_1182 = tpu.memref_squeeze %dma_start3A_1181 : memref<1x8x128xf32, #tpu.memory_space<vmem>> -> memref<8x128xf32, #tpu.memory_space<vmem>>
      %dma_start3A_1183 = arith.constant 0 : i32
      %dma_start3A_1184 = arith.constant 0 : i32
      %dma_start3A_1185 = tpu.memref_slice %arg4[%add3A_1074, %dma_start3A_1178, %add3A, %dma_start3A_1183, %dma_start3A_1184] : memref<200x4x32x8x128xf32, #tpu.memory_space<hbm>> -> memref<1x1x1x8x128xf32, #tpu.memory_space<hbm>>
      %dma_start3A_1186 = tpu.memref_squeeze %dma_start3A_1185 : memref<1x1x1x8x128xf32, #tpu.memory_space<hbm>> -> memref<8x128xf32, #tpu.memory_space<hbm>>
      %dma_start3A_1187 = arith.constant 0 : i32
      %dma_start3A_1188 = arith.constant 0 : i32
      %dma_start3A_1189 = tpu.memref_slice %arg4[%add3A_1074, %dma_start3A_1178, %add3A, %dma_start3A_1187, %dma_start3A_1188] : memref<200x4x32x8x128xf32, #tpu.memory_space<hbm>> -> memref<1x1x1x8x128xf32, #tpu.memory_space<hbm>>
      %dma_start3A_1190 = tpu.memref_squeeze %dma_start3A_1189 : memref<1x1x1x8x128xf32, #tpu.memory_space<hbm>> -> memref<8x128xf32, #tpu.memory_space<hbm>>
      %dma_start3A_1191 = arith.constant 24 : i32
      %dma_start3A_1192 = arith.constant 0 : i32
      %dma_start3A_1193 = tpu.memref_slice %arg8[%dma_start3A_1177, %dma_start3A_1191, %dma_start3A_1192] : memref<2x128x128xf32, #tpu.memory_space<vmem>> -> memref<1x8x128xf32, #tpu.memory_space<vmem>>
      %dma_start3A_1194 = tpu.memref_squeeze %dma_start3A_1193 : memref<1x8x128xf32, #tpu.memory_space<vmem>> -> memref<8x128xf32, #tpu.memory_space<vmem>>
      tpu.enqueue_dma source(%dma_start3A_1194 : memref<8x128xf32, #tpu.memory_space<vmem>>) target(%dma_start3A_1190 : memref<8x128xf32, #tpu.memory_space<hbm>>) target_semaphore(%arg13 : memref<!tpu.dma_semaphore, #tpu.memory_space<semaphore_mem>>)
      %dma_start3A_1195 = arith.constant 1 : i32
      %dma_start3A_1196 = arith.constant 0 : i32
      %dma_start3A_1197 = arith.constant 32 : i32
      %dma_start3A_1198 = arith.constant 0 : i32
      %dma_start3A_1199 = tpu.memref_slice %arg8[%dma_start3A_1195, %dma_start3A_1197, %dma_start3A_1198] : memref<2x128x128xf32, #tpu.memory_space<vmem>> -> memref<1x8x128xf32, #tpu.memory_space<vmem>>
      %dma_start3A_1200 = tpu.memref_squeeze %dma_start3A_1199 : memref<1x8x128xf32, #tpu.memory_space<vmem>> -> memref<8x128xf32, #tpu.memory_space<vmem>>
      %dma_start3A_1201 = arith.constant 0 : i32
      %dma_start3A_1202 = arith.constant 0 : i32
      %dma_start3A_1203 = tpu.memref_slice %arg4[%add3A_1078, %dma_start3A_1196, %add3A, %dma_start3A_1201, %dma_start3A_1202] : memref<200x4x32x8x128xf32, #tpu.memory_space<hbm>> -> memref<1x1x1x8x128xf32, #tpu.memory_space<hbm>>
      %dma_start3A_1204 = tpu.memref_squeeze %dma_start3A_1203 : memref<1x1x1x8x128xf32, #tpu.memory_space<hbm>> -> memref<8x128xf32, #tpu.memory_space<hbm>>
      %dma_start3A_1205 = arith.constant 0 : i32
      %dma_start3A_1206 = arith.constant 0 : i32
      %dma_start3A_1207 = tpu.memref_slice %arg4[%add3A_1078, %dma_start3A_1196, %add3A, %dma_start3A_1205, %dma_start3A_1206] : memref<200x4x32x8x128xf32, #tpu.memory_space<hbm>> -> memref<1x1x1x8x128xf32, #tpu.memory_space<hbm>>
      %dma_start3A_1208 = tpu.memref_squeeze %dma_start3A_1207 : memref<1x1x1x8x128xf32, #tpu.memory_space<hbm>> -> memref<8x128xf32, #tpu.memory_space<hbm>>
      %dma_start3A_1209 = arith.constant 32 : i32
      %dma_start3A_1210 = arith.constant 0 : i32
      %dma_start3A_1211 = tpu.memref_slice %arg8[%dma_start3A_1195, %dma_start3A_1209, %dma_start3A_1210] : memref<2x128x128xf32, #tpu.memory_space<vmem>> -> memref<1x8x128xf32, #tpu.memory_space<vmem>>
      %dma_start3A_1212 = tpu.memref_squeeze %dma_start3A_1211 : memref<1x8x128xf32, #tpu.memory_space<vmem>> -> memref<8x128xf32, #tpu.memory_space<vmem>>
      tpu.enqueue_dma source(%dma_start3A_1212 : memref<8x128xf32, #tpu.memory_space<vmem>>) target(%dma_start3A_1208 : memref<8x128xf32, #tpu.memory_space<hbm>>) target_semaphore(%arg13 : memref<!tpu.dma_semaphore, #tpu.memory_space<semaphore_mem>>)
      %dma_start3A_1213 = arith.constant 1 : i32
      %dma_start3A_1214 = arith.constant 1 : i32
      %dma_start3A_1215 = arith.constant 40 : i32
      %dma_start3A_1216 = arith.constant 0 : i32
      %dma_start3A_1217 = tpu.memref_slice %arg8[%dma_start3A_1213, %dma_start3A_1215, %dma_start3A_1216] : memref<2x128x128xf32, #tpu.memory_space<vmem>> -> memref<1x8x128xf32, #tpu.memory_space<vmem>>
      %dma_start3A_1218 = tpu.memref_squeeze %dma_start3A_1217 : memref<1x8x128xf32, #tpu.memory_space<vmem>> -> memref<8x128xf32, #tpu.memory_space<vmem>>
      %dma_start3A_1219 = arith.constant 0 : i32
      %dma_start3A_1220 = arith.constant 0 : i32
      %dma_start3A_1221 = tpu.memref_slice %arg4[%add3A_1082, %dma_start3A_1214, %add3A, %dma_start3A_1219, %dma_start3A_1220] : memref<200x4x32x8x128xf32, #tpu.memory_space<hbm>> -> memref<1x1x1x8x128xf32, #tpu.memory_space<hbm>>
      %dma_start3A_1222 = tpu.memref_squeeze %dma_start3A_1221 : memref<1x1x1x8x128xf32, #tpu.memory_space<hbm>> -> memref<8x128xf32, #tpu.memory_space<hbm>>
      %dma_start3A_1223 = arith.constant 0 : i32
      %dma_start3A_1224 = arith.constant 0 : i32
      %dma_start3A_1225 = tpu.memref_slice %arg4[%add3A_1082, %dma_start3A_1214, %add3A, %dma_start3A_1223, %dma_start3A_1224] : memref<200x4x32x8x128xf32, #tpu.memory_space<hbm>> -> memref<1x1x1x8x128xf32, #tpu.memory_space<hbm>>
      %dma_start3A_1226 = tpu.memref_squeeze %dma_start3A_1225 : memref<1x1x1x8x128xf32, #tpu.memory_space<hbm>> -> memref<8x128xf32, #tpu.memory_space<hbm>>
      %dma_start3A_1227 = arith.constant 40 : i32
      %dma_start3A_1228 = arith.constant 0 : i32
      %dma_start3A_1229 = tpu.memref_slice %arg8[%dma_start3A_1213, %dma_start3A_1227, %dma_start3A_1228] : memref<2x128x128xf32, #tpu.memory_space<vmem>> -> memref<1x8x128xf32, #tpu.memory_space<vmem>>
      %dma_start3A_1230 = tpu.memref_squeeze %dma_start3A_1229 : memref<1x8x128xf32, #tpu.memory_space<vmem>> -> memref<8x128xf32, #tpu.memory_space<vmem>>
      tpu.enqueue_dma source(%dma_start3A_1230 : memref<8x128xf32, #tpu.memory_space<vmem>>) target(%dma_start3A_1226 : memref<8x128xf32, #tpu.memory_space<hbm>>) target_semaphore(%arg13 : memref<!tpu.dma_semaphore, #tpu.memory_space<semaphore_mem>>)
      %dma_start3A_1231 = arith.constant 1 : i32
      %dma_start3A_1232 = arith.constant 2 : i32
      %dma_start3A_1233 = arith.constant 48 : i32
      %dma_start3A_1234 = arith.constant 0 : i32
      %dma_start3A_1235 = tpu.memref_slice %arg8[%dma_start3A_1231, %dma_start3A_1233, %dma_start3A_1234] : memref<2x128x128xf32, #tpu.memory_space<vmem>> -> memref<1x8x128xf32, #tpu.memory_space<vmem>>
      %dma_start3A_1236 = tpu.memref_squeeze %dma_start3A_1235 : memref<1x8x128xf32, #tpu.memory_space<vmem>> -> memref<8x128xf32, #tpu.memory_space<vmem>>
      %dma_start3A_1237 = arith.constant 0 : i32
      %dma_start3A_1238 = arith.constant 0 : i32
      %dma_start3A_1239 = tpu.memref_slice %arg4[%add3A_1086, %dma_start3A_1232, %add3A, %dma_start3A_1237, %dma_start3A_1238] : memref<200x4x32x8x128xf32, #tpu.memory_space<hbm>> -> memref<1x1x1x8x128xf32, #tpu.memory_space<hbm>>
      %dma_start3A_1240 = tpu.memref_squeeze %dma_start3A_1239 : memref<1x1x1x8x128xf32, #tpu.memory_space<hbm>> -> memref<8x128xf32, #tpu.memory_space<hbm>>
      %dma_start3A_1241 = arith.constant 0 : i32
      %dma_start3A_1242 = arith.constant 0 : i32
      %dma_start3A_1243 = tpu.memref_slice %arg4[%add3A_1086, %dma_start3A_1232, %add3A, %dma_start3A_1241, %dma_start3A_1242] : memref<200x4x32x8x128xf32, #tpu.memory_space<hbm>> -> memref<1x1x1x8x128xf32, #tpu.memory_space<hbm>>
      %dma_start3A_1244 = tpu.memref_squeeze %dma_start3A_1243 : memref<1x1x1x8x128xf32, #tpu.memory_space<hbm>> -> memref<8x128xf32, #tpu.memory_space<hbm>>
      %dma_start3A_1245 = arith.constant 48 : i32
      %dma_start3A_1246 = arith.constant 0 : i32
      %dma_start3A_1247 = tpu.memref_slice %arg8[%dma_start3A_1231, %dma_start3A_1245, %dma_start3A_1246] : memref<2x128x128xf32, #tpu.memory_space<vmem>> -> memref<1x8x128xf32, #tpu.memory_space<vmem>>
      %dma_start3A_1248 = tpu.memref_squeeze %dma_start3A_1247 : memref<1x8x128xf32, #tpu.memory_space<vmem>> -> memref<8x128xf32, #tpu.memory_space<vmem>>
      tpu.enqueue_dma source(%dma_start3A_1248 : memref<8x128xf32, #tpu.memory_space<vmem>>) target(%dma_start3A_1244 : memref<8x128xf32, #tpu.memory_space<hbm>>) target_semaphore(%arg13 : memref<!tpu.dma_semaphore, #tpu.memory_space<semaphore_mem>>)
      %dma_start3A_1249 = arith.constant 1 : i32
      %dma_start3A_1250 = arith.constant 3 : i32
      %dma_start3A_1251 = arith.constant 56 : i32
      %dma_start3A_1252 = arith.constant 0 : i32
      %dma_start3A_1253 = tpu.memref_slice %arg8[%dma_start3A_1249, %dma_start3A_1251, %dma_start3A_1252] : memref<2x128x128xf32, #tpu.memory_space<vmem>> -> memref<1x8x128xf32, #tpu.memory_space<vmem>>
      %dma_start3A_1254 = tpu.memref_squeeze %dma_start3A_1253 : memref<1x8x128xf32, #tpu.memory_space<vmem>> -> memref<8x128xf32, #tpu.memory_space<vmem>>
      %dma_start3A_1255 = arith.constant 0 : i32
      %dma_start3A_1256 = arith.constant 0 : i32
      %dma_start3A_1257 = tpu.memref_slice %arg4[%add3A_1090, %dma_start3A_1250, %add3A, %dma_start3A_1255, %dma_start3A_1256] : memref<200x4x32x8x128xf32, #tpu.memory_space<hbm>> -> memref<1x1x1x8x128xf32, #tpu.memory_space<hbm>>
      %dma_start3A_1258 = tpu.memref_squeeze %dma_start3A_1257 : memref<1x1x1x8x128xf32, #tpu.memory_space<hbm>> -> memref<8x128xf32, #tpu.memory_space<hbm>>
      %dma_start3A_1259 = arith.constant 0 : i32
      %dma_start3A_1260 = arith.constant 0 : i32
      %dma_start3A_1261 = tpu.memref_slice %arg4[%add3A_1090, %dma_start3A_1250, %add3A, %dma_start3A_1259, %dma_start3A_1260] : memref<200x4x32x8x128xf32, #tpu.memory_space<hbm>> -> memref<1x1x1x8x128xf32, #tpu.memory_space<hbm>>
      %dma_start3A_1262 = tpu.memref_squeeze %dma_start3A_1261 : memref<1x1x1x8x128xf32, #tpu.memory_space<hbm>> -> memref<8x128xf32, #tpu.memory_space<hbm>>
      %dma_start3A_1263 = arith.constant 56 : i32
      %dma_start3A_1264 = arith.constant 0 : i32
      %dma_start3A_1265 = tpu.memref_slice %arg8[%dma_start3A_1249, %dma_start3A_1263, %dma_start3A_1264] : memref<2x128x128xf32, #tpu.memory_space<vmem>> -> memref<1x8x128xf32, #tpu.memory_space<vmem>>
      %dma_start3A_1266 = tpu.memref_squeeze %dma_start3A_1265 : memref<1x8x128xf32, #tpu.memory_space<vmem>> -> memref<8x128xf32, #tpu.memory_space<vmem>>
      tpu.enqueue_dma source(%dma_start3A_1266 : memref<8x128xf32, #tpu.memory_space<vmem>>) target(%dma_start3A_1262 : memref<8x128xf32, #tpu.memory_space<hbm>>) target_semaphore(%arg13 : memref<!tpu.dma_semaphore, #tpu.memory_space<semaphore_mem>>)
      %dma_start3A_1267 = arith.constant 1 : i32
      %dma_start3A_1268 = arith.constant 0 : i32
      %dma_start3A_1269 = arith.constant 64 : i32
      %dma_start3A_1270 = arith.constant 0 : i32
      %dma_start3A_1271 = tpu.memref_slice %arg8[%dma_start3A_1267, %dma_start3A_1269, %dma_start3A_1270] : memref<2x128x128xf32, #tpu.memory_space<vmem>> -> memref<1x8x128xf32, #tpu.memory_space<vmem>>
      %dma_start3A_1272 = tpu.memref_squeeze %dma_start3A_1271 : memref<1x8x128xf32, #tpu.memory_space<vmem>> -> memref<8x128xf32, #tpu.memory_space<vmem>>
      %dma_start3A_1273 = arith.constant 0 : i32
      %dma_start3A_1274 = arith.constant 0 : i32
      %dma_start3A_1275 = tpu.memref_slice %arg4[%add3A_1094, %dma_start3A_1268, %add3A, %dma_start3A_1273, %dma_start3A_1274] : memref<200x4x32x8x128xf32, #tpu.memory_space<hbm>> -> memref<1x1x1x8x128xf32, #tpu.memory_space<hbm>>
      %dma_start3A_1276 = tpu.memref_squeeze %dma_start3A_1275 : memref<1x1x1x8x128xf32, #tpu.memory_space<hbm>> -> memref<8x128xf32, #tpu.memory_space<hbm>>
      %dma_start3A_1277 = arith.constant 0 : i32
      %dma_start3A_1278 = arith.constant 0 : i32
      %dma_start3A_1279 = tpu.memref_slice %arg4[%add3A_1094, %dma_start3A_1268, %add3A, %dma_start3A_1277, %dma_start3A_1278] : memref<200x4x32x8x128xf32, #tpu.memory_space<hbm>> -> memref<1x1x1x8x128xf32, #tpu.memory_space<hbm>>
      %dma_start3A_1280 = tpu.memref_squeeze %dma_start3A_1279 : memref<1x1x1x8x128xf32, #tpu.memory_space<hbm>> -> memref<8x128xf32, #tpu.memory_space<hbm>>
      %dma_start3A_1281 = arith.constant 64 : i32
      %dma_start3A_1282 = arith.constant 0 : i32
      %dma_start3A_1283 = tpu.memref_slice %arg8[%dma_start3A_1267, %dma_start3A_1281, %dma_start3A_1282] : memref<2x128x128xf32, #tpu.memory_space<vmem>> -> memref<1x8x128xf32, #tpu.memory_space<vmem>>
      %dma_start3A_1284 = tpu.memref_squeeze %dma_start3A_1283 : memref<1x8x128xf32, #tpu.memory_space<vmem>> -> memref<8x128xf32, #tpu.memory_space<vmem>>
      tpu.enqueue_dma source(%dma_start3A_1284 : memref<8x128xf32, #tpu.memory_space<vmem>>) target(%dma_start3A_1280 : memref<8x128xf32, #tpu.memory_space<hbm>>) target_semaphore(%arg13 : memref<!tpu.dma_semaphore, #tpu.memory_space<semaphore_mem>>)
      %dma_start3A_1285 = arith.constant 1 : i32
      %dma_start3A_1286 = arith.constant 1 : i32
      %dma_start3A_1287 = arith.constant 72 : i32
      %dma_start3A_1288 = arith.constant 0 : i32
      %dma_start3A_1289 = tpu.memref_slice %arg8[%dma_start3A_1285, %dma_start3A_1287, %dma_start3A_1288] : memref<2x128x128xf32, #tpu.memory_space<vmem>> -> memref<1x8x128xf32, #tpu.memory_space<vmem>>
      %dma_start3A_1290 = tpu.memref_squeeze %dma_start3A_1289 : memref<1x8x128xf32, #tpu.memory_space<vmem>> -> memref<8x128xf32, #tpu.memory_space<vmem>>
      %dma_start3A_1291 = arith.constant 0 : i32
      %dma_start3A_1292 = arith.constant 0 : i32
      %dma_start3A_1293 = tpu.memref_slice %arg4[%add3A_1098, %dma_start3A_1286, %add3A, %dma_start3A_1291, %dma_start3A_1292] : memref<200x4x32x8x128xf32, #tpu.memory_space<hbm>> -> memref<1x1x1x8x128xf32, #tpu.memory_space<hbm>>
      %dma_start3A_1294 = tpu.memref_squeeze %dma_start3A_1293 : memref<1x1x1x8x128xf32, #tpu.memory_space<hbm>> -> memref<8x128xf32, #tpu.memory_space<hbm>>
      %dma_start3A_1295 = arith.constant 0 : i32
      %dma_start3A_1296 = arith.constant 0 : i32
      %dma_start3A_1297 = tpu.memref_slice %arg4[%add3A_1098, %dma_start3A_1286, %add3A, %dma_start3A_1295, %dma_start3A_1296] : memref<200x4x32x8x128xf32, #tpu.memory_space<hbm>> -> memref<1x1x1x8x128xf32, #tpu.memory_space<hbm>>
      %dma_start3A_1298 = tpu.memref_squeeze %dma_start3A_1297 : memref<1x1x1x8x128xf32, #tpu.memory_space<hbm>> -> memref<8x128xf32, #tpu.memory_space<hbm>>
      %dma_start3A_1299 = arith.constant 72 : i32
      %dma_start3A_1300 = arith.constant 0 : i32
      %dma_start3A_1301 = tpu.memref_slice %arg8[%dma_start3A_1285, %dma_start3A_1299, %dma_start3A_1300] : memref<2x128x128xf32, #tpu.memory_space<vmem>> -> memref<1x8x128xf32, #tpu.memory_space<vmem>>
      %dma_start3A_1302 = tpu.memref_squeeze %dma_start3A_1301 : memref<1x8x128xf32, #tpu.memory_space<vmem>> -> memref<8x128xf32, #tpu.memory_space<vmem>>
      tpu.enqueue_dma source(%dma_start3A_1302 : memref<8x128xf32, #tpu.memory_space<vmem>>) target(%dma_start3A_1298 : memref<8x128xf32, #tpu.memory_space<hbm>>) target_semaphore(%arg13 : memref<!tpu.dma_semaphore, #tpu.memory_space<semaphore_mem>>)
      %dma_start3A_1303 = arith.constant 1 : i32
      %dma_start3A_1304 = arith.constant 2 : i32
      %dma_start3A_1305 = arith.constant 80 : i32
      %dma_start3A_1306 = arith.constant 0 : i32
      %dma_start3A_1307 = tpu.memref_slice %arg8[%dma_start3A_1303, %dma_start3A_1305, %dma_start3A_1306] : memref<2x128x128xf32, #tpu.memory_space<vmem>> -> memref<1x8x128xf32, #tpu.memory_space<vmem>>
      %dma_start3A_1308 = tpu.memref_squeeze %dma_start3A_1307 : memref<1x8x128xf32, #tpu.memory_space<vmem>> -> memref<8x128xf32, #tpu.memory_space<vmem>>
      %dma_start3A_1309 = arith.constant 0 : i32
      %dma_start3A_1310 = arith.constant 0 : i32
      %dma_start3A_1311 = tpu.memref_slice %arg4[%add3A_1102, %dma_start3A_1304, %add3A, %dma_start3A_1309, %dma_start3A_1310] : memref<200x4x32x8x128xf32, #tpu.memory_space<hbm>> -> memref<1x1x1x8x128xf32, #tpu.memory_space<hbm>>
      %dma_start3A_1312 = tpu.memref_squeeze %dma_start3A_1311 : memref<1x1x1x8x128xf32, #tpu.memory_space<hbm>> -> memref<8x128xf32, #tpu.memory_space<hbm>>
      %dma_start3A_1313 = arith.constant 0 : i32
      %dma_start3A_1314 = arith.constant 0 : i32
      %dma_start3A_1315 = tpu.memref_slice %arg4[%add3A_1102, %dma_start3A_1304, %add3A, %dma_start3A_1313, %dma_start3A_1314] : memref<200x4x32x8x128xf32, #tpu.memory_space<hbm>> -> memref<1x1x1x8x128xf32, #tpu.memory_space<hbm>>
      %dma_start3A_1316 = tpu.memref_squeeze %dma_start3A_1315 : memref<1x1x1x8x128xf32, #tpu.memory_space<hbm>> -> memref<8x128xf32, #tpu.memory_space<hbm>>
      %dma_start3A_1317 = arith.constant 80 : i32
      %dma_start3A_1318 = arith.constant 0 : i32
      %dma_start3A_1319 = tpu.memref_slice %arg8[%dma_start3A_1303, %dma_start3A_1317, %dma_start3A_1318] : memref<2x128x128xf32, #tpu.memory_space<vmem>> -> memref<1x8x128xf32, #tpu.memory_space<vmem>>
      %dma_start3A_1320 = tpu.memref_squeeze %dma_start3A_1319 : memref<1x8x128xf32, #tpu.memory_space<vmem>> -> memref<8x128xf32, #tpu.memory_space<vmem>>
      tpu.enqueue_dma source(%dma_start3A_1320 : memref<8x128xf32, #tpu.memory_space<vmem>>) target(%dma_start3A_1316 : memref<8x128xf32, #tpu.memory_space<hbm>>) target_semaphore(%arg13 : memref<!tpu.dma_semaphore, #tpu.memory_space<semaphore_mem>>)
      %dma_start3A_1321 = arith.constant 1 : i32
      %dma_start3A_1322 = arith.constant 3 : i32
      %dma_start3A_1323 = arith.constant 88 : i32
      %dma_start3A_1324 = arith.constant 0 : i32
      %dma_start3A_1325 = tpu.memref_slice %arg8[%dma_start3A_1321, %dma_start3A_1323, %dma_start3A_1324] : memref<2x128x128xf32, #tpu.memory_space<vmem>> -> memref<1x8x128xf32, #tpu.memory_space<vmem>>
      %dma_start3A_1326 = tpu.memref_squeeze %dma_start3A_1325 : memref<1x8x128xf32, #tpu.memory_space<vmem>> -> memref<8x128xf32, #tpu.memory_space<vmem>>
      %dma_start3A_1327 = arith.constant 0 : i32
      %dma_start3A_1328 = arith.constant 0 : i32
      %dma_start3A_1329 = tpu.memref_slice %arg4[%add3A_1106, %dma_start3A_1322, %add3A, %dma_start3A_1327, %dma_start3A_1328] : memref<200x4x32x8x128xf32, #tpu.memory_space<hbm>> -> memref<1x1x1x8x128xf32, #tpu.memory_space<hbm>>
      %dma_start3A_1330 = tpu.memref_squeeze %dma_start3A_1329 : memref<1x1x1x8x128xf32, #tpu.memory_space<hbm>> -> memref<8x128xf32, #tpu.memory_space<hbm>>
      %dma_start3A_1331 = arith.constant 0 : i32
      %dma_start3A_1332 = arith.constant 0 : i32
      %dma_start3A_1333 = tpu.memref_slice %arg4[%add3A_1106, %dma_start3A_1322, %add3A, %dma_start3A_1331, %dma_start3A_1332] : memref<200x4x32x8x128xf32, #tpu.memory_space<hbm>> -> memref<1x1x1x8x128xf32, #tpu.memory_space<hbm>>
      %dma_start3A_1334 = tpu.memref_squeeze %dma_start3A_1333 : memref<1x1x1x8x128xf32, #tpu.memory_space<hbm>> -> memref<8x128xf32, #tpu.memory_space<hbm>>
      %dma_start3A_1335 = arith.constant 88 : i32
      %dma_start3A_1336 = arith.constant 0 : i32
      %dma_start3A_1337 = tpu.memref_slice %arg8[%dma_start3A_1321, %dma_start3A_1335, %dma_start3A_1336] : memref<2x128x128xf32, #tpu.memory_space<vmem>> -> memref<1x8x128xf32, #tpu.memory_space<vmem>>
      %dma_start3A_1338 = tpu.memref_squeeze %dma_start3A_1337 : memref<1x8x128xf32, #tpu.memory_space<vmem>> -> memref<8x128xf32, #tpu.memory_space<vmem>>
      tpu.enqueue_dma source(%dma_start3A_1338 : memref<8x128xf32, #tpu.memory_space<vmem>>) target(%dma_start3A_1334 : memref<8x128xf32, #tpu.memory_space<hbm>>) target_semaphore(%arg13 : memref<!tpu.dma_semaphore, #tpu.memory_space<semaphore_mem>>)
      %dma_start3A_1339 = arith.constant 1 : i32
      %dma_start3A_1340 = arith.constant 0 : i32
      %dma_start3A_1341 = arith.constant 96 : i32
      %dma_start3A_1342 = arith.constant 0 : i32
      %dma_start3A_1343 = tpu.memref_slice %arg8[%dma_start3A_1339, %dma_start3A_1341, %dma_start3A_1342] : memref<2x128x128xf32, #tpu.memory_space<vmem>> -> memref<1x8x128xf32, #tpu.memory_space<vmem>>
      %dma_start3A_1344 = tpu.memref_squeeze %dma_start3A_1343 : memref<1x8x128xf32, #tpu.memory_space<vmem>> -> memref<8x128xf32, #tpu.memory_space<vmem>>
      %dma_start3A_1345 = arith.constant 0 : i32
      %dma_start3A_1346 = arith.constant 0 : i32
      %dma_start3A_1347 = tpu.memref_slice %arg4[%add3A_1110, %dma_start3A_1340, %add3A, %dma_start3A_1345, %dma_start3A_1346] : memref<200x4x32x8x128xf32, #tpu.memory_space<hbm>> -> memref<1x1x1x8x128xf32, #tpu.memory_space<hbm>>
      %dma_start3A_1348 = tpu.memref_squeeze %dma_start3A_1347 : memref<1x1x1x8x128xf32, #tpu.memory_space<hbm>> -> memref<8x128xf32, #tpu.memory_space<hbm>>
      %dma_start3A_1349 = arith.constant 0 : i32
      %dma_start3A_1350 = arith.constant 0 : i32
      %dma_start3A_1351 = tpu.memref_slice %arg4[%add3A_1110, %dma_start3A_1340, %add3A, %dma_start3A_1349, %dma_start3A_1350] : memref<200x4x32x8x128xf32, #tpu.memory_space<hbm>> -> memref<1x1x1x8x128xf32, #tpu.memory_space<hbm>>
      %dma_start3A_1352 = tpu.memref_squeeze %dma_start3A_1351 : memref<1x1x1x8x128xf32, #tpu.memory_space<hbm>> -> memref<8x128xf32, #tpu.memory_space<hbm>>
      %dma_start3A_1353 = arith.constant 96 : i32
      %dma_start3A_1354 = arith.constant 0 : i32
      %dma_start3A_1355 = tpu.memref_slice %arg8[%dma_start3A_1339, %dma_start3A_1353, %dma_start3A_1354] : memref<2x128x128xf32, #tpu.memory_space<vmem>> -> memref<1x8x128xf32, #tpu.memory_space<vmem>>
      %dma_start3A_1356 = tpu.memref_squeeze %dma_start3A_1355 : memref<1x8x128xf32, #tpu.memory_space<vmem>> -> memref<8x128xf32, #tpu.memory_space<vmem>>
      tpu.enqueue_dma source(%dma_start3A_1356 : memref<8x128xf32, #tpu.memory_space<vmem>>) target(%dma_start3A_1352 : memref<8x128xf32, #tpu.memory_space<hbm>>) target_semaphore(%arg13 : memref<!tpu.dma_semaphore, #tpu.memory_space<semaphore_mem>>)
      %dma_start3A_1357 = arith.constant 1 : i32
      %dma_start3A_1358 = arith.constant 1 : i32
      %dma_start3A_1359 = arith.constant 104 : i32
      %dma_start3A_1360 = arith.constant 0 : i32
      %dma_start3A_1361 = tpu.memref_slice %arg8[%dma_start3A_1357, %dma_start3A_1359, %dma_start3A_1360] : memref<2x128x128xf32, #tpu.memory_space<vmem>> -> memref<1x8x128xf32, #tpu.memory_space<vmem>>
      %dma_start3A_1362 = tpu.memref_squeeze %dma_start3A_1361 : memref<1x8x128xf32, #tpu.memory_space<vmem>> -> memref<8x128xf32, #tpu.memory_space<vmem>>
      %dma_start3A_1363 = arith.constant 0 : i32
      %dma_start3A_1364 = arith.constant 0 : i32
      %dma_start3A_1365 = tpu.memref_slice %arg4[%add3A_1114, %dma_start3A_1358, %add3A, %dma_start3A_1363, %dma_start3A_1364] : memref<200x4x32x8x128xf32, #tpu.memory_space<hbm>> -> memref<1x1x1x8x128xf32, #tpu.memory_space<hbm>>
      %dma_start3A_1366 = tpu.memref_squeeze %dma_start3A_1365 : memref<1x1x1x8x128xf32, #tpu.memory_space<hbm>> -> memref<8x128xf32, #tpu.memory_space<hbm>>
      %dma_start3A_1367 = arith.constant 0 : i32
      %dma_start3A_1368 = arith.constant 0 : i32
      %dma_start3A_1369 = tpu.memref_slice %arg4[%add3A_1114, %dma_start3A_1358, %add3A, %dma_start3A_1367, %dma_start3A_1368] : memref<200x4x32x8x128xf32, #tpu.memory_space<hbm>> -> memref<1x1x1x8x128xf32, #tpu.memory_space<hbm>>
      %dma_start3A_1370 = tpu.memref_squeeze %dma_start3A_1369 : memref<1x1x1x8x128xf32, #tpu.memory_space<hbm>> -> memref<8x128xf32, #tpu.memory_space<hbm>>
      %dma_start3A_1371 = arith.constant 104 : i32
      %dma_start3A_1372 = arith.constant 0 : i32
      %dma_start3A_1373 = tpu.memref_slice %arg8[%dma_start3A_1357, %dma_start3A_1371, %dma_start3A_1372] : memref<2x128x128xf32, #tpu.memory_space<vmem>> -> memref<1x8x128xf32, #tpu.memory_space<vmem>>
      %dma_start3A_1374 = tpu.memref_squeeze %dma_start3A_1373 : memref<1x8x128xf32, #tpu.memory_space<vmem>> -> memref<8x128xf32, #tpu.memory_space<vmem>>
      tpu.enqueue_dma source(%dma_start3A_1374 : memref<8x128xf32, #tpu.memory_space<vmem>>) target(%dma_start3A_1370 : memref<8x128xf32, #tpu.memory_space<hbm>>) target_semaphore(%arg13 : memref<!tpu.dma_semaphore, #tpu.memory_space<semaphore_mem>>)
      %dma_start3A_1375 = arith.constant 1 : i32
      %dma_start3A_1376 = arith.constant 2 : i32
      %dma_start3A_1377 = arith.constant 112 : i32
      %dma_start3A_1378 = arith.constant 0 : i32
      %dma_start3A_1379 = tpu.memref_slice %arg8[%dma_start3A_1375, %dma_start3A_1377, %dma_start3A_1378] : memref<2x128x128xf32, #tpu.memory_space<vmem>> -> memref<1x8x128xf32, #tpu.memory_space<vmem>>
      %dma_start3A_1380 = tpu.memref_squeeze %dma_start3A_1379 : memref<1x8x128xf32, #tpu.memory_space<vmem>> -> memref<8x128xf32, #tpu.memory_space<vmem>>
      %dma_start3A_1381 = arith.constant 0 : i32
      %dma_start3A_1382 = arith.constant 0 : i32
      %dma_start3A_1383 = tpu.memref_slice %arg4[%add3A_1118, %dma_start3A_1376, %add3A, %dma_start3A_1381, %dma_start3A_1382] : memref<200x4x32x8x128xf32, #tpu.memory_space<hbm>> -> memref<1x1x1x8x128xf32, #tpu.memory_space<hbm>>
      %dma_start3A_1384 = tpu.memref_squeeze %dma_start3A_1383 : memref<1x1x1x8x128xf32, #tpu.memory_space<hbm>> -> memref<8x128xf32, #tpu.memory_space<hbm>>
      %dma_start3A_1385 = arith.constant 0 : i32
      %dma_start3A_1386 = arith.constant 0 : i32
      %dma_start3A_1387 = tpu.memref_slice %arg4[%add3A_1118, %dma_start3A_1376, %add3A, %dma_start3A_1385, %dma_start3A_1386] : memref<200x4x32x8x128xf32, #tpu.memory_space<hbm>> -> memref<1x1x1x8x128xf32, #tpu.memory_space<hbm>>
      %dma_start3A_1388 = tpu.memref_squeeze %dma_start3A_1387 : memref<1x1x1x8x128xf32, #tpu.memory_space<hbm>> -> memref<8x128xf32, #tpu.memory_space<hbm>>
      %dma_start3A_1389 = arith.constant 112 : i32
      %dma_start3A_1390 = arith.constant 0 : i32
      %dma_start3A_1391 = tpu.memref_slice %arg8[%dma_start3A_1375, %dma_start3A_1389, %dma_start3A_1390] : memref<2x128x128xf32, #tpu.memory_space<vmem>> -> memref<1x8x128xf32, #tpu.memory_space<vmem>>
      %dma_start3A_1392 = tpu.memref_squeeze %dma_start3A_1391 : memref<1x8x128xf32, #tpu.memory_space<vmem>> -> memref<8x128xf32, #tpu.memory_space<vmem>>
      tpu.enqueue_dma source(%dma_start3A_1392 : memref<8x128xf32, #tpu.memory_space<vmem>>) target(%dma_start3A_1388 : memref<8x128xf32, #tpu.memory_space<hbm>>) target_semaphore(%arg13 : memref<!tpu.dma_semaphore, #tpu.memory_space<semaphore_mem>>)
      %dma_start3A_1393 = arith.constant 1 : i32
      %dma_start3A_1394 = arith.constant 3 : i32
      %dma_start3A_1395 = arith.constant 120 : i32
      %dma_start3A_1396 = arith.constant 0 : i32
      %dma_start3A_1397 = tpu.memref_slice %arg8[%dma_start3A_1393, %dma_start3A_1395, %dma_start3A_1396] : memref<2x128x128xf32, #tpu.memory_space<vmem>> -> memref<1x8x128xf32, #tpu.memory_space<vmem>>
      %dma_start3A_1398 = tpu.memref_squeeze %dma_start3A_1397 : memref<1x8x128xf32, #tpu.memory_space<vmem>> -> memref<8x128xf32, #tpu.memory_space<vmem>>
      %dma_start3A_1399 = arith.constant 0 : i32
      %dma_start3A_1400 = arith.constant 0 : i32
      %dma_start3A_1401 = tpu.memref_slice %arg4[%add3A_1122, %dma_start3A_1394, %add3A, %dma_start3A_1399, %dma_start3A_1400] : memref<200x4x32x8x128xf32, #tpu.memory_space<hbm>> -> memref<1x1x1x8x128xf32, #tpu.memory_space<hbm>>
      %dma_start3A_1402 = tpu.memref_squeeze %dma_start3A_1401 : memref<1x1x1x8x128xf32, #tpu.memory_space<hbm>> -> memref<8x128xf32, #tpu.memory_space<hbm>>
      %dma_start3A_1403 = arith.constant 0 : i32
      %dma_start3A_1404 = arith.constant 0 : i32
      %dma_start3A_1405 = tpu.memref_slice %arg4[%add3A_1122, %dma_start3A_1394, %add3A, %dma_start3A_1403, %dma_start3A_1404] : memref<200x4x32x8x128xf32, #tpu.memory_space<hbm>> -> memref<1x1x1x8x128xf32, #tpu.memory_space<hbm>>
      %dma_start3A_1406 = tpu.memref_squeeze %dma_start3A_1405 : memref<1x1x1x8x128xf32, #tpu.memory_space<hbm>> -> memref<8x128xf32, #tpu.memory_space<hbm>>
      %dma_start3A_1407 = arith.constant 120 : i32
      %dma_start3A_1408 = arith.constant 0 : i32
      %dma_start3A_1409 = tpu.memref_slice %arg8[%dma_start3A_1393, %dma_start3A_1407, %dma_start3A_1408] : memref<2x128x128xf32, #tpu.memory_space<vmem>> -> memref<1x8x128xf32, #tpu.memory_space<vmem>>
      %dma_start3A_1410 = tpu.memref_squeeze %dma_start3A_1409 : memref<1x8x128xf32, #tpu.memory_space<vmem>> -> memref<8x128xf32, #tpu.memory_space<vmem>>
      tpu.enqueue_dma source(%dma_start3A_1410 : memref<8x128xf32, #tpu.memory_space<vmem>>) target(%dma_start3A_1406 : memref<8x128xf32, #tpu.memory_space<hbm>>) target_semaphore(%arg13 : memref<!tpu.dma_semaphore, #tpu.memory_space<semaphore_mem>>)
    }
    %scan3A_27 = arith.constant 25 : i32
    %dma_wait3A_28 = arith.constant 0 : i32
    %dma_wait3A_29 = arith.constant 192 : i32
    %dma_wait3A_30 = arith.constant 0 : i32
    %dma_wait3A_31 = arith.constant 0 : i32
    %dma_wait3A_32 = arith.constant 0 : i32
    %dma_wait3A_33 = tpu.memref_slice %arg8[%dma_wait3A_28, %dma_wait3A_31, %dma_wait3A_32] : memref<2x128x128xf32, #tpu.memory_space<vmem>> -> memref<1x8x128xf32, #tpu.memory_space<vmem>>
    %dma_wait3A_34 = tpu.memref_squeeze %dma_wait3A_33 : memref<1x8x128xf32, #tpu.memory_space<vmem>> -> memref<8x128xf32, #tpu.memory_space<vmem>>
    %dma_wait3A_35 = arith.constant 0 : i32
    %dma_wait3A_36 = arith.constant 0 : i32
    %dma_wait3A_37 = tpu.memref_slice %arg4[%dma_wait3A_29, %dma_wait3A_30, %add3A, %dma_wait3A_35, %dma_wait3A_36] : memref<200x4x32x8x128xf32, #tpu.memory_space<hbm>> -> memref<1x1x1x8x128xf32, #tpu.memory_space<hbm>>
    %dma_wait3A_38 = tpu.memref_squeeze %dma_wait3A_37 : memref<1x1x1x8x128xf32, #tpu.memory_space<hbm>> -> memref<8x128xf32, #tpu.memory_space<hbm>>
    %dma_wait3A_39 = arith.constant 0 : i32
    %dma_wait3A_40 = arith.constant 0 : i32
    %dma_wait3A_41 = tpu.memref_slice %arg4[%dma_wait3A_29, %dma_wait3A_30, %add3A, %dma_wait3A_39, %dma_wait3A_40] : memref<200x4x32x8x128xf32, #tpu.memory_space<hbm>> -> memref<1x1x1x8x128xf32, #tpu.memory_space<hbm>>
    %dma_wait3A_42 = tpu.memref_squeeze %dma_wait3A_41 : memref<1x1x1x8x128xf32, #tpu.memory_space<hbm>> -> memref<8x128xf32, #tpu.memory_space<hbm>>
    %dma_wait3A_43 = arith.constant 0 : i32
    %dma_wait3A_44 = arith.constant 0 : i32
    %dma_wait3A_45 = tpu.memref_slice %arg8[%dma_wait3A_28, %dma_wait3A_43, %dma_wait3A_44] : memref<2x128x128xf32, #tpu.memory_space<vmem>> -> memref<1x8x128xf32, #tpu.memory_space<vmem>>
    %dma_wait3A_46 = tpu.memref_squeeze %dma_wait3A_45 : memref<1x8x128xf32, #tpu.memory_space<vmem>> -> memref<8x128xf32, #tpu.memory_space<vmem>>
    tpu.wait_dma2 semaphore(%arg12 : memref<!tpu.dma_semaphore, #tpu.memory_space<semaphore_mem>>) src(%dma_wait3A_46 : memref<8x128xf32, #tpu.memory_space<vmem>>) dst(%dma_wait3A_42 : memref<8x128xf32, #tpu.memory_space<hbm>>)
    %dma_wait3A_47 = arith.constant 0 : i32
    %dma_wait3A_48 = arith.constant 192 : i32
    %dma_wait3A_49 = arith.constant 1 : i32
    %dma_wait3A_50 = arith.constant 8 : i32
    %dma_wait3A_51 = arith.constant 0 : i32
    %dma_wait3A_52 = tpu.memref_slice %arg8[%dma_wait3A_47, %dma_wait3A_50, %dma_wait3A_51] : memref<2x128x128xf32, #tpu.memory_space<vmem>> -> memref<1x8x128xf32, #tpu.memory_space<vmem>>
    %dma_wait3A_53 = tpu.memref_squeeze %dma_wait3A_52 : memref<1x8x128xf32, #tpu.memory_space<vmem>> -> memref<8x128xf32, #tpu.memory_space<vmem>>
    %dma_wait3A_54 = arith.constant 0 : i32
    %dma_wait3A_55 = arith.constant 0 : i32
    %dma_wait3A_56 = tpu.memref_slice %arg4[%dma_wait3A_48, %dma_wait3A_49, %add3A, %dma_wait3A_54, %dma_wait3A_55] : memref<200x4x32x8x128xf32, #tpu.memory_space<hbm>> -> memref<1x1x1x8x128xf32, #tpu.memory_space<hbm>>
    %dma_wait3A_57 = tpu.memref_squeeze %dma_wait3A_56 : memref<1x1x1x8x128xf32, #tpu.memory_space<hbm>> -> memref<8x128xf32, #tpu.memory_space<hbm>>
    %dma_wait3A_58 = arith.constant 0 : i32
    %dma_wait3A_59 = arith.constant 0 : i32
    %dma_wait3A_60 = tpu.memref_slice %arg4[%dma_wait3A_48, %dma_wait3A_49, %add3A, %dma_wait3A_58, %dma_wait3A_59] : memref<200x4x32x8x128xf32, #tpu.memory_space<hbm>> -> memref<1x1x1x8x128xf32, #tpu.memory_space<hbm>>
    %dma_wait3A_61 = tpu.memref_squeeze %dma_wait3A_60 : memref<1x1x1x8x128xf32, #tpu.memory_space<hbm>> -> memref<8x128xf32, #tpu.memory_space<hbm>>
    %dma_wait3A_62 = arith.constant 8 : i32
    %dma_wait3A_63 = arith.constant 0 : i32
    %dma_wait3A_64 = tpu.memref_slice %arg8[%dma_wait3A_47, %dma_wait3A_62, %dma_wait3A_63] : memref<2x128x128xf32, #tpu.memory_space<vmem>> -> memref<1x8x128xf32, #tpu.memory_space<vmem>>
    %dma_wait3A_65 = tpu.memref_squeeze %dma_wait3A_64 : memref<1x8x128xf32, #tpu.memory_space<vmem>> -> memref<8x128xf32, #tpu.memory_space<vmem>>
    tpu.wait_dma2 semaphore(%arg12 : memref<!tpu.dma_semaphore, #tpu.memory_space<semaphore_mem>>) src(%dma_wait3A_65 : memref<8x128xf32, #tpu.memory_space<vmem>>) dst(%dma_wait3A_61 : memref<8x128xf32, #tpu.memory_space<hbm>>)
    %dma_wait3A_66 = arith.constant 0 : i32
    %dma_wait3A_67 = arith.constant 192 : i32
    %dma_wait3A_68 = arith.constant 2 : i32
    %dma_wait3A_69 = arith.constant 16 : i32
    %dma_wait3A_70 = arith.constant 0 : i32
    %dma_wait3A_71 = tpu.memref_slice %arg8[%dma_wait3A_66, %dma_wait3A_69, %dma_wait3A_70] : memref<2x128x128xf32, #tpu.memory_space<vmem>> -> memref<1x8x128xf32, #tpu.memory_space<vmem>>
    %dma_wait3A_72 = tpu.memref_squeeze %dma_wait3A_71 : memref<1x8x128xf32, #tpu.memory_space<vmem>> -> memref<8x128xf32, #tpu.memory_space<vmem>>
    %dma_wait3A_73 = arith.constant 0 : i32
    %dma_wait3A_74 = arith.constant 0 : i32
    %dma_wait3A_75 = tpu.memref_slice %arg4[%dma_wait3A_67, %dma_wait3A_68, %add3A, %dma_wait3A_73, %dma_wait3A_74] : memref<200x4x32x8x128xf32, #tpu.memory_space<hbm>> -> memref<1x1x1x8x128xf32, #tpu.memory_space<hbm>>
    %dma_wait3A_76 = tpu.memref_squeeze %dma_wait3A_75 : memref<1x1x1x8x128xf32, #tpu.memory_space<hbm>> -> memref<8x128xf32, #tpu.memory_space<hbm>>
    %dma_wait3A_77 = arith.constant 0 : i32
    %dma_wait3A_78 = arith.constant 0 : i32
    %dma_wait3A_79 = tpu.memref_slice %arg4[%dma_wait3A_67, %dma_wait3A_68, %add3A, %dma_wait3A_77, %dma_wait3A_78] : memref<200x4x32x8x128xf32, #tpu.memory_space<hbm>> -> memref<1x1x1x8x128xf32, #tpu.memory_space<hbm>>
    %dma_wait3A_80 = tpu.memref_squeeze %dma_wait3A_79 : memref<1x1x1x8x128xf32, #tpu.memory_space<hbm>> -> memref<8x128xf32, #tpu.memory_space<hbm>>
    %dma_wait3A_81 = arith.constant 16 : i32
    %dma_wait3A_82 = arith.constant 0 : i32
    %dma_wait3A_83 = tpu.memref_slice %arg8[%dma_wait3A_66, %dma_wait3A_81, %dma_wait3A_82] : memref<2x128x128xf32, #tpu.memory_space<vmem>> -> memref<1x8x128xf32, #tpu.memory_space<vmem>>
    %dma_wait3A_84 = tpu.memref_squeeze %dma_wait3A_83 : memref<1x8x128xf32, #tpu.memory_space<vmem>> -> memref<8x128xf32, #tpu.memory_space<vmem>>
    tpu.wait_dma2 semaphore(%arg12 : memref<!tpu.dma_semaphore, #tpu.memory_space<semaphore_mem>>) src(%dma_wait3A_84 : memref<8x128xf32, #tpu.memory_space<vmem>>) dst(%dma_wait3A_80 : memref<8x128xf32, #tpu.memory_space<hbm>>)
    %dma_wait3A_85 = arith.constant 0 : i32
    %dma_wait3A_86 = arith.constant 192 : i32
    %dma_wait3A_87 = arith.constant 3 : i32
    %dma_wait3A_88 = arith.constant 24 : i32
    %dma_wait3A_89 = arith.constant 0 : i32
    %dma_wait3A_90 = tpu.memref_slice %arg8[%dma_wait3A_85, %dma_wait3A_88, %dma_wait3A_89] : memref<2x128x128xf32, #tpu.memory_space<vmem>> -> memref<1x8x128xf32, #tpu.memory_space<vmem>>
    %dma_wait3A_91 = tpu.memref_squeeze %dma_wait3A_90 : memref<1x8x128xf32, #tpu.memory_space<vmem>> -> memref<8x128xf32, #tpu.memory_space<vmem>>
    %dma_wait3A_92 = arith.constant 0 : i32
    %dma_wait3A_93 = arith.constant 0 : i32
    %dma_wait3A_94 = tpu.memref_slice %arg4[%dma_wait3A_86, %dma_wait3A_87, %add3A, %dma_wait3A_92, %dma_wait3A_93] : memref<200x4x32x8x128xf32, #tpu.memory_space<hbm>> -> memref<1x1x1x8x128xf32, #tpu.memory_space<hbm>>
    %dma_wait3A_95 = tpu.memref_squeeze %dma_wait3A_94 : memref<1x1x1x8x128xf32, #tpu.memory_space<hbm>> -> memref<8x128xf32, #tpu.memory_space<hbm>>
    %dma_wait3A_96 = arith.constant 0 : i32
    %dma_wait3A_97 = arith.constant 0 : i32
    %dma_wait3A_98 = tpu.memref_slice %arg4[%dma_wait3A_86, %dma_wait3A_87, %add3A, %dma_wait3A_96, %dma_wait3A_97] : memref<200x4x32x8x128xf32, #tpu.memory_space<hbm>> -> memref<1x1x1x8x128xf32, #tpu.memory_space<hbm>>
    %dma_wait3A_99 = tpu.memref_squeeze %dma_wait3A_98 : memref<1x1x1x8x128xf32, #tpu.memory_space<hbm>> -> memref<8x128xf32, #tpu.memory_space<hbm>>
    %dma_wait3A_100 = arith.constant 24 : i32
    %dma_wait3A_101 = arith.constant 0 : i32
    %dma_wait3A_102 = tpu.memref_slice %arg8[%dma_wait3A_85, %dma_wait3A_100, %dma_wait3A_101] : memref<2x128x128xf32, #tpu.memory_space<vmem>> -> memref<1x8x128xf32, #tpu.memory_space<vmem>>
    %dma_wait3A_103 = tpu.memref_squeeze %dma_wait3A_102 : memref<1x8x128xf32, #tpu.memory_space<vmem>> -> memref<8x128xf32, #tpu.memory_space<vmem>>
    tpu.wait_dma2 semaphore(%arg12 : memref<!tpu.dma_semaphore, #tpu.memory_space<semaphore_mem>>) src(%dma_wait3A_103 : memref<8x128xf32, #tpu.memory_space<vmem>>) dst(%dma_wait3A_99 : memref<8x128xf32, #tpu.memory_space<hbm>>)
    %dma_wait3A_104 = arith.constant 0 : i32
    %dma_wait3A_105 = arith.constant 193 : i32
    %dma_wait3A_106 = arith.constant 0 : i32
    %dma_wait3A_107 = arith.constant 32 : i32
    %dma_wait3A_108 = arith.constant 0 : i32
    %dma_wait3A_109 = tpu.memref_slice %arg8[%dma_wait3A_104, %dma_wait3A_107, %dma_wait3A_108] : memref<2x128x128xf32, #tpu.memory_space<vmem>> -> memref<1x8x128xf32, #tpu.memory_space<vmem>>
    %dma_wait3A_110 = tpu.memref_squeeze %dma_wait3A_109 : memref<1x8x128xf32, #tpu.memory_space<vmem>> -> memref<8x128xf32, #tpu.memory_space<vmem>>
    %dma_wait3A_111 = arith.constant 0 : i32
    %dma_wait3A_112 = arith.constant 0 : i32
    %dma_wait3A_113 = tpu.memref_slice %arg4[%dma_wait3A_105, %dma_wait3A_106, %add3A, %dma_wait3A_111, %dma_wait3A_112] : memref<200x4x32x8x128xf32, #tpu.memory_space<hbm>> -> memref<1x1x1x8x128xf32, #tpu.memory_space<hbm>>
    %dma_wait3A_114 = tpu.memref_squeeze %dma_wait3A_113 : memref<1x1x1x8x128xf32, #tpu.memory_space<hbm>> -> memref<8x128xf32, #tpu.memory_space<hbm>>
    %dma_wait3A_115 = arith.constant 0 : i32
    %dma_wait3A_116 = arith.constant 0 : i32
    %dma_wait3A_117 = tpu.memref_slice %arg4[%dma_wait3A_105, %dma_wait3A_106, %add3A, %dma_wait3A_115, %dma_wait3A_116] : memref<200x4x32x8x128xf32, #tpu.memory_space<hbm>> -> memref<1x1x1x8x128xf32, #tpu.memory_space<hbm>>
    %dma_wait3A_118 = tpu.memref_squeeze %dma_wait3A_117 : memref<1x1x1x8x128xf32, #tpu.memory_space<hbm>> -> memref<8x128xf32, #tpu.memory_space<hbm>>
    %dma_wait3A_119 = arith.constant 32 : i32
    %dma_wait3A_120 = arith.constant 0 : i32
    %dma_wait3A_121 = tpu.memref_slice %arg8[%dma_wait3A_104, %dma_wait3A_119, %dma_wait3A_120] : memref<2x128x128xf32, #tpu.memory_space<vmem>> -> memref<1x8x128xf32, #tpu.memory_space<vmem>>
    %dma_wait3A_122 = tpu.memref_squeeze %dma_wait3A_121 : memref<1x8x128xf32, #tpu.memory_space<vmem>> -> memref<8x128xf32, #tpu.memory_space<vmem>>
    tpu.wait_dma2 semaphore(%arg12 : memref<!tpu.dma_semaphore, #tpu.memory_space<semaphore_mem>>) src(%dma_wait3A_122 : memref<8x128xf32, #tpu.memory_space<vmem>>) dst(%dma_wait3A_118 : memref<8x128xf32, #tpu.memory_space<hbm>>)
    %dma_wait3A_123 = arith.constant 0 : i32
    %dma_wait3A_124 = arith.constant 193 : i32
    %dma_wait3A_125 = arith.constant 1 : i32
    %dma_wait3A_126 = arith.constant 40 : i32
    %dma_wait3A_127 = arith.constant 0 : i32
    %dma_wait3A_128 = tpu.memref_slice %arg8[%dma_wait3A_123, %dma_wait3A_126, %dma_wait3A_127] : memref<2x128x128xf32, #tpu.memory_space<vmem>> -> memref<1x8x128xf32, #tpu.memory_space<vmem>>
    %dma_wait3A_129 = tpu.memref_squeeze %dma_wait3A_128 : memref<1x8x128xf32, #tpu.memory_space<vmem>> -> memref<8x128xf32, #tpu.memory_space<vmem>>
    %dma_wait3A_130 = arith.constant 0 : i32
    %dma_wait3A_131 = arith.constant 0 : i32
    %dma_wait3A_132 = tpu.memref_slice %arg4[%dma_wait3A_124, %dma_wait3A_125, %add3A, %dma_wait3A_130, %dma_wait3A_131] : memref<200x4x32x8x128xf32, #tpu.memory_space<hbm>> -> memref<1x1x1x8x128xf32, #tpu.memory_space<hbm>>
    %dma_wait3A_133 = tpu.memref_squeeze %dma_wait3A_132 : memref<1x1x1x8x128xf32, #tpu.memory_space<hbm>> -> memref<8x128xf32, #tpu.memory_space<hbm>>
    %dma_wait3A_134 = arith.constant 0 : i32
    %dma_wait3A_135 = arith.constant 0 : i32
    %dma_wait3A_136 = tpu.memref_slice %arg4[%dma_wait3A_124, %dma_wait3A_125, %add3A, %dma_wait3A_134, %dma_wait3A_135] : memref<200x4x32x8x128xf32, #tpu.memory_space<hbm>> -> memref<1x1x1x8x128xf32, #tpu.memory_space<hbm>>
    %dma_wait3A_137 = tpu.memref_squeeze %dma_wait3A_136 : memref<1x1x1x8x128xf32, #tpu.memory_space<hbm>> -> memref<8x128xf32, #tpu.memory_space<hbm>>
    %dma_wait3A_138 = arith.constant 40 : i32
    %dma_wait3A_139 = arith.constant 0 : i32
    %dma_wait3A_140 = tpu.memref_slice %arg8[%dma_wait3A_123, %dma_wait3A_138, %dma_wait3A_139] : memref<2x128x128xf32, #tpu.memory_space<vmem>> -> memref<1x8x128xf32, #tpu.memory_space<vmem>>
    %dma_wait3A_141 = tpu.memref_squeeze %dma_wait3A_140 : memref<1x8x128xf32, #tpu.memory_space<vmem>> -> memref<8x128xf32, #tpu.memory_space<vmem>>
    tpu.wait_dma2 semaphore(%arg12 : memref<!tpu.dma_semaphore, #tpu.memory_space<semaphore_mem>>) src(%dma_wait3A_141 : memref<8x128xf32, #tpu.memory_space<vmem>>) dst(%dma_wait3A_137 : memref<8x128xf32, #tpu.memory_space<hbm>>)
    %dma_wait3A_142 = arith.constant 0 : i32
    %dma_wait3A_143 = arith.constant 193 : i32
    %dma_wait3A_144 = arith.constant 2 : i32
    %dma_wait3A_145 = arith.constant 48 : i32
    %dma_wait3A_146 = arith.constant 0 : i32
    %dma_wait3A_147 = tpu.memref_slice %arg8[%dma_wait3A_142, %dma_wait3A_145, %dma_wait3A_146] : memref<2x128x128xf32, #tpu.memory_space<vmem>> -> memref<1x8x128xf32, #tpu.memory_space<vmem>>
    %dma_wait3A_148 = tpu.memref_squeeze %dma_wait3A_147 : memref<1x8x128xf32, #tpu.memory_space<vmem>> -> memref<8x128xf32, #tpu.memory_space<vmem>>
    %dma_wait3A_149 = arith.constant 0 : i32
    %dma_wait3A_150 = arith.constant 0 : i32
    %dma_wait3A_151 = tpu.memref_slice %arg4[%dma_wait3A_143, %dma_wait3A_144, %add3A, %dma_wait3A_149, %dma_wait3A_150] : memref<200x4x32x8x128xf32, #tpu.memory_space<hbm>> -> memref<1x1x1x8x128xf32, #tpu.memory_space<hbm>>
    %dma_wait3A_152 = tpu.memref_squeeze %dma_wait3A_151 : memref<1x1x1x8x128xf32, #tpu.memory_space<hbm>> -> memref<8x128xf32, #tpu.memory_space<hbm>>
    %dma_wait3A_153 = arith.constant 0 : i32
    %dma_wait3A_154 = arith.constant 0 : i32
    %dma_wait3A_155 = tpu.memref_slice %arg4[%dma_wait3A_143, %dma_wait3A_144, %add3A, %dma_wait3A_153, %dma_wait3A_154] : memref<200x4x32x8x128xf32, #tpu.memory_space<hbm>> -> memref<1x1x1x8x128xf32, #tpu.memory_space<hbm>>
    %dma_wait3A_156 = tpu.memref_squeeze %dma_wait3A_155 : memref<1x1x1x8x128xf32, #tpu.memory_space<hbm>> -> memref<8x128xf32, #tpu.memory_space<hbm>>
    %dma_wait3A_157 = arith.constant 48 : i32
    %dma_wait3A_158 = arith.constant 0 : i32
    %dma_wait3A_159 = tpu.memref_slice %arg8[%dma_wait3A_142, %dma_wait3A_157, %dma_wait3A_158] : memref<2x128x128xf32, #tpu.memory_space<vmem>> -> memref<1x8x128xf32, #tpu.memory_space<vmem>>
    %dma_wait3A_160 = tpu.memref_squeeze %dma_wait3A_159 : memref<1x8x128xf32, #tpu.memory_space<vmem>> -> memref<8x128xf32, #tpu.memory_space<vmem>>
    tpu.wait_dma2 semaphore(%arg12 : memref<!tpu.dma_semaphore, #tpu.memory_space<semaphore_mem>>) src(%dma_wait3A_160 : memref<8x128xf32, #tpu.memory_space<vmem>>) dst(%dma_wait3A_156 : memref<8x128xf32, #tpu.memory_space<hbm>>)
    %dma_wait3A_161 = arith.constant 0 : i32
    %dma_wait3A_162 = arith.constant 193 : i32
    %dma_wait3A_163 = arith.constant 3 : i32
    %dma_wait3A_164 = arith.constant 56 : i32
    %dma_wait3A_165 = arith.constant 0 : i32
    %dma_wait3A_166 = tpu.memref_slice %arg8[%dma_wait3A_161, %dma_wait3A_164, %dma_wait3A_165] : memref<2x128x128xf32, #tpu.memory_space<vmem>> -> memref<1x8x128xf32, #tpu.memory_space<vmem>>
    %dma_wait3A_167 = tpu.memref_squeeze %dma_wait3A_166 : memref<1x8x128xf32, #tpu.memory_space<vmem>> -> memref<8x128xf32, #tpu.memory_space<vmem>>
    %dma_wait3A_168 = arith.constant 0 : i32
    %dma_wait3A_169 = arith.constant 0 : i32
    %dma_wait3A_170 = tpu.memref_slice %arg4[%dma_wait3A_162, %dma_wait3A_163, %add3A, %dma_wait3A_168, %dma_wait3A_169] : memref<200x4x32x8x128xf32, #tpu.memory_space<hbm>> -> memref<1x1x1x8x128xf32, #tpu.memory_space<hbm>>
    %dma_wait3A_171 = tpu.memref_squeeze %dma_wait3A_170 : memref<1x1x1x8x128xf32, #tpu.memory_space<hbm>> -> memref<8x128xf32, #tpu.memory_space<hbm>>
    %dma_wait3A_172 = arith.constant 0 : i32
    %dma_wait3A_173 = arith.constant 0 : i32
    %dma_wait3A_174 = tpu.memref_slice %arg4[%dma_wait3A_162, %dma_wait3A_163, %add3A, %dma_wait3A_172, %dma_wait3A_173] : memref<200x4x32x8x128xf32, #tpu.memory_space<hbm>> -> memref<1x1x1x8x128xf32, #tpu.memory_space<hbm>>
    %dma_wait3A_175 = tpu.memref_squeeze %dma_wait3A_174 : memref<1x1x1x8x128xf32, #tpu.memory_space<hbm>> -> memref<8x128xf32, #tpu.memory_space<hbm>>
    %dma_wait3A_176 = arith.constant 56 : i32
    %dma_wait3A_177 = arith.constant 0 : i32
    %dma_wait3A_178 = tpu.memref_slice %arg8[%dma_wait3A_161, %dma_wait3A_176, %dma_wait3A_177] : memref<2x128x128xf32, #tpu.memory_space<vmem>> -> memref<1x8x128xf32, #tpu.memory_space<vmem>>
    %dma_wait3A_179 = tpu.memref_squeeze %dma_wait3A_178 : memref<1x8x128xf32, #tpu.memory_space<vmem>> -> memref<8x128xf32, #tpu.memory_space<vmem>>
    tpu.wait_dma2 semaphore(%arg12 : memref<!tpu.dma_semaphore, #tpu.memory_space<semaphore_mem>>) src(%dma_wait3A_179 : memref<8x128xf32, #tpu.memory_space<vmem>>) dst(%dma_wait3A_175 : memref<8x128xf32, #tpu.memory_space<hbm>>)
    %dma_wait3A_180 = arith.constant 0 : i32
    %dma_wait3A_181 = arith.constant 194 : i32
    %dma_wait3A_182 = arith.constant 0 : i32
    %dma_wait3A_183 = arith.constant 64 : i32
    %dma_wait3A_184 = arith.constant 0 : i32
    %dma_wait3A_185 = tpu.memref_slice %arg8[%dma_wait3A_180, %dma_wait3A_183, %dma_wait3A_184] : memref<2x128x128xf32, #tpu.memory_space<vmem>> -> memref<1x8x128xf32, #tpu.memory_space<vmem>>
    %dma_wait3A_186 = tpu.memref_squeeze %dma_wait3A_185 : memref<1x8x128xf32, #tpu.memory_space<vmem>> -> memref<8x128xf32, #tpu.memory_space<vmem>>
    %dma_wait3A_187 = arith.constant 0 : i32
    %dma_wait3A_188 = arith.constant 0 : i32
    %dma_wait3A_189 = tpu.memref_slice %arg4[%dma_wait3A_181, %dma_wait3A_182, %add3A, %dma_wait3A_187, %dma_wait3A_188] : memref<200x4x32x8x128xf32, #tpu.memory_space<hbm>> -> memref<1x1x1x8x128xf32, #tpu.memory_space<hbm>>
    %dma_wait3A_190 = tpu.memref_squeeze %dma_wait3A_189 : memref<1x1x1x8x128xf32, #tpu.memory_space<hbm>> -> memref<8x128xf32, #tpu.memory_space<hbm>>
    %dma_wait3A_191 = arith.constant 0 : i32
    %dma_wait3A_192 = arith.constant 0 : i32
    %dma_wait3A_193 = tpu.memref_slice %arg4[%dma_wait3A_181, %dma_wait3A_182, %add3A, %dma_wait3A_191, %dma_wait3A_192] : memref<200x4x32x8x128xf32, #tpu.memory_space<hbm>> -> memref<1x1x1x8x128xf32, #tpu.memory_space<hbm>>
    %dma_wait3A_194 = tpu.memref_squeeze %dma_wait3A_193 : memref<1x1x1x8x128xf32, #tpu.memory_space<hbm>> -> memref<8x128xf32, #tpu.memory_space<hbm>>
    %dma_wait3A_195 = arith.constant 64 : i32
    %dma_wait3A_196 = arith.constant 0 : i32
    %dma_wait3A_197 = tpu.memref_slice %arg8[%dma_wait3A_180, %dma_wait3A_195, %dma_wait3A_196] : memref<2x128x128xf32, #tpu.memory_space<vmem>> -> memref<1x8x128xf32, #tpu.memory_space<vmem>>
    %dma_wait3A_198 = tpu.memref_squeeze %dma_wait3A_197 : memref<1x8x128xf32, #tpu.memory_space<vmem>> -> memref<8x128xf32, #tpu.memory_space<vmem>>
    tpu.wait_dma2 semaphore(%arg12 : memref<!tpu.dma_semaphore, #tpu.memory_space<semaphore_mem>>) src(%dma_wait3A_198 : memref<8x128xf32, #tpu.memory_space<vmem>>) dst(%dma_wait3A_194 : memref<8x128xf32, #tpu.memory_space<hbm>>)
    %dma_wait3A_199 = arith.constant 0 : i32
    %dma_wait3A_200 = arith.constant 194 : i32
    %dma_wait3A_201 = arith.constant 1 : i32
    %dma_wait3A_202 = arith.constant 72 : i32
    %dma_wait3A_203 = arith.constant 0 : i32
    %dma_wait3A_204 = tpu.memref_slice %arg8[%dma_wait3A_199, %dma_wait3A_202, %dma_wait3A_203] : memref<2x128x128xf32, #tpu.memory_space<vmem>> -> memref<1x8x128xf32, #tpu.memory_space<vmem>>
    %dma_wait3A_205 = tpu.memref_squeeze %dma_wait3A_204 : memref<1x8x128xf32, #tpu.memory_space<vmem>> -> memref<8x128xf32, #tpu.memory_space<vmem>>
    %dma_wait3A_206 = arith.constant 0 : i32
    %dma_wait3A_207 = arith.constant 0 : i32
    %dma_wait3A_208 = tpu.memref_slice %arg4[%dma_wait3A_200, %dma_wait3A_201, %add3A, %dma_wait3A_206, %dma_wait3A_207] : memref<200x4x32x8x128xf32, #tpu.memory_space<hbm>> -> memref<1x1x1x8x128xf32, #tpu.memory_space<hbm>>
    %dma_wait3A_209 = tpu.memref_squeeze %dma_wait3A_208 : memref<1x1x1x8x128xf32, #tpu.memory_space<hbm>> -> memref<8x128xf32, #tpu.memory_space<hbm>>
    %dma_wait3A_210 = arith.constant 0 : i32
    %dma_wait3A_211 = arith.constant 0 : i32
    %dma_wait3A_212 = tpu.memref_slice %arg4[%dma_wait3A_200, %dma_wait3A_201, %add3A, %dma_wait3A_210, %dma_wait3A_211] : memref<200x4x32x8x128xf32, #tpu.memory_space<hbm>> -> memref<1x1x1x8x128xf32, #tpu.memory_space<hbm>>
    %dma_wait3A_213 = tpu.memref_squeeze %dma_wait3A_212 : memref<1x1x1x8x128xf32, #tpu.memory_space<hbm>> -> memref<8x128xf32, #tpu.memory_space<hbm>>
    %dma_wait3A_214 = arith.constant 72 : i32
    %dma_wait3A_215 = arith.constant 0 : i32
    %dma_wait3A_216 = tpu.memref_slice %arg8[%dma_wait3A_199, %dma_wait3A_214, %dma_wait3A_215] : memref<2x128x128xf32, #tpu.memory_space<vmem>> -> memref<1x8x128xf32, #tpu.memory_space<vmem>>
    %dma_wait3A_217 = tpu.memref_squeeze %dma_wait3A_216 : memref<1x8x128xf32, #tpu.memory_space<vmem>> -> memref<8x128xf32, #tpu.memory_space<vmem>>
    tpu.wait_dma2 semaphore(%arg12 : memref<!tpu.dma_semaphore, #tpu.memory_space<semaphore_mem>>) src(%dma_wait3A_217 : memref<8x128xf32, #tpu.memory_space<vmem>>) dst(%dma_wait3A_213 : memref<8x128xf32, #tpu.memory_space<hbm>>)
    %dma_wait3A_218 = arith.constant 0 : i32
    %dma_wait3A_219 = arith.constant 194 : i32
    %dma_wait3A_220 = arith.constant 2 : i32
    %dma_wait3A_221 = arith.constant 80 : i32
    %dma_wait3A_222 = arith.constant 0 : i32
    %dma_wait3A_223 = tpu.memref_slice %arg8[%dma_wait3A_218, %dma_wait3A_221, %dma_wait3A_222] : memref<2x128x128xf32, #tpu.memory_space<vmem>> -> memref<1x8x128xf32, #tpu.memory_space<vmem>>
    %dma_wait3A_224 = tpu.memref_squeeze %dma_wait3A_223 : memref<1x8x128xf32, #tpu.memory_space<vmem>> -> memref<8x128xf32, #tpu.memory_space<vmem>>
    %dma_wait3A_225 = arith.constant 0 : i32
    %dma_wait3A_226 = arith.constant 0 : i32
    %dma_wait3A_227 = tpu.memref_slice %arg4[%dma_wait3A_219, %dma_wait3A_220, %add3A, %dma_wait3A_225, %dma_wait3A_226] : memref<200x4x32x8x128xf32, #tpu.memory_space<hbm>> -> memref<1x1x1x8x128xf32, #tpu.memory_space<hbm>>
    %dma_wait3A_228 = tpu.memref_squeeze %dma_wait3A_227 : memref<1x1x1x8x128xf32, #tpu.memory_space<hbm>> -> memref<8x128xf32, #tpu.memory_space<hbm>>
    %dma_wait3A_229 = arith.constant 0 : i32
    %dma_wait3A_230 = arith.constant 0 : i32
    %dma_wait3A_231 = tpu.memref_slice %arg4[%dma_wait3A_219, %dma_wait3A_220, %add3A, %dma_wait3A_229, %dma_wait3A_230] : memref<200x4x32x8x128xf32, #tpu.memory_space<hbm>> -> memref<1x1x1x8x128xf32, #tpu.memory_space<hbm>>
    %dma_wait3A_232 = tpu.memref_squeeze %dma_wait3A_231 : memref<1x1x1x8x128xf32, #tpu.memory_space<hbm>> -> memref<8x128xf32, #tpu.memory_space<hbm>>
    %dma_wait3A_233 = arith.constant 80 : i32
    %dma_wait3A_234 = arith.constant 0 : i32
    %dma_wait3A_235 = tpu.memref_slice %arg8[%dma_wait3A_218, %dma_wait3A_233, %dma_wait3A_234] : memref<2x128x128xf32, #tpu.memory_space<vmem>> -> memref<1x8x128xf32, #tpu.memory_space<vmem>>
    %dma_wait3A_236 = tpu.memref_squeeze %dma_wait3A_235 : memref<1x8x128xf32, #tpu.memory_space<vmem>> -> memref<8x128xf32, #tpu.memory_space<vmem>>
    tpu.wait_dma2 semaphore(%arg12 : memref<!tpu.dma_semaphore, #tpu.memory_space<semaphore_mem>>) src(%dma_wait3A_236 : memref<8x128xf32, #tpu.memory_space<vmem>>) dst(%dma_wait3A_232 : memref<8x128xf32, #tpu.memory_space<hbm>>)
    %dma_wait3A_237 = arith.constant 0 : i32
    %dma_wait3A_238 = arith.constant 194 : i32
    %dma_wait3A_239 = arith.constant 3 : i32
    %dma_wait3A_240 = arith.constant 88 : i32
    %dma_wait3A_241 = arith.constant 0 : i32
    %dma_wait3A_242 = tpu.memref_slice %arg8[%dma_wait3A_237, %dma_wait3A_240, %dma_wait3A_241] : memref<2x128x128xf32, #tpu.memory_space<vmem>> -> memref<1x8x128xf32, #tpu.memory_space<vmem>>
    %dma_wait3A_243 = tpu.memref_squeeze %dma_wait3A_242 : memref<1x8x128xf32, #tpu.memory_space<vmem>> -> memref<8x128xf32, #tpu.memory_space<vmem>>
    %dma_wait3A_244 = arith.constant 0 : i32
    %dma_wait3A_245 = arith.constant 0 : i32
    %dma_wait3A_246 = tpu.memref_slice %arg4[%dma_wait3A_238, %dma_wait3A_239, %add3A, %dma_wait3A_244, %dma_wait3A_245] : memref<200x4x32x8x128xf32, #tpu.memory_space<hbm>> -> memref<1x1x1x8x128xf32, #tpu.memory_space<hbm>>
    %dma_wait3A_247 = tpu.memref_squeeze %dma_wait3A_246 : memref<1x1x1x8x128xf32, #tpu.memory_space<hbm>> -> memref<8x128xf32, #tpu.memory_space<hbm>>
    %dma_wait3A_248 = arith.constant 0 : i32
    %dma_wait3A_249 = arith.constant 0 : i32
    %dma_wait3A_250 = tpu.memref_slice %arg4[%dma_wait3A_238, %dma_wait3A_239, %add3A, %dma_wait3A_248, %dma_wait3A_249] : memref<200x4x32x8x128xf32, #tpu.memory_space<hbm>> -> memref<1x1x1x8x128xf32, #tpu.memory_space<hbm>>
    %dma_wait3A_251 = tpu.memref_squeeze %dma_wait3A_250 : memref<1x1x1x8x128xf32, #tpu.memory_space<hbm>> -> memref<8x128xf32, #tpu.memory_space<hbm>>
    %dma_wait3A_252 = arith.constant 88 : i32
    %dma_wait3A_253 = arith.constant 0 : i32
    %dma_wait3A_254 = tpu.memref_slice %arg8[%dma_wait3A_237, %dma_wait3A_252, %dma_wait3A_253] : memref<2x128x128xf32, #tpu.memory_space<vmem>> -> memref<1x8x128xf32, #tpu.memory_space<vmem>>
    %dma_wait3A_255 = tpu.memref_squeeze %dma_wait3A_254 : memref<1x8x128xf32, #tpu.memory_space<vmem>> -> memref<8x128xf32, #tpu.memory_space<vmem>>
    tpu.wait_dma2 semaphore(%arg12 : memref<!tpu.dma_semaphore, #tpu.memory_space<semaphore_mem>>) src(%dma_wait3A_255 : memref<8x128xf32, #tpu.memory_space<vmem>>) dst(%dma_wait3A_251 : memref<8x128xf32, #tpu.memory_space<hbm>>)
    %dma_wait3A_256 = arith.constant 0 : i32
    %dma_wait3A_257 = arith.constant 195 : i32
    %dma_wait3A_258 = arith.constant 0 : i32
    %dma_wait3A_259 = arith.constant 96 : i32
    %dma_wait3A_260 = arith.constant 0 : i32
    %dma_wait3A_261 = tpu.memref_slice %arg8[%dma_wait3A_256, %dma_wait3A_259, %dma_wait3A_260] : memref<2x128x128xf32, #tpu.memory_space<vmem>> -> memref<1x8x128xf32, #tpu.memory_space<vmem>>
    %dma_wait3A_262 = tpu.memref_squeeze %dma_wait3A_261 : memref<1x8x128xf32, #tpu.memory_space<vmem>> -> memref<8x128xf32, #tpu.memory_space<vmem>>
    %dma_wait3A_263 = arith.constant 0 : i32
    %dma_wait3A_264 = arith.constant 0 : i32
    %dma_wait3A_265 = tpu.memref_slice %arg4[%dma_wait3A_257, %dma_wait3A_258, %add3A, %dma_wait3A_263, %dma_wait3A_264] : memref<200x4x32x8x128xf32, #tpu.memory_space<hbm>> -> memref<1x1x1x8x128xf32, #tpu.memory_space<hbm>>
    %dma_wait3A_266 = tpu.memref_squeeze %dma_wait3A_265 : memref<1x1x1x8x128xf32, #tpu.memory_space<hbm>> -> memref<8x128xf32, #tpu.memory_space<hbm>>
    %dma_wait3A_267 = arith.constant 0 : i32
    %dma_wait3A_268 = arith.constant 0 : i32
    %dma_wait3A_269 = tpu.memref_slice %arg4[%dma_wait3A_257, %dma_wait3A_258, %add3A, %dma_wait3A_267, %dma_wait3A_268] : memref<200x4x32x8x128xf32, #tpu.memory_space<hbm>> -> memref<1x1x1x8x128xf32, #tpu.memory_space<hbm>>
    %dma_wait3A_270 = tpu.memref_squeeze %dma_wait3A_269 : memref<1x1x1x8x128xf32, #tpu.memory_space<hbm>> -> memref<8x128xf32, #tpu.memory_space<hbm>>
    %dma_wait3A_271 = arith.constant 96 : i32
    %dma_wait3A_272 = arith.constant 0 : i32
    %dma_wait3A_273 = tpu.memref_slice %arg8[%dma_wait3A_256, %dma_wait3A_271, %dma_wait3A_272] : memref<2x128x128xf32, #tpu.memory_space<vmem>> -> memref<1x8x128xf32, #tpu.memory_space<vmem>>
    %dma_wait3A_274 = tpu.memref_squeeze %dma_wait3A_273 : memref<1x8x128xf32, #tpu.memory_space<vmem>> -> memref<8x128xf32, #tpu.memory_space<vmem>>
    tpu.wait_dma2 semaphore(%arg12 : memref<!tpu.dma_semaphore, #tpu.memory_space<semaphore_mem>>) src(%dma_wait3A_274 : memref<8x128xf32, #tpu.memory_space<vmem>>) dst(%dma_wait3A_270 : memref<8x128xf32, #tpu.memory_space<hbm>>)
    %dma_wait3A_275 = arith.constant 0 : i32
    %dma_wait3A_276 = arith.constant 195 : i32
    %dma_wait3A_277 = arith.constant 1 : i32
    %dma_wait3A_278 = arith.constant 104 : i32
    %dma_wait3A_279 = arith.constant 0 : i32
    %dma_wait3A_280 = tpu.memref_slice %arg8[%dma_wait3A_275, %dma_wait3A_278, %dma_wait3A_279] : memref<2x128x128xf32, #tpu.memory_space<vmem>> -> memref<1x8x128xf32, #tpu.memory_space<vmem>>
    %dma_wait3A_281 = tpu.memref_squeeze %dma_wait3A_280 : memref<1x8x128xf32, #tpu.memory_space<vmem>> -> memref<8x128xf32, #tpu.memory_space<vmem>>
    %dma_wait3A_282 = arith.constant 0 : i32
    %dma_wait3A_283 = arith.constant 0 : i32
    %dma_wait3A_284 = tpu.memref_slice %arg4[%dma_wait3A_276, %dma_wait3A_277, %add3A, %dma_wait3A_282, %dma_wait3A_283] : memref<200x4x32x8x128xf32, #tpu.memory_space<hbm>> -> memref<1x1x1x8x128xf32, #tpu.memory_space<hbm>>
    %dma_wait3A_285 = tpu.memref_squeeze %dma_wait3A_284 : memref<1x1x1x8x128xf32, #tpu.memory_space<hbm>> -> memref<8x128xf32, #tpu.memory_space<hbm>>
    %dma_wait3A_286 = arith.constant 0 : i32
    %dma_wait3A_287 = arith.constant 0 : i32
    %dma_wait3A_288 = tpu.memref_slice %arg4[%dma_wait3A_276, %dma_wait3A_277, %add3A, %dma_wait3A_286, %dma_wait3A_287] : memref<200x4x32x8x128xf32, #tpu.memory_space<hbm>> -> memref<1x1x1x8x128xf32, #tpu.memory_space<hbm>>
    %dma_wait3A_289 = tpu.memref_squeeze %dma_wait3A_288 : memref<1x1x1x8x128xf32, #tpu.memory_space<hbm>> -> memref<8x128xf32, #tpu.memory_space<hbm>>
    %dma_wait3A_290 = arith.constant 104 : i32
    %dma_wait3A_291 = arith.constant 0 : i32
    %dma_wait3A_292 = tpu.memref_slice %arg8[%dma_wait3A_275, %dma_wait3A_290, %dma_wait3A_291] : memref<2x128x128xf32, #tpu.memory_space<vmem>> -> memref<1x8x128xf32, #tpu.memory_space<vmem>>
    %dma_wait3A_293 = tpu.memref_squeeze %dma_wait3A_292 : memref<1x8x128xf32, #tpu.memory_space<vmem>> -> memref<8x128xf32, #tpu.memory_space<vmem>>
    tpu.wait_dma2 semaphore(%arg12 : memref<!tpu.dma_semaphore, #tpu.memory_space<semaphore_mem>>) src(%dma_wait3A_293 : memref<8x128xf32, #tpu.memory_space<vmem>>) dst(%dma_wait3A_289 : memref<8x128xf32, #tpu.memory_space<hbm>>)
    %dma_wait3A_294 = arith.constant 0 : i32
    %dma_wait3A_295 = arith.constant 195 : i32
    %dma_wait3A_296 = arith.constant 2 : i32
    %dma_wait3A_297 = arith.constant 112 : i32
    %dma_wait3A_298 = arith.constant 0 : i32
    %dma_wait3A_299 = tpu.memref_slice %arg8[%dma_wait3A_294, %dma_wait3A_297, %dma_wait3A_298] : memref<2x128x128xf32, #tpu.memory_space<vmem>> -> memref<1x8x128xf32, #tpu.memory_space<vmem>>
    %dma_wait3A_300 = tpu.memref_squeeze %dma_wait3A_299 : memref<1x8x128xf32, #tpu.memory_space<vmem>> -> memref<8x128xf32, #tpu.memory_space<vmem>>
    %dma_wait3A_301 = arith.constant 0 : i32
    %dma_wait3A_302 = arith.constant 0 : i32
    %dma_wait3A_303 = tpu.memref_slice %arg4[%dma_wait3A_295, %dma_wait3A_296, %add3A, %dma_wait3A_301, %dma_wait3A_302] : memref<200x4x32x8x128xf32, #tpu.memory_space<hbm>> -> memref<1x1x1x8x128xf32, #tpu.memory_space<hbm>>
    %dma_wait3A_304 = tpu.memref_squeeze %dma_wait3A_303 : memref<1x1x1x8x128xf32, #tpu.memory_space<hbm>> -> memref<8x128xf32, #tpu.memory_space<hbm>>
    %dma_wait3A_305 = arith.constant 0 : i32
    %dma_wait3A_306 = arith.constant 0 : i32
    %dma_wait3A_307 = tpu.memref_slice %arg4[%dma_wait3A_295, %dma_wait3A_296, %add3A, %dma_wait3A_305, %dma_wait3A_306] : memref<200x4x32x8x128xf32, #tpu.memory_space<hbm>> -> memref<1x1x1x8x128xf32, #tpu.memory_space<hbm>>
    %dma_wait3A_308 = tpu.memref_squeeze %dma_wait3A_307 : memref<1x1x1x8x128xf32, #tpu.memory_space<hbm>> -> memref<8x128xf32, #tpu.memory_space<hbm>>
    %dma_wait3A_309 = arith.constant 112 : i32
    %dma_wait3A_310 = arith.constant 0 : i32
    %dma_wait3A_311 = tpu.memref_slice %arg8[%dma_wait3A_294, %dma_wait3A_309, %dma_wait3A_310] : memref<2x128x128xf32, #tpu.memory_space<vmem>> -> memref<1x8x128xf32, #tpu.memory_space<vmem>>
    %dma_wait3A_312 = tpu.memref_squeeze %dma_wait3A_311 : memref<1x8x128xf32, #tpu.memory_space<vmem>> -> memref<8x128xf32, #tpu.memory_space<vmem>>
    tpu.wait_dma2 semaphore(%arg12 : memref<!tpu.dma_semaphore, #tpu.memory_space<semaphore_mem>>) src(%dma_wait3A_312 : memref<8x128xf32, #tpu.memory_space<vmem>>) dst(%dma_wait3A_308 : memref<8x128xf32, #tpu.memory_space<hbm>>)
    %dma_wait3A_313 = arith.constant 0 : i32
    %dma_wait3A_314 = arith.constant 195 : i32
    %dma_wait3A_315 = arith.constant 3 : i32
    %dma_wait3A_316 = arith.constant 120 : i32
    %dma_wait3A_317 = arith.constant 0 : i32
    %dma_wait3A_318 = tpu.memref_slice %arg8[%dma_wait3A_313, %dma_wait3A_316, %dma_wait3A_317] : memref<2x128x128xf32, #tpu.memory_space<vmem>> -> memref<1x8x128xf32, #tpu.memory_space<vmem>>
    %dma_wait3A_319 = tpu.memref_squeeze %dma_wait3A_318 : memref<1x8x128xf32, #tpu.memory_space<vmem>> -> memref<8x128xf32, #tpu.memory_space<vmem>>
    %dma_wait3A_320 = arith.constant 0 : i32
    %dma_wait3A_321 = arith.constant 0 : i32
    %dma_wait3A_322 = tpu.memref_slice %arg4[%dma_wait3A_314, %dma_wait3A_315, %add3A, %dma_wait3A_320, %dma_wait3A_321] : memref<200x4x32x8x128xf32, #tpu.memory_space<hbm>> -> memref<1x1x1x8x128xf32, #tpu.memory_space<hbm>>
    %dma_wait3A_323 = tpu.memref_squeeze %dma_wait3A_322 : memref<1x1x1x8x128xf32, #tpu.memory_space<hbm>> -> memref<8x128xf32, #tpu.memory_space<hbm>>
    %dma_wait3A_324 = arith.constant 0 : i32
    %dma_wait3A_325 = arith.constant 0 : i32
    %dma_wait3A_326 = tpu.memref_slice %arg4[%dma_wait3A_314, %dma_wait3A_315, %add3A, %dma_wait3A_324, %dma_wait3A_325] : memref<200x4x32x8x128xf32, #tpu.memory_space<hbm>> -> memref<1x1x1x8x128xf32, #tpu.memory_space<hbm>>
    %dma_wait3A_327 = tpu.memref_squeeze %dma_wait3A_326 : memref<1x1x1x8x128xf32, #tpu.memory_space<hbm>> -> memref<8x128xf32, #tpu.memory_space<hbm>>
    %dma_wait3A_328 = arith.constant 120 : i32
    %dma_wait3A_329 = arith.constant 0 : i32
    %dma_wait3A_330 = tpu.memref_slice %arg8[%dma_wait3A_313, %dma_wait3A_328, %dma_wait3A_329] : memref<2x128x128xf32, #tpu.memory_space<vmem>> -> memref<1x8x128xf32, #tpu.memory_space<vmem>>
    %dma_wait3A_331 = tpu.memref_squeeze %dma_wait3A_330 : memref<1x8x128xf32, #tpu.memory_space<vmem>> -> memref<8x128xf32, #tpu.memory_space<vmem>>
    tpu.wait_dma2 semaphore(%arg12 : memref<!tpu.dma_semaphore, #tpu.memory_space<semaphore_mem>>) src(%dma_wait3A_331 : memref<8x128xf32, #tpu.memory_space<vmem>>) dst(%dma_wait3A_327 : memref<8x128xf32, #tpu.memory_space<hbm>>)
    %dma_wait3A_332 = arith.constant 1 : i32
    %dma_wait3A_333 = arith.constant 196 : i32
    %dma_wait3A_334 = arith.constant 0 : i32
    %dma_wait3A_335 = arith.constant 0 : i32
    %dma_wait3A_336 = arith.constant 0 : i32
    %dma_wait3A_337 = tpu.memref_slice %arg8[%dma_wait3A_332, %dma_wait3A_335, %dma_wait3A_336] : memref<2x128x128xf32, #tpu.memory_space<vmem>> -> memref<1x8x128xf32, #tpu.memory_space<vmem>>
    %dma_wait3A_338 = tpu.memref_squeeze %dma_wait3A_337 : memref<1x8x128xf32, #tpu.memory_space<vmem>> -> memref<8x128xf32, #tpu.memory_space<vmem>>
    %dma_wait3A_339 = arith.constant 0 : i32
    %dma_wait3A_340 = arith.constant 0 : i32
    %dma_wait3A_341 = tpu.memref_slice %arg4[%dma_wait3A_333, %dma_wait3A_334, %add3A, %dma_wait3A_339, %dma_wait3A_340] : memref<200x4x32x8x128xf32, #tpu.memory_space<hbm>> -> memref<1x1x1x8x128xf32, #tpu.memory_space<hbm>>
    %dma_wait3A_342 = tpu.memref_squeeze %dma_wait3A_341 : memref<1x1x1x8x128xf32, #tpu.memory_space<hbm>> -> memref<8x128xf32, #tpu.memory_space<hbm>>
    %dma_wait3A_343 = arith.constant 0 : i32
    %dma_wait3A_344 = arith.constant 0 : i32
    %dma_wait3A_345 = tpu.memref_slice %arg4[%dma_wait3A_333, %dma_wait3A_334, %add3A, %dma_wait3A_343, %dma_wait3A_344] : memref<200x4x32x8x128xf32, #tpu.memory_space<hbm>> -> memref<1x1x1x8x128xf32, #tpu.memory_space<hbm>>
    %dma_wait3A_346 = tpu.memref_squeeze %dma_wait3A_345 : memref<1x1x1x8x128xf32, #tpu.memory_space<hbm>> -> memref<8x128xf32, #tpu.memory_space<hbm>>
    %dma_wait3A_347 = arith.constant 0 : i32
    %dma_wait3A_348 = arith.constant 0 : i32
    %dma_wait3A_349 = tpu.memref_slice %arg8[%dma_wait3A_332, %dma_wait3A_347, %dma_wait3A_348] : memref<2x128x128xf32, #tpu.memory_space<vmem>> -> memref<1x8x128xf32, #tpu.memory_space<vmem>>
    %dma_wait3A_350 = tpu.memref_squeeze %dma_wait3A_349 : memref<1x8x128xf32, #tpu.memory_space<vmem>> -> memref<8x128xf32, #tpu.memory_space<vmem>>
    tpu.wait_dma2 semaphore(%arg13 : memref<!tpu.dma_semaphore, #tpu.memory_space<semaphore_mem>>) src(%dma_wait3A_350 : memref<8x128xf32, #tpu.memory_space<vmem>>) dst(%dma_wait3A_346 : memref<8x128xf32, #tpu.memory_space<hbm>>)
    %dma_wait3A_351 = arith.constant 1 : i32
    %dma_wait3A_352 = arith.constant 196 : i32
    %dma_wait3A_353 = arith.constant 1 : i32
    %dma_wait3A_354 = arith.constant 8 : i32
    %dma_wait3A_355 = arith.constant 0 : i32
    %dma_wait3A_356 = tpu.memref_slice %arg8[%dma_wait3A_351, %dma_wait3A_354, %dma_wait3A_355] : memref<2x128x128xf32, #tpu.memory_space<vmem>> -> memref<1x8x128xf32, #tpu.memory_space<vmem>>
    %dma_wait3A_357 = tpu.memref_squeeze %dma_wait3A_356 : memref<1x8x128xf32, #tpu.memory_space<vmem>> -> memref<8x128xf32, #tpu.memory_space<vmem>>
    %dma_wait3A_358 = arith.constant 0 : i32
    %dma_wait3A_359 = arith.constant 0 : i32
    %dma_wait3A_360 = tpu.memref_slice %arg4[%dma_wait3A_352, %dma_wait3A_353, %add3A, %dma_wait3A_358, %dma_wait3A_359] : memref<200x4x32x8x128xf32, #tpu.memory_space<hbm>> -> memref<1x1x1x8x128xf32, #tpu.memory_space<hbm>>
    %dma_wait3A_361 = tpu.memref_squeeze %dma_wait3A_360 : memref<1x1x1x8x128xf32, #tpu.memory_space<hbm>> -> memref<8x128xf32, #tpu.memory_space<hbm>>
    %dma_wait3A_362 = arith.constant 0 : i32
    %dma_wait3A_363 = arith.constant 0 : i32
    %dma_wait3A_364 = tpu.memref_slice %arg4[%dma_wait3A_352, %dma_wait3A_353, %add3A, %dma_wait3A_362, %dma_wait3A_363] : memref<200x4x32x8x128xf32, #tpu.memory_space<hbm>> -> memref<1x1x1x8x128xf32, #tpu.memory_space<hbm>>
    %dma_wait3A_365 = tpu.memref_squeeze %dma_wait3A_364 : memref<1x1x1x8x128xf32, #tpu.memory_space<hbm>> -> memref<8x128xf32, #tpu.memory_space<hbm>>
    %dma_wait3A_366 = arith.constant 8 : i32
    %dma_wait3A_367 = arith.constant 0 : i32
    %dma_wait3A_368 = tpu.memref_slice %arg8[%dma_wait3A_351, %dma_wait3A_366, %dma_wait3A_367] : memref<2x128x128xf32, #tpu.memory_space<vmem>> -> memref<1x8x128xf32, #tpu.memory_space<vmem>>
    %dma_wait3A_369 = tpu.memref_squeeze %dma_wait3A_368 : memref<1x8x128xf32, #tpu.memory_space<vmem>> -> memref<8x128xf32, #tpu.memory_space<vmem>>
    tpu.wait_dma2 semaphore(%arg13 : memref<!tpu.dma_semaphore, #tpu.memory_space<semaphore_mem>>) src(%dma_wait3A_369 : memref<8x128xf32, #tpu.memory_space<vmem>>) dst(%dma_wait3A_365 : memref<8x128xf32, #tpu.memory_space<hbm>>)
    %dma_wait3A_370 = arith.constant 1 : i32
    %dma_wait3A_371 = arith.constant 196 : i32
    %dma_wait3A_372 = arith.constant 2 : i32
    %dma_wait3A_373 = arith.constant 16 : i32
    %dma_wait3A_374 = arith.constant 0 : i32
    %dma_wait3A_375 = tpu.memref_slice %arg8[%dma_wait3A_370, %dma_wait3A_373, %dma_wait3A_374] : memref<2x128x128xf32, #tpu.memory_space<vmem>> -> memref<1x8x128xf32, #tpu.memory_space<vmem>>
    %dma_wait3A_376 = tpu.memref_squeeze %dma_wait3A_375 : memref<1x8x128xf32, #tpu.memory_space<vmem>> -> memref<8x128xf32, #tpu.memory_space<vmem>>
    %dma_wait3A_377 = arith.constant 0 : i32
    %dma_wait3A_378 = arith.constant 0 : i32
    %dma_wait3A_379 = tpu.memref_slice %arg4[%dma_wait3A_371, %dma_wait3A_372, %add3A, %dma_wait3A_377, %dma_wait3A_378] : memref<200x4x32x8x128xf32, #tpu.memory_space<hbm>> -> memref<1x1x1x8x128xf32, #tpu.memory_space<hbm>>
    %dma_wait3A_380 = tpu.memref_squeeze %dma_wait3A_379 : memref<1x1x1x8x128xf32, #tpu.memory_space<hbm>> -> memref<8x128xf32, #tpu.memory_space<hbm>>
    %dma_wait3A_381 = arith.constant 0 : i32
    %dma_wait3A_382 = arith.constant 0 : i32
    %dma_wait3A_383 = tpu.memref_slice %arg4[%dma_wait3A_371, %dma_wait3A_372, %add3A, %dma_wait3A_381, %dma_wait3A_382] : memref<200x4x32x8x128xf32, #tpu.memory_space<hbm>> -> memref<1x1x1x8x128xf32, #tpu.memory_space<hbm>>
    %dma_wait3A_384 = tpu.memref_squeeze %dma_wait3A_383 : memref<1x1x1x8x128xf32, #tpu.memory_space<hbm>> -> memref<8x128xf32, #tpu.memory_space<hbm>>
    %dma_wait3A_385 = arith.constant 16 : i32
    %dma_wait3A_386 = arith.constant 0 : i32
    %dma_wait3A_387 = tpu.memref_slice %arg8[%dma_wait3A_370, %dma_wait3A_385, %dma_wait3A_386] : memref<2x128x128xf32, #tpu.memory_space<vmem>> -> memref<1x8x128xf32, #tpu.memory_space<vmem>>
    %dma_wait3A_388 = tpu.memref_squeeze %dma_wait3A_387 : memref<1x8x128xf32, #tpu.memory_space<vmem>> -> memref<8x128xf32, #tpu.memory_space<vmem>>
    tpu.wait_dma2 semaphore(%arg13 : memref<!tpu.dma_semaphore, #tpu.memory_space<semaphore_mem>>) src(%dma_wait3A_388 : memref<8x128xf32, #tpu.memory_space<vmem>>) dst(%dma_wait3A_384 : memref<8x128xf32, #tpu.memory_space<hbm>>)
    %dma_wait3A_389 = arith.constant 1 : i32
    %dma_wait3A_390 = arith.constant 196 : i32
    %dma_wait3A_391 = arith.constant 3 : i32
    %dma_wait3A_392 = arith.constant 24 : i32
    %dma_wait3A_393 = arith.constant 0 : i32
    %dma_wait3A_394 = tpu.memref_slice %arg8[%dma_wait3A_389, %dma_wait3A_392, %dma_wait3A_393] : memref<2x128x128xf32, #tpu.memory_space<vmem>> -> memref<1x8x128xf32, #tpu.memory_space<vmem>>
    %dma_wait3A_395 = tpu.memref_squeeze %dma_wait3A_394 : memref<1x8x128xf32, #tpu.memory_space<vmem>> -> memref<8x128xf32, #tpu.memory_space<vmem>>
    %dma_wait3A_396 = arith.constant 0 : i32
    %dma_wait3A_397 = arith.constant 0 : i32
    %dma_wait3A_398 = tpu.memref_slice %arg4[%dma_wait3A_390, %dma_wait3A_391, %add3A, %dma_wait3A_396, %dma_wait3A_397] : memref<200x4x32x8x128xf32, #tpu.memory_space<hbm>> -> memref<1x1x1x8x128xf32, #tpu.memory_space<hbm>>
    %dma_wait3A_399 = tpu.memref_squeeze %dma_wait3A_398 : memref<1x1x1x8x128xf32, #tpu.memory_space<hbm>> -> memref<8x128xf32, #tpu.memory_space<hbm>>
    %dma_wait3A_400 = arith.constant 0 : i32
    %dma_wait3A_401 = arith.constant 0 : i32
    %dma_wait3A_402 = tpu.memref_slice %arg4[%dma_wait3A_390, %dma_wait3A_391, %add3A, %dma_wait3A_400, %dma_wait3A_401] : memref<200x4x32x8x128xf32, #tpu.memory_space<hbm>> -> memref<1x1x1x8x128xf32, #tpu.memory_space<hbm>>
    %dma_wait3A_403 = tpu.memref_squeeze %dma_wait3A_402 : memref<1x1x1x8x128xf32, #tpu.memory_space<hbm>> -> memref<8x128xf32, #tpu.memory_space<hbm>>
    %dma_wait3A_404 = arith.constant 24 : i32
    %dma_wait3A_405 = arith.constant 0 : i32
    %dma_wait3A_406 = tpu.memref_slice %arg8[%dma_wait3A_389, %dma_wait3A_404, %dma_wait3A_405] : memref<2x128x128xf32, #tpu.memory_space<vmem>> -> memref<1x8x128xf32, #tpu.memory_space<vmem>>
    %dma_wait3A_407 = tpu.memref_squeeze %dma_wait3A_406 : memref<1x8x128xf32, #tpu.memory_space<vmem>> -> memref<8x128xf32, #tpu.memory_space<vmem>>
    tpu.wait_dma2 semaphore(%arg13 : memref<!tpu.dma_semaphore, #tpu.memory_space<semaphore_mem>>) src(%dma_wait3A_407 : memref<8x128xf32, #tpu.memory_space<vmem>>) dst(%dma_wait3A_403 : memref<8x128xf32, #tpu.memory_space<hbm>>)
    %dma_wait3A_408 = arith.constant 1 : i32
    %dma_wait3A_409 = arith.constant 197 : i32
    %dma_wait3A_410 = arith.constant 0 : i32
    %dma_wait3A_411 = arith.constant 32 : i32
    %dma_wait3A_412 = arith.constant 0 : i32
    %dma_wait3A_413 = tpu.memref_slice %arg8[%dma_wait3A_408, %dma_wait3A_411, %dma_wait3A_412] : memref<2x128x128xf32, #tpu.memory_space<vmem>> -> memref<1x8x128xf32, #tpu.memory_space<vmem>>
    %dma_wait3A_414 = tpu.memref_squeeze %dma_wait3A_413 : memref<1x8x128xf32, #tpu.memory_space<vmem>> -> memref<8x128xf32, #tpu.memory_space<vmem>>
    %dma_wait3A_415 = arith.constant 0 : i32
    %dma_wait3A_416 = arith.constant 0 : i32
    %dma_wait3A_417 = tpu.memref_slice %arg4[%dma_wait3A_409, %dma_wait3A_410, %add3A, %dma_wait3A_415, %dma_wait3A_416] : memref<200x4x32x8x128xf32, #tpu.memory_space<hbm>> -> memref<1x1x1x8x128xf32, #tpu.memory_space<hbm>>
    %dma_wait3A_418 = tpu.memref_squeeze %dma_wait3A_417 : memref<1x1x1x8x128xf32, #tpu.memory_space<hbm>> -> memref<8x128xf32, #tpu.memory_space<hbm>>
    %dma_wait3A_419 = arith.constant 0 : i32
    %dma_wait3A_420 = arith.constant 0 : i32
    %dma_wait3A_421 = tpu.memref_slice %arg4[%dma_wait3A_409, %dma_wait3A_410, %add3A, %dma_wait3A_419, %dma_wait3A_420] : memref<200x4x32x8x128xf32, #tpu.memory_space<hbm>> -> memref<1x1x1x8x128xf32, #tpu.memory_space<hbm>>
    %dma_wait3A_422 = tpu.memref_squeeze %dma_wait3A_421 : memref<1x1x1x8x128xf32, #tpu.memory_space<hbm>> -> memref<8x128xf32, #tpu.memory_space<hbm>>
    %dma_wait3A_423 = arith.constant 32 : i32
    %dma_wait3A_424 = arith.constant 0 : i32
    %dma_wait3A_425 = tpu.memref_slice %arg8[%dma_wait3A_408, %dma_wait3A_423, %dma_wait3A_424] : memref<2x128x128xf32, #tpu.memory_space<vmem>> -> memref<1x8x128xf32, #tpu.memory_space<vmem>>
    %dma_wait3A_426 = tpu.memref_squeeze %dma_wait3A_425 : memref<1x8x128xf32, #tpu.memory_space<vmem>> -> memref<8x128xf32, #tpu.memory_space<vmem>>
    tpu.wait_dma2 semaphore(%arg13 : memref<!tpu.dma_semaphore, #tpu.memory_space<semaphore_mem>>) src(%dma_wait3A_426 : memref<8x128xf32, #tpu.memory_space<vmem>>) dst(%dma_wait3A_422 : memref<8x128xf32, #tpu.memory_space<hbm>>)
    %dma_wait3A_427 = arith.constant 1 : i32
    %dma_wait3A_428 = arith.constant 197 : i32
    %dma_wait3A_429 = arith.constant 1 : i32
    %dma_wait3A_430 = arith.constant 40 : i32
    %dma_wait3A_431 = arith.constant 0 : i32
    %dma_wait3A_432 = tpu.memref_slice %arg8[%dma_wait3A_427, %dma_wait3A_430, %dma_wait3A_431] : memref<2x128x128xf32, #tpu.memory_space<vmem>> -> memref<1x8x128xf32, #tpu.memory_space<vmem>>
    %dma_wait3A_433 = tpu.memref_squeeze %dma_wait3A_432 : memref<1x8x128xf32, #tpu.memory_space<vmem>> -> memref<8x128xf32, #tpu.memory_space<vmem>>
    %dma_wait3A_434 = arith.constant 0 : i32
    %dma_wait3A_435 = arith.constant 0 : i32
    %dma_wait3A_436 = tpu.memref_slice %arg4[%dma_wait3A_428, %dma_wait3A_429, %add3A, %dma_wait3A_434, %dma_wait3A_435] : memref<200x4x32x8x128xf32, #tpu.memory_space<hbm>> -> memref<1x1x1x8x128xf32, #tpu.memory_space<hbm>>
    %dma_wait3A_437 = tpu.memref_squeeze %dma_wait3A_436 : memref<1x1x1x8x128xf32, #tpu.memory_space<hbm>> -> memref<8x128xf32, #tpu.memory_space<hbm>>
    %dma_wait3A_438 = arith.constant 0 : i32
    %dma_wait3A_439 = arith.constant 0 : i32
    %dma_wait3A_440 = tpu.memref_slice %arg4[%dma_wait3A_428, %dma_wait3A_429, %add3A, %dma_wait3A_438, %dma_wait3A_439] : memref<200x4x32x8x128xf32, #tpu.memory_space<hbm>> -> memref<1x1x1x8x128xf32, #tpu.memory_space<hbm>>
    %dma_wait3A_441 = tpu.memref_squeeze %dma_wait3A_440 : memref<1x1x1x8x128xf32, #tpu.memory_space<hbm>> -> memref<8x128xf32, #tpu.memory_space<hbm>>
    %dma_wait3A_442 = arith.constant 40 : i32
    %dma_wait3A_443 = arith.constant 0 : i32
    %dma_wait3A_444 = tpu.memref_slice %arg8[%dma_wait3A_427, %dma_wait3A_442, %dma_wait3A_443] : memref<2x128x128xf32, #tpu.memory_space<vmem>> -> memref<1x8x128xf32, #tpu.memory_space<vmem>>
    %dma_wait3A_445 = tpu.memref_squeeze %dma_wait3A_444 : memref<1x8x128xf32, #tpu.memory_space<vmem>> -> memref<8x128xf32, #tpu.memory_space<vmem>>
    tpu.wait_dma2 semaphore(%arg13 : memref<!tpu.dma_semaphore, #tpu.memory_space<semaphore_mem>>) src(%dma_wait3A_445 : memref<8x128xf32, #tpu.memory_space<vmem>>) dst(%dma_wait3A_441 : memref<8x128xf32, #tpu.memory_space<hbm>>)
    %dma_wait3A_446 = arith.constant 1 : i32
    %dma_wait3A_447 = arith.constant 197 : i32
    %dma_wait3A_448 = arith.constant 2 : i32
    %dma_wait3A_449 = arith.constant 48 : i32
    %dma_wait3A_450 = arith.constant 0 : i32
    %dma_wait3A_451 = tpu.memref_slice %arg8[%dma_wait3A_446, %dma_wait3A_449, %dma_wait3A_450] : memref<2x128x128xf32, #tpu.memory_space<vmem>> -> memref<1x8x128xf32, #tpu.memory_space<vmem>>
    %dma_wait3A_452 = tpu.memref_squeeze %dma_wait3A_451 : memref<1x8x128xf32, #tpu.memory_space<vmem>> -> memref<8x128xf32, #tpu.memory_space<vmem>>
    %dma_wait3A_453 = arith.constant 0 : i32
    %dma_wait3A_454 = arith.constant 0 : i32
    %dma_wait3A_455 = tpu.memref_slice %arg4[%dma_wait3A_447, %dma_wait3A_448, %add3A, %dma_wait3A_453, %dma_wait3A_454] : memref<200x4x32x8x128xf32, #tpu.memory_space<hbm>> -> memref<1x1x1x8x128xf32, #tpu.memory_space<hbm>>
    %dma_wait3A_456 = tpu.memref_squeeze %dma_wait3A_455 : memref<1x1x1x8x128xf32, #tpu.memory_space<hbm>> -> memref<8x128xf32, #tpu.memory_space<hbm>>
    %dma_wait3A_457 = arith.constant 0 : i32
    %dma_wait3A_458 = arith.constant 0 : i32
    %dma_wait3A_459 = tpu.memref_slice %arg4[%dma_wait3A_447, %dma_wait3A_448, %add3A, %dma_wait3A_457, %dma_wait3A_458] : memref<200x4x32x8x128xf32, #tpu.memory_space<hbm>> -> memref<1x1x1x8x128xf32, #tpu.memory_space<hbm>>
    %dma_wait3A_460 = tpu.memref_squeeze %dma_wait3A_459 : memref<1x1x1x8x128xf32, #tpu.memory_space<hbm>> -> memref<8x128xf32, #tpu.memory_space<hbm>>
    %dma_wait3A_461 = arith.constant 48 : i32
    %dma_wait3A_462 = arith.constant 0 : i32
    %dma_wait3A_463 = tpu.memref_slice %arg8[%dma_wait3A_446, %dma_wait3A_461, %dma_wait3A_462] : memref<2x128x128xf32, #tpu.memory_space<vmem>> -> memref<1x8x128xf32, #tpu.memory_space<vmem>>
    %dma_wait3A_464 = tpu.memref_squeeze %dma_wait3A_463 : memref<1x8x128xf32, #tpu.memory_space<vmem>> -> memref<8x128xf32, #tpu.memory_space<vmem>>
    tpu.wait_dma2 semaphore(%arg13 : memref<!tpu.dma_semaphore, #tpu.memory_space<semaphore_mem>>) src(%dma_wait3A_464 : memref<8x128xf32, #tpu.memory_space<vmem>>) dst(%dma_wait3A_460 : memref<8x128xf32, #tpu.memory_space<hbm>>)
    %dma_wait3A_465 = arith.constant 1 : i32
    %dma_wait3A_466 = arith.constant 197 : i32
    %dma_wait3A_467 = arith.constant 3 : i32
    %dma_wait3A_468 = arith.constant 56 : i32
    %dma_wait3A_469 = arith.constant 0 : i32
    %dma_wait3A_470 = tpu.memref_slice %arg8[%dma_wait3A_465, %dma_wait3A_468, %dma_wait3A_469] : memref<2x128x128xf32, #tpu.memory_space<vmem>> -> memref<1x8x128xf32, #tpu.memory_space<vmem>>
    %dma_wait3A_471 = tpu.memref_squeeze %dma_wait3A_470 : memref<1x8x128xf32, #tpu.memory_space<vmem>> -> memref<8x128xf32, #tpu.memory_space<vmem>>
    %dma_wait3A_472 = arith.constant 0 : i32
    %dma_wait3A_473 = arith.constant 0 : i32
    %dma_wait3A_474 = tpu.memref_slice %arg4[%dma_wait3A_466, %dma_wait3A_467, %add3A, %dma_wait3A_472, %dma_wait3A_473] : memref<200x4x32x8x128xf32, #tpu.memory_space<hbm>> -> memref<1x1x1x8x128xf32, #tpu.memory_space<hbm>>
    %dma_wait3A_475 = tpu.memref_squeeze %dma_wait3A_474 : memref<1x1x1x8x128xf32, #tpu.memory_space<hbm>> -> memref<8x128xf32, #tpu.memory_space<hbm>>
    %dma_wait3A_476 = arith.constant 0 : i32
    %dma_wait3A_477 = arith.constant 0 : i32
    %dma_wait3A_478 = tpu.memref_slice %arg4[%dma_wait3A_466, %dma_wait3A_467, %add3A, %dma_wait3A_476, %dma_wait3A_477] : memref<200x4x32x8x128xf32, #tpu.memory_space<hbm>> -> memref<1x1x1x8x128xf32, #tpu.memory_space<hbm>>
    %dma_wait3A_479 = tpu.memref_squeeze %dma_wait3A_478 : memref<1x1x1x8x128xf32, #tpu.memory_space<hbm>> -> memref<8x128xf32, #tpu.memory_space<hbm>>
    %dma_wait3A_480 = arith.constant 56 : i32
    %dma_wait3A_481 = arith.constant 0 : i32
    %dma_wait3A_482 = tpu.memref_slice %arg8[%dma_wait3A_465, %dma_wait3A_480, %dma_wait3A_481] : memref<2x128x128xf32, #tpu.memory_space<vmem>> -> memref<1x8x128xf32, #tpu.memory_space<vmem>>
    %dma_wait3A_483 = tpu.memref_squeeze %dma_wait3A_482 : memref<1x8x128xf32, #tpu.memory_space<vmem>> -> memref<8x128xf32, #tpu.memory_space<vmem>>
    tpu.wait_dma2 semaphore(%arg13 : memref<!tpu.dma_semaphore, #tpu.memory_space<semaphore_mem>>) src(%dma_wait3A_483 : memref<8x128xf32, #tpu.memory_space<vmem>>) dst(%dma_wait3A_479 : memref<8x128xf32, #tpu.memory_space<hbm>>)
    %dma_wait3A_484 = arith.constant 1 : i32
    %dma_wait3A_485 = arith.constant 198 : i32
    %dma_wait3A_486 = arith.constant 0 : i32
    %dma_wait3A_487 = arith.constant 64 : i32
    %dma_wait3A_488 = arith.constant 0 : i32
    %dma_wait3A_489 = tpu.memref_slice %arg8[%dma_wait3A_484, %dma_wait3A_487, %dma_wait3A_488] : memref<2x128x128xf32, #tpu.memory_space<vmem>> -> memref<1x8x128xf32, #tpu.memory_space<vmem>>
    %dma_wait3A_490 = tpu.memref_squeeze %dma_wait3A_489 : memref<1x8x128xf32, #tpu.memory_space<vmem>> -> memref<8x128xf32, #tpu.memory_space<vmem>>
    %dma_wait3A_491 = arith.constant 0 : i32
    %dma_wait3A_492 = arith.constant 0 : i32
    %dma_wait3A_493 = tpu.memref_slice %arg4[%dma_wait3A_485, %dma_wait3A_486, %add3A, %dma_wait3A_491, %dma_wait3A_492] : memref<200x4x32x8x128xf32, #tpu.memory_space<hbm>> -> memref<1x1x1x8x128xf32, #tpu.memory_space<hbm>>
    %dma_wait3A_494 = tpu.memref_squeeze %dma_wait3A_493 : memref<1x1x1x8x128xf32, #tpu.memory_space<hbm>> -> memref<8x128xf32, #tpu.memory_space<hbm>>
    %dma_wait3A_495 = arith.constant 0 : i32
    %dma_wait3A_496 = arith.constant 0 : i32
    %dma_wait3A_497 = tpu.memref_slice %arg4[%dma_wait3A_485, %dma_wait3A_486, %add3A, %dma_wait3A_495, %dma_wait3A_496] : memref<200x4x32x8x128xf32, #tpu.memory_space<hbm>> -> memref<1x1x1x8x128xf32, #tpu.memory_space<hbm>>
    %dma_wait3A_498 = tpu.memref_squeeze %dma_wait3A_497 : memref<1x1x1x8x128xf32, #tpu.memory_space<hbm>> -> memref<8x128xf32, #tpu.memory_space<hbm>>
    %dma_wait3A_499 = arith.constant 64 : i32
    %dma_wait3A_500 = arith.constant 0 : i32
    %dma_wait3A_501 = tpu.memref_slice %arg8[%dma_wait3A_484, %dma_wait3A_499, %dma_wait3A_500] : memref<2x128x128xf32, #tpu.memory_space<vmem>> -> memref<1x8x128xf32, #tpu.memory_space<vmem>>
    %dma_wait3A_502 = tpu.memref_squeeze %dma_wait3A_501 : memref<1x8x128xf32, #tpu.memory_space<vmem>> -> memref<8x128xf32, #tpu.memory_space<vmem>>
    tpu.wait_dma2 semaphore(%arg13 : memref<!tpu.dma_semaphore, #tpu.memory_space<semaphore_mem>>) src(%dma_wait3A_502 : memref<8x128xf32, #tpu.memory_space<vmem>>) dst(%dma_wait3A_498 : memref<8x128xf32, #tpu.memory_space<hbm>>)
    %dma_wait3A_503 = arith.constant 1 : i32
    %dma_wait3A_504 = arith.constant 198 : i32
    %dma_wait3A_505 = arith.constant 1 : i32
    %dma_wait3A_506 = arith.constant 72 : i32
    %dma_wait3A_507 = arith.constant 0 : i32
    %dma_wait3A_508 = tpu.memref_slice %arg8[%dma_wait3A_503, %dma_wait3A_506, %dma_wait3A_507] : memref<2x128x128xf32, #tpu.memory_space<vmem>> -> memref<1x8x128xf32, #tpu.memory_space<vmem>>
    %dma_wait3A_509 = tpu.memref_squeeze %dma_wait3A_508 : memref<1x8x128xf32, #tpu.memory_space<vmem>> -> memref<8x128xf32, #tpu.memory_space<vmem>>
    %dma_wait3A_510 = arith.constant 0 : i32
    %dma_wait3A_511 = arith.constant 0 : i32
    %dma_wait3A_512 = tpu.memref_slice %arg4[%dma_wait3A_504, %dma_wait3A_505, %add3A, %dma_wait3A_510, %dma_wait3A_511] : memref<200x4x32x8x128xf32, #tpu.memory_space<hbm>> -> memref<1x1x1x8x128xf32, #tpu.memory_space<hbm>>
    %dma_wait3A_513 = tpu.memref_squeeze %dma_wait3A_512 : memref<1x1x1x8x128xf32, #tpu.memory_space<hbm>> -> memref<8x128xf32, #tpu.memory_space<hbm>>
    %dma_wait3A_514 = arith.constant 0 : i32
    %dma_wait3A_515 = arith.constant 0 : i32
    %dma_wait3A_516 = tpu.memref_slice %arg4[%dma_wait3A_504, %dma_wait3A_505, %add3A, %dma_wait3A_514, %dma_wait3A_515] : memref<200x4x32x8x128xf32, #tpu.memory_space<hbm>> -> memref<1x1x1x8x128xf32, #tpu.memory_space<hbm>>
    %dma_wait3A_517 = tpu.memref_squeeze %dma_wait3A_516 : memref<1x1x1x8x128xf32, #tpu.memory_space<hbm>> -> memref<8x128xf32, #tpu.memory_space<hbm>>
    %dma_wait3A_518 = arith.constant 72 : i32
    %dma_wait3A_519 = arith.constant 0 : i32
    %dma_wait3A_520 = tpu.memref_slice %arg8[%dma_wait3A_503, %dma_wait3A_518, %dma_wait3A_519] : memref<2x128x128xf32, #tpu.memory_space<vmem>> -> memref<1x8x128xf32, #tpu.memory_space<vmem>>
    %dma_wait3A_521 = tpu.memref_squeeze %dma_wait3A_520 : memref<1x8x128xf32, #tpu.memory_space<vmem>> -> memref<8x128xf32, #tpu.memory_space<vmem>>
    tpu.wait_dma2 semaphore(%arg13 : memref<!tpu.dma_semaphore, #tpu.memory_space<semaphore_mem>>) src(%dma_wait3A_521 : memref<8x128xf32, #tpu.memory_space<vmem>>) dst(%dma_wait3A_517 : memref<8x128xf32, #tpu.memory_space<hbm>>)
    %dma_wait3A_522 = arith.constant 1 : i32
    %dma_wait3A_523 = arith.constant 198 : i32
    %dma_wait3A_524 = arith.constant 2 : i32
    %dma_wait3A_525 = arith.constant 80 : i32
    %dma_wait3A_526 = arith.constant 0 : i32
    %dma_wait3A_527 = tpu.memref_slice %arg8[%dma_wait3A_522, %dma_wait3A_525, %dma_wait3A_526] : memref<2x128x128xf32, #tpu.memory_space<vmem>> -> memref<1x8x128xf32, #tpu.memory_space<vmem>>
    %dma_wait3A_528 = tpu.memref_squeeze %dma_wait3A_527 : memref<1x8x128xf32, #tpu.memory_space<vmem>> -> memref<8x128xf32, #tpu.memory_space<vmem>>
    %dma_wait3A_529 = arith.constant 0 : i32
    %dma_wait3A_530 = arith.constant 0 : i32
    %dma_wait3A_531 = tpu.memref_slice %arg4[%dma_wait3A_523, %dma_wait3A_524, %add3A, %dma_wait3A_529, %dma_wait3A_530] : memref<200x4x32x8x128xf32, #tpu.memory_space<hbm>> -> memref<1x1x1x8x128xf32, #tpu.memory_space<hbm>>
    %dma_wait3A_532 = tpu.memref_squeeze %dma_wait3A_531 : memref<1x1x1x8x128xf32, #tpu.memory_space<hbm>> -> memref<8x128xf32, #tpu.memory_space<hbm>>
    %dma_wait3A_533 = arith.constant 0 : i32
    %dma_wait3A_534 = arith.constant 0 : i32
    %dma_wait3A_535 = tpu.memref_slice %arg4[%dma_wait3A_523, %dma_wait3A_524, %add3A, %dma_wait3A_533, %dma_wait3A_534] : memref<200x4x32x8x128xf32, #tpu.memory_space<hbm>> -> memref<1x1x1x8x128xf32, #tpu.memory_space<hbm>>
    %dma_wait3A_536 = tpu.memref_squeeze %dma_wait3A_535 : memref<1x1x1x8x128xf32, #tpu.memory_space<hbm>> -> memref<8x128xf32, #tpu.memory_space<hbm>>
    %dma_wait3A_537 = arith.constant 80 : i32
    %dma_wait3A_538 = arith.constant 0 : i32
    %dma_wait3A_539 = tpu.memref_slice %arg8[%dma_wait3A_522, %dma_wait3A_537, %dma_wait3A_538] : memref<2x128x128xf32, #tpu.memory_space<vmem>> -> memref<1x8x128xf32, #tpu.memory_space<vmem>>
    %dma_wait3A_540 = tpu.memref_squeeze %dma_wait3A_539 : memref<1x8x128xf32, #tpu.memory_space<vmem>> -> memref<8x128xf32, #tpu.memory_space<vmem>>
    tpu.wait_dma2 semaphore(%arg13 : memref<!tpu.dma_semaphore, #tpu.memory_space<semaphore_mem>>) src(%dma_wait3A_540 : memref<8x128xf32, #tpu.memory_space<vmem>>) dst(%dma_wait3A_536 : memref<8x128xf32, #tpu.memory_space<hbm>>)
    %dma_wait3A_541 = arith.constant 1 : i32
    %dma_wait3A_542 = arith.constant 198 : i32
    %dma_wait3A_543 = arith.constant 3 : i32
    %dma_wait3A_544 = arith.constant 88 : i32
    %dma_wait3A_545 = arith.constant 0 : i32
    %dma_wait3A_546 = tpu.memref_slice %arg8[%dma_wait3A_541, %dma_wait3A_544, %dma_wait3A_545] : memref<2x128x128xf32, #tpu.memory_space<vmem>> -> memref<1x8x128xf32, #tpu.memory_space<vmem>>
    %dma_wait3A_547 = tpu.memref_squeeze %dma_wait3A_546 : memref<1x8x128xf32, #tpu.memory_space<vmem>> -> memref<8x128xf32, #tpu.memory_space<vmem>>
    %dma_wait3A_548 = arith.constant 0 : i32
    %dma_wait3A_549 = arith.constant 0 : i32
    %dma_wait3A_550 = tpu.memref_slice %arg4[%dma_wait3A_542, %dma_wait3A_543, %add3A, %dma_wait3A_548, %dma_wait3A_549] : memref<200x4x32x8x128xf32, #tpu.memory_space<hbm>> -> memref<1x1x1x8x128xf32, #tpu.memory_space<hbm>>
    %dma_wait3A_551 = tpu.memref_squeeze %dma_wait3A_550 : memref<1x1x1x8x128xf32, #tpu.memory_space<hbm>> -> memref<8x128xf32, #tpu.memory_space<hbm>>
    %dma_wait3A_552 = arith.constant 0 : i32
    %dma_wait3A_553 = arith.constant 0 : i32
    %dma_wait3A_554 = tpu.memref_slice %arg4[%dma_wait3A_542, %dma_wait3A_543, %add3A, %dma_wait3A_552, %dma_wait3A_553] : memref<200x4x32x8x128xf32, #tpu.memory_space<hbm>> -> memref<1x1x1x8x128xf32, #tpu.memory_space<hbm>>
    %dma_wait3A_555 = tpu.memref_squeeze %dma_wait3A_554 : memref<1x1x1x8x128xf32, #tpu.memory_space<hbm>> -> memref<8x128xf32, #tpu.memory_space<hbm>>
    %dma_wait3A_556 = arith.constant 88 : i32
    %dma_wait3A_557 = arith.constant 0 : i32
    %dma_wait3A_558 = tpu.memref_slice %arg8[%dma_wait3A_541, %dma_wait3A_556, %dma_wait3A_557] : memref<2x128x128xf32, #tpu.memory_space<vmem>> -> memref<1x8x128xf32, #tpu.memory_space<vmem>>
    %dma_wait3A_559 = tpu.memref_squeeze %dma_wait3A_558 : memref<1x8x128xf32, #tpu.memory_space<vmem>> -> memref<8x128xf32, #tpu.memory_space<vmem>>
    tpu.wait_dma2 semaphore(%arg13 : memref<!tpu.dma_semaphore, #tpu.memory_space<semaphore_mem>>) src(%dma_wait3A_559 : memref<8x128xf32, #tpu.memory_space<vmem>>) dst(%dma_wait3A_555 : memref<8x128xf32, #tpu.memory_space<hbm>>)
    %dma_wait3A_560 = arith.constant 1 : i32
    %dma_wait3A_561 = arith.constant 199 : i32
    %dma_wait3A_562 = arith.constant 0 : i32
    %dma_wait3A_563 = arith.constant 96 : i32
    %dma_wait3A_564 = arith.constant 0 : i32
    %dma_wait3A_565 = tpu.memref_slice %arg8[%dma_wait3A_560, %dma_wait3A_563, %dma_wait3A_564] : memref<2x128x128xf32, #tpu.memory_space<vmem>> -> memref<1x8x128xf32, #tpu.memory_space<vmem>>
    %dma_wait3A_566 = tpu.memref_squeeze %dma_wait3A_565 : memref<1x8x128xf32, #tpu.memory_space<vmem>> -> memref<8x128xf32, #tpu.memory_space<vmem>>
    %dma_wait3A_567 = arith.constant 0 : i32
    %dma_wait3A_568 = arith.constant 0 : i32
    %dma_wait3A_569 = tpu.memref_slice %arg4[%dma_wait3A_561, %dma_wait3A_562, %add3A, %dma_wait3A_567, %dma_wait3A_568] : memref<200x4x32x8x128xf32, #tpu.memory_space<hbm>> -> memref<1x1x1x8x128xf32, #tpu.memory_space<hbm>>
    %dma_wait3A_570 = tpu.memref_squeeze %dma_wait3A_569 : memref<1x1x1x8x128xf32, #tpu.memory_space<hbm>> -> memref<8x128xf32, #tpu.memory_space<hbm>>
    %dma_wait3A_571 = arith.constant 0 : i32
    %dma_wait3A_572 = arith.constant 0 : i32
    %dma_wait3A_573 = tpu.memref_slice %arg4[%dma_wait3A_561, %dma_wait3A_562, %add3A, %dma_wait3A_571, %dma_wait3A_572] : memref<200x4x32x8x128xf32, #tpu.memory_space<hbm>> -> memref<1x1x1x8x128xf32, #tpu.memory_space<hbm>>
    %dma_wait3A_574 = tpu.memref_squeeze %dma_wait3A_573 : memref<1x1x1x8x128xf32, #tpu.memory_space<hbm>> -> memref<8x128xf32, #tpu.memory_space<hbm>>
    %dma_wait3A_575 = arith.constant 96 : i32
    %dma_wait3A_576 = arith.constant 0 : i32
    %dma_wait3A_577 = tpu.memref_slice %arg8[%dma_wait3A_560, %dma_wait3A_575, %dma_wait3A_576] : memref<2x128x128xf32, #tpu.memory_space<vmem>> -> memref<1x8x128xf32, #tpu.memory_space<vmem>>
    %dma_wait3A_578 = tpu.memref_squeeze %dma_wait3A_577 : memref<1x8x128xf32, #tpu.memory_space<vmem>> -> memref<8x128xf32, #tpu.memory_space<vmem>>
    tpu.wait_dma2 semaphore(%arg13 : memref<!tpu.dma_semaphore, #tpu.memory_space<semaphore_mem>>) src(%dma_wait3A_578 : memref<8x128xf32, #tpu.memory_space<vmem>>) dst(%dma_wait3A_574 : memref<8x128xf32, #tpu.memory_space<hbm>>)
    %dma_wait3A_579 = arith.constant 1 : i32
    %dma_wait3A_580 = arith.constant 199 : i32
    %dma_wait3A_581 = arith.constant 1 : i32
    %dma_wait3A_582 = arith.constant 104 : i32
    %dma_wait3A_583 = arith.constant 0 : i32
    %dma_wait3A_584 = tpu.memref_slice %arg8[%dma_wait3A_579, %dma_wait3A_582, %dma_wait3A_583] : memref<2x128x128xf32, #tpu.memory_space<vmem>> -> memref<1x8x128xf32, #tpu.memory_space<vmem>>
    %dma_wait3A_585 = tpu.memref_squeeze %dma_wait3A_584 : memref<1x8x128xf32, #tpu.memory_space<vmem>> -> memref<8x128xf32, #tpu.memory_space<vmem>>
    %dma_wait3A_586 = arith.constant 0 : i32
    %dma_wait3A_587 = arith.constant 0 : i32
    %dma_wait3A_588 = tpu.memref_slice %arg4[%dma_wait3A_580, %dma_wait3A_581, %add3A, %dma_wait3A_586, %dma_wait3A_587] : memref<200x4x32x8x128xf32, #tpu.memory_space<hbm>> -> memref<1x1x1x8x128xf32, #tpu.memory_space<hbm>>
    %dma_wait3A_589 = tpu.memref_squeeze %dma_wait3A_588 : memref<1x1x1x8x128xf32, #tpu.memory_space<hbm>> -> memref<8x128xf32, #tpu.memory_space<hbm>>
    %dma_wait3A_590 = arith.constant 0 : i32
    %dma_wait3A_591 = arith.constant 0 : i32
    %dma_wait3A_592 = tpu.memref_slice %arg4[%dma_wait3A_580, %dma_wait3A_581, %add3A, %dma_wait3A_590, %dma_wait3A_591] : memref<200x4x32x8x128xf32, #tpu.memory_space<hbm>> -> memref<1x1x1x8x128xf32, #tpu.memory_space<hbm>>
    %dma_wait3A_593 = tpu.memref_squeeze %dma_wait3A_592 : memref<1x1x1x8x128xf32, #tpu.memory_space<hbm>> -> memref<8x128xf32, #tpu.memory_space<hbm>>
    %dma_wait3A_594 = arith.constant 104 : i32
    %dma_wait3A_595 = arith.constant 0 : i32
    %dma_wait3A_596 = tpu.memref_slice %arg8[%dma_wait3A_579, %dma_wait3A_594, %dma_wait3A_595] : memref<2x128x128xf32, #tpu.memory_space<vmem>> -> memref<1x8x128xf32, #tpu.memory_space<vmem>>
    %dma_wait3A_597 = tpu.memref_squeeze %dma_wait3A_596 : memref<1x8x128xf32, #tpu.memory_space<vmem>> -> memref<8x128xf32, #tpu.memory_space<vmem>>
    tpu.wait_dma2 semaphore(%arg13 : memref<!tpu.dma_semaphore, #tpu.memory_space<semaphore_mem>>) src(%dma_wait3A_597 : memref<8x128xf32, #tpu.memory_space<vmem>>) dst(%dma_wait3A_593 : memref<8x128xf32, #tpu.memory_space<hbm>>)
    %dma_wait3A_598 = arith.constant 1 : i32
    %dma_wait3A_599 = arith.constant 199 : i32
    %dma_wait3A_600 = arith.constant 2 : i32
    %dma_wait3A_601 = arith.constant 112 : i32
    %dma_wait3A_602 = arith.constant 0 : i32
    %dma_wait3A_603 = tpu.memref_slice %arg8[%dma_wait3A_598, %dma_wait3A_601, %dma_wait3A_602] : memref<2x128x128xf32, #tpu.memory_space<vmem>> -> memref<1x8x128xf32, #tpu.memory_space<vmem>>
    %dma_wait3A_604 = tpu.memref_squeeze %dma_wait3A_603 : memref<1x8x128xf32, #tpu.memory_space<vmem>> -> memref<8x128xf32, #tpu.memory_space<vmem>>
    %dma_wait3A_605 = arith.constant 0 : i32
    %dma_wait3A_606 = arith.constant 0 : i32
    %dma_wait3A_607 = tpu.memref_slice %arg4[%dma_wait3A_599, %dma_wait3A_600, %add3A, %dma_wait3A_605, %dma_wait3A_606] : memref<200x4x32x8x128xf32, #tpu.memory_space<hbm>> -> memref<1x1x1x8x128xf32, #tpu.memory_space<hbm>>
    %dma_wait3A_608 = tpu.memref_squeeze %dma_wait3A_607 : memref<1x1x1x8x128xf32, #tpu.memory_space<hbm>> -> memref<8x128xf32, #tpu.memory_space<hbm>>
    %dma_wait3A_609 = arith.constant 0 : i32
    %dma_wait3A_610 = arith.constant 0 : i32
    %dma_wait3A_611 = tpu.memref_slice %arg4[%dma_wait3A_599, %dma_wait3A_600, %add3A, %dma_wait3A_609, %dma_wait3A_610] : memref<200x4x32x8x128xf32, #tpu.memory_space<hbm>> -> memref<1x1x1x8x128xf32, #tpu.memory_space<hbm>>
    %dma_wait3A_612 = tpu.memref_squeeze %dma_wait3A_611 : memref<1x1x1x8x128xf32, #tpu.memory_space<hbm>> -> memref<8x128xf32, #tpu.memory_space<hbm>>
    %dma_wait3A_613 = arith.constant 112 : i32
    %dma_wait3A_614 = arith.constant 0 : i32
    %dma_wait3A_615 = tpu.memref_slice %arg8[%dma_wait3A_598, %dma_wait3A_613, %dma_wait3A_614] : memref<2x128x128xf32, #tpu.memory_space<vmem>> -> memref<1x8x128xf32, #tpu.memory_space<vmem>>
    %dma_wait3A_616 = tpu.memref_squeeze %dma_wait3A_615 : memref<1x8x128xf32, #tpu.memory_space<vmem>> -> memref<8x128xf32, #tpu.memory_space<vmem>>
    tpu.wait_dma2 semaphore(%arg13 : memref<!tpu.dma_semaphore, #tpu.memory_space<semaphore_mem>>) src(%dma_wait3A_616 : memref<8x128xf32, #tpu.memory_space<vmem>>) dst(%dma_wait3A_612 : memref<8x128xf32, #tpu.memory_space<hbm>>)
    %dma_wait3A_617 = arith.constant 1 : i32
    %dma_wait3A_618 = arith.constant 199 : i32
    %dma_wait3A_619 = arith.constant 3 : i32
    %dma_wait3A_620 = arith.constant 120 : i32
    %dma_wait3A_621 = arith.constant 0 : i32
    %dma_wait3A_622 = tpu.memref_slice %arg8[%dma_wait3A_617, %dma_wait3A_620, %dma_wait3A_621] : memref<2x128x128xf32, #tpu.memory_space<vmem>> -> memref<1x8x128xf32, #tpu.memory_space<vmem>>
    %dma_wait3A_623 = tpu.memref_squeeze %dma_wait3A_622 : memref<1x8x128xf32, #tpu.memory_space<vmem>> -> memref<8x128xf32, #tpu.memory_space<vmem>>
    %dma_wait3A_624 = arith.constant 0 : i32
    %dma_wait3A_625 = arith.constant 0 : i32
    %dma_wait3A_626 = tpu.memref_slice %arg4[%dma_wait3A_618, %dma_wait3A_619, %add3A, %dma_wait3A_624, %dma_wait3A_625] : memref<200x4x32x8x128xf32, #tpu.memory_space<hbm>> -> memref<1x1x1x8x128xf32, #tpu.memory_space<hbm>>
    %dma_wait3A_627 = tpu.memref_squeeze %dma_wait3A_626 : memref<1x1x1x8x128xf32, #tpu.memory_space<hbm>> -> memref<8x128xf32, #tpu.memory_space<hbm>>
    %dma_wait3A_628 = arith.constant 0 : i32
    %dma_wait3A_629 = arith.constant 0 : i32
    %dma_wait3A_630 = tpu.memref_slice %arg4[%dma_wait3A_618, %dma_wait3A_619, %add3A, %dma_wait3A_628, %dma_wait3A_629] : memref<200x4x32x8x128xf32, #tpu.memory_space<hbm>> -> memref<1x1x1x8x128xf32, #tpu.memory_space<hbm>>
    %dma_wait3A_631 = tpu.memref_squeeze %dma_wait3A_630 : memref<1x1x1x8x128xf32, #tpu.memory_space<hbm>> -> memref<8x128xf32, #tpu.memory_space<hbm>>
    %dma_wait3A_632 = arith.constant 120 : i32
    %dma_wait3A_633 = arith.constant 0 : i32
    %dma_wait3A_634 = tpu.memref_slice %arg8[%dma_wait3A_617, %dma_wait3A_632, %dma_wait3A_633] : memref<2x128x128xf32, #tpu.memory_space<vmem>> -> memref<1x8x128xf32, #tpu.memory_space<vmem>>
    %dma_wait3A_635 = tpu.memref_squeeze %dma_wait3A_634 : memref<1x8x128xf32, #tpu.memory_space<vmem>> -> memref<8x128xf32, #tpu.memory_space<vmem>>
    tpu.wait_dma2 semaphore(%arg13 : memref<!tpu.dma_semaphore, #tpu.memory_space<semaphore_mem>>) src(%dma_wait3A_635 : memref<8x128xf32, #tpu.memory_space<vmem>>) dst(%dma_wait3A_631 : memref<8x128xf32, #tpu.memory_space<hbm>>)
    return
  }
}

</mosaic_0001>

<sc_bundles>
// kernel: kernel.3.cloned.1.call-start
scs
__scs_entry_jumppad:
0x0: {  	(pc) =	sbr.rel $0x88, $3  }
0x1: {  	(tag) =	ssettag $0x0;
	lr =	simm.s32 $0x1  }
0x2: {  	[smem:$0x3F9F] =	sst lr;
	_ =	strace $0xD0000000  }
0x3: {  	_ = 	snop  }
0x4: {  	_ = 	snop  }
0x5: {  	_ = 	snop  }
0x6: {  	_ = 	snop  }
0x7: {  	_ = 	snop  }
__scs_overlays_trampoline_lowered:
0x8: {  	[smem:$0x3FAE] =	sst s0  }
0x9: {  	[smem:$0x3FAF] =	sst s1  }
0xa: {  	[smem:$0x3FB0] =	sst s2  }
0xb: {  	[smem:$0x3FB1] =	sst s3  }
0xc: {  	[smem:$0x3FB2] =	sst s4  }
0xd: {  	[smem:$0x3FB3] =	sst s5  }
0xe: {  	[smem:$0x3FB4] =	sst s6  }
0xf: {  	[smem:$0x3FB5] =	sst s7  }
0x10: {  	[smem:$0x3FB6] =	sst s8  }
0x11: {  	[smem:$0x3FB7] =	sst s9;
	s0 =	simm.s32 @!p0 $0x0  }
0x12: {  	s1 =	sld [smem:$0x3F9D];
	s0 =	simm.s32 @p0 $0x1  }
0x13: {  	[smem:$0x3FB8] =	sst s0;
	s0 =	simm.s32 @!p1 $0x0  }
0x14: {  	s2 =	sld [smem:$0x3F9C];
	s0 =	simm.s32 @p1 $0x1  }
0x15: {  	[smem:$0x3FB9] =	sst s0;
	s0 =	simm.s32 @!p2 $0x0  }
0x16: {  	s3 =	sld [smem:$0x3FDB];
	s0 =	simm.s32 @p2 $0x1  }
0x17: {  	s4 =	simm.s32 $0x1BF5;
	[smem:$0x3FBB] =	sst s0  }
0x18: {  	s0 =	sld [smem:$0x3F9E];
	_ =	swait.ge [sflag:s4], $0x0  }
0x19: {  	s7 =	sld [smem:$0x3F9F]  }
0x1a: {  	s8 =	sadd.s32 $0xFFFFE003, lr  }
0x1b: {  	s9 =	sadd.s32 $0xFFFFFEF7, lr;
	s5 =	simm.s32 $0xFFFFFFFF;
	p2 =	slt.u32 s8, $0xFFFFF086  }
0x1c: {  	p1 =	slt.u32 s9, $0xF7A;
	s5 =	simm.s32 @!p2 $0x0  }
0x1d: {  	s5 =	simm.s32 @p1 $0x1;
	p0 =	seq.s32 s7, s2  }
0x1e: {  	s7 =	smul.u32 @!p0 $0xF7A, s2;
	p2 =	seq.s32 @!p0 s5, $0x0  }
0x1f: {  	s9 =	smul.u32 $0xF7A, s1;
	s8 =	simm.s32 @!p0 $0x1BF5;
	p2 =	por !p2, p0  }
0x20: {  	[sflag:s8] =	ssyncset.s32 @!p0 $0xFFFFF086;
	s6 =	sadd.s32 @!p0 s3, s7;
	s7 =	simm.s32 @!p0 $0x108  }
0x21: {  	s3 =	sadd.s32 s3, s9;
	s6 =	sadd.s32 @!p0 $0x88, s6;
	s7 =	simm.s32 @p2 $0x1082  }
0x22: {  	[simem:s7], [sflag:s8] =	dma.local @!p0 [hbm:s6], $0xF7A  }
0x23: {  	s9 =	sor.u32 $0xD0000000, s2;
	s6 =	simm.s32 $0x108;
	_ =	swait.ge @!p0 [sflag:s8], $0x0  }
0x24: {  	s3 =	sadd.s32 $0x88, s3;
	s6 =	simm.s32 @!p1 $0x1082;
	[sflag:s4] =	ssyncset.s32 $0xFFFFF086  }
0x25: {  	[simem:s6], [sflag:s4] =	dma.local [hbm:s3], $0xF7A  }
0x26: {  	[smem:$0x3F9F] =	sst s1;
	(tag) =	ssettag s2;
	_ =	strace s9  }
0x27: {  	s1 =	sld [smem:$0x3FAF]  }
0x28: {  	s2 =	sld [smem:$0x3FB0]  }
0x29: {  	s4 =	sld [smem:$0x3FB2]  }
0x2a: {  	p0 =	seq.s32 s5, $0x0;
	s5 =	sld [smem:$0x3FB3]  }
0x2b: {  	s6 =	sld [smem:$0x3FB4]  }
0x2c: {  	s7 =	sld [smem:$0x3FB5]  }
0x2d: {  	s3 =	simm.s32 $0x108;
	s8 =	sld [smem:$0x3FB6]  }
0x2e: {  	s3 =	simm.s32 @!p0 $0x1082;
	s9 =	sld [smem:$0x3FB7]  }
0x2f: {  	lr =	sadd.s32 s0, s3;
	s0 =	sld [smem:$0x3FAE]  }
0x30: {  	s3 =	sld [smem:$0x3FB1]  }
0x31: {  	[smem:$0x3FBA] =	sst s10  }
0x32: {  	s10 =	sld [smem:$0x3FB8];
	_ =	sdelay $0x3  }
0x33: {  	p0 =	seq.s32 s10, $0x1;
	s10 =	sld [smem:$0x3FBA];
	_ =	sdelay $0x3  }
0x34: {  	[smem:$0x3FBA] =	sst s10  }
0x35: {  	s10 =	sld [smem:$0x3FB9];
	_ =	sdelay $0x3  }
0x36: {  	p1 =	seq.s32 s10, $0x1;
	s10 =	sld [smem:$0x3FBA];
	_ =	sdelay $0x3  }
0x37: {  	[smem:$0x3FBA] =	sst s10  }
0x38: {  	s10 =	sld [smem:$0x3FBB]  }
0x39: {  	_ = 	snop;
	(pc) =	sbr.ind lr, $3  }
0x3a: {  	_ = 	snop  }
0x3b: {  	_ = 	snop  }
0x3c: {  	p2 =	seq.s32 s10, $0x1;
	s10 =	sld [smem:$0x3FBA]  }
0x3d: {  	_ =	shalt  }
0x3e: {  	_ =	shalt  }
0x3f: {  	_ =	shalt  }
0x40: {  	_ =	shalt  }
0x41: {  	_ =	shalt  }
0x42: {  	_ =	shalt  }
0x43: {  	_ =	shalt  }
0x44: {  	_ =	shalt  }
0x45: {  	_ =	shalt  }
0x46: {  	_ =	shalt  }
0x47: {  	_ =	shalt  }
0x48: {  	_ =	shalt  }
0x49: {  	_ =	shalt  }
0x4a: {  	_ =	shalt  }
0x4b: {  	_ =	shalt  }
0x4c: {  	_ =	shalt  }
0x4d: {  	_ =	shalt  }
0x4e: {  	_ =	shalt  }
0x4f: {  	_ =	shalt  }
0x50: {  	_ =	shalt  }
0x51: {  	_ =	shalt  }
0x52: {  	_ =	shalt  }
0x53: {  	_ =	shalt  }
0x54: {  	_ =	shalt  }
0x55: {  	_ =	shalt  }
0x56: {  	_ =	shalt  }
0x57: {  	_ =	shalt  }
0x58: {  	_ =	shalt  }
0x59: {  	_ =	shalt  }
0x5a: {  	_ =	shalt  }
0x5b: {  	_ =	shalt  }
0x5c: {  	_ =	shalt  }
0x5d: {  	_ =	shalt  }
0x5e: {  	_ =	shalt  }
0x5f: {  	_ =	shalt  }
0x60: {  	_ =	shalt  }
0x61: {  	_ =	shalt  }
0x62: {  	_ =	shalt  }
0x63: {  	_ =	shalt  }
0x64: {  	_ =	shalt  }
0x65: {  	_ =	shalt  }
0x66: {  	_ =	shalt  }
0x67: {  	_ =	shalt  }
0x68: {  	_ =	shalt  }
0x69: {  	_ =	shalt  }
0x6a: {  	_ =	shalt  }
0x6b: {  	_ =	shalt  }
0x6c: {  	_ =	shalt  }
0x6d: {  	_ =	shalt  }
0x6e: {  	_ =	shalt  }
0x6f: {  	_ =	shalt  }
0x70: {  	_ =	shalt  }
0x71: {  	_ =	shalt  }
0x72: {  	_ =	shalt  }
0x73: {  	_ =	shalt  }
0x74: {  	_ =	shalt  }
0x75: {  	_ =	shalt  }
0x76: {  	_ =	shalt  }
0x77: {  	_ =	shalt  }
0x78: {  	_ =	shalt  }
0x79: {  	_ =	shalt  }
0x7a: {  	_ =	shalt  }
0x7b: {  	_ =	shalt  }
0x7c: {  	_ =	shalt  }
0x7d: {  	_ =	shalt  }
0x7e: {  	_ =	shalt  }
0x7f: {  	_ =	shalt  }
0x80: {  	_ =	shalt  }
0x81: {  	_ =	shalt  }
0x82: {  	_ =	shalt  }
0x83: {  	_ =	shalt  }
0x84: {  	_ =	shalt  }
0x85: {  	_ =	shalt  }
0x86: {  	_ =	shalt  }
0x87: {  	_ =	shalt  }
.Lfunc_end0:
.L_simem_size_0:
called_computation_lowered:
.L_overlay_start_0:
0x88: {  	s2 =	sld [smem:$0x3FD9]  }
0x89: {  	s3 =	sld [smem:$0x3FFE];
	_ =	sdelay $0x1  }
0x8a: {  	s1 =	srdreg.scid  }
0x8b: {  	s0 =	sand.u32 $0x1, s1  }
0x8c: {  	s17 =	sshll.u32 s0, $0xA;
	s2 =	sadd.s32 s3, s2  }
0x8d: {  	s2 =	sadd.s32 s2, s17  }
0x8e: {  	[smem:$0x3FC6] =	sst s2  }
0x8f: {  	_ = 	snop  }
0x90: {  	s2 =	sld [smem:$0x3FD0];
	(tm) =	ssettm $0x1  }
0x91: {  	s18 =	sld [smem:$0x3FFB];
	_ =	sdelay $0x3  }
0x92: {  	_ =	strace s18  }
0x93: {  	s3 =	sld [smem:$0x3FFC];
	_ =	sdelay $0x3  }
0x94: {  	_ =	strace s3  }
0x95: {  	s3 =	sld [smem:$0x3FFD];
	_ =	sdelay $0x3  }
0x96: {  	_ =	strace s3  }
0x97: {  	_ =	strace $0x8FFFFFFF  }
0x98: {  	s19 =	sld [smem:$0x3FDB];
	_ =	sdelay $0x1  }
0x99: {  	s4 =	simm.s32 $_scs_section_size  }
0x9a: {  	s5 =	simm.s32 $_size__tile_overlayer_lowered;
	s6 =	simm.s32 $_tile_overlayer_lowered  }
0x9b: {  	s22 =	simm.s32 $0x1BFF;
	s21 =	sshll.u32 s6, $0x1;
	s3 =	sadd.s32 s4, s19  }
0x9c: {  	s7 =	simm.s32 $0x0;
	s20 =	sshll.u32 s5, $0x1;
	s5 =	sadd.s32 s21, s3  }
0x9d: {  	[timem:s7], [sflag:s22] =	dma.local [hbm:s5], s20  }
0x9e: {  	_ =	swait.ge [sflag:s22], s20  }
0x9f: {  	s4 =	ssub.s32 $0x0, s20;
	[sflag:s22] =	ssyncset.done $0x0  }
0xa0: {  	[sflag:s22] =	ssyncadd.s32 s4;
	_ =	sdelay $0x1  }
0xa1: {  	s23 =	simm.s32 $0x1B8B  }
0xa2: {  	_ =	swait.ge [sflag:s23], $0x1  }
0xa3: {  	[sflag:s23] =	ssyncset.done $0x0  }
0xa4: {  	s25 =	simm.s32 $0x1B8E;
	s24 =	sld [smem:$0x3FFE];
	[sflag:s23] =	ssyncadd.s32 $0xFFFFFFFF  }
0xa5: {  	s26 =	simm.s32 $execute0_lowered;
	[smem:$0x3FD2] =	sst s25  }
0xa6: {  	s5 =	sshll.u32 s26, $0x1;
	_ =	strace $0x80000046;
	[dreg:$0x1] =	wrdreg $0xFFFFFFFF  }
0xa7: {  	s28 =	simm.s32 $_size_execute0_lowered;
	s3 =	sadd.s32 s3, s5;
	[dreg:$0x0] =	wrdreg $0x0  }
0xa8: {  	s5 =	sshll.u32 s28, $0x1;
	[dreg:$0x2] =	wrdreg s3  }
0xa9: {  	[dreg:$0x3] =	wrdreg s5  }
0xaa: {  	[dreg:$0x4] =	wrdreg $0xC0  }
0xab: {  	_ =	task [dreg:s7], $0x5FFFF  }
0xac: {  	[dreg:$0x1] =	wrdreg $0xFFFFFFFF  }
0xad: {  	[dreg:$0x0] =	wrdreg $0x60  }
0xae: {  	[dreg:$0x2] =	wrdreg s24  }
0xaf: {  	[dreg:$0x3] =	wrdreg s2  }
0xb0: {  	[dreg:$0x4] =	wrdreg $0x9  }
0xb1: {  	_ =	task.clear_ibuf [dreg:s7], $0x5FFFF;
	_ =	strace $0x90000046  }
0xb2: {  	s29 =	simm.s32 $0x9;
	_ =	strace $0x80000048  }
0xb3: {  	_ =	swait.ge [sflag:s29], $0x1  }
0xb4: {  	[sflag:s29] =	ssyncadd.s32 $0xFFFFFFFF  }
0xb5: {  	_ =	strace $0x90000048  }
0xb6: {  	_ =	sfence  }
0xb7: {  	s30 =	sld [smem:$0x0];
	_ =	sdelay $0x2  }
0xb8: {  	s31 =	sshll.u32 s1, $0xD;
	s1 =	sshrl.u32 s1, $0x2  }
0xb9: {  	s3 =	sand.u32 $0x4000, s31;
	s1 =	sadd.s32 s1, s30  }
0xba: {  	s0 =	sor.u32 s3, s0;
	s1 =	sshll.u32 s1, $0x11  }
0xbb: {  	s0 =	sor.u32 s1, s0  }
0xbc: {  	s0 =	sadd.s32 $0x8F2B, s0  }
0xbd: {  	[sflag:s0] =	ssyncadd.remote.s32 $0x1  }
0xbe: {  	_ =	sfence.sel $0xFFFF  }
0xbf: {  	[dreg:$0x0] =	wrdreg $0xFFFFFFFF;
	(pc) =	sbr.abs _section_cstart, $3  }
0xc0: {  	[dreg:$0x1] =	wrdreg $0xFFFFFFFF  }
0xc1: {  	_ =	task.clear_ibuf [dreg:s7], $0x2FFFF;
	_ =	strace $0x9FFFFFFF  }
0xc2: {  	(tm) =	ssettm $0x7FFFFFFF  }
0xc3: {  	_ =	shalt  }
tec
execute0_lowered:
.L_overlay_start_1:
0x0: {  	(tag) =	ssettag $0x1  }
0x1: {  	v0 =	vimm.s32 $0xFEDCBA9;
	v1 =	vimm.s32 $0x87654321  }
0x2: {  	v3 =	vimm.s32 $0x10FEDCBA;
	v5 =	vimm.s32 $0x98765432;
	v7 =	vimm.s32 $0x1C1B1A19  }
0x3: {  	v8 =	vimm.s32 $0x181F1E1D;
	vm0 =	vcmask $0x1F10;
	v10 =	vimm.s32 $0x19181F1E  }
0x4: {  	v26 =	vimm.s32 $0xCBA98765;
	v27 =	vimm.s32 $0x1B1A1918;
	v51 =	vimm.s32 $0x6543210F  }
0x5: {  	v31 =	vimm.s32 $0xEDCBA987;
	v52 =	vimm.s32 $0xFEDCBA98;
	v32 =	vimm.s32 $0x76543210  }
0x6: {  	v2 =	vunpack.c.l.s4.s8 v0;
	v1 =	vunpack.c.l.s4.s8 v1;
	v0 =	vlaneseq.u32  }
0x7: {  	v6 =	vunpack.c.l.s4.s8 v3;
	v5 =	vunpack.c.l.s4.s8 v5;
	v12 =	vunpack.c.0.s8.s32 v7  }
0x8: {  	v13 =	vunpack.c.0.s8.s32 v8;
	v7 =	vimm.s32 $0xA9876543;
	v15 =	vunpack.c.0.s8.s32 v10  }
0x9: {  	v26 =	vunpack.c.l.s4.s8 v26;
	v27 =	vunpack.c.0.s8.s32 v27;
	v31 =	vunpack.c.l.s4.s8 v31  }
0xa: {  	v3 =	vor.u32 $0x18, v0;
	v7 =	vunpack.c.l.s4.s8 v7;
	v17 =	vunpack.c.0.s8.s32 v2  }
0xb: {  	v18 =	vunpack.c.0.s8.s32 v1;
	v1 =	vmul.u32 $0xC8, v0;
	v2 =	vmul.u32 $0x20, v0  }
0xc: {  	v19 =	vunpack.c.0.s8.s32 v6;
	v20 =	vunpack.c.0.s8.s32 v5;
	v5 =	vimm.s32 $0x210FEDCB  }
0xd: {  	v8 =	vsel vm0, v13, v12;
	v26 =	vunpack.c.0.s8.s32 v26;
	v12 =	vsel vm0, v12, v13  }
0xe: {  	v13 =	vimm.s32 $0xDCBA9876;
	v31 =	vunpack.c.0.s8.s32 v31;
	v9 =	vunpack.c.l.s4.s8 v5  }
0xf: {  	v5 =	vcombine.low v8, v8;
	v8 =	vimm.s32 $0x1D1C1B1A;
	v22 =	vunpack.c.0.s8.s32 v7  }
0x10: {  	v7 =	vimm.s32 $0x1E1D1C1B;
	v12 =	vcombine.low v12, v12;
	v13 =	vunpack.c.l.s4.s8 v13  }
0x11: {  	v4 =	vcombine.low v18, v17;
	v6 =	vcombine.low v20, v19;
	v14 =	vunpack.c.0.s8.s32 v8  }
0x12: {  	v16 =	vunpack.c.0.s8.s32 v7;
	v7 =	vimm.s32 $0x1A19181F;
	v20 =	vcombine.low v19, v20  }
0x13: {  	v21 =	vunpack.c.0.s8.s32 v9;
	v23 =	vunpack.c.0.s8.s32 v7;
	v7 =	vimm.s32 $0x3210FEDC  }
0x14: {  	v9 =	vimm.s32 $0xBA987654;
	v33 =	vunpack.c.0.s8.s32 v13;
	v61 =	vand.u32 $0xF, v4  }
0x15: {  	v4 =	vand.u32 $0xF, v6;
	v10 =	vsel vm0, v15, v14;
	v11 =	vunpack.c.l.s4.s8 v7  }
0x16: {  	s0 =	srdreg.scid;
	v24 =	vunpack.c.l.s4.s8 v9;
	v14 =	vsel vm0, v14, v15;
	v15 =	vunpack.c.l.s4.s8 v51  }
0x17: {  	s2 =	stileid.u32;
	s1 =	rddreg [dreg:$0x0];
	v8 =	vcombine.low v22, v21;
	v7 =	vcombine.low v10, v10;
	v9 =	vsel vm0, v23, v16  }
0x18: {  	s5 =	rddreg [dreg:$0x1];
	s3 =	simm.s32 $0x0;
	s30 =	simm.s32 $0xA800;
	v10 =	vimm.s32 $0x1F1E1D1C;
	v16 =	vsel vm0, v16, v23;
	v13 =	vcombine.low v14, v14  }
0x19: {  	s31 =	simm.s32 $0xE800;
	s22 =	simm.s32 $0x12800;
	s0 =	sand.u32 $0x1, s0;
	v21 =	vcombine.low v21, v22;
	v9 =	vcombine.low v9, v9;
	v25 =	vunpack.c.0.s8.s32 v11  }
0x1a: {  	s2 =	sshll.u32 s2, $0x1;
	[smem:$0x7FF] =	sst s3;
	s25 =	sadd.s32 $0x1000, s5;
	v24 =	vunpack.c.0.s8.s32 v24;
	v11 =	vimm.s32 $0x43210FED;
	v29 =	vunpack.c.0.s8.s32 v10  }
0x1b: {  	s26 =	sadd.s32 $0x2000, s5;
	s28 =	sadd.s32 $0x3000, s5;
	s29 =	sadd.s32 $0x4000, s5;
	v34 =	vunpack.c.0.s8.s32 v15;
	v15 =	vunpack.c.l.s4.s8 v32;
	v11 =	vunpack.c.l.s4.s8 v11  }
0x1c: {  	s11 =	sadd.s32 $0x5000, s5;
	s12 =	sadd.s32 $0x6000, s5;
	s13 =	sadd.s32 $0x7000, s5;
	v14 =	vcombine.low v16, v16;
	v6 =	vand.u32 $0xF, v8;
	v27 =	vsel vm0, v27, v29  }
0x1d: {  	s14 =	sadd.s32 $0x8000, s5;
	s15 =	sadd.s32 $0x9000, s5;
	s16 =	sadd.s32 $0xA000, s5;
	v29 =	vunpack.c.l.s4.s8 v52;
	v30 =	vunpack.c.0.s8.s32 v11;
	v11 =	vimm.s32 $0x543210FE  }
0x1e: {  	s17 =	sadd.s32 $0xB000, s5;
	_ =	strace $0x80000047;
	[dreg:$0x6] =	wrdreg s25;
	v28 =	vcombine.low v24, v25;
	v35 =	vcombine.low v31, v34;
	v49 =	vunpack.c.l.s4.s8 v11  }
0x1f: {  	s18 =	sadd.s32 $0xC000, s5;
	s19 =	sadd.s32 $0xD000, s5;
	[dreg:$0x7] =	wrdreg s26;
	v22 =	vcombine.low v25, v24;
	v60 =	vcombine.low v34, v31;
	v23 =	vunpack.c.0.s8.s32 v29  }
0x20: {  	s2 =	sor.u32 s0, s2;
	s0 =	ssub.s32 $0x2, s0;
	[dreg:$0x8] =	wrdreg s28;
	v63 =	vand.u32 $0xF, v28;
	v11 =	vcombine.low v27, v27;
	v28 =	vunpack.c.0.s8.s32 v49  }
0x21: {  	[dreg:$0x9] =	wrdreg s29;
	s4 =	smul.u32 $0xC80, s2;
	s2 =	sshll.u32 s2, $0xA;
	[tilespmem:$0x1FFB0] =	vst v1;
	v54 =	vcombine.low v30, v26;
	v16 =	vand.u32 $0xF, v23;
	v23 =	vcombine.low v17, v18  }
0x22: {  	s20 =	sadd.s32 $0xE000, s5;
	s24 =	sshrl.u32 s0, $0x1;
	[dreg:$0x5] =	wrdreg s2;
	[tilespmem:$0x1FFA0] =	vst v61;
	v32 =	vunpack.c.0.s8.s32 v15;
	v50 =	vcombine.low v26, v30;
	v53 =	vcombine.low v33, v28  }
0x23: {  	s0 =	ssub.s32 s0, s24;
	s4 =	sadd.s32 s4, s1;
	s1 =	sadd.s32 $0xF42A00, s1;
	[tilespmem:$0x1FFF0] =	vst v63;
	v59 =	vand.u32 $0xF, v54;
	v10 =	vand.u32 $0xF, v23;
	v55 =	vcombine.low v28, v33  }
0x24: {  	s21 =	sadd.s32 $0xF000, s5;
	s0 =	smax.u32 s0, $0x1;
	[dreg:$0x3] =	wrdreg s1;
	v23 =	vand.u32 $0xF, v20;
	v20 =	vand.u32 $0xF, v60;
	[tilespmem:$0x1FFC0] =	vst v59;
	v8 =	vand.u32 $0xF, v53  }
0x25: {  	s5 =	simm.s32 $0x5;
	s4 =	sadd.s32 $0x600, s4;
	[dreg:$0xa] =	wrdreg s0;
	v17 =	vand.u32 $0xF, v22;
	v15 =	vand.u32 $0xF, v50;
	v62 =	vcombine.low v16, v32;
	[tilespmem:$0x1FFD0] =	vst v20;
	v19 =	vmovc v8  }
0x26: {  	s26 =	simm.s32 $0x6800;
	s1 =	simm.s32 $0x0;
	[dreg:$0x4] =	wrdreg s4;
	v16 =	vand.u32 $0xF, v21;
	v18 =	vand.u32 $0xF, v55;
	v8 =	vand.u32 $0xF, v35;
	[tilespmem:$0x1FFE0] =	vst v19  }
.LBB2_1:
0x27: {  	[dreg:$0xb] =	wrdreg s1;
	s0 =	simm.s32 $0x0;
	s28 =	simm.s32 $0x10  }
0x28: {  	s2 =	simm.s32 $0x20;
	s4 =	simm.s32 $0x0;
	s9 =	simm.s32 $0x0  }
0x29: {  	s0 =	sand.u32 $0x40, s0;
	s1 =	sand.u32 $0x50, s28;
	s2 =	sand.u32 $0x60, s2;
	v28 =	vmov s4;
	v33 =	vmov s9  }
0x2a: {  	s29 =	simm.s32 $0x30;
	v26 =	vmov s0;
	v27 =	vmov s1;
	v29 =	vmov s2  }
0x2b: {  	s6 =	simm.s32 $0x40;
	s7 =	simm.s32 $0x50;
	s0 =	sand.u32 $0x70, s29;
	v28 =	vand.u32 $0x7, v28;
	v33 =	vand.u32 $0x7, v33;
	v26 =	vmul.u32 $0xC8, v26  }
0x2c: {  	s2 =	rddreg [dreg:$0x4];
	s1 =	sand.u32 $0x40, s6;
	s29 =	simm.s32 $0x1;
	v27 =	vmul.u32 $0xC8, v27;
	v30 =	vmov s0;
	v29 =	vmul.u32 $0xC8, v29  }
0x2d: {  	[tilespmem:s3], [sflag:$0x1] =	stream.linear.gather [hbm4b:s2+s3], $0x6400, $0x38;
	v31 =	vmov s1;
	v39 =	vmov s29;
	v26 =	vor.u32 v28, v26;
	[tilespmem:$0x16800] =	vst v63  }
0x2e: {  	s2 =	sand.u32 $0x50, s7;
	v30 =	vmul.u32 $0xC8, v30;
	v29 =	vor.u32 v28, v29;
	v26 =	vbroadcast v26, $0x0  }
0x2f: {  	v32 =	vmov s2;
	v27 =	vor.u32 v28, v27;
	v29 =	vbroadcast v29, $0x0  }
0x30: {  	s4 =	simm.s32 $0x60;
	v31 =	vmul.u32 $0xC8, v31;
	v27 =	vbroadcast v27, $0x0;
	v26 =	vadd.s32 v1, v26  }
0x31: {  	s10 =	simm.s32 $0x1;
	s28 =	simm.s32 $0x90;
	s0 =	sand.u32 $0x60, s4;
	v32 =	vmul.u32 $0xC8, v32;
	v28 =	vor.u32 v28, v30;
	v29 =	vadd.s32 v1, v29  }
0x32: {  	s8 =	simm.s32 $0x70;
	s4 =	sand.u32 $0x50, s28;
	_ =	swait.ge [sflag:s10], $0x6400;
	v30 =	vmov s0;
	v28 =	vbroadcast v28, $0x0;
	v27 =	vadd.s32 v1, v27  }
0x33: {  	s23 =	simm.s32 $0xB0;
	v56 =	vmov s4;
	[sflag:s10] =	ssyncset.done $0x0;
	s0 =	sand.u32 $0x70, s8;
	v31 =	vor.u32 v33, v31;
	v30 =	vmul.u32 $0xC8, v30  }
0x34: {  	[sflag:s10] =	ssyncadd.s32 $0xFFFF9C00;
	v34 =	vmov s0;
	v32 =	vor.u32 v33, v32;
	s0 =	sand.u32 $0x70, s23;
	v28 =	vadd.s32 v1, v28  }
0x35: {  	s25 =	simm.s32 $0xA0;
	v55 =	vmov s0;
	v30 =	vor.u32 v33, v30;
	v35 =	vld.idx.msk [tilespmem:v26+s3+$0x0], $0xffff;
	v26 =	vbroadcast v31, $0x0  }
0x36: {  	s2 =	sand.u32 $0x60, s25;
	v34 =	vmul.u32 $0xC8, v34;
	v58 =	vmul.u32 $0xC8, v55;
	v54 =	vld.idx.msk [tilespmem:v29+s3+$0x0], $0xffff;
	v29 =	vbroadcast v30, $0x0  }
0x37: {  	s24 =	simm.s32 $0x80;
	v31 =	vbroadcast v32, $0x0;
	v36 =	vld.idx.msk [tilespmem:v27+s3+$0x0], $0xffff;
	v27 =	vmov s2;
	v30 =	vadd.s32 v1, v26  }
0x38: {  	s6 =	sand.u32 $0x40, s24;
	v53 =	vor.u32 v33, v34;
	v38 =	vmul.u32 $0xC8, v27;
	v37 =	vadd.s32 v1, v29  }
0x39: {  	v27 =	vld.idx.msk [tilespmem:v28+s3+$0x0], $0xffff;
	v26 =	vadd.s32 v1, v31;
	v31 =	vbroadcast v53, $0x0;
	v29 =	vmov s6  }
0x3a: {  	s1 =	simm.s32 $0x6420;
	v57 =	vand.u32 $0x7, v39;
	v34 =	vmul.u32 $0xC8, v56;
	v40 =	vmul.u32 $0xC8, v29  }
0x3b: {  	v33 =	vor.u32 v57, v58;
	v29 =	vadd.s32 v1, v31;
	[tilespmem:s1+$0xFFFFFFE0] =	vst v35  }
0x3c: {  	v60 =	vor.u32 v57, v34;
	[tilespmem:s1+$0x0] =	vst v54;
	v31 =	vor.u32 v57, v40;
	v28 =	vld.idx.msk [tilespmem:v30+s3+$0x0], $0xffff  }
0x3d: {  	s4 =	simm.s32 $0xF0;
	s0 =	simm.s32 $0x6460;
	s2 =	simm.s32 $0x8;
	v34 =	vor.u32 v57, v38;
	[tilespmem:s1+$0xFFFFFFF0] =	vst v36;
	v32 =	vbroadcast v31, $0x0;
	v31 =	vbroadcast v60, $0x0;
	v30 =	vld.idx.msk [tilespmem:v37+s3+$0x0], $0xffff  }
.LBB2_2:
0x3e: {  	s6 =	sadd.s32 $0xFFFFFFD0, s4;
	s7 =	sadd.s32 $0xFFFFFFE0, s4;
	s23 =	sadd.s32 $0xFFFFFFF0, s4;
	v34 =	vbroadcast v34, $0x0;
	v35 =	vld.idx.msk [tilespmem:v26+s3+$0x0], $0xffff;
	[tilespmem:s1+$0x10] =	vst v27  }
0x3f: {  	s2 =	sadd.s32 $0x4, s2;
	s1 =	sand.u32 $0x60, s23;
	s23 =	sand.u32 $0x70, s4;
	v32 =	vadd.s32 v1, v32;
	v26 =	vadd.s32 v1, v31;
	v31 =	vbroadcast v33, $0x0  }
0x40: {  	s6 =	sand.u32 $0x40, s6;
	s7 =	sand.u32 $0x50, s7;
	p0 =	slt.u32 s2, $0x1C;
	v33 =	vmov s1;
	v36 =	vmov s23;
	v37 =	vadd.s32 v1, v34;
	v27 =	vld.idx.msk [tilespmem:v29+s3+$0x0], $0xffff  }
.Ltmp0:
0x41: {  	s23 =	sshrl.u32 s2, $0x3;
	v29 =	vmov s6;
	v34 =	vmov s7;
	s1 =	smov.u32 s0;
	v33 =	vmul.u32 $0xC8, v33;
	(pc) =	sbr.rel @p0 .LBB2_2-.Ltmp0, $4  }
0x42: {  	v38 =	vmov s23;
	v39 =	vmul.u32 $0xC8, v29;
	v34 =	vmul.u32 $0xC8, v34;
	[tilespmem:s0+$0xFFFFFFE0] =	vst v28  }
0x43: {  	v36 =	vmul.u32 $0xC8, v36;
	v29 =	vadd.s32 v1, v31;
	v38 =	vand.u32 $0x7, v38;
	[tilespmem:s0+$0x0] =	vst v30  }
0x44: {  	v30 =	vor.u32 v38, v39;
	v31 =	vor.u32 v38, v34;
	v34 =	vor.u32 v38, v33;
	v28 =	vld.idx.msk [tilespmem:v32+s3+$0x0], $0xffff  }
0x45: {  	s4 =	sadd.s32 $0x40, s4;
	v33 =	vor.u32 v38, v36;
	s0 =	sadd.s32 $0x40, s0;
	v32 =	vbroadcast v30, $0x0;
	v31 =	vbroadcast v31, $0x0;
	v30 =	vld.idx.msk [tilespmem:v37+s3+$0x0], $0xffff;
	[tilespmem:s1+$0xFFFFFFF0] =	vst v35  }
0x46: {  	_ = 	snop  }
0x47: {  	v34 =	vbroadcast v34, $0x0;
	v32 =	vadd.s32 v1, v32  }
0x48: {  	v33 =	vbroadcast v33, $0x0;
	v31 =	vadd.s32 v1, v31  }
0x49: {  	v34 =	vadd.s32 v1, v34  }
0x4a: {  	v26 =	vld.idx.msk [tilespmem:v26+s3+$0x0], $0xffff;
	v33 =	vadd.s32 v1, v33  }
0x4b: {  	v29 =	vld.idx.msk [tilespmem:v29+s3+$0x0], $0xffff  }
0x4c: {  	[tilespmem:s1+$0x10] =	vst v27;
	v56 =	vld.idx.msk [tilespmem:v32+s3+$0x0], $0xffff  }
0x4d: {  	[tilespmem:s0+$0xFFFFFFE0] =	vst v28;
	v58 =	vld.idx.msk [tilespmem:v31+s3+$0x0], $0xffff  }
0x4e: {  	[tilespmem:s0+$0x0] =	vst v30;
	v57 =	vld.idx.msk [tilespmem:v34+s3+$0x0], $0xffff  }
0x4f: {  	[tilespmem:s0+$0xFFFFFFF0] =	vst v26;
	v60 =	vld.idx.msk [tilespmem:v33+s3+$0x0], $0xffff  }
0x50: {  	s28 =	sadd.s32 $0x40, s0;
	[tilespmem:s0+$0x10] =	vst v29  }
0x51: {  	[tilespmem:s28+$0xFFFFFFE0] =	vst v56  }
0x52: {  	[tilespmem:s28+$0xFFFFFFF0] =	vst v58  }
0x53: {  	[tilespmem:s28+$0x0] =	vst v57  }
0x54: {  	s29 =	simm.s32 $0x200;
	[tilespmem:s28+$0x10] =	vst v60  }
0x55: {  	s2 =	simm.s32 $0x6400;
	s23 =	simm.s32 $0x0;
	s0 =	rddreg [dreg:$0x3]  }
0x56: {  	[tilespmem:s26], [sflag:$0x2] =	stream.indirect.gather [hbm4b:s0+s29], $0x20, s2, s29, $0xb8;
	[tilespmem:$0x16800] =	vst v63  }
.LBB2_4:
0x57: {  	s25 =	sshllo.u32 s23, $0x1;
	s1 =	simm.s32 $0x0;
	s2 =	simm.s32 $0x30  }
0x58: {  	s10 =	simm.s32 $0x20;
	s4 =	simm.s32 $0x10;
	s0 =	sshll.u32 s25, $0x2  }
0x59: {  	s1 =	sand.u32 $0x40, s1;
	s9 =	sand.u32 $0x70, s2;
	s24 =	sand.u32 $0x50, s4  }
0x5a: {  	s6 =	simm.s32 $0x60;
	s2 =	sand.u32 $0x60, s10;
	v26 =	vmov s1;
	s8 =	sadd.s32 $0x0, s0;
	v29 =	vmov s9;
	v30 =	vmov s24  }
0x5b: {  	s7 =	sand.u32 $0x60, s6;
	v31 =	vmov s2;
	v27 =	vmov s8;
	v26 =	vmul.u32 $0xC8, v26  }
0x5c: {  	s28 =	simm.s32 $0x70;
	s29 =	simm.s32 $0x40;
	v54 =	vmov s7;
	v29 =	vmul.u32 $0xC8, v29;
	v28 =	vand.u32 $0x7FFFFFF8, v27  }
0x5d: {  	s1 =	sand.u32 $0x70, s28;
	s2 =	sand.u32 $0x40, s29;
	v30 =	vmul.u32 $0xC8, v30;
	v31 =	vmul.u32 $0xC8, v31;
	v26 =	vadd.s32 v28, v26  }
0x5e: {  	s4 =	simm.s32 $0x50;
	v32 =	vmov s1;
	v33 =	vmov s2;
	v26 =	vbroadcast v26, $0x0  }
0x5f: {  	s1 =	sand.u32 $0x50, s4;
	v27 =	vand.u32 $0x7, v27;
	v33 =	vmul.u32 $0xC8, v33;
	v32 =	vmul.u32 $0xC8, v32  }
0x60: {  	v35 =	vmov s1;
	v29 =	vbroadcast v29, $0x0;
	v26 =	vor.u32 v27, v26  }
0x61: {  	s2 =	sadd.s32 $0x0, s0;
	s8 =	simm.s32 $0xB0;
	v30 =	vbroadcast v30, $0x0;
	v27 =	vor.u32 v27, v28;
	v26 =	vadd.s32 v1, v26  }
0x62: {  	s1 =	sand.u32 $0x70, s8;
	v31 =	vbroadcast v31, $0x0;
	v28 =	vmov s2;
	v27 =	vadd.s32 v1, v27  }
0x63: {  	v55 =	vmov s1;
	v34 =	vand.u32 $0x7FFFFFF8, v28;
	v30 =	vadd.s32 v30, v27  }
0x64: {  	s9 =	simm.s32 $0x80;
	v28 =	vand.u32 $0x7, v28;
	v33 =	vadd.s32 v34, v33;
	v37 =	vadd.s32 v31, v27  }
0x65: {  	s10 =	sadd.s32 $0x1, s0;
	s2 =	sand.u32 $0x40, s9;
	v31 =	vmul.u32 $0xC8, v35;
	v38 =	vadd.s32 v29, v27;
	v27 =	vmul.u32 $0xC8, v54  }
0x66: {  	v29 =	vmov s10;
	v33 =	vbroadcast v33, $0x0;
	v40 =	vld.idx.msk [tilespmem:v26+s3+$0x0], $0xffff;
	v26 =	vmov s2  }
0x67: {  	v56 =	vbroadcast v31, $0x0;
	v58 =	vbroadcast v27, $0x0;
	v57 =	vmul.u32 $0xC8, v26  }
0x68: {  	v31 =	vor.u32 v28, v33;
	v28 =	vor.u32 v28, v34;
	v26 =	vand.u32 $0x7FFFFFF8, v29;
	v27 =	vld.idx.msk [tilespmem:v30+s3+$0x0], $0xffff  }
0x69: {  	s24 =	simm.s32 $0x90;
	v31 =	vadd.s32 v1, v31;
	v41 =	vadd.s32 v1, v28;
	v28 =	vld.idx.msk [tilespmem:v37+s3+$0x0], $0xffff;
	v30 =	vadd.s32 v26, v57  }
0x6a: {  	s28 =	simm.s32 $0xA0;
	s29 =	sand.u32 $0x50, s24;
	v39 =	vbroadcast v32, $0x0;
	v32 =	vadd.s32 v56, v41;
	v35 =	vbroadcast v30, $0x0;
	v30 =	vld.idx.msk [tilespmem:v38+s3+$0x0], $0xffff  }
0x6b: {  	v60 =	vmov s29;
	s1 =	simm.s32 $0x6630;
	v36 =	vmul.u32 $0xC8, v55;
	s2 =	sand.u32 $0x60, s28;
	v33 =	vadd.s32 v58, v41  }
0x6c: {  	s6 =	simm.s32 $0xF0;
	s4 =	simm.s32 $0x8;
	v37 =	vmul.u32 $0xC8, v60;
	v34 =	vadd.s32 v39, v41;
	v38 =	vmov s2;
	s2 =	simm.s32 $0x6670;
	[tilespmem:s1+$0xFFFFFFD0] =	vst v40  }
.LBB2_5:
0x6d: {  	s4 =	sadd.s32 $0x4, s4;
	s7 =	sadd.s32 $0xFFFFFFD0, s6;
	s24 =	sand.u32 $0x70, s6;
	v38 =	vmul.u32 $0xC8, v38;
	v39 =	vbroadcast v36, $0x0;
	[tilespmem:s1+$0xFFFFFFE0] =	vst v27  }
0x6e: {  	s29 =	sadd.s32 $0xFFFFFFF0, s6;
	v27 =	vand.u32 $0x7, v29;
	s28 =	sshrl.u32 s4, $0x3;
	s7 =	sand.u32 $0x40, s7;
	v36 =	vmov s24;
	v37 =	vbroadcast v37, $0x0;
	v40 =	vld.idx.msk [tilespmem:v31+s3+$0x0], $0xffff;
	[tilespmem:s1+$0xFFFFFFF0] =	vst v28  }
0x6f: {  	p0 =	slt.u32 s4, $0x1C;
	v31 =	vor.u32 v27, v35;
	v35 =	vor.u32 v27, v26;
	v28 =	vmov s7;
	s7 =	sadd.s32 s0, s28;
	v27 =	vld.idx.msk [tilespmem:v32+s3+$0x0], $0xffff;
	[tilespmem:s1+$0x0] =	vst v30;
	s1 =	smov.u32 s2  }
.Ltmp1:
0x70: {  	v38 =	vbroadcast v38, $0x0;
	v29 =	vmov s7;
	v32 =	vmul.u32 $0xC8, v28;
	v28 =	vld.idx.msk [tilespmem:v33+s3+$0x0], $0xffff;
	(pc) =	sbr.rel @p0 .LBB2_5-.Ltmp1, $4  }
0x71: {  	v31 =	vadd.s32 v1, v31;
	v41 =	vadd.s32 v1, v35;
	s7 =	sadd.s32 $0xFFFFFFE0, s6;
	v26 =	vand.u32 $0x7FFFFFF8, v29;
	v30 =	vld.idx.msk [tilespmem:v34+s3+$0x0], $0xffff  }
0x72: {  	v36 =	vmul.u32 $0xC8, v36;
	s7 =	sand.u32 $0x50, s7;
	v33 =	vadd.s32 v26, v32;
	v32 =	vadd.s32 v37, v41  }
0x73: {  	v34 =	vmov s7;
	s7 =	sand.u32 $0x60, s29;
	v35 =	vbroadcast v33, $0x0;
	v33 =	vadd.s32 v38, v41  }
0x74: {  	s2 =	sadd.s32 $0x40, s2;
	s6 =	sadd.s32 $0x40, s6;
	v37 =	vmul.u32 $0xC8, v34;
	v38 =	vmov s7;
	v34 =	vadd.s32 v39, v41;
	[tilespmem:s1+$0xFFFFFFD0] =	vst v40  }
0x75: {  	_ = 	snop  }
0x76: {  	v38 =	vmul.u32 $0xC8, v38;
	v29 =	vand.u32 $0x7, v29  }
0x77: {  	v37 =	vbroadcast v37, $0x0;
	v35 =	vor.u32 v29, v35;
	v26 =	vor.u32 v29, v26  }
0x78: {  	v29 =	vbroadcast v38, $0x0;
	v35 =	vadd.s32 v1, v35;
	v26 =	vadd.s32 v1, v26  }
0x79: {  	v36 =	vbroadcast v36, $0x0;
	v31 =	vld.idx.msk [tilespmem:v31+s3+$0x0], $0xffff;
	v37 =	vadd.s32 v37, v26  }
0x7a: {  	v32 =	vld.idx.msk [tilespmem:v32+s3+$0x0], $0xffff;
	v29 =	vadd.s32 v29, v26  }
0x7b: {  	[tilespmem:s1+$0xFFFFFFE0] =	vst v27;
	v27 =	vld.idx.msk [tilespmem:v33+s3+$0x0], $0xffff;
	v26 =	vadd.s32 v36, v26  }
0x7c: {  	[tilespmem:s1+$0xFFFFFFF0] =	vst v28;
	v28 =	vld.idx.msk [tilespmem:v34+s3+$0x0], $0xffff  }
0x7d: {  	[tilespmem:s1+$0x0] =	vst v30;
	v30 =	vld.idx.msk [tilespmem:v35+s3+$0x0], $0xffff  }
0x7e: {  	[tilespmem:s2+$0xFFFFFFD0] =	vst v31;
	v31 =	vld.idx.msk [tilespmem:v37+s3+$0x0], $0xffff  }
0x7f: {  	[tilespmem:s2+$0xFFFFFFE0] =	vst v32;
	v29 =	vld.idx.msk [tilespmem:v29+s3+$0x0], $0xffff  }
0x80: {  	[tilespmem:s2+$0xFFFFFFF0] =	vst v27;
	v26 =	vld.idx.msk [tilespmem:v26+s3+$0x0], $0xffff  }
0x81: {  	s0 =	sadd.s32 $0x40, s2;
	[tilespmem:s2+$0x0] =	vst v28  }
0x82: {  	[tilespmem:s0+$0xFFFFFFD0] =	vst v30  }
0x83: {  	[tilespmem:s0+$0xFFFFFFE0] =	vst v31  }
0x84: {  	[tilespmem:s0+$0xFFFFFFF0] =	vst v29  }
0x85: {  	s4 =	simm.s32 $0x2;
	[tilespmem:s0+$0x0] =	vst v26  }
0x86: {  	s7 =	simm.s32 $0x200;
	_ =	swait.ge [sflag:s4], $0x4000  }
0x87: {  	s8 =	simm.s32 $0x6600;
	p0 =	seq.s32 s23, $0x0;
	[sflag:s4] =	ssyncset.done $0x0  }
0x88: {  	s1 =	simm.s32 @!p0 $0x4;
	s6 =	rddreg [dreg:$0x3];
	[sflag:s4] =	ssyncadd.s32 $0xFFFFC000  }
0x89: {  	[tilespmem:s30], [sflag:$0x3] =	stream.indirect.gather [hbm4b:s6+s7], $0x20, s8, s7, $0xb8;
	[tilespmem:$0x16800] =	vst v63  }
0x8a: {  	_ =	swait.ge @!p0 [sflag:s1], $0x400  }
0x8b: {  	[sflag:s1] =	ssyncset.done @!p0 $0x0  }
0x8c: {  	[sflag:s1] =	ssyncadd.s32 @!p0 $0xFFFFFC00  }
0x8d: {  	_ =	swait.ge @!p0 [sflag:s1], $0x400  }
0x8e: {  	[sflag:s1] =	ssyncset.done @!p0 $0x0  }
0x8f: {  	[sflag:s1] =	ssyncadd.s32 @!p0 $0xFFFFFC00  }
0x90: {  	_ =	swait.ge @!p0 [sflag:s1], $0x400  }
0x91: {  	[sflag:s1] =	ssyncset.done @!p0 $0x0  }
0x92: {  	[sflag:s1] =	ssyncadd.s32 @!p0 $0xFFFFFC00  }
0x93: {  	_ =	swait.ge @!p0 [sflag:s1], $0x400  }
0x94: {  	[sflag:s1] =	ssyncset.done @!p0 $0x0  }
0x95: {  	[sflag:s1] =	ssyncadd.s32 @!p0 $0xFFFFFC00  }
0x96: {  	_ =	swait.ge @!p0 [sflag:s1], $0x400  }
0x97: {  	[sflag:s1] =	ssyncset.done @!p0 $0x0  }
0x98: {  	[sflag:s1] =	ssyncadd.s32 @!p0 $0xFFFFFC00  }
0x99: {  	_ =	swait.ge @!p0 [sflag:s1], $0x400  }
0x9a: {  	[sflag:s1] =	ssyncset.done @!p0 $0x0  }
0x9b: {  	[sflag:s1] =	ssyncadd.s32 @!p0 $0xFFFFFC00  }
0x9c: {  	_ =	swait.ge @!p0 [sflag:s1], $0x400  }
0x9d: {  	[sflag:s1] =	ssyncset.done @!p0 $0x0  }
0x9e: {  	[sflag:s1] =	ssyncadd.s32 @!p0 $0xFFFFFC00  }
0x9f: {  	_ =	swait.ge @!p0 [sflag:s1], $0x400  }
0xa0: {  	[sflag:s1] =	ssyncset.done @!p0 $0x0  }
0xa1: {  	[sflag:s1] =	ssyncadd.s32 @!p0 $0xFFFFFC00  }
0xa2: {  	_ =	swait.ge @!p0 [sflag:s1], $0x400  }
0xa3: {  	[sflag:s1] =	ssyncset.done @!p0 $0x0  }
0xa4: {  	[sflag:s1] =	ssyncadd.s32 @!p0 $0xFFFFFC00  }
0xa5: {  	_ =	swait.ge @!p0 [sflag:s1], $0x400  }
0xa6: {  	[sflag:s1] =	ssyncset.done @!p0 $0x0  }
0xa7: {  	[sflag:s1] =	ssyncadd.s32 @!p0 $0xFFFFFC00  }
0xa8: {  	_ =	swait.ge @!p0 [sflag:s1], $0x400  }
0xa9: {  	[sflag:s1] =	ssyncset.done @!p0 $0x0  }
0xaa: {  	[sflag:s1] =	ssyncadd.s32 @!p0 $0xFFFFFC00  }
0xab: {  	_ =	swait.ge @!p0 [sflag:s1], $0x400  }
0xac: {  	[sflag:s1] =	ssyncset.done @!p0 $0x0  }
0xad: {  	[sflag:s1] =	ssyncadd.s32 @!p0 $0xFFFFFC00  }
0xae: {  	s9 =	simm.s32 $0x0;
	_ =	swait.ge @!p0 [sflag:s1], $0x400  }
0xaf: {  	s10 =	sand.u32 $0x60, s9;
	[sflag:s1] =	ssyncset.done @!p0 $0x0  }
0xb0: {  	s4 =	simm.s32 $0x0;
	s7 =	sor.u32 $0x10, s10;
	[sflag:s1] =	ssyncadd.s32 @!p0 $0xFFFFFC00  }
0xb1: {  	s24 =	sor.u32 s4, s7;
	_ =	swait.ge @!p0 [sflag:s1], $0x400  }
0xb2: {  	s6 =	sand.u32 $0x10, s9;
	v26 =	vmov s24;
	[sflag:s1] =	ssyncset.done @!p0 $0x0  }
0xb3: {  	v27 =	vor.u32 s6, v0;
	v26 =	vshll.u32 v26, $0x5;
	[sflag:s1] =	ssyncadd.s32 @!p0 $0xFFFFFC00  }
0xb4: {  	v28 =	vand.u32 v3, v27;
	v37 =	vor.u32 v2, v26;
	_ =	swait.ge @!p0 [sflag:s1], $0x400  }
0xb5: {  	v26 =	vor.u32 v37, v28;
	[sflag:s1] =	ssyncset.done @!p0 $0x0  }
0xb6: {  	[sflag:s1] =	ssyncadd.s32 @!p0 $0xFFFFFC00  }
0xb7: {  	s0 =	simm.s32 $0x0;
	_ =	swait.ge @!p0 [sflag:s1], $0x400  }
0xb8: {  	v29 =	vor.u32 s6, v61;
	v27 =	vor.u32 s0, v27;
	s24 =	sor.u32 s10, s4;
	[sflag:s1] =	ssyncset.done @!p0 $0x0  }
0xb9: {  	v36 =	vor.u32 s7, v0;
	v27 =	vshll.u32 v27, $0x7;
	v41 =	vmov s24;
	[sflag:s1] =	ssyncadd.s32 @!p0 $0xFFFFFC00  }
0xba: {  	v30 =	vand.u32 v5, v29;
	v31 =	vor.u32 v27, v36;
	v32 =	vshll.u32 v41, $0x5;
	v26 =	vld.idx.msk [tilespmem:v26+s26+$0x0], $0xffff  }
0xbb: {  	v42 =	vor.u32 v37, v30;
	v34 =	vor.u32 v2, v32  }
0xbc: {  	v28 =	vor.u32 v34, v28;
	_ =	sdelay $0x1  }
0xbd: {  	v29 =	vor.u32 s0, v29  }
0xbe: {  	[tilespmem:v31+s31+$0x0] =	vst.idx.msk $0xffff, v26;
	v26 =	vshll.u32 v29, $0x7;
	v29 =	vor.u32 s6, v4  }
0xbf: {  	v35 =	vor.u32 s10, v0;
	v31 =	vld.idx.msk [tilespmem:v42+s26+$0x0], $0xffff;
	v43 =	vor.u32 v26, v36;
	v44 =	vand.u32 v7, v29  }
0xc0: {  	v27 =	vor.u32 v27, v35;
	v28 =	vld.idx.msk [tilespmem:v28+s26+$0x0], $0xffff;
	v45 =	vor.u32 v37, v44  }
0xc1: {  	v30 =	vor.u32 v34, v30;
	_ =	sdelay $0x1  }
0xc2: {  	v29 =	vor.u32 s0, v29  }
0xc3: {  	v29 =	vshll.u32 v29, $0x7;
	[tilespmem:v43+s31+$0x0] =	vst.idx.msk $0xffff, v31;
	v31 =	vor.u32 s6, v6  }
0xc4: {  	[tilespmem:v27+s31+$0x0] =	vst.idx.msk $0xffff, v28;
	v39 =	vor.u32 v29, v36;
	v32 =	vld.idx.msk [tilespmem:v45+s26+$0x0], $0xffff;
	v46 =	vand.u32 v9, v31  }
0xc5: {  	v26 =	vor.u32 v26, v35;
	v27 =	vld.idx.msk [tilespmem:v30+s26+$0x0], $0xffff;
	v40 =	vor.u32 v37, v46  }
0xc6: {  	v28 =	vor.u32 v34, v44;
	_ =	sdelay $0x1  }
0xc7: {  	v30 =	vor.u32 s0, v31  }
0xc8: {  	v31 =	vor.u32 s6, v63;
	v30 =	vshll.u32 v30, $0x7;
	[tilespmem:v39+s31+$0x0] =	vst.idx.msk $0xffff, v32  }
0xc9: {  	[tilespmem:v26+s31+$0x0] =	vst.idx.msk $0xffff, v27;
	v47 =	vand.u32 v11, v31;
	v48 =	vor.u32 v30, v36;
	v32 =	vld.idx.msk [tilespmem:v40+s26+$0x0], $0xffff  }
0xca: {  	v26 =	vor.u32 v29, v35;
	v27 =	vld.idx.msk [tilespmem:v28+s26+$0x0], $0xffff;
	v49 =	vor.u32 v37, v47  }
0xcb: {  	v28 =	vor.u32 v34, v46;
	_ =	sdelay $0x1  }
0xcc: {  	v29 =	vor.u32 s0, v31  }
0xcd: {  	v31 =	vor.u32 s6, v15;
	v29 =	vshll.u32 v29, $0x7;
	[tilespmem:v48+s31+$0x0] =	vst.idx.msk $0xffff, v32  }
0xce: {  	v50 =	vand.u32 v12, v31;
	v51 =	vor.u32 v29, v36;
	[tilespmem:v26+s31+$0x0] =	vst.idx.msk $0xffff, v27;
	v32 =	vld.idx.msk [tilespmem:v49+s26+$0x0], $0xffff  }
0xcf: {  	v52 =	vor.u32 v37, v50;
	v26 =	vor.u32 v30, v35;
	v27 =	vld.idx.msk [tilespmem:v28+s26+$0x0], $0xffff  }
0xd0: {  	v28 =	vor.u32 v34, v47  }
0xd1: {  	s9 =	simm.s32 $0x4  }
0xd2: {  	s2 =	simm.s32 $0x20;
	s24 =	sand.u32 $0x10, s9;
	v30 =	vor.u32 s0, v31  }
0xd3: {  	v41 =	vor.u32 s24, v0;
	s1 =	sand.u32 $0x60, s2;
	v31 =	vor.u32 s6, v19;
	v30 =	vshll.u32 v30, $0x7;
	[tilespmem:v51+s31+$0x0] =	vst.idx.msk $0xffff, v32  }
0xd4: {  	s4 =	simm.s32 $0x0;
	s8 =	sor.u32 $0x10, s1;
	v53 =	vand.u32 v13, v31;
	v54 =	vor.u32 v30, v36;
	[tilespmem:v26+s31+$0x0] =	vst.idx.msk $0xffff, v27;
	v32 =	vld.idx.msk [tilespmem:v52+s26+$0x0], $0xffff  }
0xd5: {  	v58 =	vor.u32 s24, v61;
	s28 =	sor.u32 s4, s8;
	v29 =	vor.u32 v29, v35;
	v55 =	vor.u32 v37, v53;
	v28 =	vld.idx.msk [tilespmem:v28+s26+$0x0], $0xffff  }
0xd6: {  	v43 =	vor.u32 s6, v8;
	v38 =	vor.u32 v34, v50;
	v26 =	vmov s28  }
0xd7: {  	v42 =	vand.u32 v3, v41;
	v57 =	vand.u32 v14, v43;
	v26 =	vshll.u32 v26, $0x5  }
0xd8: {  	v45 =	vor.u32 v37, v57;
	v31 =	vor.u32 s0, v31;
	v27 =	vor.u32 v2, v26  }
0xd9: {  	s2 =	sor.u32 s1, s4;
	v39 =	vor.u32 v34, v57;
	v31 =	vshll.u32 v31, $0x7;
	v56 =	vor.u32 v27, v42;
	[tilespmem:v54+s31+$0x0] =	vst.idx.msk $0xffff, v32  }
0xda: {  	s29 =	simm.s32 $0x0;
	v46 =	vmov s2;
	v57 =	vor.u32 s6, v10;
	v44 =	vor.u32 v31, v36;
	[tilespmem:v29+s31+$0x0] =	vst.idx.msk $0xffff, v28;
	v40 =	vld.idx.msk [tilespmem:v55+s26+$0x0], $0xffff  }
0xdb: {  	v30 =	vor.u32 v30, v35;
	v33 =	vor.u32 v34, v53;
	v26 =	vor.u32 s29, v41;
	v38 =	vld.idx.msk [tilespmem:v38+s26+$0x0], $0xffff  }
0xdc: {  	v49 =	vor.u32 s6, v62;
	v47 =	vshll.u32 v26, $0x7;
	v26 =	vor.u32 s8, v0  }
0xdd: {  	v31 =	vor.u32 v31, v35;
	v50 =	vand.u32 v3, v49;
	v48 =	vor.u32 v47, v26  }
0xde: {  	v28 =	vor.u32 s0, v43;
	v43 =	vand.u32 v5, v58;
	v29 =	vshll.u32 v46, $0x5;
	v32 =	vld.idx.msk [tilespmem:v56+s26+$0x0], $0xffff  }
0xdf: {  	v60 =	vor.u32 v27, v43;
	v29 =	vor.u32 v2, v29;
	[tilespmem:v44+s31+$0x0] =	vst.idx.msk $0xffff, v40;
	v40 =	vshll.u32 v28, $0x7  }
0xe0: {  	[tilespmem:v30+s31+$0x0] =	vst.idx.msk $0xffff, v38;
	v30 =	vor.u32 v29, v42;
	v45 =	vld.idx.msk [tilespmem:v45+s26+$0x0], $0xffff;
	v51 =	vor.u32 v40, v36  }
0xe1: {  	v53 =	vor.u32 v37, v50;
	v52 =	vand.u32 v5, v57;
	v43 =	vor.u32 v29, v43;
	v33 =	vld.idx.msk [tilespmem:v33+s26+$0x0], $0xffff  }
0xe2: {  	v54 =	vor.u32 s29, v58;
	v38 =	vor.u32 s24, v4;
	v55 =	vor.u32 s0, v49  }
0xe3: {  	v56 =	vand.u32 v7, v38;
	v42 =	vshll.u32 v55, $0x7;
	[tilespmem:v48+s31+$0x0] =	vst.idx.msk $0xffff, v32;
	v32 =	vshll.u32 v54, $0x7  }
0xe4: {  	v58 =	vor.u32 v27, v56;
	v28 =	vor.u32 s1, v0;
	v41 =	vld.idx.msk [tilespmem:v60+s26+$0x0], $0xffff;
	v44 =	vor.u32 v32, v26  }
0xe5: {  	v30 =	vld.idx.msk [tilespmem:v30+s26+$0x0], $0xffff;
	v48 =	vor.u32 v29, v56;
	v47 =	vor.u32 v47, v28;
	[tilespmem:v51+s31+$0x0] =	vst.idx.msk $0xffff, v45  }
0xe6: {  	v56 =	vor.u32 s0, v57;
	v60 =	vor.u32 v42, v36;
	[tilespmem:v31+s31+$0x0] =	vst.idx.msk $0xffff, v33;
	v31 =	vor.u32 s29, v38;
	v46 =	vld.idx.msk [tilespmem:v53+s26+$0x0], $0xffff  }
0xe7: {  	v33 =	vor.u32 v34, v50;
	v40 =	vor.u32 v40, v35;
	v38 =	vld.idx.msk [tilespmem:v39+s26+$0x0], $0xffff;
	v53 =	vor.u32 v37, v52  }
0xe8: {  	v32 =	vor.u32 v32, v28;
	v31 =	vshll.u32 v31, $0x7;
	v39 =	vor.u32 s24, v6  }
0xe9: {  	v50 =	vor.u32 s6, v16;
	v57 =	vand.u32 v9, v39;
	v49 =	vor.u32 v31, v26;
	[tilespmem:v44+s31+$0x0] =	vst.idx.msk $0xffff, v41  }
0xea: {  	v31 =	vor.u32 v31, v28;
	v44 =	vshll.u32 v56, $0x7;
	v41 =	vld.idx.msk [tilespmem:v58+s26+$0x0], $0xffff;
	v58 =	vor.u32 s6, v23;
	[tilespmem:v47+s31+$0x0] =	vst.idx.msk $0xffff, v30  }
0xeb: {  	v54 =	vor.u32 v44, v36;
	v43 =	vld.idx.msk [tilespmem:v43+s26+$0x0], $0xffff;
	[tilespmem:v60+s31+$0x0] =	vst.idx.msk $0xffff, v46;
	v60 =	vor.u32 v27, v57  }
0xec: {  	v30 =	vor.u32 v42, v35;
	[tilespmem:v40+s31+$0x0] =	vst.idx.msk $0xffff, v38;
	v51 =	vld.idx.msk [tilespmem:v53+s26+$0x0], $0xffff;
	v53 =	vand.u32 v7, v58  }
0xed: {  	v42 =	vor.u32 v34, v52;
	v45 =	vor.u32 v29, v57;
	v33 =	vld.idx.msk [tilespmem:v33+s26+$0x0], $0xffff;
	v56 =	vor.u32 v37, v53  }
0xee: {  	v40 =	vor.u32 s24, v63;
	v63 =	vand.u32 v9, v50;
	v57 =	vor.u32 s29, v39  }
0xef: {  	[tilespmem:v49+s31+$0x0] =	vst.idx.msk $0xffff, v41;
	v39 =	vor.u32 v44, v35;
	v46 =	vand.u32 v11, v40;
	v38 =	vshll.u32 v57, $0x7  }
0xf0: {  	[tilespmem:v32+s31+$0x0] =	vst.idx.msk $0xffff, v43;
	v58 =	vor.u32 s0, v58;
	v41 =	vld.idx.msk [tilespmem:v60+s26+$0x0], $0xffff;
	v60 =	vor.u32 v38, v26  }
0xf1: {  	v48 =	vld.idx.msk [tilespmem:v48+s26+$0x0], $0xffff;
	v44 =	vshll.u32 v58, $0x7;
	[tilespmem:v54+s31+$0x0] =	vst.idx.msk $0xffff, v51;
	v51 =	vor.u32 v27, v46  }
0xf2: {  	v50 =	vor.u32 s0, v50;
	[tilespmem:v30+s31+$0x0] =	vst.idx.msk $0xffff, v33;
	v57 =	vor.u32 v44, v36;
	v47 =	vld.idx.msk [tilespmem:v56+s26+$0x0], $0xffff  }
0xf3: {  	v50 =	vshll.u32 v50, $0x7;
	v40 =	vor.u32 s29, v40;
	v33 =	vld.idx.msk [tilespmem:v42+s26+$0x0], $0xffff  }
0xf4: {  	s28 =	simm.s32 $0x40;
	v42 =	vor.u32 v34, v63;
	v40 =	vshll.u32 v40, $0x7;
	v32 =	vor.u32 v34, v53  }
0xf5: {  	s7 =	sand.u32 $0x60, s28;
	v43 =	vor.u32 v38, v28;
	v58 =	vor.u32 v37, v63;
	[tilespmem:v60+s31+$0x0] =	vst.idx.msk $0xffff, v41;
	v60 =	vor.u32 s24, v15  }
0xf6: {  	s10 =	simm.s32 $0x0;
	s8 =	sor.u32 $0x10, s7;
	[tilespmem:v31+s31+$0x0] =	vst.idx.msk $0xffff, v48;
	v56 =	vor.u32 v40, v26;
	v49 =	vld.idx.msk [tilespmem:v51+s26+$0x0], $0xffff;
	v63 =	vand.u32 v12, v60  }
0xf7: {  	s9 =	sor.u32 s10, s8;
	v30 =	vor.u32 v44, v35;
	v44 =	vor.u32 s6, v59;
	[tilespmem:v57+s31+$0x0] =	vst.idx.msk $0xffff, v47;
	v57 =	vor.u32 v27, v63  }
0xf8: {  	v59 =	vmov s9;
	v38 =	vand.u32 v12, v44;
	v46 =	vor.u32 v29, v46;
	[tilespmem:v39+s31+$0x0] =	vst.idx.msk $0xffff, v33;
	v45 =	vld.idx.msk [tilespmem:v45+s26+$0x0], $0xffff  }
0xf9: {  	v31 =	vor.u32 v50, v36;
	v33 =	vor.u32 v50, v35;
	v32 =	vld.idx.msk [tilespmem:v32+s26+$0x0], $0xffff;
	v41 =	vor.u32 s6, v17  }
0xfa: {  	v50 =	vor.u32 s24, v19;
	v53 =	vand.u32 v11, v41;
	v52 =	vld.idx.msk [tilespmem:v58+s26+$0x0], $0xffff;
	v58 =	vor.u32 s29, v60  }
0xfb: {  	v41 =	vor.u32 s0, v41;
	v48 =	vor.u32 v37, v53;
	v39 =	vshll.u32 v58, $0x7;
	[tilespmem:v56+s31+$0x0] =	vst.idx.msk $0xffff, v49  }
0xfc: {  	v47 =	vor.u32 v29, v63;
	v60 =	vor.u32 v39, v26;
	v49 =	vand.u32 v13, v50;
	v63 =	vld.idx.msk [tilespmem:v57+s26+$0x0], $0xffff  }
0xfd: {  	s4 =	simm.s32 $0x8;
	v40 =	vor.u32 v40, v28;
	v41 =	vshll.u32 v41, $0x7;
	[tilespmem:v43+s31+$0x0] =	vst.idx.msk $0xffff, v45;
	v55 =	vor.u32 v27, v49  }
0xfe: {  	s1 =	sand.u32 $0x10, s4;
	v45 =	vor.u32 v37, v38;
	[tilespmem:v30+s31+$0x0] =	vst.idx.msk $0xffff, v32;
	v43 =	vor.u32 v39, v28;
	v39 =	vshll.u32 v59, $0x5  }
0xff: {  	v56 =	vor.u32 v41, v36;
	v50 =	vor.u32 s29, v50;
	[tilespmem:v31+s31+$0x0] =	vst.idx.msk $0xffff, v52;
	v31 =	vld.idx.msk [tilespmem:v46+s26+$0x0], $0xffff;
	v52 =	vor.u32 s1, v0  }
0x100: {  	v30 =	vor.u32 v2, v39;
	v46 =	vor.u32 v29, v49;
	v32 =	vand.u32 v3, v52  }
0x101: {  	v50 =	vshll.u32 v50, $0x7;
	v49 =	vor.u32 s24, v8;
	v48 =	vld.idx.msk [tilespmem:v48+s26+$0x0], $0xffff;
	v51 =	vor.u32 v30, v32;
	[tilespmem:v60+s31+$0x0] =	vst.idx.msk $0xffff, v63  }
0x102: {  	v54 =	vand.u32 v14, v49;
	v60 =	vor.u32 s0, v44;
	v44 =	vor.u32 v50, v26;
	v55 =	vld.idx.msk [tilespmem:v55+s26+$0x0], $0xffff  }
0x103: {  	s2 =	simm.s32 $0x0;
	v42 =	vld.idx.msk [tilespmem:v42+s26+$0x0], $0xffff;
	v59 =	vor.u32 v27, v54  }
0x104: {  	v1 =	vlaneseq.u32;
	v58 =	vshll.u32 v60, $0x7;
	[tilespmem:v40+s31+$0x0] =	vst.idx.msk $0xffff, v31;
	v31 =	vor.u32 s2, v52  }
0x105: {  	v22 =	vmovc v10;
	v10 =	vmovc v61;
	v40 =	vor.u32 v58, v36;
	v47 =	vld.idx.msk [tilespmem:v47+s26+$0x0], $0xffff;
	v52 =	vshll.u32 v31, $0x7;
	v31 =	vor.u32 s8, v1  }
0x106: {  	v63 =	vor.u32 s29, v49;
	[tilespmem:v56+s31+$0x0] =	vst.idx.msk $0xffff, v48;
	v48 =	vor.u32 s1, v61;
	v51 =	vld.idx.msk [tilespmem:v51+s26+$0x0], $0xffff;
	v61 =	vor.u32 v52, v31  }
0x107: {  	v57 =	vor.u32 s6, v18;
	v56 =	vand.u32 v5, v48;
	v45 =	vld.idx.msk [tilespmem:v45+s26+$0x0], $0xffff;
	[tilespmem:v44+s31+$0x0] =	vst.idx.msk $0xffff, v55;
	v55 =	vshll.u32 v63, $0x7  }
0x108: {  	[tilespmem:v33+s31+$0x0] =	vst.idx.msk $0xffff, v42;
	v42 =	vor.u32 v30, v56;
	v59 =	vld.idx.msk [tilespmem:v59+s26+$0x0], $0xffff;
	v63 =	vor.u32 v55, v26  }
0x109: {  	s10 =	sor.u32 s7, s10;
	v39 =	vand.u32 v13, v57  }
0x10a: {  	v20 =	vmovc v19;
	v19 =	vmovc v62;
	v62 =	vor.u32 s24, v62;
	v49 =	vor.u32 v37, v39;
	v60 =	vmov s10;
	[tilespmem:v43+s31+$0x0] =	vst.idx.msk $0xffff, v47  }
0x10b: {  	v50 =	vor.u32 v50, v28;
	v60 =	vshll.u32 v60, $0x5;
	v47 =	vor.u32 s2, v48;
	[tilespmem:v61+s31+$0x0] =	vst.idx.msk $0xffff, v51  }
0x10c: {  	v33 =	vor.u32 v2, v60;
	v60 =	vor.u32 s0, v57;
	v46 =	vld.idx.msk [tilespmem:v46+s26+$0x0], $0xffff;
	v47 =	vshll.u32 v47, $0x7;
	[tilespmem:v40+s31+$0x0] =	vst.idx.msk $0xffff, v45  }
0x10d: {  	v44 =	vand.u32 v3, v62;
	v42 =	vld.idx.msk [tilespmem:v42+s26+$0x0], $0xffff;
	v48 =	vor.u32 v47, v31;
	[tilespmem:v63+s31+$0x0] =	vst.idx.msk $0xffff, v59  }
0x10e: {  	v57 =	vor.u32 v33, v32;
	v43 =	vor.u32 v27, v44;
	v45 =	vshll.u32 v60, $0x7;
	v25 =	vld [tilespmem:$0x1FFD0]  }
0x10f: {  	v32 =	vor.u32 s29, v62;
	v40 =	vor.u32 s1, v4;
	v49 =	vld.idx.msk [tilespmem:v49+s26+$0x0], $0xffff;
	v60 =	vor.u32 v45, v36  }
0x110: {  	v51 =	vor.u32 v29, v54;
	v54 =	vand.u32 v7, v40;
	v59 =	vshll.u32 v32, $0x7  }
0x111: {  	v61 =	vor.u32 v30, v54;
	v32 =	vor.u32 s7, v1;
	[tilespmem:v50+s31+$0x0] =	vst.idx.msk $0xffff, v46;
	v46 =	vor.u32 v59, v26  }
0x112: {  	v50 =	vor.u32 v34, v53;
	v52 =	vor.u32 v52, v32;
	[tilespmem:v48+s31+$0x0] =	vst.idx.msk $0xffff, v42;
	v42 =	vor.u32 s24, v22  }
0x113: {  	v43 =	vld.idx.msk [tilespmem:v43+s26+$0x0], $0xffff;
	v48 =	vor.u32 v55, v28;
	v55 =	vand.u32 v5, v42;
	v62 =	vor.u32 s6, v25  }
0x114: {  	v57 =	vld.idx.msk [tilespmem:v57+s26+$0x0], $0xffff;
	[tilespmem:v60+s31+$0x0] =	vst.idx.msk $0xffff, v49;
	v49 =	vor.u32 v27, v55;
	v53 =	vand.u32 v14, v62  }
0x115: {  	v40 =	vor.u32 s2, v40;
	v37 =	vor.u32 v37, v53  }
0x116: {  	v40 =	vshll.u32 v40, $0x7;
	v51 =	vld.idx.msk [tilespmem:v51+s26+$0x0], $0xffff  }
0x117: {  	v60 =	vld.idx.msk [tilespmem:v61+s26+$0x0], $0xffff;
	v61 =	vor.u32 v40, v31;
	v42 =	vor.u32 s29, v42  }
0x118: {  	v41 =	vor.u32 v41, v35;
	v42 =	vshll.u32 v42, $0x7;
	[tilespmem:v46+s31+$0x0] =	vst.idx.msk $0xffff, v43;
	v50 =	vld.idx.msk [tilespmem:v50+s26+$0x0], $0xffff;
	v62 =	vor.u32 s0, v62  }
0x119: {  	[tilespmem:v52+s31+$0x0] =	vst.idx.msk $0xffff, v57;
	v57 =	vor.u32 v42, v26;
	v62 =	vshll.u32 v62, $0x7;
	v49 =	vld.idx.msk [tilespmem:v49+s26+$0x0], $0xffff  }
0x11a: {  	v36 =	vor.u32 v62, v36;
	v37 =	vld.idx.msk [tilespmem:v37+s26+$0x0], $0xffff  }
0x11b: {  	[tilespmem:v48+s31+$0x0] =	vst.idx.msk $0xffff, v51  }
0x11c: {  	v46 =	vor.u32 v33, v56;
	[tilespmem:v61+s31+$0x0] =	vst.idx.msk $0xffff, v60  }
0x11d: {  	v56 =	vor.u32 s1, v6;
	[tilespmem:v41+s31+$0x0] =	vst.idx.msk $0xffff, v50  }
0x11e: {  	v43 =	vor.u32 v29, v44;
	v44 =	vand.u32 v9, v56;
	v48 =	vor.u32 s24, v23;
	[tilespmem:v57+s31+$0x0] =	vst.idx.msk $0xffff, v49  }
0x11f: {  	v52 =	vor.u32 v30, v44;
	v51 =	vand.u32 v7, v48;
	[tilespmem:v36+s31+$0x0] =	vst.idx.msk $0xffff, v37  }
0x120: {  	v21 =	vmov v8;
	v60 =	vor.u32 v27, v51;
	v8 =	vld [tilespmem:$0x1FFF0]  }
0x121: {  	v47 =	vor.u32 v47, v32;
	v46 =	vld.idx.msk [tilespmem:v46+s26+$0x0], $0xffff  }
0x122: {  	v38 =	vor.u32 v34, v38;
	v59 =	vor.u32 v59, v28;
	v56 =	vor.u32 s2, v56  }
0x123: {  	v56 =	vshll.u32 v56, $0x7;
	v43 =	vld.idx.msk [tilespmem:v43+s26+$0x0], $0xffff;
	v36 =	vor.u32 v29, v55;
	v55 =	vor.u32 s29, v48  }
0x124: {  	v63 =	vor.u32 v56, v31;
	v41 =	vor.u32 v40, v32;
	v37 =	vld.idx.msk [tilespmem:v52+s26+$0x0], $0xffff;
	v40 =	vshll.u32 v55, $0x7  }
0x125: {  	v54 =	vor.u32 v33, v54;
	v50 =	vld.idx.msk [tilespmem:v60+s26+$0x0], $0xffff;
	v55 =	vor.u32 v40, v26;
	v49 =	vor.u32 s1, v8  }
0x126: {  	[tilespmem:v47+s31+$0x0] =	vst.idx.msk $0xffff, v46;
	v46 =	vand.u32 v11, v49  }
0x127: {  	v61 =	vor.u32 v30, v46  }
0x128: {  	[tilespmem:v59+s31+$0x0] =	vst.idx.msk $0xffff, v43  }
0x129: {  	v38 =	vld.idx.msk [tilespmem:v38+s26+$0x0], $0xffff;
	v52 =	vor.u32 v58, v35;
	[tilespmem:v63+s31+$0x0] =	vst.idx.msk $0xffff, v37  }
0x12a: {  	v42 =	vor.u32 v42, v28;
	v60 =	vor.u32 s24, v16;
	v54 =	vld.idx.msk [tilespmem:v54+s26+$0x0], $0xffff;
	[tilespmem:v55+s31+$0x0] =	vst.idx.msk $0xffff, v50;
	v50 =	vor.u32 s2, v49  }
0x12b: {  	v37 =	vand.u32 v9, v60;
	v36 =	vld.idx.msk [tilespmem:v36+s26+$0x0], $0xffff;
	v55 =	vor.u32 v34, v39;
	v39 =	vshll.u32 v50, $0x7  }
0x12c: {  	v63 =	vor.u32 v27, v37;
	v59 =	vor.u32 v39, v31;
	v57 =	vld.idx.msk [tilespmem:v61+s26+$0x0], $0xffff;
	_ =	sdelay $0x1  }
0x12d: {  	v44 =	vor.u32 v33, v44;
	[tilespmem:v52+s31+$0x0] =	vst.idx.msk $0xffff, v38  }
0x12e: {  	v51 =	vor.u32 v29, v51;
	v48 =	vor.u32 v56, v32;
	v60 =	vor.u32 s29, v60;
	[tilespmem:v41+s31+$0x0] =	vst.idx.msk $0xffff, v54  }
0x12f: {  	v56 =	vor.u32 s24, v17;
	v54 =	vor.u32 s1, v15;
	v41 =	vshll.u32 v60, $0x7;
	[tilespmem:v42+s31+$0x0] =	vst.idx.msk $0xffff, v36  }
0x130: {  	v47 =	vor.u32 v33, v46;
	v46 =	vand.u32 v12, v54;
	v58 =	vld.idx.msk [tilespmem:v63+s26+$0x0], $0xffff;
	[tilespmem:v59+s31+$0x0] =	vst.idx.msk $0xffff, v57  }
0x131: {  	v24 =	vmovc v16;
	v40 =	vor.u32 v40, v28;
	v52 =	vor.u32 v41, v26;
	v60 =	vor.u32 v30, v46;
	v8 =	vld [tilespmem:$0x1FFC0]  }
0x132: {  	v0 =	vmovc v18;
	v41 =	vor.u32 v41, v28;
	v50 =	vor.u32 v39, v32;
	v49 =	vor.u32 v33, v46  }
0x133: {  	v42 =	vor.u32 v29, v37;
	v36 =	vor.u32 v34, v53;
	v53 =	vld.idx.msk [tilespmem:v44+s26+$0x0], $0xffff;
	v61 =	vand.u32 v11, v56  }
0x134: {  	v18 =	vmovc v15;
	v37 =	vor.u32 v45, v35;
	v46 =	vld.idx.msk [tilespmem:v51+s26+$0x0], $0xffff;
	v63 =	vor.u32 s2, v54;
	v43 =	vor.u32 v27, v61  }
0x135: {  	v16 =	vmovc v6;
	v15 =	vmovc v4;
	v34 =	vor.u32 v62, v35;
	v35 =	vor.u32 s29, v56;
	v38 =	vld.idx.msk [tilespmem:v55+s26+$0x0], $0xffff;
	v54 =	vshll.u32 v63, $0x7  }
0x136: {  	s0 =	simm.s32 $0x4;
	v39 =	vor.u32 v29, v61;
	[tilespmem:v52+s31+$0x0] =	vst.idx.msk $0xffff, v58;
	v52 =	vor.u32 s1, v20;
	v51 =	vld.idx.msk [tilespmem:v60+s26+$0x0], $0xffff;
	v44 =	vor.u32 s24, v8  }
.LBB2_7:
0x137: {  	_ = 	snop  }
0x138: {  	v55 =	vand.u32 v13, v52;
	s28 =	sadd.s32 $0x20, s28  }
0x139: {  	s0 =	sadd.s32 $0x2, s0;
	v56 =	vor.u32 v54, v31;
	v45 =	vshll.u32 v35, $0x7;
	v57 =	vld.idx.msk [tilespmem:v43+s26+$0x0], $0xffff;
	v43 =	vand.u32 v12, v44;
	s8 =	sand.u32 $0x60, s28  }
0x13a: {  	s4 =	sadd.s32 $0x4, s4;
	s7 =	sshrl.u32 s0, $0x4;
	v58 =	vor.u32 v30, v55;
	v59 =	vor.u32 v45, v26;
	v35 =	vor.u32 s8, v1  }
0x13b: {  	s10 =	sand.u32 $0x10, s4;
	s9 =	sshll.u32 s7, $0x7;
	s6 =	sor.u32 $0x10, s8;
	[tilespmem:v48+s31+$0x0] =	vst.idx.msk $0xffff, v53;
	v48 =	vor.u32 v54, v32;
	v54 =	vor.u32 v33, v55;
	v55 =	vor.u32 s1, v21  }
0x13c: {  	v53 =	vor.u32 v27, v43;
	s8 =	sor.u32 s8, s9;
	s9 =	sor.u32 s9, s6;
	v47 =	vld.idx.msk [tilespmem:v47+s26+$0x0], $0xffff;
	[tilespmem:v40+s31+$0x0] =	vst.idx.msk $0xffff, v46;
	v40 =	vor.u32 s24, v0;
	v46 =	vor.u32 s10, v1  }
0x13d: {  	v61 =	vand.u32 v14, v55;
	v60 =	vmov s9;
	v42 =	vld.idx.msk [tilespmem:v42+s26+$0x0], $0xffff;
	[tilespmem:v37+s31+$0x0] =	vst.idx.msk $0xffff, v38;
	v62 =	vand.u32 v3, v46  }
0x13e: {  	v63 =	vshll.u32 v60, $0x5;
	v60 =	vor.u32 s2, v52;
	[tilespmem:v56+s31+$0x0] =	vst.idx.msk $0xffff, v51;
	v51 =	vld.idx.msk [tilespmem:v36+s26+$0x0], $0xffff;
	v36 =	vand.u32 v13, v40  }
0x13f: {  	v52 =	vor.u32 v2, v63;
	v38 =	vshll.u32 v60, $0x7;
	v63 =	vor.u32 s29, v44  }
0x140: {  	v56 =	vld.idx.msk [tilespmem:v58+s26+$0x0], $0xffff;
	[tilespmem:v59+s31+$0x0] =	vst.idx.msk $0xffff, v57;
	v58 =	vor.u32 v30, v61;
	v60 =	vmov s8;
	v44 =	vor.u32 v52, v62  }
0x141: {  	v57 =	vor.u32 v38, v31;
	v37 =	vshll.u32 v63, $0x7;
	v53 =	vld.idx.msk [tilespmem:v53+s26+$0x0], $0xffff;
	v63 =	vor.u32 s1, v19  }
0x142: {  	s7 =	sshll.u32 s7, $0x5;
	v60 =	vshll.u32 v60, $0x5;
	v59 =	vor.u32 v37, v26;
	[tilespmem:v50+s31+$0x0] =	vst.idx.msk $0xffff, v47;
	v47 =	vor.u32 v38, v32  }
0x143: {  	v38 =	vor.u32 v27, v36;
	v50 =	vor.u32 s10, v10;
	v49 =	vld.idx.msk [tilespmem:v49+s26+$0x0], $0xffff;
	[tilespmem:v41+s31+$0x0] =	vst.idx.msk $0xffff, v42;
	v42 =	vor.u32 s7, v46  }
0x144: {  	v46 =	vor.u32 s2, v55;
	v55 =	vand.u32 v3, v63;
	v4 =	vld.idx.msk [tilespmem:v39+s26+$0x0], $0xffff;
	[tilespmem:v34+s31+$0x0] =	vst.idx.msk $0xffff, v51;
	v34 =	vshll.u32 v42, $0x7  }
0x145: {  	v42 =	vand.u32 v5, v50;
	v51 =	vor.u32 s6, v1;
	v46 =	vshll.u32 v46, $0x7  }
0x146: {  	v8 =	vor.u32 v34, v35;
	v44 =	vld.idx.msk [tilespmem:v44+s26+$0x0], $0xffff;
	[tilespmem:v57+s31+$0x0] =	vst.idx.msk $0xffff, v56;
	v56 =	vor.u32 v34, v51  }
0x147: {  	v34 =	vor.u32 v2, v60;
	v57 =	vld.idx.msk [tilespmem:v58+s26+$0x0], $0xffff;
	v58 =	vor.u32 s29, v40;
	v40 =	vor.u32 v52, v42  }
0x148: {  	v41 =	vor.u32 s24, v25;
	[tilespmem:v59+s31+$0x0] =	vst.idx.msk $0xffff, v53;
	v53 =	vor.u32 v46, v31;
	v60 =	vor.u32 v34, v62  }
0x149: {  	v50 =	vor.u32 s7, v50;
	v59 =	vor.u32 v30, v55;
	v39 =	vshll.u32 v58, $0x7  }
0x14a: {  	v58 =	vld.idx.msk [tilespmem:v38+s26+$0x0], $0xffff;
	v38 =	vand.u32 v14, v41;
	[tilespmem:v48+s31+$0x0] =	vst.idx.msk $0xffff, v49;
	v6 =	vor.u32 v39, v26  }
0x14b: {  	v50 =	vshll.u32 v50, $0x7;
	v48 =	vor.u32 v27, v38;
	v49 =	vld.idx.msk [tilespmem:v54+s26+$0x0], $0xffff;
	[tilespmem:v56+s31+$0x0] =	vst.idx.msk $0xffff, v44  }
0x14c: {  	v42 =	vor.u32 v34, v42;
	v41 =	vor.u32 s29, v41;
	v54 =	vor.u32 v33, v61;
	v27 =	vmovc v30;
	v40 =	vld.idx.msk [tilespmem:v40+s26+$0x0], $0xffff  }
0x14d: {  	s24 =	smov.u32 s1;
	s1 =	smov.u32 s10;
	v61 =	vor.u32 s2, v63;
	v30 =	vmov v52;
	v52 =	vor.u32 v50, v51;
	[tilespmem:v53+s31+$0x0] =	vst.idx.msk $0xffff, v57;
	v60 =	vld.idx.msk [tilespmem:v60+s26+$0x0], $0xffff  }
0x14e: {  	v44 =	vor.u32 s24, v22;
	v56 =	vor.u32 s1, v15;
	v53 =	vshll.u32 v61, $0x7;
	v57 =	vld.idx.msk [tilespmem:v59+s26+$0x0], $0xffff  }
0x14f: {  	v59 =	vshll.u32 v41, $0x7;
	[tilespmem:v6+s31+$0x0] =	vst.idx.msk $0xffff, v58;
	v6 =	vand.u32 v7, v56;
	v58 =	vor.u32 v53, v31  }
0x150: {  	v61 =	vand.u32 v5, v44;
	v62 =	vor.u32 v59, v26;
	v41 =	vld.idx.msk [tilespmem:v48+s26+$0x0], $0xffff;
	v48 =	vor.u32 v30, v6  }
0x151: {  	s29 =	smov.u32 s2;
	v63 =	vor.u32 v27, v61;
	[tilespmem:v47+s31+$0x0] =	vst.idx.msk $0xffff, v49  }
0x152: {  	v45 =	vor.u32 v45, v28;
	v46 =	vor.u32 v46, v32;
	v44 =	vor.u32 s29, v44;
	[tilespmem:v52+s31+$0x0] =	vst.idx.msk $0xffff, v40  }
0x153: {  	s2 =	smov.u32 s7;
	v50 =	vor.u32 v50, v35;
	v44 =	vshll.u32 v44, $0x7;
	v26 =	vmov v31;
	v40 =	vld.idx.msk [tilespmem:v54+s26+$0x0], $0xffff;
	[tilespmem:v8+s31+$0x0] =	vst.idx.msk $0xffff, v60  }
0x154: {  	v47 =	vor.u32 v33, v55;
	v31 =	vmov v51;
	v56 =	vor.u32 s2, v56;
	v42 =	vld.idx.msk [tilespmem:v42+s26+$0x0], $0xffff;
	[tilespmem:v58+s31+$0x0] =	vst.idx.msk $0xffff, v57  }
0x155: {  	v49 =	vor.u32 v53, v32;
	v52 =	vshll.u32 v56, $0x7;
	v54 =	vor.u32 s1, v16;
	v48 =	vld.idx.msk [tilespmem:v48+s26+$0x0], $0xffff;
	[tilespmem:v62+s31+$0x0] =	vst.idx.msk $0xffff, v41  }
0x156: {  	v51 =	vor.u32 v33, v61;
	v55 =	vor.u32 v52, v31;
	v41 =	vand.u32 v9, v54;
	v56 =	vld.idx.msk [tilespmem:v63+s26+$0x0], $0xffff  }
0x157: {  	v53 =	vor.u32 s24, v23;
	v6 =	vor.u32 v34, v6;
	v63 =	vld [tilespmem:$0x1FFF0];
	v57 =	vor.u32 v30, v41  }
0x158: {  	v61 =	vor.u32 v44, v26;
	v44 =	vor.u32 v44, v32;
	v58 =	vand.u32 v7, v53  }
0x159: {  	v8 =	vor.u32 v52, v35;
	v60 =	vor.u32 v27, v58;
	v62 =	vor.u32 s2, v54;
	[tilespmem:v46+s31+$0x0] =	vst.idx.msk $0xffff, v40  }
0x15a: {  	v54 =	vor.u32 v37, v28;
	v37 =	vor.u32 v39, v28;
	v40 =	vld.idx.msk [tilespmem:v47+s26+$0x0], $0xffff;
	[tilespmem:v45+s31+$0x0] =	vst.idx.msk $0xffff, v4  }
0x15b: {  	v46 =	vor.u32 v33, v58;
	v4 =	vor.u32 v29, v43;
	v45 =	vor.u32 s24, v24;
	[tilespmem:v55+s31+$0x0] =	vst.idx.msk $0xffff, v48  }
0x15c: {  	[tilespmem:v50+s31+$0x0] =	vst.idx.msk $0xffff, v42;
	v48 =	vshll.u32 v62, $0x7;
	v62 =	vor.u32 s29, v53;
	v43 =	vor.u32 s1, v63;
	v55 =	vld.idx.msk [tilespmem:v57+s26+$0x0], $0xffff  }
0x15d: {  	[tilespmem:v61+s31+$0x0] =	vst.idx.msk $0xffff, v56;
	v56 =	vor.u32 v48, v31;
	v57 =	vshll.u32 v62, $0x7;
	v53 =	vand.u32 v11, v43  }
0x15e: {  	v52 =	vld.idx.msk [tilespmem:v60+s26+$0x0], $0xffff;
	v60 =	vand.u32 v9, v45;
	v61 =	vor.u32 v57, v26;
	v58 =	vor.u32 v30, v53  }
0x15f: {  	v41 =	vor.u32 v34, v41;
	v6 =	vld.idx.msk [tilespmem:v6+s26+$0x0], $0xffff;
	v62 =	vor.u32 s29, v45;
	v50 =	vor.u32 v27, v60  }
0x160: {  	v43 =	vor.u32 s2, v43;
	v39 =	vshll.u32 v62, $0x7;
	v4 =	vld.idx.msk [tilespmem:v4+s26+$0x0], $0xffff;
	v47 =	vor.u32 v34, v53;
	[tilespmem:v49+s31+$0x0] =	vst.idx.msk $0xffff, v40  }
0x161: {  	v40 =	vor.u32 v57, v32;
	v42 =	vor.u32 v33, v60;
	v57 =	vor.u32 v29, v36  }
0x162: {  	v36 =	vor.u32 v29, v38;
	v29 =	vmov v33;
	v51 =	vld.idx.msk [tilespmem:v51+s26+$0x0], $0xffff;
	[tilespmem:v56+s31+$0x0] =	vst.idx.msk $0xffff, v55;
	v56 =	vor.u32 s1, v18  }
0x163: {  	v49 =	vshll.u32 v43, $0x7;
	v33 =	vmov v34;
	v34 =	vand.u32 v12, v56;
	v58 =	vld.idx.msk [tilespmem:v58+s26+$0x0], $0xffff;
	[tilespmem:v61+s31+$0x0] =	vst.idx.msk $0xffff, v52  }
0x164: {  	v62 =	vor.u32 v39, v26;
	v45 =	vor.u32 v49, v31;
	v61 =	vor.u32 v30, v34;
	v60 =	vld.idx.msk [tilespmem:v50+s26+$0x0], $0xffff  }
0x165: {  	p1 =	slt.u32 s0, $0x3E;
	v50 =	vor.u32 v49, v35;
	v49 =	vor.u32 v33, v34;
	v34 =	vor.u32 v59, v28;
	v59 =	vld [tilespmem:$0x1FFC0]  }
.Ltmp2:
0x166: {  	v48 =	vor.u32 v48, v35;
	[tilespmem:v8+s31+$0x0] =	vst.idx.msk $0xffff, v6;
	v55 =	vor.u32 s24, v17;
	(pc) =	sbr.rel @p1 .LBB2_7-.Ltmp2, $4  }
0x167: {  	v53 =	vld.idx.msk [tilespmem:v41+s26+$0x0], $0xffff;
	v41 =	vor.u32 v39, v32;
	v52 =	vand.u32 v11, v55;
	[tilespmem:v44+s31+$0x0] =	vst.idx.msk $0xffff, v51  }
0x168: {  	v43 =	vor.u32 v27, v52;
	v39 =	vor.u32 v29, v52;
	v46 =	vld.idx.msk [tilespmem:v46+s26+$0x0], $0xffff;
	[tilespmem:v54+s31+$0x0] =	vst.idx.msk $0xffff, v4  }
0x169: {  	v28 =	vmov v32;
	v52 =	vor.u32 s1, v20;
	v4 =	vor.u32 s2, v56;
	v38 =	vld.idx.msk [tilespmem:v57+s26+$0x0], $0xffff;
	[tilespmem:v45+s31+$0x0] =	vst.idx.msk $0xffff, v58  }
0x16a: {  	v32 =	vmovc v35;
	v35 =	vor.u32 s29, v55;
	v54 =	vshll.u32 v4, $0x7;
	v44 =	vor.u32 s24, v59;
	v51 =	vld.idx.msk [tilespmem:v61+s26+$0x0], $0xffff;
	[tilespmem:v62+s31+$0x0] =	vst.idx.msk $0xffff, v60  }
0x16b: {  	_ =	sdelay $0x3  }
0x16c: {  	[tilespmem:v48+s31+$0x0] =	vst.idx.msk $0xffff, v53  }
0x16d: {  	v4 =	vld.idx.msk [tilespmem:v47+s26+$0x0], $0xffff;
	_ =	sdelay $0x3  }
0x16e: {  	v6 =	vand.u32 v13, v52;
	v8 =	vor.u32 v54, v31  }
0x16f: {  	[tilespmem:v50+s31+$0x0] =	vst.idx.msk $0xffff, v4;
	v4 =	vor.u32 v30, v6  }
0x170: {  	v45 =	vor.u32 v54, v32;
	v56 =	vld.idx.msk [tilespmem:v49+s26+$0x0], $0xffff  }
0x171: {  	v6 =	vor.u32 v33, v6  }
0x172: {  	v57 =	vor.u32 s2, v52  }
0x173: {  	v58 =	vor.u32 s1, v21;
	[tilespmem:v8+s31+$0x0] =	vst.idx.msk $0xffff, v51;
	v8 =	vshll.u32 v57, $0x7  }
0x174: {  	v60 =	vand.u32 v14, v58;
	v61 =	vor.u32 v8, v31;
	v4 =	vld.idx.msk [tilespmem:v4+s26+$0x0], $0xffff  }
0x175: {  	v62 =	vor.u32 v30, v60;
	[tilespmem:v45+s31+$0x0] =	vst.idx.msk $0xffff, v56  }
0x176: {  	v8 =	vor.u32 v8, v32;
	v6 =	vld.idx.msk [tilespmem:v6+s26+$0x0], $0xffff  }
0x177: {  	v52 =	vor.u32 v33, v60  }
0x178: {  	v53 =	vor.u32 s2, v58  }
0x179: {  	v54 =	vor.u32 s1, v19;
	[tilespmem:v61+s31+$0x0] =	vst.idx.msk $0xffff, v4;
	v4 =	vshll.u32 v53, $0x7  }
0x17a: {  	v56 =	vand.u32 v3, v54;
	v45 =	vld.idx.msk [tilespmem:v62+s26+$0x0], $0xffff;
	v57 =	vor.u32 v4, v31  }
0x17b: {  	[tilespmem:v8+s31+$0x0] =	vst.idx.msk $0xffff, v6;
	v6 =	vor.u32 v30, v56  }
0x17c: {  	v4 =	vor.u32 v4, v32;
	v8 =	vld.idx.msk [tilespmem:v52+s26+$0x0], $0xffff  }
0x17d: {  	v58 =	vor.u32 v33, v56  }
0x17e: {  	v60 =	vor.u32 s2, v54  }
0x17f: {  	v61 =	vor.u32 s1, v22;
	v62 =	vshll.u32 v60, $0x7;
	[tilespmem:v57+s31+$0x0] =	vst.idx.msk $0xffff, v45  }
0x180: {  	v48 =	vor.u32 v62, v31;
	v52 =	vand.u32 v5, v61;
	v6 =	vld.idx.msk [tilespmem:v6+s26+$0x0], $0xffff  }
0x181: {  	[tilespmem:v4+s31+$0x0] =	vst.idx.msk $0xffff, v8;
	v4 =	vor.u32 v30, v52  }
0x182: {  	v8 =	vor.u32 v62, v32;
	v53 =	vld.idx.msk [tilespmem:v58+s26+$0x0], $0xffff  }
0x183: {  	v54 =	vor.u32 v33, v52  }
0x184: {  	v49 =	vor.u32 s2, v61  }
0x185: {  	v56 =	vor.u32 s1, v23;
	[tilespmem:v48+s31+$0x0] =	vst.idx.msk $0xffff, v6;
	v6 =	vshll.u32 v49, $0x7  }
0x186: {  	v57 =	vand.u32 v7, v56;
	v4 =	vld.idx.msk [tilespmem:v4+s26+$0x0], $0xffff;
	v49 =	vor.u32 v6, v31  }
0x187: {  	[tilespmem:v8+s31+$0x0] =	vst.idx.msk $0xffff, v53;
	v8 =	vor.u32 v30, v57  }
0x188: {  	v6 =	vor.u32 v6, v32;
	v45 =	vld.idx.msk [tilespmem:v54+s26+$0x0], $0xffff  }
0x189: {  	v58 =	vor.u32 v33, v57  }
0x18a: {  	v60 =	vor.u32 s2, v56  }
0x18b: {  	v61 =	vor.u32 s1, v24;
	[tilespmem:v49+s31+$0x0] =	vst.idx.msk $0xffff, v4;
	v4 =	vshll.u32 v60, $0x7  }
0x18c: {  	v62 =	vand.u32 v9, v61;
	v8 =	vld.idx.msk [tilespmem:v8+s26+$0x0], $0xffff;
	v52 =	vor.u32 v4, v31  }
0x18d: {  	[tilespmem:v6+s31+$0x0] =	vst.idx.msk $0xffff, v45;
	v6 =	vor.u32 v30, v62  }
0x18e: {  	[tilespmem:v40+s31+$0x0] =	vst.idx.msk $0xffff, v46;
	v4 =	vor.u32 v4, v32;
	v45 =	vld.idx.msk [tilespmem:v58+s26+$0x0], $0xffff  }
0x18f: {  	v42 =	vld.idx.msk [tilespmem:v42+s26+$0x0], $0xffff;
	v53 =	vor.u32 v33, v62  }
0x190: {  	v54 =	vor.u32 s2, v61  }
0x191: {  	v56 =	vor.u32 s1, v17;
	[tilespmem:v52+s31+$0x0] =	vst.idx.msk $0xffff, v8;
	v8 =	vshll.u32 v54, $0x7  }
0x192: {  	v35 =	vshll.u32 v35, $0x7;
	v57 =	vand.u32 v11, v56;
	v6 =	vld.idx.msk [tilespmem:v6+s26+$0x0], $0xffff;
	v58 =	vor.u32 v8, v31  }
0x193: {  	v43 =	vld.idx.msk [tilespmem:v43+s26+$0x0], $0xffff;
	v61 =	vor.u32 v35, v26;
	[tilespmem:v4+s31+$0x0] =	vst.idx.msk $0xffff, v45;
	v4 =	vor.u32 v30, v57  }
0x194: {  	[tilespmem:v41+s31+$0x0] =	vst.idx.msk $0xffff, v42;
	v8 =	vor.u32 v8, v32;
	v45 =	vld.idx.msk [tilespmem:v53+s26+$0x0], $0xffff  }
0x195: {  	v39 =	vld.idx.msk [tilespmem:v39+s26+$0x0], $0xffff;
	v40 =	vor.u32 v33, v57;
	v35 =	vor.u32 v35, v28;
	v60 =	vand.u32 v12, v44  }
0x196: {  	v62 =	vor.u32 v27, v60;
	v52 =	vor.u32 s2, v56  }
0x197: {  	v42 =	vor.u32 v29, v60;
	v53 =	vor.u32 s1, v59;
	[tilespmem:v58+s31+$0x0] =	vst.idx.msk $0xffff, v6;
	v6 =	vshll.u32 v52, $0x7  }
0x198: {  	[tilespmem:v61+s31+$0x0] =	vst.idx.msk $0xffff, v43;
	v54 =	vand.u32 v12, v53;
	v4 =	vld.idx.msk [tilespmem:v4+s26+$0x0], $0xffff;
	v56 =	vor.u32 v6, v31  }
0x199: {  	v57 =	vor.u32 v30, v54;
	v41 =	vor.u32 v33, v54;
	[tilespmem:v8+s31+$0x0] =	vst.idx.msk $0xffff, v45;
	v8 =	vor.u32 s29, v44  }
0x19a: {  	[tilespmem:v35+s31+$0x0] =	vst.idx.msk $0xffff, v39;
	v58 =	vor.u32 s24, v0;
	v6 =	vor.u32 v6, v32;
	v40 =	vld.idx.msk [tilespmem:v40+s26+$0x0], $0xffff;
	v8 =	vshll.u32 v8, $0x7  }
0x19b: {  	v43 =	vld.idx.msk [tilespmem:v62+s26+$0x0], $0xffff;
	v52 =	vor.u32 s2, v53;
	v60 =	vand.u32 v13, v58;
	v61 =	vor.u32 v8, v26  }
0x19c: {  	v39 =	vld.idx.msk [tilespmem:v42+s26+$0x0], $0xffff;
	v53 =	vor.u32 s1, v0;
	v62 =	vor.u32 v27, v60;
	v8 =	vor.u32 v8, v28  }
0x19d: {  	v54 =	vand.u32 v13, v53;
	v42 =	vor.u32 v29, v60;
	[tilespmem:v56+s31+$0x0] =	vst.idx.msk $0xffff, v4  }
0x19e: {  	v60 =	vor.u32 v33, v54;
	v4 =	vshll.u32 v52, $0x7;
	v35 =	vld.idx.msk [tilespmem:v57+s26+$0x0], $0xffff  }
0x19f: {  	v56 =	vor.u32 v4, v31;
	v57 =	vor.u32 v30, v54;
	[tilespmem:v6+s31+$0x0] =	vst.idx.msk $0xffff, v40;
	v6 =	vor.u32 s29, v58  }
0x1a0: {  	v4 =	vor.u32 v4, v32;
	v58 =	vor.u32 s24, v25;
	v41 =	vld.idx.msk [tilespmem:v41+s26+$0x0], $0xffff;
	[tilespmem:v61+s31+$0x0] =	vst.idx.msk $0xffff, v43;
	v6 =	vshll.u32 v6, $0x7  }
0x1a1: {  	v61 =	vand.u32 v14, v58;
	[tilespmem:v8+s31+$0x0] =	vst.idx.msk $0xffff, v39;
	v44 =	vld.idx.msk [tilespmem:v62+s26+$0x0], $0xffff;
	v62 =	vor.u32 v6, v26  }
0x1a2: {  	v27 =	vor.u32 v27, v61;
	v6 =	vor.u32 v6, v28;
	v42 =	vld.idx.msk [tilespmem:v42+s26+$0x0], $0xffff  }
0x1a3: {  	[tilespmem:v37+s31+$0x0] =	vst.idx.msk $0xffff, v38;
	v52 =	vor.u32 s1, v25;
	v8 =	vor.u32 s2, v53;
	v53 =	vor.u32 v29, v61  }
0x1a4: {  	v36 =	vld.idx.msk [tilespmem:v36+s26+$0x0], $0xffff;
	v54 =	vand.u32 v14, v52;
	v58 =	vor.u32 s29, v58;
	v8 =	vshll.u32 v8, $0x7;
	[tilespmem:v56+s31+$0x0] =	vst.idx.msk $0xffff, v35  }
0x1a5: {  	v37 =	vshll.u32 v58, $0x7;
	v56 =	vor.u32 v8, v31;
	v35 =	vld.idx.msk [tilespmem:v57+s26+$0x0], $0xffff;
	[tilespmem:v4+s31+$0x0] =	vst.idx.msk $0xffff, v41  }
0x1a6: {  	v8 =	vor.u32 v8, v32;
	v4 =	vor.u32 v30, v54;
	v57 =	vld.idx.msk [tilespmem:v60+s26+$0x0], $0xffff;
	[tilespmem:v62+s31+$0x0] =	vst.idx.msk $0xffff, v44  }
0x1a7: {  	v26 =	vor.u32 v37, v26;
	v60 =	vor.u32 v33, v54;
	[tilespmem:v6+s31+$0x0] =	vst.idx.msk $0xffff, v42;
	v27 =	vld.idx.msk [tilespmem:v27+s26+$0x0], $0xffff  }
0x1a8: {  	v61 =	vor.u32 v37, v28;
	v29 =	vld.idx.msk [tilespmem:v53+s26+$0x0], $0xffff  }
0x1a9: {  	[tilespmem:v34+s31+$0x0] =	vst.idx.msk $0xffff, v36;
	v6 =	vor.u32 s2, v52  }
0x1aa: {  	v6 =	vshll.u32 v6, $0x7;
	[tilespmem:v56+s31+$0x0] =	vst.idx.msk $0xffff, v35  }
0x1ab: {  	v62 =	vor.u32 v6, v31;
	v4 =	vld.idx.msk [tilespmem:v4+s26+$0x0], $0xffff;
	[tilespmem:v8+s31+$0x0] =	vst.idx.msk $0xffff, v57  }
0x1ac: {  	v6 =	vor.u32 v6, v32;
	v8 =	vld.idx.msk [tilespmem:v60+s26+$0x0], $0xffff;
	[tilespmem:v26+s31+$0x0] =	vst.idx.msk $0xffff, v27  }
0x1ad: {  	[tilespmem:v61+s31+$0x0] =	vst.idx.msk $0xffff, v29  }
0x1ae: {  	s0 =	sshll.u32 s23, $0x14;
	s28 =	rddreg [dreg:$0x5]  }
0x1af: {  	s0 =	sor.u32 s28, s0  }
0x1b0: {  	s29 =	rddreg [dreg:$0x1];
	[tilespmem:v62+s31+$0x0] =	vst.idx.msk $0xffff, v4;
	s0 =	sshrl.u32 s0, $0x3  }
0x1b1: {  	s1 =	sadd.s32 s29, s0;
	[tilespmem:v6+s31+$0x0] =	vst.idx.msk $0xffff, v8  }
0x1b2: {  	[hbm4b:s1+s3] =	stream.linear.scatter [tilespmem:s31], [sflag:$0x4], $0x400, $0x38;
	[tilespmem:$0x16800] =	vst v63  }
0x1b3: {  	s2 =	rddreg [dreg:$0x6]  }
0x1b4: {  	s4 =	simm.s32 $0xEC00;
	s6 =	rddreg [dreg:$0x7];
	s1 =	sadd.s32 s0, s2  }
0x1b5: {  	[hbm4b:s1+s3] =	stream.linear.scatter [tilespmem:s4], [sflag:$0x4], $0x400, $0x38;
	[tilespmem:$0x16800] =	vst v63  }
0x1b6: {  	s7 =	simm.s32 $0xF000;
	s8 =	rddreg [dreg:$0x8];
	s1 =	sadd.s32 s0, s6  }
0x1b7: {  	[hbm4b:s1+s3] =	stream.linear.scatter [tilespmem:s7], [sflag:$0x4], $0x400, $0x38;
	[tilespmem:$0x16800] =	vst v63  }
0x1b8: {  	s9 =	simm.s32 $0xF400;
	s10 =	rddreg [dreg:$0x9];
	s1 =	sadd.s32 s0, s8  }
0x1b9: {  	[hbm4b:s1+s3] =	stream.linear.scatter [tilespmem:s9], [sflag:$0x4], $0x400, $0x38;
	[tilespmem:$0x16800] =	vst v63  }
0x1ba: {  	s24 =	simm.s32 $0xF800;
	s1 =	sadd.s32 s0, s10  }
0x1bb: {  	[hbm4b:s1+s3] =	stream.linear.scatter [tilespmem:s24], [sflag:$0x4], $0x400, $0x38;
	[tilespmem:$0x16800] =	vst v63  }
0x1bc: {  	s28 =	sadd.s32 s0, s11;
	s29 =	simm.s32 $0xFC00  }
0x1bd: {  	[hbm4b:s28+s3] =	stream.linear.scatter [tilespmem:s29], [sflag:$0x4], $0x400, $0x38;
	[tilespmem:$0x16800] =	vst v63  }
0x1be: {  	s2 =	sadd.s32 s0, s12;
	s4 =	simm.s32 $0x10000  }
0x1bf: {  	[hbm4b:s2+s3] =	stream.linear.scatter [tilespmem:s4], [sflag:$0x4], $0x400, $0x38;
	[tilespmem:$0x16800] =	vst v63  }
0x1c0: {  	s6 =	sadd.s32 s0, s13;
	s7 =	simm.s32 $0x10400  }
0x1c1: {  	[hbm4b:s6+s3] =	stream.linear.scatter [tilespmem:s7], [sflag:$0x4], $0x400, $0x38;
	[tilespmem:$0x16800] =	vst v63  }
0x1c2: {  	s8 =	sadd.s32 s0, s14;
	s9 =	simm.s32 $0x10800  }
0x1c3: {  	[hbm4b:s8+s3] =	stream.linear.scatter [tilespmem:s9], [sflag:$0x4], $0x400, $0x38;
	[tilespmem:$0x16800] =	vst v63  }
0x1c4: {  	s10 =	sadd.s32 s0, s15;
	s24 =	simm.s32 $0x10C00  }
0x1c5: {  	[hbm4b:s10+s3] =	stream.linear.scatter [tilespmem:s24], [sflag:$0x4], $0x400, $0x38;
	[tilespmem:$0x16800] =	vst v63  }
0x1c6: {  	s28 =	sadd.s32 s0, s16;
	s29 =	simm.s32 $0x11000  }
0x1c7: {  	[hbm4b:s28+s3] =	stream.linear.scatter [tilespmem:s29], [sflag:$0x4], $0x400, $0x38;
	[tilespmem:$0x16800] =	vst v63  }
0x1c8: {  	s4 =	sadd.s32 s0, s17;
	s6 =	simm.s32 $0x11400  }
0x1c9: {  	[hbm4b:s4+s3] =	stream.linear.scatter [tilespmem:s6], [sflag:$0x4], $0x400, $0x38;
	[tilespmem:$0x16800] =	vst v63  }
0x1ca: {  	s7 =	sadd.s32 s0, s18;
	s8 =	simm.s32 $0x11800  }
0x1cb: {  	[hbm4b:s7+s3] =	stream.linear.scatter [tilespmem:s8], [sflag:$0x4], $0x400, $0x38;
	[tilespmem:$0x16800] =	vst v63  }
0x1cc: {  	p1 =	seq.s32 s23, $0x18;
	s9 =	sadd.s32 s0, s19;
	s10 =	simm.s32 $0x11C00  }
0x1cd: {  	[hbm4b:s9+s3] =	stream.linear.scatter [tilespmem:s10], [sflag:$0x4], $0x400, $0x38;
	[tilespmem:$0x16800] =	vst v63  }
.Ltmp3:
0x1ce: {  	_ = 	snop;
	(pc) =	sbr.rel @!p1 .LBB2_9-.Ltmp3, $4  }
0x1cf: {  	s24 =	sadd.s32 s0, s20;
	s28 =	simm.s32 $0x12000  }
0x1d0: {  	[hbm4b:s24+s3] =	stream.linear.scatter [tilespmem:s28], [sflag:$0x4], $0x400, $0x38;
	[tilespmem:$0x16800] =	vst v63  }
0x1d1: {  	s0 =	sadd.s32 s0, s21;
	s29 =	simm.s32 $0x12400  }
0x1d2: {  	v55 =	vmov v18;
	v18 =	vmov v0;
	v62 =	vmov v19;
	[hbm4b:s0+s3] =	stream.linear.scatter [tilespmem:s29], [sflag:$0x4], $0x400, $0x38;
	[tilespmem:$0x16800] =	vst v63  }
0x1d3: {  	s0 =	simm.s32 $0x3  }
.Ltmp4:
0x1d4: {  	_ =	swait.ge [sflag:s0], $0x4000;
	(pc) =	sbr.rel .LBB2_12-.Ltmp4, $3  }
0x1d5: {  	v1 =	vld [tilespmem:$0x1FFB0];
	_ =	sdelay $0x1  }
0x1d6: {  	[sflag:s0] =	ssyncset.done $0x0;
	v61 =	vld [tilespmem:$0x1FFA0]  }
0x1d7: {  	v19 =	vld [tilespmem:$0x1FFE0];
	[sflag:s0] =	ssyncadd.s32 $0xFFFFC000  }
.LBB2_9:
0x1d8: {  	s0 =	sshll.u32 s23, $0x3;
	s1 =	simm.s32 $0x0;
	s2 =	simm.s32 $0x30  }
0x1d9: {  	s10 =	simm.s32 $0x20;
	s4 =	simm.s32 $0x10;
	s0 =	sadd.s32 $0x8, s0  }
0x1da: {  	s1 =	sand.u32 $0x40, s1;
	s9 =	sand.u32 $0x70, s2;
	s24 =	sand.u32 $0x50, s4  }
0x1db: {  	s6 =	simm.s32 $0x60;
	s2 =	sand.u32 $0x60, s10;
	v4 =	vmov s1;
	s8 =	sadd.s32 $0x0, s0;
	v26 =	vmov s9;
	v27 =	vmov s24  }
0x1dc: {  	s7 =	sand.u32 $0x60, s6;
	v28 =	vmov s2;
	v6 =	vmov s8;
	v4 =	vmul.u32 $0xC8, v4  }
0x1dd: {  	s28 =	simm.s32 $0x70;
	s29 =	simm.s32 $0x40;
	v1 =	vld [tilespmem:$0x1FFB0];
	v33 =	vmov s7;
	v26 =	vmul.u32 $0xC8, v26;
	v8 =	vand.u32 $0x7FFFFFF8, v6  }
0x1de: {  	s1 =	sand.u32 $0x70, s28;
	s2 =	sand.u32 $0x40, s29;
	v27 =	vmul.u32 $0xC8, v27;
	v28 =	vmul.u32 $0xC8, v28;
	v4 =	vadd.s32 v8, v4  }
0x1df: {  	s4 =	simm.s32 $0x50;
	v29 =	vmov s1;
	v30 =	vmov s2;
	v4 =	vbroadcast v4, $0x0  }
0x1e0: {  	s1 =	sand.u32 $0x50, s4;
	v6 =	vand.u32 $0x3, v6;
	v30 =	vmul.u32 $0xC8, v30;
	v29 =	vmul.u32 $0xC8, v29  }
0x1e1: {  	v32 =	vmov s1;
	v26 =	vbroadcast v26, $0x0;
	v4 =	vor.u32 v6, v4  }
0x1e2: {  	v27 =	vbroadcast v27, $0x0;
	v6 =	vor.u32 v6, v8;
	v4 =	vadd.s32 v1, v4  }
0x1e3: {  	s2 =	sadd.s32 $0x0, s0;
	v28 =	vbroadcast v28, $0x0;
	v32 =	vmul.u32 $0xC8, v32;
	v6 =	vadd.s32 v1, v6  }
0x1e4: {  	s10 =	sadd.s32 $0x1, s0;
	v34 =	vbroadcast v29, $0x0;
	v8 =	vmov s2;
	v27 =	vadd.s32 v27, v6  }
0x1e5: {  	s9 =	simm.s32 $0x80;
	v29 =	vmov s10;
	v31 =	vand.u32 $0x7FFFFFF8, v8;
	v28 =	vadd.s32 v28, v6  }
0x1e6: {  	s2 =	sand.u32 $0x40, s9;
	v30 =	vadd.s32 v31, v30;
	v6 =	vadd.s32 v26, v6;
	v26 =	vmul.u32 $0xC8, v33  }
0x1e7: {  	v32 =	vbroadcast v32, $0x0;
	v35 =	vmov s2;
	v30 =	vbroadcast v30, $0x0;
	v4 =	vld.idx.msk [tilespmem:v4+s3+$0x0], $0xffff  }
0x1e8: {  	v8 =	vand.u32 $0x3, v8;
	v35 =	vmul.u32 $0xC8, v35;
	v37 =	vbroadcast v26, $0x0  }
0x1e9: {  	s8 =	simm.s32 $0xB0;
	v26 =	vand.u32 $0x7FFFFFF8, v29;
	v30 =	vor.u32 v8, v30;
	v8 =	vor.u32 v8, v31;
	v27 =	vld.idx.msk [tilespmem:v27+s3+$0x0], $0xffff  }
0x1ea: {  	s24 =	simm.s32 $0x90;
	s1 =	sand.u32 $0x70, s8;
	v31 =	vadd.s32 v1, v30;
	v8 =	vadd.s32 v1, v8;
	v30 =	vadd.s32 v26, v35;
	v28 =	vld.idx.msk [tilespmem:v28+s3+$0x0], $0xffff  }
0x1eb: {  	s28 =	simm.s32 $0xA0;
	s29 =	sand.u32 $0x50, s24;
	v61 =	vmov s1;
	s1 =	simm.s32 $0x6420;
	v32 =	vadd.s32 v32, v8;
	v35 =	vbroadcast v30, $0x0;
	v30 =	vld.idx.msk [tilespmem:v6+s3+$0x0], $0xffff  }
0x1ec: {  	v38 =	vmov s29;
	v36 =	vmul.u32 $0xC8, v61;
	s2 =	sand.u32 $0x60, s28;
	v33 =	vadd.s32 v37, v8;
	[tilespmem:s1+$0xFFFFFFE0] =	vst v4  }
0x1ed: {  	s6 =	simm.s32 $0xF0;
	s4 =	simm.s32 $0x8;
	v37 =	vmul.u32 $0xC8, v38;
	v38 =	vmov s2;
	v34 =	vadd.s32 v34, v8;
	s2 =	simm.s32 $0x6460;
	v19 =	vld [tilespmem:$0x1FFE0]  }
.LBB2_10:
0x1ee: {  	s4 =	sadd.s32 $0x4, s4;
	s7 =	sadd.s32 $0xFFFFFFD0, s6;
	s8 =	sand.u32 $0x70, s6;
	v4 =	vmul.u32 $0xC8, v38;
	v6 =	vbroadcast v36, $0x0;
	[tilespmem:s1+$0xFFFFFFF0] =	vst v27  }
0x1ef: {  	s10 =	sadd.s32 $0xFFFFFFF0, s6;
	v27 =	vand.u32 $0x3, v29;
	s9 =	sshrl.u32 s4, $0x3;
	s7 =	sand.u32 $0x40, s7;
	v8 =	vmov s8;
	v37 =	vbroadcast v37, $0x0;
	v39 =	vld.idx.msk [tilespmem:v31+s3+$0x0], $0xffff;
	[tilespmem:s1+$0x0] =	vst v28  }
0x1f0: {  	p1 =	slt.u32 s4, $0x1C;
	v31 =	vor.u32 v27, v35;
	v35 =	vor.u32 v27, v26;
	v28 =	vmov s7;
	s7 =	sadd.s32 s0, s9;
	v27 =	vld.idx.msk [tilespmem:v32+s3+$0x0], $0xffff;
	[tilespmem:s1+$0x10] =	vst v30;
	s1 =	smov.u32 s2  }
.Ltmp5:
0x1f1: {  	v4 =	vbroadcast v4, $0x0;
	v29 =	vmov s7;
	v32 =	vmul.u32 $0xC8, v28;
	v28 =	vld.idx.msk [tilespmem:v33+s3+$0x0], $0xffff;
	(pc) =	sbr.rel @p1 .LBB2_10-.Ltmp5, $4  }
0x1f2: {  	v31 =	vadd.s32 v1, v31;
	v40 =	vadd.s32 v1, v35;
	s7 =	sadd.s32 $0xFFFFFFE0, s6;
	v26 =	vand.u32 $0x7FFFFFF8, v29;
	v30 =	vld.idx.msk [tilespmem:v34+s3+$0x0], $0xffff  }
0x1f3: {  	v36 =	vmul.u32 $0xC8, v8;
	s7 =	sand.u32 $0x50, s7;
	v33 =	vadd.s32 v26, v32;
	v32 =	vadd.s32 v37, v40  }
0x1f4: {  	v8 =	vmov s7;
	s7 =	sand.u32 $0x60, s10;
	v35 =	vbroadcast v33, $0x0;
	v33 =	vadd.s32 v4, v40  }
0x1f5: {  	s2 =	sadd.s32 $0x40, s2;
	s6 =	sadd.s32 $0x40, s6;
	v34 =	vadd.s32 v6, v40;
	v37 =	vmul.u32 $0xC8, v8;
	v38 =	vmov s7;
	[tilespmem:s1+$0xFFFFFFE0] =	vst v39  }
0x1f6: {  	_ = 	snop  }
0x1f7: {  	v4 =	vmul.u32 $0xC8, v38;
	v6 =	vand.u32 $0x3, v29  }
0x1f8: {  	v8 =	vbroadcast v37, $0x0;
	v29 =	vor.u32 v6, v35;
	v6 =	vor.u32 v6, v26  }
0x1f9: {  	v4 =	vbroadcast v4, $0x0;
	v26 =	vadd.s32 v1, v29;
	v6 =	vadd.s32 v1, v6  }
0x1fa: {  	v60 =	vbroadcast v36, $0x0;
	v31 =	vld.idx.msk [tilespmem:v31+s3+$0x0], $0xffff;
	v8 =	vadd.s32 v8, v6  }
0x1fb: {  	v32 =	vld.idx.msk [tilespmem:v32+s3+$0x0], $0xffff;
	v4 =	vadd.s32 v4, v6  }
0x1fc: {  	[tilespmem:s1+$0xFFFFFFF0] =	vst v27;
	v27 =	vld.idx.msk [tilespmem:v33+s3+$0x0], $0xffff;
	v6 =	vadd.s32 v60, v6  }
0x1fd: {  	[tilespmem:s1+$0x0] =	vst v28;
	v61 =	vld.idx.msk [tilespmem:v34+s3+$0x0], $0xffff  }
0x1fe: {  	[tilespmem:s1+$0x10] =	vst v30;
	v26 =	vld.idx.msk [tilespmem:v26+s3+$0x0], $0xffff  }
0x1ff: {  	[tilespmem:s2+$0xFFFFFFE0] =	vst v31;
	v8 =	vld.idx.msk [tilespmem:v8+s3+$0x0], $0xffff  }
0x200: {  	[tilespmem:s2+$0xFFFFFFF0] =	vst v32;
	v4 =	vld.idx.msk [tilespmem:v4+s3+$0x0], $0xffff  }
0x201: {  	[tilespmem:s2+$0x0] =	vst v27;
	v6 =	vld.idx.msk [tilespmem:v6+s3+$0x0], $0xffff  }
0x202: {  	s0 =	sadd.s32 $0x40, s2;
	[tilespmem:s2+$0x10] =	vst v61  }
0x203: {  	[tilespmem:s0+$0xFFFFFFE0] =	vst v26  }
0x204: {  	[tilespmem:s0+$0xFFFFFFF0] =	vst v8  }
0x205: {  	[tilespmem:s0+$0x0] =	vst v4  }
.Ltmp6:
0x206: {  	s10 =	simm.s32 $0x3;
	[tilespmem:s0+$0x10] =	vst v6;
	(pc) =	sbr.rel @p0 .LBB2_13-.Ltmp6, $4  }
0x207: {  	v61 =	vld [tilespmem:$0x1FFA0];
	_ =	swait.ge [sflag:s10], $0x4000  }
0x208: {  	s28 =	simm.s32 $0x200;
	[sflag:s10] =	ssyncset.done $0x0  }
0x209: {  	s29 =	simm.s32 $0x6400;
	s24 =	rddreg [dreg:$0x3];
	[sflag:s10] =	ssyncadd.s32 $0xFFFFC000  }
0x20a: {  	[tilespmem:s26], [sflag:$0x2] =	stream.indirect.gather [hbm4b:s24+s28], $0x20, s29, s28, $0xb8;
	[tilespmem:$0x16800] =	vst v63  }
.LBB2_12:
0x20b: {  	_ =	swait.ge [sflag:s5], $0x400  }
0x20c: {  	[sflag:s5] =	ssyncset.done $0x0  }
0x20d: {  	[sflag:s5] =	ssyncadd.s32 $0xFFFFFC00  }
0x20e: {  	_ =	swait.ge [sflag:s5], $0x400  }
0x20f: {  	[sflag:s5] =	ssyncset.done $0x0  }
0x210: {  	[sflag:s5] =	ssyncadd.s32 $0xFFFFFC00  }
0x211: {  	_ =	swait.ge [sflag:s5], $0x400  }
0x212: {  	[sflag:s5] =	ssyncset.done $0x0  }
0x213: {  	[sflag:s5] =	ssyncadd.s32 $0xFFFFFC00  }
0x214: {  	_ =	swait.ge [sflag:s5], $0x400  }
0x215: {  	[sflag:s5] =	ssyncset.done $0x0  }
0x216: {  	[sflag:s5] =	ssyncadd.s32 $0xFFFFFC00  }
0x217: {  	_ =	swait.ge [sflag:s5], $0x400  }
0x218: {  	[sflag:s5] =	ssyncset.done $0x0  }
0x219: {  	[sflag:s5] =	ssyncadd.s32 $0xFFFFFC00  }
0x21a: {  	_ =	swait.ge [sflag:s5], $0x400  }
0x21b: {  	[sflag:s5] =	ssyncset.done $0x0  }
0x21c: {  	[sflag:s5] =	ssyncadd.s32 $0xFFFFFC00  }
0x21d: {  	_ =	swait.ge [sflag:s5], $0x400  }
0x21e: {  	[sflag:s5] =	ssyncset.done $0x0  }
0x21f: {  	[sflag:s5] =	ssyncadd.s32 $0xFFFFFC00  }
0x220: {  	_ =	swait.ge [sflag:s5], $0x400  }
0x221: {  	[sflag:s5] =	ssyncset.done $0x0  }
0x222: {  	[sflag:s5] =	ssyncadd.s32 $0xFFFFFC00  }
0x223: {  	_ =	swait.ge [sflag:s5], $0x400  }
0x224: {  	[sflag:s5] =	ssyncset.done $0x0  }
0x225: {  	[sflag:s5] =	ssyncadd.s32 $0xFFFFFC00  }
0x226: {  	_ =	swait.ge [sflag:s5], $0x400  }
0x227: {  	[sflag:s5] =	ssyncset.done $0x0  }
0x228: {  	[sflag:s5] =	ssyncadd.s32 $0xFFFFFC00  }
0x229: {  	_ =	swait.ge [sflag:s5], $0x400  }
0x22a: {  	[sflag:s5] =	ssyncset.done $0x0  }
0x22b: {  	[sflag:s5] =	ssyncadd.s32 $0xFFFFFC00  }
0x22c: {  	_ =	swait.ge [sflag:s5], $0x400  }
0x22d: {  	[sflag:s5] =	ssyncset.done $0x0  }
0x22e: {  	[sflag:s5] =	ssyncadd.s32 $0xFFFFFC00  }
0x22f: {  	_ =	swait.ge [sflag:s5], $0x400  }
0x230: {  	[sflag:s5] =	ssyncset.done $0x0  }
0x231: {  	[sflag:s5] =	ssyncadd.s32 $0xFFFFFC00  }
0x232: {  	_ =	swait.ge [sflag:s5], $0x400  }
0x233: {  	[sflag:s5] =	ssyncset.done $0x0  }
0x234: {  	[sflag:s5] =	ssyncadd.s32 $0xFFFFFC00  }
0x235: {  	_ =	swait.ge [sflag:s5], $0x400  }
0x236: {  	[sflag:s5] =	ssyncset.done $0x0  }
0x237: {  	[sflag:s5] =	ssyncadd.s32 $0xFFFFFC00  }
0x238: {  	_ =	swait.ge [sflag:s5], $0x400  }
0x239: {  	[sflag:s5] =	ssyncset.done $0x0  }
0x23a: {  	[sflag:s5] =	ssyncadd.s32 $0xFFFFFC00  }
.LBB2_13:
0x23b: {  	s0 =	simm.s32 $0x0  }
0x23c: {  	s1 =	sand.u32 $0x60, s0  }
0x23d: {  	s2 =	simm.s32 $0x0;
	s4 =	sor.u32 $0x10, s1  }
0x23e: {  	s7 =	sor.u32 s2, s4  }
0x23f: {  	v10 =	vlaneseq.u32;
	s6 =	sand.u32 $0x10, s0;
	v4 =	vmov s7  }
0x240: {  	v6 =	vor.u32 s6, v10;
	v4 =	vshll.u32 v4, $0x5  }
0x241: {  	v8 =	vand.u32 v3, v6;
	v37 =	vor.u32 v2, v4  }
0x242: {  	s2 =	sor.u32 s1, s2;
	v4 =	vor.u32 v37, v8  }
0x243: {  	v29 =	vmov s2  }
0x244: {  	s0 =	simm.s32 $0x0;
	v29 =	vshll.u32 v29, $0x5  }
0x245: {  	v26 =	vor.u32 s6, v61;
	v6 =	vor.u32 s0, v6;
	v34 =	vor.u32 v2, v29  }
0x246: {  	v36 =	vor.u32 s4, v10;
	v6 =	vshll.u32 v6, $0x7;
	v8 =	vor.u32 v34, v8  }
0x247: {  	v27 =	vand.u32 v5, v26;
	v28 =	vor.u32 v6, v36;
	v4 =	vld.idx.msk [tilespmem:v4+s30+$0x0], $0xffff  }
0x248: {  	v30 =	vor.u32 v37, v27;
	_ =	sdelay $0x1  }
0x249: {  	v35 =	vor.u32 s1, v10  }
0x24a: {  	v26 =	vor.u32 s0, v26;
	v6 =	vor.u32 v6, v35;
	v8 =	vld.idx.msk [tilespmem:v8+s30+$0x0], $0xffff  }
0x24b: {  	v27 =	vor.u32 v34, v27;
	[tilespmem:v28+s22+$0x0] =	vst.idx.msk $0xffff, v4;
	v4 =	vshll.u32 v26, $0x7;
	v26 =	vor.u32 s6, v15  }
0x24c: {  	v28 =	vld.idx.msk [tilespmem:v30+s30+$0x0], $0xffff;
	v29 =	vor.u32 v4, v36;
	v30 =	vand.u32 v7, v26  }
0x24d: {  	v31 =	vor.u32 v37, v30;
	_ =	sdelay $0x1  }
0x24e: {  	[tilespmem:v6+s22+$0x0] =	vst.idx.msk $0xffff, v8  }
0x24f: {  	v26 =	vor.u32 s0, v26;
	v4 =	vor.u32 v4, v35;
	v6 =	vld.idx.msk [tilespmem:v27+s30+$0x0], $0xffff  }
0x250: {  	v26 =	vshll.u32 v26, $0x7;
	v8 =	vor.u32 v34, v30;
	[tilespmem:v29+s22+$0x0] =	vst.idx.msk $0xffff, v28;
	v28 =	vor.u32 s6, v16  }
0x251: {  	v32 =	vor.u32 v26, v36;
	v29 =	vld.idx.msk [tilespmem:v31+s30+$0x0], $0xffff;
	v31 =	vand.u32 v9, v28  }
0x252: {  	v33 =	vor.u32 v37, v31;
	_ =	sdelay $0x1  }
0x253: {  	[tilespmem:v4+s22+$0x0] =	vst.idx.msk $0xffff, v6  }
0x254: {  	v4 =	vor.u32 v26, v35;
	v27 =	vor.u32 s0, v28;
	v6 =	vld.idx.msk [tilespmem:v8+s30+$0x0], $0xffff  }
0x255: {  	v28 =	vor.u32 s6, v63;
	v27 =	vshll.u32 v27, $0x7;
	v8 =	vor.u32 v34, v31;
	[tilespmem:v32+s22+$0x0] =	vst.idx.msk $0xffff, v29  }
0x256: {  	v30 =	vand.u32 v11, v28;
	v51 =	vor.u32 v27, v36;
	v29 =	vld.idx.msk [tilespmem:v33+s30+$0x0], $0xffff  }
0x257: {  	v52 =	vor.u32 v37, v30;
	_ =	sdelay $0x1  }
0x258: {  	[tilespmem:v4+s22+$0x0] =	vst.idx.msk $0xffff, v6  }
0x259: {  	v26 =	vor.u32 s0, v28;
	v4 =	vor.u32 v27, v35;
	v6 =	vld.idx.msk [tilespmem:v8+s30+$0x0], $0xffff  }
0x25a: {  	v28 =	vor.u32 s6, v55;
	v26 =	vshll.u32 v26, $0x7;
	v8 =	vor.u32 v34, v30;
	[tilespmem:v51+s22+$0x0] =	vst.idx.msk $0xffff, v29  }
0x25b: {  	v31 =	vand.u32 v12, v28;
	v53 =	vor.u32 v26, v36;
	v29 =	vld.idx.msk [tilespmem:v52+s30+$0x0], $0xffff  }
0x25c: {  	v54 =	vor.u32 v37, v31;
	_ =	sdelay $0x1  }
0x25d: {  	[tilespmem:v4+s22+$0x0] =	vst.idx.msk $0xffff, v6  }
0x25e: {  	v26 =	vor.u32 v26, v35;
	v27 =	vor.u32 s0, v28;
	v8 =	vld.idx.msk [tilespmem:v8+s30+$0x0], $0xffff  }
0x25f: {  	s2 =	simm.s32 $0x20;
	v28 =	vshll.u32 v27, $0x7;
	v27 =	vor.u32 s6, v19;
	v6 =	vor.u32 v34, v31;
	[tilespmem:v53+s22+$0x0] =	vst.idx.msk $0xffff, v29  }
0x260: {  	s1 =	sand.u32 $0x60, s2;
	v30 =	vand.u32 v13, v27;
	v56 =	vor.u32 v28, v36;
	v29 =	vld.idx.msk [tilespmem:v54+s30+$0x0], $0xffff  }
0x261: {  	s4 =	simm.s32 $0x0;
	s10 =	sor.u32 $0x10, s1;
	v57 =	vor.u32 v37, v30  }
0x262: {  	s9 =	simm.s32 $0x4;
	s8 =	sor.u32 s4, s10;
	v39 =	vor.u32 s0, v27  }
0x263: {  	s24 =	sand.u32 $0x10, s9;
	v41 =	vor.u32 v28, v35;
	v58 =	vshll.u32 v39, $0x7;
	v4 =	vmov s8;
	[tilespmem:v26+s22+$0x0] =	vst.idx.msk $0xffff, v8  }
0x264: {  	v30 =	vor.u32 v34, v30;
	v31 =	vor.u32 s24, v10;
	v4 =	vshll.u32 v4, $0x5;
	v6 =	vld.idx.msk [tilespmem:v6+s30+$0x0], $0xffff  }
0x265: {  	v38 =	vand.u32 v3, v31;
	v27 =	vor.u32 v2, v4;
	v4 =	vor.u32 s6, v21;
	[tilespmem:v56+s22+$0x0] =	vst.idx.msk $0xffff, v29  }
0x266: {  	v40 =	vor.u32 v58, v36;
	v60 =	vand.u32 v14, v4;
	v29 =	vor.u32 v27, v38;
	v33 =	vld.idx.msk [tilespmem:v57+s30+$0x0], $0xffff  }
0x267: {  	v4 =	vor.u32 s0, v4;
	v28 =	vor.u32 v37, v60  }
0x268: {  	s29 =	simm.s32 $0x0;
	v46 =	vor.u32 s6, v62;
	v4 =	vshll.u32 v4, $0x7  }
0x269: {  	v32 =	vor.u32 v58, v35;
	v48 =	vor.u32 v4, v36;
	v8 =	vor.u32 s29, v31;
	[tilespmem:v41+s22+$0x0] =	vst.idx.msk $0xffff, v6  }
0x26a: {  	s2 =	sor.u32 s1, s4;
	v31 =	vor.u32 s24, v61;
	v26 =	vor.u32 s10, v10;
	v8 =	vshll.u32 v8, $0x7;
	v30 =	vld.idx.msk [tilespmem:v30+s30+$0x0], $0xffff  }
0x26b: {  	v42 =	vmov s2;
	v43 =	vand.u32 v5, v31;
	v45 =	vor.u32 v8, v26;
	v44 =	vld.idx.msk [tilespmem:v29+s30+$0x0], $0xffff;
	[tilespmem:v40+s22+$0x0] =	vst.idx.msk $0xffff, v33  }
0x26c: {  	v52 =	vor.u32 v27, v43;
	v29 =	vshll.u32 v42, $0x5;
	v40 =	vand.u32 v3, v46;
	v47 =	vld.idx.msk [tilespmem:v28+s30+$0x0], $0xffff  }
0x26d: {  	v29 =	vor.u32 v2, v29;
	v53 =	vor.u32 v37, v40  }
0x26e: {  	v0 =	vmovc v15;
	v4 =	vor.u32 v4, v35;
	v31 =	vor.u32 s29, v31;
	v6 =	vor.u32 v29, v38  }
0x26f: {  	v54 =	vor.u32 s24, v0;
	v31 =	vshll.u32 v31, $0x7;
	v56 =	vor.u32 s0, v46;
	[tilespmem:v32+s22+$0x0] =	vst.idx.msk $0xffff, v30  }
0x270: {  	v58 =	vand.u32 v7, v54;
	v57 =	vor.u32 v31, v26;
	v41 =	vshll.u32 v56, $0x7;
	[tilespmem:v45+s22+$0x0] =	vst.idx.msk $0xffff, v44  }
0x271: {  	v28 =	vor.u32 s1, v10;
	v38 =	vor.u32 v34, v60;
	v60 =	vor.u32 s6, v22;
	v33 =	vld.idx.msk [tilespmem:v52+s30+$0x0], $0xffff;
	[tilespmem:v48+s22+$0x0] =	vst.idx.msk $0xffff, v47  }
0x272: {  	v49 =	vand.u32 v5, v60;
	v52 =	vor.u32 v27, v58;
	v42 =	vld.idx.msk [tilespmem:v53+s30+$0x0], $0xffff;
	v53 =	vor.u32 v41, v36  }
0x273: {  	v30 =	vor.u32 s29, v54;
	v8 =	vor.u32 v8, v28;
	v50 =	vor.u32 v37, v49;
	v6 =	vld.idx.msk [tilespmem:v6+s30+$0x0], $0xffff  }
0x274: {  	v43 =	vor.u32 v29, v43;
	v32 =	vor.u32 v34, v40;
	v54 =	vor.u32 s0, v60  }
0x275: {  	v30 =	vshll.u32 v30, $0x7;
	v40 =	vshll.u32 v54, $0x7;
	v45 =	vor.u32 v29, v58  }
0x276: {  	v51 =	vor.u32 v40, v36;
	v58 =	vor.u32 s6, v23;
	[tilespmem:v57+s22+$0x0] =	vst.idx.msk $0xffff, v33;
	v33 =	vld.idx.msk [tilespmem:v38+s30+$0x0], $0xffff;
	v38 =	vor.u32 s24, v16  }
0x277: {  	v57 =	vor.u32 v30, v26;
	v39 =	vld.idx.msk [tilespmem:v52+s30+$0x0], $0xffff;
	v56 =	vand.u32 v9, v38;
	[tilespmem:v53+s22+$0x0] =	vst.idx.msk $0xffff, v42  }
0x278: {  	[tilespmem:v8+s22+$0x0] =	vst.idx.msk $0xffff, v6;
	v60 =	vor.u32 v27, v56;
	v48 =	vld.idx.msk [tilespmem:v50+s30+$0x0], $0xffff;
	v50 =	vand.u32 v7, v58  }
0x279: {  	v31 =	vor.u32 v31, v28;
	v43 =	vld.idx.msk [tilespmem:v43+s30+$0x0], $0xffff;
	v54 =	vor.u32 v37, v50  }
0x27a: {  	v6 =	vor.u32 v41, v35;
	v8 =	vor.u32 v34, v49;
	v44 =	vor.u32 v29, v56  }
0x27b: {  	v56 =	vor.u32 s0, v58;
	[tilespmem:v4+s22+$0x0] =	vst.idx.msk $0xffff, v33;
	v4 =	vor.u32 s29, v38;
	v33 =	vor.u32 v40, v35  }
0x27c: {  	v38 =	vor.u32 s24, v63;
	v40 =	vshll.u32 v56, $0x7;
	v32 =	vld.idx.msk [tilespmem:v32+s30+$0x0], $0xffff;
	[tilespmem:v57+s22+$0x0] =	vst.idx.msk $0xffff, v39;
	v4 =	vshll.u32 v4, $0x7  }
0x27d: {  	v57 =	vand.u32 v11, v38;
	v39 =	vld.idx.msk [tilespmem:v60+s30+$0x0], $0xffff;
	v58 =	vor.u32 v4, v26;
	[tilespmem:v51+s22+$0x0] =	vst.idx.msk $0xffff, v48  }
0x27e: {  	[tilespmem:v31+s22+$0x0] =	vst.idx.msk $0xffff, v43;
	v48 =	vor.u32 v27, v57;
	v41 =	vld.idx.msk [tilespmem:v54+s30+$0x0], $0xffff;
	v54 =	vor.u32 v40, v36  }
0x27f: {  	v47 =	vor.u32 s6, v24;
	v30 =	vor.u32 v30, v28;
	v38 =	vor.u32 s29, v38;
	v45 =	vld.idx.msk [tilespmem:v45+s30+$0x0], $0xffff  }
0x280: {  	v60 =	vand.u32 v9, v47;
	v31 =	vor.u32 v34, v50;
	v42 =	vor.u32 v29, v57  }
0x281: {  	v15 =	vmovc v55;
	v38 =	vshll.u32 v38, $0x7;
	v47 =	vor.u32 s0, v47;
	v56 =	vor.u32 v37, v60;
	[tilespmem:v6+s22+$0x0] =	vst.idx.msk $0xffff, v32  }
0x282: {  	v57 =	vor.u32 s6, v17;
	v32 =	vor.u32 v34, v60;
	v8 =	vld.idx.msk [tilespmem:v8+s30+$0x0], $0xffff;
	[tilespmem:v58+s22+$0x0] =	vst.idx.msk $0xffff, v39;
	v58 =	vor.u32 s24, v55  }
0x283: {  	v46 =	vld.idx.msk [tilespmem:v48+s30+$0x0], $0xffff;
	v60 =	vand.u32 v12, v58;
	[tilespmem:v54+s22+$0x0] =	vst.idx.msk $0xffff, v41;
	v54 =	vor.u32 v38, v26  }
0x284: {  	v50 =	vand.u32 v11, v57;
	v57 =	vor.u32 s0, v57;
	[tilespmem:v30+s22+$0x0] =	vst.idx.msk $0xffff, v45;
	v55 =	vor.u32 v27, v60  }
0x285: {  	v4 =	vor.u32 v4, v28;
	v47 =	vshll.u32 v47, $0x7;
	v49 =	vshll.u32 v57, $0x7;
	v44 =	vld.idx.msk [tilespmem:v44+s30+$0x0], $0xffff  }
0x286: {  	v6 =	vor.u32 v40, v35;
	v40 =	vor.u32 s6, v59;
	v30 =	vor.u32 v47, v36;
	v43 =	vld.idx.msk [tilespmem:v56+s30+$0x0], $0xffff  }
0x287: {  	s28 =	simm.s32 $0x40;
	v53 =	vor.u32 v49, v36;
	v58 =	vor.u32 s29, v58;
	v41 =	vor.u32 v29, v60;
	[tilespmem:v33+s22+$0x0] =	vst.idx.msk $0xffff, v8  }
0x288: {  	s7 =	sand.u32 $0x60, s28;
	v60 =	vor.u32 s24, v19;
	v56 =	vor.u32 v37, v50;
	v33 =	vshll.u32 v58, $0x7;
	v31 =	vld.idx.msk [tilespmem:v31+s30+$0x0], $0xffff;
	[tilespmem:v54+s22+$0x0] =	vst.idx.msk $0xffff, v46  }
0x289: {  	s8 =	sor.u32 $0x10, s7;
	s10 =	simm.s32 $0x0;
	v45 =	vor.u32 v38, v28;
	v58 =	vand.u32 v13, v60;
	v59 =	vor.u32 v33, v26;
	v48 =	vld.idx.msk [tilespmem:v55+s30+$0x0], $0xffff  }
0x28a: {  	s9 =	sor.u32 s10, s8;
	v51 =	vor.u32 s24, v21;
	v38 =	vand.u32 v12, v40;
	v52 =	vor.u32 v27, v58;
	[tilespmem:v4+s22+$0x0] =	vst.idx.msk $0xffff, v44  }
0x28b: {  	s4 =	simm.s32 $0x8;
	v8 =	vor.u32 v47, v35;
	v4 =	vor.u32 v33, v28;
	[tilespmem:v30+s22+$0x0] =	vst.idx.msk $0xffff, v43;
	v30 =	vmov s9  }
0x28c: {  	s1 =	sand.u32 $0x10, s4;
	v33 =	vor.u32 v37, v38;
	v42 =	vld.idx.msk [tilespmem:v42+s30+$0x0], $0xffff;
	v55 =	vand.u32 v14, v51;
	v30 =	vshll.u32 v30, $0x5  }
0x28d: {  	v54 =	vor.u32 s1, v10;
	v44 =	vld.idx.msk [tilespmem:v56+s30+$0x0], $0xffff;
	v30 =	vor.u32 v2, v30;
	[tilespmem:v6+s22+$0x0] =	vst.idx.msk $0xffff, v31;
	v31 =	vor.u32 s29, v60  }
0x28e: {  	v6 =	vand.u32 v3, v54;
	v32 =	vld.idx.msk [tilespmem:v32+s30+$0x0], $0xffff;
	v46 =	vshll.u32 v31, $0x7;
	[tilespmem:v59+s22+$0x0] =	vst.idx.msk $0xffff, v48  }
0x28f: {  	v60 =	vor.u32 v30, v6;
	v31 =	vor.u32 s0, v40;
	v40 =	vor.u32 v46, v26;
	v52 =	vld.idx.msk [tilespmem:v52+s30+$0x0], $0xffff  }
0x290: {  	v57 =	vor.u32 v27, v55  }
0x291: {  	s2 =	simm.s32 $0x0;
	v43 =	vor.u32 v29, v58;
	v56 =	vshll.u32 v31, $0x7;
	[tilespmem:v45+s22+$0x0] =	vst.idx.msk $0xffff, v42  }
0x292: {  	v31 =	vor.u32 s2, v54;
	v42 =	vor.u32 v56, v36;
	v41 =	vld.idx.msk [tilespmem:v41+s30+$0x0], $0xffff;
	[tilespmem:v53+s22+$0x0] =	vst.idx.msk $0xffff, v44  }
0x293: {  	v53 =	vshll.u32 v31, $0x7;
	v31 =	vor.u32 s8, v10;
	v59 =	vld.idx.msk [tilespmem:v33+s30+$0x0], $0xffff;
	[tilespmem:v8+s22+$0x0] =	vst.idx.msk $0xffff, v32;
	v8 =	vor.u32 s29, v51  }
0x294: {  	v58 =	vor.u32 v53, v31;
	v48 =	vld.idx.msk [tilespmem:v60+s30+$0x0], $0xffff;
	v8 =	vshll.u32 v8, $0x7;
	[tilespmem:v40+s22+$0x0] =	vst.idx.msk $0xffff, v52  }
0x295: {  	s10 =	sor.u32 s7, s10;
	v47 =	vor.u32 s6, v18;
	v44 =	vor.u32 s1, v61;
	v52 =	vld.idx.msk [tilespmem:v57+s30+$0x0], $0xffff;
	v57 =	vor.u32 v8, v26  }
0x296: {  	v39 =	vand.u32 v13, v47;
	v45 =	vmov s10;
	v54 =	vand.u32 v5, v44  }
0x297: {  	v46 =	vor.u32 v46, v28;
	v45 =	vshll.u32 v45, $0x5;
	v32 =	vor.u32 v30, v54;
	[tilespmem:v4+s22+$0x0] =	vst.idx.msk $0xffff, v41  }
0x298: {  	v33 =	vor.u32 v2, v45;
	v60 =	vor.u32 s24, v62;
	v51 =	vor.u32 v37, v39;
	[tilespmem:v42+s22+$0x0] =	vst.idx.msk $0xffff, v59  }
0x299: {  	v6 =	vor.u32 v33, v6;
	v40 =	vand.u32 v3, v60;
	[tilespmem:v58+s22+$0x0] =	vst.idx.msk $0xffff, v48  }
0x29a: {  	v4 =	vor.u32 v27, v40;
	v41 =	vld.idx.msk [tilespmem:v43+s30+$0x0], $0xffff;
	v43 =	vor.u32 s2, v44;
	[tilespmem:v57+s22+$0x0] =	vst.idx.msk $0xffff, v52  }
0x29b: {  	v60 =	vor.u32 s29, v60;
	v44 =	vor.u32 s0, v47;
	v43 =	vshll.u32 v43, $0x7;
	v20 =	vld [tilespmem:$0x1FFD0]  }
0x29c: {  	v42 =	vor.u32 s1, v0;
	v8 =	vor.u32 v8, v28;
	v47 =	vor.u32 v43, v31;
	v45 =	vld.idx.msk [tilespmem:v32+s30+$0x0], $0xffff  }
0x29d: {  	v44 =	vshll.u32 v44, $0x7;
	v48 =	vld.idx.msk [tilespmem:v51+s30+$0x0], $0xffff;
	v51 =	vor.u32 v29, v55;
	v55 =	vand.u32 v7, v42  }
0x29e: {  	v58 =	vor.u32 v44, v36;
	v52 =	vshll.u32 v60, $0x7;
	v60 =	vor.u32 v30, v55  }
0x29f: {  	v32 =	vor.u32 s7, v10;
	v4 =	vld.idx.msk [tilespmem:v4+s30+$0x0], $0xffff;
	[tilespmem:v46+s22+$0x0] =	vst.idx.msk $0xffff, v41;
	v41 =	vor.u32 v52, v26  }
0x2a0: {  	v6 =	vld.idx.msk [tilespmem:v6+s30+$0x0], $0xffff;
	v42 =	vor.u32 s2, v42;
	v53 =	vor.u32 v53, v32;
	v59 =	vor.u32 s6, v20  }
0x2a1: {  	v46 =	vor.u32 v34, v50;
	[tilespmem:v47+s22+$0x0] =	vst.idx.msk $0xffff, v45;
	v45 =	vor.u32 s24, v22;
	v50 =	vand.u32 v14, v59  }
0x2a2: {  	v42 =	vshll.u32 v42, $0x7;
	v51 =	vld.idx.msk [tilespmem:v51+s30+$0x0], $0xffff;
	v47 =	vand.u32 v5, v45;
	v37 =	vor.u32 v37, v50  }
0x2a3: {  	[tilespmem:v58+s22+$0x0] =	vst.idx.msk $0xffff, v48;
	v48 =	vor.u32 v27, v47;
	v57 =	vld.idx.msk [tilespmem:v60+s30+$0x0], $0xffff;
	v60 =	vor.u32 v42, v31  }
0x2a4: {  	[tilespmem:v41+s22+$0x0] =	vst.idx.msk $0xffff, v4;
	v41 =	vor.u32 v33, v54  }
0x2a5: {  	v4 =	vor.u32 s0, v59  }
0x2a6: {  	v40 =	vor.u32 v29, v40;
	[tilespmem:v53+s22+$0x0] =	vst.idx.msk $0xffff, v6;
	v45 =	vor.u32 s29, v45;
	v4 =	vshll.u32 v4, $0x7  }
0x2a7: {  	v45 =	vshll.u32 v45, $0x7;
	[tilespmem:v8+s22+$0x0] =	vst.idx.msk $0xffff, v51;
	v8 =	vor.u32 s24, v23;
	v36 =	vor.u32 v4, v36;
	v37 =	vld.idx.msk [tilespmem:v37+s30+$0x0], $0xffff  }
0x2a8: {  	v51 =	vand.u32 v7, v8;
	v48 =	vld.idx.msk [tilespmem:v48+s30+$0x0], $0xffff;
	[tilespmem:v60+s22+$0x0] =	vst.idx.msk $0xffff, v57;
	v57 =	vor.u32 v45, v26  }
0x2a9: {  	v43 =	vor.u32 v43, v32;
	v54 =	vor.u32 s1, v16;
	v60 =	vor.u32 v27, v51;
	v41 =	vld.idx.msk [tilespmem:v41+s30+$0x0], $0xffff  }
0x2aa: {  	v49 =	vor.u32 v49, v35;
	v55 =	vor.u32 v33, v55;
	v46 =	vld.idx.msk [tilespmem:v46+s30+$0x0], $0xffff;
	v6 =	vand.u32 v9, v54  }
0x2ab: {  	v52 =	vor.u32 v52, v28;
	v53 =	vor.u32 v30, v6;
	v40 =	vld.idx.msk [tilespmem:v40+s30+$0x0], $0xffff  }
0x2ac: {  	[tilespmem:v36+s22+$0x0] =	vst.idx.msk $0xffff, v37;
	v36 =	vor.u32 v29, v47  }
0x2ad: {  	[tilespmem:v57+s22+$0x0] =	vst.idx.msk $0xffff, v48  }
0x2ae: {  	v38 =	vor.u32 v34, v38;
	v54 =	vor.u32 s2, v54;
	[tilespmem:v43+s22+$0x0] =	vst.idx.msk $0xffff, v41;
	v43 =	vld.idx.msk [tilespmem:v60+s30+$0x0], $0xffff  }
0x2af: {  	v42 =	vor.u32 v42, v32;
	v54 =	vshll.u32 v54, $0x7;
	[tilespmem:v49+s22+$0x0] =	vst.idx.msk $0xffff, v46;
	v46 =	vor.u32 s1, v63;
	v55 =	vld.idx.msk [tilespmem:v55+s30+$0x0], $0xffff  }
0x2b0: {  	v59 =	vor.u32 v54, v31;
	[tilespmem:v52+s22+$0x0] =	vst.idx.msk $0xffff, v40;
	v41 =	vand.u32 v11, v46;
	v37 =	vld.idx.msk [tilespmem:v53+s30+$0x0], $0xffff  }
0x2b1: {  	v8 =	vor.u32 s29, v8;
	v45 =	vor.u32 v45, v28;
	v60 =	vor.u32 v30, v41;
	v36 =	vld.idx.msk [tilespmem:v36+s30+$0x0], $0xffff  }
0x2b2: {  	v56 =	vor.u32 v56, v35;
	v8 =	vshll.u32 v8, $0x7  }
0x2b3: {  	v6 =	vor.u32 v33, v6;
	v49 =	vor.u32 v8, v26;
	v38 =	vld.idx.msk [tilespmem:v38+s30+$0x0], $0xffff;
	v52 =	vor.u32 s24, v24  }
0x2b4: {  	v40 =	vor.u32 v8, v28;
	v48 =	vor.u32 v54, v32;
	v54 =	vor.u32 s2, v46;
	[tilespmem:v42+s22+$0x0] =	vst.idx.msk $0xffff, v55  }
0x2b5: {  	v8 =	vor.u32 v34, v39;
	v39 =	vshll.u32 v54, $0x7;
	[tilespmem:v59+s22+$0x0] =	vst.idx.msk $0xffff, v37;
	v37 =	vand.u32 v9, v52  }
0x2b6: {  	v63 =	vor.u32 v27, v37;
	v55 =	vld.idx.msk [tilespmem:v60+s30+$0x0], $0xffff;
	[tilespmem:v45+s22+$0x0] =	vst.idx.msk $0xffff, v36;
	v45 =	vor.u32 v39, v31;
	_ =	sdelay $0x2  }
0x2b7: {  	v51 =	vor.u32 v29, v51;
	v54 =	vor.u32 s1, v15;
	[tilespmem:v56+s22+$0x0] =	vst.idx.msk $0xffff, v38  }
0x2b8: {  	v46 =	vand.u32 v12, v54;
	[tilespmem:v49+s22+$0x0] =	vst.idx.msk $0xffff, v43;
	v59 =	vor.u32 s29, v52;
	v53 =	vld.idx.msk [tilespmem:v6+s30+$0x0], $0xffff  }
0x2b9: {  	v47 =	vor.u32 v33, v41;
	v41 =	vshll.u32 v59, $0x7;
	v52 =	vld.idx.msk [tilespmem:v63+s30+$0x0], $0xffff;
	[tilespmem:v45+s22+$0x0] =	vst.idx.msk $0xffff, v55  }
0x2ba: {  	v58 =	vor.u32 s24, v17;
	v57 =	vor.u32 v30, v46;
	v60 =	vor.u32 v41, v26;
	v6 =	vld [tilespmem:$0x1FFC0]  }
0x2bb: {  	v49 =	vor.u32 v33, v46;
	v42 =	vor.u32 v29, v37;
	v37 =	vor.u32 v44, v35  }
0x2bc: {  	v41 =	vor.u32 v41, v28;
	v36 =	vor.u32 v34, v50;
	v50 =	vor.u32 v39, v32  }
0x2bd: {  	v38 =	vld.idx.msk [tilespmem:v8+s30+$0x0], $0xffff;
	v34 =	vor.u32 v4, v35;
	v4 =	vor.u32 s2, v54;
	v63 =	vand.u32 v11, v58  }
0x2be: {  	v35 =	vor.u32 s29, v58;
	v46 =	vld.idx.msk [tilespmem:v51+s30+$0x0], $0xffff;
	v54 =	vshll.u32 v4, $0x7;
	v43 =	vor.u32 v27, v63  }
0x2bf: {  	s0 =	simm.s32 $0x4;
	v39 =	vor.u32 v29, v63;
	[tilespmem:v60+s22+$0x0] =	vst.idx.msk $0xffff, v52;
	v52 =	vor.u32 s1, v19;
	v51 =	vld.idx.msk [tilespmem:v57+s30+$0x0], $0xffff;
	v44 =	vor.u32 s24, v6  }
.LBB2_14:
0x2c0: {  	_ =	sdelay $0x1  }
0x2c1: {  	v4 =	vand.u32 v13, v52  }
0x2c2: {  	v6 =	vor.u32 v54, v31;
	v45 =	vshll.u32 v35, $0x7;
	v8 =	vld.idx.msk [tilespmem:v43+s30+$0x0], $0xffff;
	v43 =	vand.u32 v12, v44  }
0x2c3: {  	s0 =	sadd.s32 $0x2, s0;
	s28 =	sadd.s32 $0x20, s28;
	[tilespmem:v48+s22+$0x0] =	vst.idx.msk $0xffff, v53;
	v48 =	vor.u32 v54, v32;
	s4 =	sadd.s32 $0x4, s4;
	v54 =	vor.u32 s1, v21;
	v60 =	vor.u32 s29, v44  }
0x2c4: {  	s7 =	sshrl.u32 s0, $0x4;
	s8 =	sand.u32 $0x60, s28;
	v55 =	vor.u32 v30, v4;
	v56 =	vor.u32 v45, v26;
	v53 =	vor.u32 v27, v43;
	s10 =	sand.u32 $0x10, s4  }
0x2c5: {  	v47 =	vld.idx.msk [tilespmem:v47+s30+$0x0], $0xffff;
	v4 =	vor.u32 v33, v4;
	[tilespmem:v40+s22+$0x0] =	vst.idx.msk $0xffff, v46;
	v40 =	vor.u32 s24, v18;
	s9 =	sshll.u32 s7, $0x7;
	s6 =	sor.u32 $0x10, s8;
	v46 =	vor.u32 s10, v10  }
0x2c6: {  	v58 =	vand.u32 v14, v54;
	v35 =	vor.u32 s8, v10;
	s8 =	sor.u32 s8, s9;
	s9 =	sor.u32 s9, s6;
	v59 =	vand.u32 v3, v46  }
0x2c7: {  	v42 =	vld.idx.msk [tilespmem:v42+s30+$0x0], $0xffff;
	v57 =	vmov s9;
	[tilespmem:v37+s22+$0x0] =	vst.idx.msk $0xffff, v38;
	v37 =	vshll.u32 v60, $0x7;
	v60 =	vor.u32 s1, v62  }
0x2c8: {  	v19 =	vmovc v62;
	v62 =	vor.u32 s6, v10;
	v63 =	vshll.u32 v57, $0x5;
	v57 =	vor.u32 s2, v52;
	[tilespmem:v6+s22+$0x0] =	vst.idx.msk $0xffff, v51  }
0x2c9: {  	v6 =	vld.idx.msk [tilespmem:v36+s30+$0x0], $0xffff;
	v36 =	vand.u32 v13, v40;
	v51 =	vor.u32 v2, v63;
	v38 =	vshll.u32 v57, $0x7  }
0x2ca: {  	v52 =	vld.idx.msk [tilespmem:v55+s30+$0x0], $0xffff;
	[tilespmem:v56+s22+$0x0] =	vst.idx.msk $0xffff, v8;
	v55 =	vor.u32 v30, v58;
	v56 =	vor.u32 v37, v26  }
0x2cb: {  	v57 =	vmov s8;
	v8 =	vor.u32 v51, v59;
	v44 =	vor.u32 v38, v31  }
0x2cc: {  	s7 =	sshll.u32 s7, $0x5;
	[tilespmem:v50+s22+$0x0] =	vst.idx.msk $0xffff, v47;
	v50 =	vor.u32 s10, v61;
	v63 =	vor.u32 s29, v40;
	v53 =	vld.idx.msk [tilespmem:v53+s30+$0x0], $0xffff;
	v47 =	vor.u32 v38, v32  }
0x2cd: {  	v38 =	vor.u32 v27, v36;
	v49 =	vld.idx.msk [tilespmem:v49+s30+$0x0], $0xffff;
	[tilespmem:v41+s22+$0x0] =	vst.idx.msk $0xffff, v42;
	v41 =	vor.u32 s24, v20;
	v42 =	vor.u32 s7, v46  }
0x2ce: {  	v46 =	vor.u32 s2, v54;
	v54 =	vand.u32 v3, v60;
	v57 =	vshll.u32 v57, $0x5  }
0x2cf: {  	v61 =	vld.idx.msk [tilespmem:v39+s30+$0x0], $0xffff;
	v46 =	vshll.u32 v46, $0x7;
	v39 =	vshll.u32 v63, $0x7;
	[tilespmem:v34+s22+$0x0] =	vst.idx.msk $0xffff, v6;
	v6 =	vshll.u32 v42, $0x7  }
0x2d0: {  	v42 =	vand.u32 v5, v50;
	v8 =	vld.idx.msk [tilespmem:v8+s30+$0x0], $0xffff;
	[tilespmem:v44+s22+$0x0] =	vst.idx.msk $0xffff, v52;
	v44 =	vor.u32 v6, v62  }
0x2d1: {  	v63 =	vor.u32 v39, v26;
	v34 =	vor.u32 v2, v57;
	v40 =	vor.u32 v51, v42  }
0x2d2: {  	v57 =	vor.u32 v34, v59;
	v52 =	vld.idx.msk [tilespmem:v55+s30+$0x0], $0xffff;
	[tilespmem:v56+s22+$0x0] =	vst.idx.msk $0xffff, v53;
	v53 =	vor.u32 v46, v31  }
0x2d3: {  	v42 =	vor.u32 v34, v42;
	v56 =	vor.u32 v30, v54;
	v55 =	vld.idx.msk [tilespmem:v38+s30+$0x0], $0xffff;
	v38 =	vand.u32 v14, v41  }
0x2d4: {  	v50 =	vor.u32 s7, v50;
	v6 =	vor.u32 v6, v35;
	[tilespmem:v48+s22+$0x0] =	vst.idx.msk $0xffff, v49;
	v48 =	vor.u32 v27, v38  }
0x2d5: {  	v49 =	vor.u32 v33, v58;
	v4 =	vld.idx.msk [tilespmem:v4+s30+$0x0], $0xffff;
	v41 =	vor.u32 s29, v41;
	[tilespmem:v44+s22+$0x0] =	vst.idx.msk $0xffff, v8;
	v44 =	vshll.u32 v50, $0x7  }
0x2d6: {  	s24 =	smov.u32 s1;
	s1 =	smov.u32 s10;
	v60 =	vor.u32 s2, v60;
	v27 =	vmovc v30;
	v30 =	vmovc v51;
	v58 =	vshll.u32 v41, $0x7;
	v40 =	vld.idx.msk [tilespmem:v40+s30+$0x0], $0xffff;
	v51 =	vor.u32 v44, v62  }
0x2d7: {  	v57 =	vld.idx.msk [tilespmem:v57+s30+$0x0], $0xffff;
	v8 =	vor.u32 s24, v22;
	v50 =	vor.u32 s1, v0;
	[tilespmem:v53+s22+$0x0] =	vst.idx.msk $0xffff, v52;
	v52 =	vshll.u32 v60, $0x7  }
0x2d8: {  	v53 =	vld.idx.msk [tilespmem:v56+s30+$0x0], $0xffff;
	[tilespmem:v63+s22+$0x0] =	vst.idx.msk $0xffff, v55;
	v55 =	vand.u32 v7, v50;
	v56 =	vor.u32 v52, v31  }
0x2d9: {  	v59 =	vand.u32 v5, v8;
	v60 =	vor.u32 v58, v26;
	v41 =	vld.idx.msk [tilespmem:v48+s30+$0x0], $0xffff;
	v48 =	vor.u32 v30, v55  }
0x2da: {  	[tilespmem:v47+s22+$0x0] =	vst.idx.msk $0xffff, v4;
	v63 =	vor.u32 v27, v59  }
0x2db: {  	v45 =	vor.u32 v45, v28;
	v46 =	vor.u32 v46, v32;
	v26 =	vmov v31;
	[tilespmem:v51+s22+$0x0] =	vst.idx.msk $0xffff, v40  }
0x2dc: {  	s29 =	smov.u32 s2;
	s2 =	smov.u32 s7;
	v44 =	vor.u32 v44, v35;
	v4 =	vor.u32 v33, v54;
	v40 =	vld.idx.msk [tilespmem:v49+s30+$0x0], $0xffff;
	[tilespmem:v6+s22+$0x0] =	vst.idx.msk $0xffff, v57  }
0x2dd: {  	v31 =	vmov v62;
	v51 =	vor.u32 v33, v59;
	v59 =	vor.u32 s2, v50;
	[tilespmem:v56+s22+$0x0] =	vst.idx.msk $0xffff, v53;
	v42 =	vld.idx.msk [tilespmem:v42+s30+$0x0], $0xffff  }
0x2de: {  	v49 =	vor.u32 v52, v32;
	v52 =	vor.u32 s1, v16;
	v47 =	vshll.u32 v59, $0x7;
	v48 =	vld.idx.msk [tilespmem:v48+s30+$0x0], $0xffff;
	[tilespmem:v60+s22+$0x0] =	vst.idx.msk $0xffff, v41  }
0x2df: {  	v8 =	vor.u32 s29, v8;
	v41 =	vand.u32 v9, v52;
	v53 =	vor.u32 v47, v31;
	v54 =	vld.idx.msk [tilespmem:v63+s30+$0x0], $0xffff  }
0x2e0: {  	v8 =	vshll.u32 v8, $0x7;
	v50 =	vor.u32 s24, v23;
	v63 =	vld [tilespmem:$0x1FFF0];
	v56 =	vor.u32 v30, v41  }
0x2e1: {  	v55 =	vor.u32 v34, v55;
	v59 =	vand.u32 v7, v50;
	v60 =	vor.u32 v8, v26  }
0x2e2: {  	v6 =	vor.u32 v47, v35;
	v47 =	vor.u32 v27, v59;
	[tilespmem:v46+s22+$0x0] =	vst.idx.msk $0xffff, v40  }
0x2e3: {  	v62 =	vor.u32 s29, v50;
	v40 =	vor.u32 v29, v43;
	v4 =	vld.idx.msk [tilespmem:v4+s30+$0x0], $0xffff;
	[tilespmem:v45+s22+$0x0] =	vst.idx.msk $0xffff, v61  }
0x2e4: {  	v41 =	vor.u32 v34, v41;
	v46 =	vor.u32 v33, v59;
	v61 =	vor.u32 s2, v52;
	[tilespmem:v53+s22+$0x0] =	vst.idx.msk $0xffff, v48  }
0x2e5: {  	v52 =	vor.u32 v37, v28;
	v37 =	vshll.u32 v61, $0x7;
	[tilespmem:v44+s22+$0x0] =	vst.idx.msk $0xffff, v42;
	v43 =	vor.u32 s1, v63;
	v53 =	vld.idx.msk [tilespmem:v56+s30+$0x0], $0xffff  }
0x2e6: {  	[tilespmem:v60+s22+$0x0] =	vst.idx.msk $0xffff, v54;
	v54 =	vor.u32 v37, v31;
	v55 =	vld.idx.msk [tilespmem:v55+s30+$0x0], $0xffff;
	v50 =	vand.u32 v11, v43  }
0x2e7: {  	v45 =	vor.u32 s24, v24;
	v56 =	vshll.u32 v62, $0x7;
	v57 =	vld.idx.msk [tilespmem:v47+s30+$0x0], $0xffff;
	v59 =	vor.u32 v30, v50  }
0x2e8: {  	v60 =	vand.u32 v9, v45;
	v61 =	vor.u32 v56, v26;
	v62 =	vld.idx.msk [tilespmem:v40+s30+$0x0], $0xffff;
	[tilespmem:v49+s22+$0x0] =	vst.idx.msk $0xffff, v4  }
0x2e9: {  	v8 =	vor.u32 v8, v32;
	v44 =	vor.u32 v27, v60;
	v4 =	vld.idx.msk [tilespmem:v51+s30+$0x0], $0xffff  }
0x2ea: {  	v49 =	vor.u32 s2, v43  }
0x2eb: {  	v42 =	vor.u32 v33, v60;
	v47 =	vor.u32 v34, v50;
	v50 =	vshll.u32 v49, $0x7;
	[tilespmem:v54+s22+$0x0] =	vst.idx.msk $0xffff, v53  }
0x2ec: {  	v60 =	vor.u32 s29, v45;
	v45 =	vor.u32 v50, v31;
	[tilespmem:v6+s22+$0x0] =	vst.idx.msk $0xffff, v55;
	v59 =	vld.idx.msk [tilespmem:v59+s30+$0x0], $0xffff  }
0x2ed: {  	v48 =	vor.u32 v37, v35;
	v37 =	vor.u32 v39, v28;
	v53 =	vld.idx.msk [tilespmem:v41+s30+$0x0], $0xffff;
	[tilespmem:v61+s22+$0x0] =	vst.idx.msk $0xffff, v57  }
0x2ee: {  	v51 =	vor.u32 v29, v36;
	v54 =	vor.u32 s1, v15;
	v57 =	vld.idx.msk [tilespmem:v44+s30+$0x0], $0xffff;
	[tilespmem:v8+s22+$0x0] =	vst.idx.msk $0xffff, v4  }
0x2ef: {  	v36 =	vor.u32 v29, v38;
	v29 =	vmovc v33;
	v33 =	vmov v34;
	v34 =	vand.u32 v12, v54;
	v46 =	vld.idx.msk [tilespmem:v46+s30+$0x0], $0xffff  }
0x2f0: {  	v39 =	vshll.u32 v60, $0x7;
	v60 =	vor.u32 v30, v34;
	[tilespmem:v52+s22+$0x0] =	vst.idx.msk $0xffff, v62;
	v62 =	vmov v19;
	v19 =	vld [tilespmem:$0x1FFE0]  }
0x2f1: {  	p0 =	slt.u32 s0, $0x3E;
	v61 =	vor.u32 v39, v26;
	[tilespmem:v45+s22+$0x0] =	vst.idx.msk $0xffff, v59;
	v59 =	vld [tilespmem:$0x1FFC0]  }
.Ltmp7:
0x2f2: {  	v40 =	vor.u32 v56, v32;
	v56 =	vor.u32 s24, v17;
	v50 =	vor.u32 v50, v35;
	(pc) =	sbr.rel @p0 .LBB2_14-.Ltmp7, $4  }
0x2f3: {  	v41 =	vor.u32 v39, v32;
	v49 =	vor.u32 v33, v34;
	v34 =	vor.u32 v58, v28  }
0x2f4: {  	v28 =	vmovc v32;
	v32 =	vmov v35;
	v35 =	vor.u32 s29, v56;
	v44 =	vand.u32 v11, v56;
	v38 =	vld.idx.msk [tilespmem:v51+s30+$0x0], $0xffff  }
0x2f5: {  	v43 =	vor.u32 v27, v44;
	v39 =	vor.u32 v29, v44;
	v4 =	vor.u32 s2, v54;
	v51 =	vld.idx.msk [tilespmem:v60+s30+$0x0], $0xffff  }
0x2f6: {  	v54 =	vshll.u32 v4, $0x7;
	[tilespmem:v61+s22+$0x0] =	vst.idx.msk $0xffff, v57;
	v61 =	vld [tilespmem:$0x1FFA0];
	v52 =	vor.u32 s1, v19;
	v44 =	vor.u32 s24, v59  }
0x2f7: {  	_ =	sdelay $0x3  }
0x2f8: {  	[tilespmem:v48+s22+$0x0] =	vst.idx.msk $0xffff, v53  }
0x2f9: {  	v4 =	vld.idx.msk [tilespmem:v47+s30+$0x0], $0xffff;
	_ =	sdelay $0x3  }
0x2fa: {  	v6 =	vand.u32 v13, v52;
	v8 =	vor.u32 v54, v31  }
0x2fb: {  	[tilespmem:v50+s22+$0x0] =	vst.idx.msk $0xffff, v4;
	v4 =	vor.u32 v30, v6  }
0x2fc: {  	v45 =	vor.u32 v54, v32;
	v53 =	vld.idx.msk [tilespmem:v49+s30+$0x0], $0xffff  }
0x2fd: {  	v6 =	vor.u32 v33, v6  }
0x2fe: {  	v54 =	vor.u32 s2, v52  }
0x2ff: {  	v55 =	vor.u32 s1, v21;
	[tilespmem:v8+s22+$0x0] =	vst.idx.msk $0xffff, v51;
	v8 =	vshll.u32 v54, $0x7  }
0x300: {  	v56 =	vand.u32 v14, v55;
	v57 =	vor.u32 v8, v31;
	v4 =	vld.idx.msk [tilespmem:v4+s30+$0x0], $0xffff  }
0x301: {  	v58 =	vor.u32 v30, v56;
	[tilespmem:v45+s22+$0x0] =	vst.idx.msk $0xffff, v53  }
0x302: {  	v8 =	vor.u32 v8, v32;
	v6 =	vld.idx.msk [tilespmem:v6+s30+$0x0], $0xffff  }
0x303: {  	v60 =	vor.u32 v33, v56  }
0x304: {  	v25 =	vor.u32 s2, v55  }
0x305: {  	v52 =	vor.u32 s1, v62;
	[tilespmem:v57+s22+$0x0] =	vst.idx.msk $0xffff, v4;
	v4 =	vshll.u32 v25, $0x7  }
0x306: {  	v53 =	vand.u32 v3, v52;
	v45 =	vld.idx.msk [tilespmem:v58+s30+$0x0], $0xffff;
	v54 =	vor.u32 v4, v31  }
0x307: {  	[tilespmem:v8+s22+$0x0] =	vst.idx.msk $0xffff, v6;
	v6 =	vor.u32 v30, v53  }
0x308: {  	v4 =	vor.u32 v4, v32;
	v8 =	vld.idx.msk [tilespmem:v60+s30+$0x0], $0xffff  }
0x309: {  	v55 =	vor.u32 v33, v53  }
0x30a: {  	v56 =	vor.u32 s2, v52  }
0x30b: {  	v57 =	vor.u32 s1, v22;
	v58 =	vshll.u32 v56, $0x7;
	[tilespmem:v54+s22+$0x0] =	vst.idx.msk $0xffff, v45  }
0x30c: {  	v48 =	vor.u32 v58, v31;
	v60 =	vand.u32 v5, v57;
	v6 =	vld.idx.msk [tilespmem:v6+s30+$0x0], $0xffff  }
0x30d: {  	[tilespmem:v4+s22+$0x0] =	vst.idx.msk $0xffff, v8;
	v4 =	vor.u32 v30, v60  }
0x30e: {  	v8 =	vor.u32 v58, v32;
	v25 =	vld.idx.msk [tilespmem:v55+s30+$0x0], $0xffff  }
0x30f: {  	v52 =	vor.u32 v33, v60  }
0x310: {  	v49 =	vor.u32 s2, v57  }
0x311: {  	v53 =	vor.u32 s1, v23;
	[tilespmem:v48+s22+$0x0] =	vst.idx.msk $0xffff, v6;
	v6 =	vshll.u32 v49, $0x7  }
0x312: {  	v54 =	vand.u32 v7, v53;
	v4 =	vld.idx.msk [tilespmem:v4+s30+$0x0], $0xffff;
	v49 =	vor.u32 v6, v31  }
0x313: {  	[tilespmem:v8+s22+$0x0] =	vst.idx.msk $0xffff, v25;
	v8 =	vor.u32 v30, v54  }
0x314: {  	v6 =	vor.u32 v6, v32;
	v45 =	vld.idx.msk [tilespmem:v52+s30+$0x0], $0xffff  }
0x315: {  	v55 =	vor.u32 v33, v54  }
0x316: {  	v56 =	vor.u32 s2, v53  }
0x317: {  	v57 =	vor.u32 s1, v24;
	[tilespmem:v49+s22+$0x0] =	vst.idx.msk $0xffff, v4;
	v4 =	vshll.u32 v56, $0x7  }
0x318: {  	v58 =	vand.u32 v9, v57;
	v8 =	vld.idx.msk [tilespmem:v8+s30+$0x0], $0xffff;
	v60 =	vor.u32 v4, v31  }
0x319: {  	[tilespmem:v6+s22+$0x0] =	vst.idx.msk $0xffff, v45;
	v6 =	vor.u32 v30, v58  }
0x31a: {  	[tilespmem:v40+s22+$0x0] =	vst.idx.msk $0xffff, v46;
	v4 =	vor.u32 v4, v32;
	v45 =	vld.idx.msk [tilespmem:v55+s30+$0x0], $0xffff  }
0x31b: {  	v42 =	vld.idx.msk [tilespmem:v42+s30+$0x0], $0xffff;
	v25 =	vor.u32 v33, v58  }
0x31c: {  	v51 =	vor.u32 s2, v57  }
0x31d: {  	v52 =	vor.u32 s1, v17;
	[tilespmem:v60+s22+$0x0] =	vst.idx.msk $0xffff, v8;
	v8 =	vshll.u32 v51, $0x7  }
0x31e: {  	v35 =	vshll.u32 v35, $0x7;
	v53 =	vand.u32 v11, v52;
	v6 =	vld.idx.msk [tilespmem:v6+s30+$0x0], $0xffff;
	v54 =	vor.u32 v8, v31  }
0x31f: {  	v43 =	vld.idx.msk [tilespmem:v43+s30+$0x0], $0xffff;
	v56 =	vor.u32 v35, v26;
	[tilespmem:v4+s22+$0x0] =	vst.idx.msk $0xffff, v45;
	v4 =	vor.u32 v30, v53  }
0x320: {  	[tilespmem:v41+s22+$0x0] =	vst.idx.msk $0xffff, v42;
	v8 =	vor.u32 v8, v32;
	v45 =	vld.idx.msk [tilespmem:v25+s30+$0x0], $0xffff  }
0x321: {  	v39 =	vld.idx.msk [tilespmem:v39+s30+$0x0], $0xffff;
	v40 =	vor.u32 v33, v53;
	v35 =	vor.u32 v35, v28;
	v55 =	vand.u32 v12, v44  }
0x322: {  	v58 =	vor.u32 s2, v52;
	v57 =	vor.u32 v27, v55  }
0x323: {  	v60 =	vor.u32 v29, v55;
	v25 =	vor.u32 s1, v59;
	[tilespmem:v54+s22+$0x0] =	vst.idx.msk $0xffff, v6;
	v6 =	vshll.u32 v58, $0x7  }
0x324: {  	[tilespmem:v56+s22+$0x0] =	vst.idx.msk $0xffff, v43;
	v51 =	vand.u32 v12, v25;
	v4 =	vld.idx.msk [tilespmem:v4+s30+$0x0], $0xffff;
	v52 =	vor.u32 v6, v31  }
0x325: {  	v53 =	vor.u32 v30, v51;
	[tilespmem:v8+s22+$0x0] =	vst.idx.msk $0xffff, v45;
	v8 =	vor.u32 s29, v44  }
0x326: {  	[tilespmem:v35+s22+$0x0] =	vst.idx.msk $0xffff, v39;
	v54 =	vor.u32 s24, v18;
	v6 =	vor.u32 v6, v32;
	v40 =	vld.idx.msk [tilespmem:v40+s30+$0x0], $0xffff;
	v8 =	vshll.u32 v8, $0x7  }
0x327: {  	v43 =	vld.idx.msk [tilespmem:v57+s30+$0x0], $0xffff;
	v41 =	vor.u32 v33, v51;
	v55 =	vand.u32 v13, v54;
	v56 =	vor.u32 v8, v26  }
0x328: {  	v39 =	vld.idx.msk [tilespmem:v60+s30+$0x0], $0xffff;
	v60 =	vor.u32 s1, v18;
	v57 =	vor.u32 v27, v55;
	v8 =	vor.u32 v8, v28  }
0x329: {  	v58 =	vor.u32 s2, v25;
	v51 =	vand.u32 v13, v60;
	v42 =	vor.u32 v29, v55;
	[tilespmem:v52+s22+$0x0] =	vst.idx.msk $0xffff, v4  }
0x32a: {  	v55 =	vor.u32 v33, v51;
	v4 =	vshll.u32 v58, $0x7;
	v35 =	vld.idx.msk [tilespmem:v53+s30+$0x0], $0xffff  }
0x32b: {  	v52 =	vor.u32 v4, v31;
	v53 =	vor.u32 v30, v51;
	[tilespmem:v6+s22+$0x0] =	vst.idx.msk $0xffff, v40;
	v6 =	vor.u32 s29, v54  }
0x32c: {  	v4 =	vor.u32 v4, v32;
	v54 =	vor.u32 s24, v20;
	v41 =	vld.idx.msk [tilespmem:v41+s30+$0x0], $0xffff;
	[tilespmem:v56+s22+$0x0] =	vst.idx.msk $0xffff, v43;
	v6 =	vshll.u32 v6, $0x7  }
0x32d: {  	v56 =	vand.u32 v14, v54;
	[tilespmem:v8+s22+$0x0] =	vst.idx.msk $0xffff, v39;
	v44 =	vld.idx.msk [tilespmem:v57+s30+$0x0], $0xffff;
	v57 =	vor.u32 v6, v26  }
0x32e: {  	v58 =	vor.u32 v27, v56;
	v6 =	vor.u32 v6, v28;
	v42 =	vld.idx.msk [tilespmem:v42+s30+$0x0], $0xffff  }
0x32f: {  	[tilespmem:v37+s22+$0x0] =	vst.idx.msk $0xffff, v38;
	v8 =	vor.u32 s2, v60;
	v60 =	vor.u32 s1, v20;
	v50 =	vor.u32 v29, v56  }
0x330: {  	v36 =	vld.idx.msk [tilespmem:v36+s30+$0x0], $0xffff;
	v54 =	vor.u32 s29, v54;
	v8 =	vshll.u32 v8, $0x7;
	v51 =	vand.u32 v14, v60;
	[tilespmem:v52+s22+$0x0] =	vst.idx.msk $0xffff, v35  }
0x331: {  	v56 =	vshll.u32 v54, $0x7;
	v52 =	vor.u32 v8, v31;
	v35 =	vld.idx.msk [tilespmem:v53+s30+$0x0], $0xffff;
	[tilespmem:v4+s22+$0x0] =	vst.idx.msk $0xffff, v41  }
0x332: {  	v8 =	vor.u32 v8, v32;
	v4 =	vor.u32 v30, v51;
	v53 =	vld.idx.msk [tilespmem:v55+s30+$0x0], $0xffff;
	[tilespmem:v57+s22+$0x0] =	vst.idx.msk $0xffff, v44  }
0x333: {  	v55 =	vor.u32 v33, v51;
	v57 =	vor.u32 v56, v26;
	[tilespmem:v6+s22+$0x0] =	vst.idx.msk $0xffff, v42;
	v27 =	vld.idx.msk [tilespmem:v58+s30+$0x0], $0xffff  }
0x334: {  	v58 =	vor.u32 v56, v28;
	v29 =	vld.idx.msk [tilespmem:v50+s30+$0x0], $0xffff  }
0x335: {  	[tilespmem:v34+s22+$0x0] =	vst.idx.msk $0xffff, v36;
	v6 =	vor.u32 s2, v60  }
0x336: {  	v6 =	vshll.u32 v6, $0x7;
	[tilespmem:v52+s22+$0x0] =	vst.idx.msk $0xffff, v35  }
0x337: {  	v60 =	vor.u32 v6, v31;
	v4 =	vld.idx.msk [tilespmem:v4+s30+$0x0], $0xffff;
	[tilespmem:v8+s22+$0x0] =	vst.idx.msk $0xffff, v53  }
0x338: {  	v6 =	vor.u32 v6, v32;
	v8 =	vld.idx.msk [tilespmem:v55+s30+$0x0], $0xffff;
	[tilespmem:v57+s22+$0x0] =	vst.idx.msk $0xffff, v27  }
0x339: {  	[tilespmem:v58+s22+$0x0] =	vst.idx.msk $0xffff, v29  }
0x33a: {  	s0 =	sshll.u32 s25, $0x13;
	s4 =	rddreg [dreg:$0x5]  }
0x33b: {  	s0 =	sor.u32 s4, s0  }
0x33c: {  	s6 =	rddreg [dreg:$0x1];
	[tilespmem:v60+s22+$0x0] =	vst.idx.msk $0xffff, v4;
	s0 =	sshrl.u32 s0, $0x3  }
0x33d: {  	s1 =	sadd.s32 s6, s0;
	[tilespmem:v6+s22+$0x0] =	vst.idx.msk $0xffff, v8  }
0x33e: {  	[hbm4b:s1+s3] =	stream.linear.scatter [tilespmem:s22], [sflag:$0x5], $0x400, $0x38;
	[tilespmem:$0x16800] =	vst v63  }
0x33f: {  	s7 =	rddreg [dreg:$0x6]  }
0x340: {  	s8 =	simm.s32 $0x12C00;
	s9 =	rddreg [dreg:$0x7];
	s1 =	sadd.s32 s0, s7  }
0x341: {  	[hbm4b:s1+s3] =	stream.linear.scatter [tilespmem:s8], [sflag:$0x5], $0x400, $0x38;
	[tilespmem:$0x16800] =	vst v63  }
0x342: {  	s10 =	simm.s32 $0x13000;
	s24 =	rddreg [dreg:$0x8];
	s1 =	sadd.s32 s0, s9  }
0x343: {  	[hbm4b:s1+s3] =	stream.linear.scatter [tilespmem:s10], [sflag:$0x5], $0x400, $0x38;
	[tilespmem:$0x16800] =	vst v63  }
0x344: {  	s25 =	simm.s32 $0x13400;
	s28 =	rddreg [dreg:$0x9];
	s1 =	sadd.s32 s0, s24  }
0x345: {  	[hbm4b:s1+s3] =	stream.linear.scatter [tilespmem:s25], [sflag:$0x5], $0x400, $0x38;
	[tilespmem:$0x16800] =	vst v63  }
0x346: {  	s29 =	simm.s32 $0x13800;
	s1 =	sadd.s32 s0, s28  }
0x347: {  	[hbm4b:s1+s3] =	stream.linear.scatter [tilespmem:s29], [sflag:$0x5], $0x400, $0x38;
	[tilespmem:$0x16800] =	vst v63  }
0x348: {  	s4 =	sadd.s32 s0, s11;
	s6 =	simm.s32 $0x13C00  }
0x349: {  	[hbm4b:s4+s3] =	stream.linear.scatter [tilespmem:s6], [sflag:$0x5], $0x400, $0x38;
	[tilespmem:$0x16800] =	vst v63  }
0x34a: {  	s7 =	sadd.s32 s0, s12;
	s8 =	simm.s32 $0x14000  }
0x34b: {  	[hbm4b:s7+s3] =	stream.linear.scatter [tilespmem:s8], [sflag:$0x5], $0x400, $0x38;
	[tilespmem:$0x16800] =	vst v63  }
0x34c: {  	s9 =	sadd.s32 s0, s13;
	s10 =	simm.s32 $0x14400  }
0x34d: {  	[hbm4b:s9+s3] =	stream.linear.scatter [tilespmem:s10], [sflag:$0x5], $0x400, $0x38;
	[tilespmem:$0x16800] =	vst v63  }
0x34e: {  	s24 =	sadd.s32 s0, s14;
	s25 =	simm.s32 $0x14800  }
0x34f: {  	[hbm4b:s24+s3] =	stream.linear.scatter [tilespmem:s25], [sflag:$0x5], $0x400, $0x38;
	[tilespmem:$0x16800] =	vst v63  }
0x350: {  	s28 =	sadd.s32 s0, s15;
	s29 =	simm.s32 $0x14C00  }
0x351: {  	[hbm4b:s28+s3] =	stream.linear.scatter [tilespmem:s29], [sflag:$0x5], $0x400, $0x38;
	[tilespmem:$0x16800] =	vst v63  }
0x352: {  	s2 =	sadd.s32 s0, s16;
	s4 =	simm.s32 $0x15000  }
0x353: {  	[hbm4b:s2+s3] =	stream.linear.scatter [tilespmem:s4], [sflag:$0x5], $0x400, $0x38;
	[tilespmem:$0x16800] =	vst v63  }
0x354: {  	s6 =	sadd.s32 s0, s17;
	s7 =	simm.s32 $0x15400  }
0x355: {  	[hbm4b:s6+s3] =	stream.linear.scatter [tilespmem:s7], [sflag:$0x5], $0x400, $0x38;
	[tilespmem:$0x16800] =	vst v63  }
0x356: {  	s23 =	sadd.s32 $0x1, s23;
	s8 =	sadd.s32 s0, s18;
	s9 =	simm.s32 $0x15800  }
0x357: {  	[hbm4b:s8+s3] =	stream.linear.scatter [tilespmem:s9], [sflag:$0x5], $0x400, $0x38;
	[tilespmem:$0x16800] =	vst v63  }
0x358: {  	p0 =	sne.s32 s23, $0x19;
	s10 =	sadd.s32 s0, s19;
	s24 =	simm.s32 $0x15C00  }
0x359: {  	[hbm4b:s10+s3] =	stream.linear.scatter [tilespmem:s24], [sflag:$0x5], $0x400, $0x38;
	[tilespmem:$0x16800] =	vst v63  }
.Ltmp8:
0x35a: {  	_ = 	snop;
	(pc) =	sbr.rel @p0 .LBB2_4-.Ltmp8, $4  }
0x35b: {  	s25 =	sadd.s32 s0, s20;
	s28 =	simm.s32 $0x16000  }
0x35c: {  	[hbm4b:s25+s3] =	stream.linear.scatter [tilespmem:s28], [sflag:$0x5], $0x400, $0x38;
	[tilespmem:$0x16800] =	vst v63  }
0x35d: {  	v10 =	vmov v22;
	s0 =	sadd.s32 s0, s21;
	s29 =	simm.s32 $0x16400  }
0x35e: {  	v4 =	vmovc v0;
	v0 =	vlaneseq.u32;
	v6 =	vmovc v16;
	v8 =	vmov v21;
	v16 =	vmov v24;
	[hbm4b:s0+s3] =	stream.linear.scatter [tilespmem:s29], [sflag:$0x5], $0x400, $0x38;
	[tilespmem:$0x16800] =	vst v63  }
0x35f: {  	s0 =	simm.s32 $0x4  }
0x360: {  	_ =	swait.ge [sflag:s0], $0x400  }
0x361: {  	[sflag:s0] =	ssyncset.done $0x0  }
0x362: {  	[sflag:s0] =	ssyncadd.s32 $0xFFFFFC00  }
0x363: {  	_ =	swait.ge [sflag:s0], $0x400  }
0x364: {  	[sflag:s0] =	ssyncset.done $0x0  }
0x365: {  	[sflag:s0] =	ssyncadd.s32 $0xFFFFFC00  }
0x366: {  	_ =	swait.ge [sflag:s0], $0x400  }
0x367: {  	[sflag:s0] =	ssyncset.done $0x0  }
0x368: {  	[sflag:s0] =	ssyncadd.s32 $0xFFFFFC00  }
0x369: {  	_ =	swait.ge [sflag:s0], $0x400  }
0x36a: {  	[sflag:s0] =	ssyncset.done $0x0  }
0x36b: {  	[sflag:s0] =	ssyncadd.s32 $0xFFFFFC00  }
0x36c: {  	_ =	swait.ge [sflag:s0], $0x400  }
0x36d: {  	[sflag:s0] =	ssyncset.done $0x0  }
0x36e: {  	[sflag:s0] =	ssyncadd.s32 $0xFFFFFC00  }
0x36f: {  	_ =	swait.ge [sflag:s0], $0x400  }
0x370: {  	[sflag:s0] =	ssyncset.done $0x0  }
0x371: {  	[sflag:s0] =	ssyncadd.s32 $0xFFFFFC00  }
0x372: {  	_ =	swait.ge [sflag:s0], $0x400  }
0x373: {  	[sflag:s0] =	ssyncset.done $0x0  }
0x374: {  	[sflag:s0] =	ssyncadd.s32 $0xFFFFFC00  }
0x375: {  	_ =	swait.ge [sflag:s0], $0x400  }
0x376: {  	[sflag:s0] =	ssyncset.done $0x0  }
0x377: {  	[sflag:s0] =	ssyncadd.s32 $0xFFFFFC00  }
0x378: {  	_ =	swait.ge [sflag:s0], $0x400  }
0x379: {  	[sflag:s0] =	ssyncset.done $0x0  }
0x37a: {  	[sflag:s0] =	ssyncadd.s32 $0xFFFFFC00  }
0x37b: {  	_ =	swait.ge [sflag:s0], $0x400  }
0x37c: {  	[sflag:s0] =	ssyncset.done $0x0  }
0x37d: {  	[sflag:s0] =	ssyncadd.s32 $0xFFFFFC00  }
0x37e: {  	_ =	swait.ge [sflag:s0], $0x400  }
0x37f: {  	[sflag:s0] =	ssyncset.done $0x0  }
0x380: {  	[sflag:s0] =	ssyncadd.s32 $0xFFFFFC00  }
0x381: {  	_ =	swait.ge [sflag:s0], $0x400  }
0x382: {  	[sflag:s0] =	ssyncset.done $0x0  }
0x383: {  	[sflag:s0] =	ssyncadd.s32 $0xFFFFFC00  }
0x384: {  	_ =	swait.ge [sflag:s0], $0x400  }
0x385: {  	[sflag:s0] =	ssyncset.done $0x0  }
0x386: {  	[sflag:s0] =	ssyncadd.s32 $0xFFFFFC00  }
0x387: {  	_ =	swait.ge [sflag:s0], $0x400  }
0x388: {  	[sflag:s0] =	ssyncset.done $0x0  }
0x389: {  	[sflag:s0] =	ssyncadd.s32 $0xFFFFFC00  }
0x38a: {  	_ =	swait.ge [sflag:s0], $0x400  }
0x38b: {  	[sflag:s0] =	ssyncset.done $0x0  }
0x38c: {  	[sflag:s0] =	ssyncadd.s32 $0xFFFFFC00  }
0x38d: {  	_ =	swait.ge [sflag:s0], $0x400  }
0x38e: {  	[sflag:s0] =	ssyncset.done $0x0  }
0x38f: {  	[sflag:s0] =	ssyncadd.s32 $0xFFFFFC00  }
0x390: {  	_ =	swait.ge [sflag:s5], $0x400  }
0x391: {  	[sflag:s5] =	ssyncset.done $0x0  }
0x392: {  	[sflag:s5] =	ssyncadd.s32 $0xFFFFFC00  }
0x393: {  	_ =	swait.ge [sflag:s5], $0x400  }
0x394: {  	[sflag:s5] =	ssyncset.done $0x0  }
0x395: {  	[sflag:s5] =	ssyncadd.s32 $0xFFFFFC00  }
0x396: {  	_ =	swait.ge [sflag:s5], $0x400  }
0x397: {  	[sflag:s5] =	ssyncset.done $0x0  }
0x398: {  	[sflag:s5] =	ssyncadd.s32 $0xFFFFFC00  }
0x399: {  	_ =	swait.ge [sflag:s5], $0x400  }
0x39a: {  	[sflag:s5] =	ssyncset.done $0x0  }
0x39b: {  	[sflag:s5] =	ssyncadd.s32 $0xFFFFFC00  }
0x39c: {  	_ =	swait.ge [sflag:s5], $0x400  }
0x39d: {  	[sflag:s5] =	ssyncset.done $0x0  }
0x39e: {  	[sflag:s5] =	ssyncadd.s32 $0xFFFFFC00  }
0x39f: {  	_ =	swait.ge [sflag:s5], $0x400  }
0x3a0: {  	[sflag:s5] =	ssyncset.done $0x0  }
0x3a1: {  	[sflag:s5] =	ssyncadd.s32 $0xFFFFFC00  }
0x3a2: {  	_ =	swait.ge [sflag:s5], $0x400  }
0x3a3: {  	[sflag:s5] =	ssyncset.done $0x0  }
0x3a4: {  	[sflag:s5] =	ssyncadd.s32 $0xFFFFFC00  }
0x3a5: {  	_ =	swait.ge [sflag:s5], $0x400  }
0x3a6: {  	[sflag:s5] =	ssyncset.done $0x0  }
0x3a7: {  	[sflag:s5] =	ssyncadd.s32 $0xFFFFFC00  }
0x3a8: {  	_ =	swait.ge [sflag:s5], $0x400  }
0x3a9: {  	[sflag:s5] =	ssyncset.done $0x0  }
0x3aa: {  	[sflag:s5] =	ssyncadd.s32 $0xFFFFFC00  }
0x3ab: {  	_ =	swait.ge [sflag:s5], $0x400  }
0x3ac: {  	[sflag:s5] =	ssyncset.done $0x0  }
0x3ad: {  	[sflag:s5] =	ssyncadd.s32 $0xFFFFFC00  }
0x3ae: {  	_ =	swait.ge [sflag:s5], $0x400  }
0x3af: {  	[sflag:s5] =	ssyncset.done $0x0  }
0x3b0: {  	[sflag:s5] =	ssyncadd.s32 $0xFFFFFC00  }
0x3b1: {  	_ =	swait.ge [sflag:s5], $0x400  }
0x3b2: {  	[sflag:s5] =	ssyncset.done $0x0  }
0x3b3: {  	[sflag:s5] =	ssyncadd.s32 $0xFFFFFC00  }
0x3b4: {  	_ =	swait.ge [sflag:s5], $0x400  }
0x3b5: {  	[sflag:s5] =	ssyncset.done $0x0  }
0x3b6: {  	[sflag:s5] =	ssyncadd.s32 $0xFFFFFC00  }
0x3b7: {  	_ =	swait.ge [sflag:s5], $0x400  }
0x3b8: {  	[sflag:s5] =	ssyncset.done $0x0  }
0x3b9: {  	[sflag:s5] =	ssyncadd.s32 $0xFFFFFC00  }
0x3ba: {  	_ =	swait.ge [sflag:s5], $0x400  }
0x3bb: {  	[sflag:s5] =	ssyncset.done $0x0  }
0x3bc: {  	[sflag:s5] =	ssyncadd.s32 $0xFFFFFC00  }
0x3bd: {  	_ =	swait.ge [sflag:s5], $0x400  }
0x3be: {  	s1 =	rddreg [dreg:$0xb]  }
0x3bf: {  	s29 =	rddreg [dreg:$0xa];
	s1 =	sadd.s32 $0x1, s1  }
0x3c0: {  	p0 =	sne.s32 s1, s29  }
.Ltmp9:
0x3c1: {  	_ = 	snop;
	(pc) =	sbr.rel @p0 .LBB2_1-.Ltmp9, $3  }
0x3c2: {  	_ =	sdelay $0x1  }
0x3c3: {  	[sflag:s5] =	ssyncset.done $0x0  }
0x3c4: {  	[sflag:s5] =	ssyncadd.s32 $0xFFFFFC00  }
0x3c5: {  	_ =	sfence.sel $0x180000  }
0x3c6: {  	[bflag:$0x0] =	sbarrier.arrive $0xFFFF  }
0x3c7: {  	_ =	strace $0x90000047  }
0x3c8: {  	s0 =	stileid.u32;
	[bflag:$0x2] =	sbarrier.arrive $0xFFFF  }
0x3c9: {  	p0 =	sne.s32 s0, $0x0;
	s0 =	rddreg [dreg:$0x2]  }
0x3ca: {  	s0 =	sadd.s32 @!p0 $0x100000, s0  }
0x3cb: {  	[sflag:s0] =	ssyncadd.tile.s32 @!p0 $0x1;
	_ =	shalt  }
.Lfunc_end2:
_tile_overlayer_lowered:
.L_overlay_start_2:
0x3cc: {  	(tag) =	ssettag $0x2  }
0x3cd: {  	s0 =	rddreg [dreg:$0x0];
	s2 =	stileid.u32  }
0x3ce: {  	s1 =	rddreg [dreg:$0x1];
	p0 =	sne.s32 s2, $0x0  }
0x3cf: {  	s3 =	rddreg [dreg:$0x2];
	[bflag:$0x3] =	sbarrier.arrive $0xFFFF;
	s2 =	simm.s32 @!p0 $0x1C06  }
0x3d0: {  	[timem:s3], [sflag:s2] =	dma.local @!p0 [hbm:s0], s1  }
0x3d1: {  	s0 =	simm.s32 @!p0 $0x6  }
0x3d2: {  	_ =	swait.ge @!p0 [sflag:s0], s1  }
0x3d3: {  	s1 =	ssub.s32 @!p0 $0x0, s1;
	[sflag:s0] =	ssyncset.done @!p0 $0x0  }
0x3d4: {  	[sflag:s0] =	ssyncadd.s32 @!p0 s1  }
0x3d5: {  	[bflag:$0x3] =	sbarrier.arrive $0xFFFF  }
0x3d6: {  	_ =	shalt  }

</sc_bundles>
